<compile_context>
chip_gen: v7x
topology: tpu7x:2x2x1
jax: 0.10.2.dev20260603
libtpu: 0.0.44.dev20260713+nightly
codegen_flags: <defaults>
</compile_context>

<pallas_src>
import functools

import jax
import jax.numpy as jnp
from jax import lax
from jax.experimental import pallas as pl
from jax.experimental.pallas import tpu as pltpu
from jax.experimental.pallas import tpu_sc as plsc

N = 10000
E = 320000
D = 128
NP = 10240
NT = 16
K = 80
KB = 128
NF = 156
TK = 32
NPAIR = NF // 2
EPT = E // NT
RPT = 640
HPT = NP // NT

_mesh = plsc.VectorSubcoreMesh(core_axis_name="c", subcore_axis_name="s")


@functools.partial(
    pl.kernel,
    out_type=jax.ShapeDtypeStruct((4 * NP,), jnp.float32),
    mesh=_mesh,
    scratch_types=[
        [pltpu.VMEM((KB,), jnp.int32)] * 4,
        [pltpu.VMEM((KB,), jnp.int32)] * 4,
        pltpu.VMEM((TK,), jnp.int32),
        pltpu.VMEM((TK,), jnp.int32),
        pltpu.VMEM((KB,), jnp.float32),
        pltpu.VMEM((HPT,), jnp.float32),
        pltpu.VMEM_SHARED((NP,), jnp.float32),
        pltpu.VMEM_SHARED((NP,), jnp.float32),
        [pltpu.SemaphoreType.DMA] * 4,
        [pltpu.SemaphoreType.DMA] * 2,
    ],
)
def _sc_degrees(src_hbm, dst_hbm, out_hbm, sidx, didx,
                sidxt, didxt, ones, zbuf, hist_s, hist_d, semi, sems):
    ci = lax.axis_index("c")
    si = lax.axis_index("s")

    def fill(i, _):
        zbuf[pl.ds(i * 16, 16)] = jnp.zeros((16,), jnp.float32)
        return 0
    lax.fori_loop(0, HPT // 16, fill, 0)

    def fill1(i, _):
        ones[pl.ds(i * 16, 16)] = jnp.full((16,), 1.0, jnp.float32)
        return 0
    lax.fori_loop(0, KB // 16, fill1, 0)

    pltpu.sync_copy(zbuf, hist_s.at[pl.ds(si * HPT, HPT)])
    pltpu.sync_copy(zbuf, hist_d.at[pl.ds(si * HPT, HPT)])
    plsc.subcore_barrier()

    tbase = ci * E + si * EPT

    def iload(g, p):
        pltpu.async_copy(src_hbm.at[pl.ds(tbase + g * KB, KB)],
                         sidx[p], semi[p])
        pltpu.async_copy(dst_hbm.at[pl.ds(tbase + g * KB, KB)],
                         didx[p], semi[p])

    def iwait(g, p):
        pltpu.make_async_copy(src_hbm.at[pl.ds(tbase + g * KB, KB)],
                              sidx[p], semi[p]).wait()
        pltpu.make_async_copy(dst_hbm.at[pl.ds(tbase + g * KB, KB)],
                              didx[p], semi[p]).wait()

    iload(0, 0)
    iload(1, 1)
    iload(2, 2)

    def phase(g, p):
        q = p % 2
        qn = 1 - q

        @pl.when(g > 0)
        def _():
            pltpu.make_async_copy(
                ones, hist_s.at[sidx[(p + 3) % 4]], sems[qn]).wait()
            pltpu.make_async_copy(
                ones, hist_d.at[didx[(p + 3) % 4]], sems[qn]).wait()
        iwait(g, p)
        pltpu.async_copy(ones, hist_s.at[sidx[p]], sems[q], add=True)
        pltpu.async_copy(ones, hist_d.at[didx[p]], sems[q], add=True)

        @pl.when(g < NF - 3)
        def _():
            iload(g + 3, (p + 3) % 4)

    def step(bi, _):
        for j in range(4):
            phase(4 * bi + j, j)
        return 0
    lax.fori_loop(0, NF // 4, step, 0)
    pltpu.make_async_copy(ones, hist_s.at[sidx[3]], sems[1]).wait()
    pltpu.make_async_copy(ones, hist_d.at[didx[3]], sems[1]).wait()

    tb = tbase + NF * KB
    pltpu.sync_copy(src_hbm.at[pl.ds(tb, TK)], sidxt)
    pltpu.sync_copy(dst_hbm.at[pl.ds(tb, TK)], didxt)
    pltpu.sync_copy(ones.at[pl.ds(0, TK)], hist_s.at[sidxt], add=True)
    pltpu.sync_copy(ones.at[pl.ds(0, TK)], hist_d.at[didxt], add=True)

    plsc.subcore_barrier()
    pltpu.sync_copy(hist_s.at[pl.ds(si * HPT, HPT)],
                    out_hbm.at[pl.ds((ci * 2 + 0) * NP + si * HPT, HPT)])
    pltpu.sync_copy(hist_d.at[pl.ds(si * HPT, HPT)],
                    out_hbm.at[pl.ds((ci * 2 + 1) * NP + si * HPT, HPT)])


@functools.partial(
    pl.kernel,
    out_type=jax.ShapeDtypeStruct((2 * N, D), jnp.float32),
    mesh=_mesh,
    scratch_types=[
        [pltpu.VMEM((KB,), jnp.int32)] * 4,
        [pltpu.VMEM((KB,), jnp.int32)] * 4,
        pltpu.VMEM((TK,), jnp.int32),
        pltpu.VMEM((TK,), jnp.int32),
        [pltpu.VMEM((KB, D), jnp.float32)] * 2,
        pltpu.VMEM_SHARED((N, D), jnp.float32),
        [pltpu.SemaphoreType.DMA] * 4,
        [pltpu.SemaphoreType.DMA] * 2,
        [pltpu.SemaphoreType.DMA] * 2,
    ],
)
def _sc_mp(hs_hbm, srcoff_hbm, dst_hbm, out_hbm, sidx, didx,
           sidxt, didxt, rows, acc, semi, semg, sems):
    ci = lax.axis_index("c")
    si = lax.axis_index("s")

    def zrow(r, _):
        def zlane(j, _):
            rows[0][r, pl.ds(j * 16, 16)] = jnp.zeros((16,), jnp.float32)
            return 0
        return lax.fori_loop(0, D // 16, zlane, 0)
    lax.fori_loop(0, K, zrow, 0)

    row_lo = si * RPT
    nchunks = jnp.where(si == NT - 1, (N - (NT - 1) * RPT) // K, RPT // K)

    def zchunk(t, _):
        pltpu.sync_copy(rows[0].at[pl.ds(0, K)],
                        acc.at[pl.ds(row_lo + t * K, K)])
        return 0
    lax.fori_loop(0, nchunks, zchunk, 0)

    plsc.subcore_barrier()

    tbase = ci * E + si * EPT

    def iload(g, p):
        pltpu.async_copy(srcoff_hbm.at[pl.ds(tbase + g * KB, KB)],
                         sidx[p], semi[p])
        pltpu.async_copy(dst_hbm.at[pl.ds(tbase + g * KB, KB)],
                         didx[p], semi[p])

    def iwait(g, p):
        pltpu.make_async_copy(srcoff_hbm.at[pl.ds(tbase + g * KB, KB)],
                              sidx[p], semi[p]).wait()
        pltpu.make_async_copy(dst_hbm.at[pl.ds(tbase + g * KB, KB)],
                              didx[p], semi[p]).wait()

    iload(0, 0)
    iload(1, 1)
    iwait(0, 0)
    pltpu.async_copy(hs_hbm.at[sidx[0]], rows[0], semg[0])
    iload(2, 2)

    def phase(g, p):
        q = p % 2
        qn = 1 - q

        @pl.when(g > 0)
        def _():
            pltpu.make_async_copy(
                rows[qn], acc.at[didx[(p + 3) % 4]], sems[qn]).wait()

        @pl.when(g < NF - 1)
        def _():
            iwait(g + 1, (p + 1) % 4)
            pltpu.async_copy(hs_hbm.at[sidx[(p + 1) % 4]], rows[qn],
                             semg[qn])
        pltpu.make_async_copy(hs_hbm.at[sidx[p]], rows[q], semg[q]).wait()
        pltpu.async_copy(rows[q], acc.at[didx[p]], sems[q], add=True)

        @pl.when(g < NF - 3)
        def _():
            iload(g + 3, (p + 3) % 4)

    def step(bi, _):
        for j in range(4):
            phase(4 * bi + j, j)
        return 0
    lax.fori_loop(0, NF // 4, step, 0)

    pltpu.make_async_copy(rows[1], acc.at[didx[3]], sems[1]).wait()
    tb = tbase + NF * KB
    pltpu.sync_copy(srcoff_hbm.at[pl.ds(tb, TK)], sidxt)
    pltpu.sync_copy(dst_hbm.at[pl.ds(tb, TK)], didxt)
    pltpu.async_copy(hs_hbm.at[sidxt], rows[0].at[pl.ds(0, TK)], semg[0]).wait()
    pltpu.sync_copy(rows[0].at[pl.ds(0, TK)], acc.at[didxt], add=True)

    plsc.subcore_barrier()

    def wchunk(t, _):
        pltpu.sync_copy(acc.at[pl.ds(row_lo + t * K, K)],
                        out_hbm.at[pl.ds(ci * N + row_lo + t * K, K)])
        return 0
    lax.fori_loop(0, nchunks, wchunk, 0)


_BR = 1000

def _rs(x):
    return lax.rsqrt(jnp.maximum(x, 1.0))


def _prescale_body(hu_ref, hi_ref, dcs_ref, dcbs_ref, hsu_ref, hsi_ref):
    hsu_ref[...] = hu_ref[...] * _rs(dcs_ref[...])
    hsi_ref[...] = hi_ref[...] * _rs(dcbs_ref[...])


def _prescale(hu, hi, dcs, dcbs):
    blk = lambda w: pl.BlockSpec((_BR, w), lambda i: (i, 0))
    return pl.pallas_call(
        _prescale_body,
        grid=(N // _BR,),
        in_specs=[blk(D), blk(D), blk(1), blk(1)],
        out_specs=[blk(D), blk(D)],
        out_shape=[jax.ShapeDtypeStruct((N, D), jnp.float32)] * 2,
    )(hu, hi, dcs, dcbs)


def _post1_body(aggi_ref, aggu_ref, dcd_ref, dcbd_ref, dcs_ref, dcbs_ref,
                wc_ref, wcb_ref, bc_ref, bcb_ref, hsu2_ref, hsi2_ref):
    ni = jax.nn.relu(
        jnp.dot(aggi_ref[...] * _rs(dcd_ref[...]), wc_ref[...],
                preferred_element_type=jnp.float32) + bc_ref[...])
    nu = jax.nn.relu(
        jnp.dot(aggu_ref[...] * _rs(dcbd_ref[...]), wcb_ref[...],
                preferred_element_type=jnp.float32) + bcb_ref[...])
    hsi2_ref[...] = ni * _rs(dcbs_ref[...])
    hsu2_ref[...] = nu * _rs(dcs_ref[...])


def _post1(aggi, aggu, dcd, dcbd, dcs, dcbs, wc, wcb, bc, bcb):
    blk = lambda w: pl.BlockSpec((_BR, w), lambda i: (i, 0))
    full = lambda s: pl.BlockSpec(s, lambda i: (0, 0))
    return pl.pallas_call(
        _post1_body,
        grid=(N // _BR,),
        in_specs=[blk(D), blk(D), blk(1), blk(1), blk(1), blk(1),
                  full((D, D)), full((D, D)), full((1, D)), full((1, D))],
        out_specs=[blk(D), blk(D)],
        out_shape=[jax.ShapeDtypeStruct((N, D), jnp.float32)] * 2,
    )(aggi, aggu, dcd, dcbd, dcs, dcbs, wc, wcb, bc, bcb)


def _post2_body(aggi_ref, aggu_ref, dcd_ref, dcbd_ref, wc_ref, wcb_ref,
                bc_ref, bcb_ref, hu0_ref, hi0_ref, ou_ref, oi_ref):
    ni = jax.nn.relu(
        jnp.dot(aggi_ref[...] * _rs(dcd_ref[...]), wc_ref[...],
                preferred_element_type=jnp.float32) + bc_ref[...])
    nu = jax.nn.relu(
        jnp.dot(aggu_ref[...] * _rs(dcbd_ref[...]), wcb_ref[...],
                preferred_element_type=jnp.float32) + bcb_ref[...])
    oi_ref[...] = jax.nn.relu(ni + hi0_ref[...])
    ou_ref[...] = jax.nn.relu(nu + hu0_ref[...])


def _post2(aggi, aggu, dcd, dcbd, wc, wcb, bc, bcb, hu0, hi0):
    blk = lambda w: pl.BlockSpec((_BR, w), lambda i: (i, 0))
    full = lambda s: pl.BlockSpec(s, lambda i: (0, 0))
    return pl.pallas_call(
        _post2_body,
        grid=(N // _BR,),
        in_specs=[blk(D), blk(D), blk(1), blk(1),
                  full((D, D)), full((D, D)), full((1, D)), full((1, D)),
                  blk(D), blk(D)],
        out_specs=[blk(D), blk(D)],
        out_shape=[jax.ShapeDtypeStruct((N, D), jnp.float32)] * 2,
    )(aggi, aggu, dcd, dcbd, wc, wcb, bc, bcb, hu0, hi0)


def kernel(h_user, h_item, edge_clicks, edge_clickedby,
           W1c, b1c, W1cb, b1cb, W2c, b2c, W2cb, b2cb):
    ec0, ec1 = edge_clicks[0], edge_clicks[1]
    ecb0, ecb1 = edge_clickedby[0], edge_clickedby[1]

    src_flat = jnp.concatenate([ec0, ecb0])
    dst_flat = jnp.concatenate([ec1, ecb1])
    deg = _sc_degrees(src_flat, dst_flat)
    dcs = deg[0 * NP:0 * NP + N].reshape(N, 1)
    dcd = deg[1 * NP:1 * NP + N].reshape(N, 1)
    dcbs = deg[2 * NP:2 * NP + N].reshape(N, 1)
    dcbd = deg[3 * NP:3 * NP + N].reshape(N, 1)

    b1c2, b1cb2 = b1c.reshape(1, D), b1cb.reshape(1, D)
    b2c2, b2cb2 = b2c.reshape(1, D), b2cb.reshape(1, D)

    srcoff = jnp.concatenate([ec0, ecb0 + N])
    dsts = dst_flat

    hs_u1, hs_i1 = _prescale(h_user, h_item, dcs, dcbs)
    agg1 = _sc_mp(jnp.concatenate([hs_u1, hs_i1], axis=0), srcoff, dsts)
    hs_u2, hs_i2 = _post1(agg1[:N], agg1[N:], dcd, dcbd, dcs, dcbs,
                          W1c, W1cb, b1c2, b1cb2)
    agg2 = _sc_mp(jnp.concatenate([hs_u2, hs_i2], axis=0), srcoff, dsts)
    out_user, out_item = _post2(agg2[:N], agg2[N:], dcd, dcbd,
                                W2c, W2cb, b2c2, b2cb2, h_user, h_item)
    return (out_user, out_item)

# --- scband reference (transcript-rebuilt; emitter-appended) ---
"""Pipeline reference for scband-hgnnskip-block-27728308863409 (READ-ONLY COPY).

The authoritative reference and input builder live on the scoring server;
editing this copy changes nothing except your own understanding.
"""

import jax, jax.numpy as jnp
import numpy as np

N_U = 10000
N_I = 10000
E = 320000
D = 128


def setup_inputs(seed: int = 0) -> dict:
    key = jax.random.key(seed)
    ks = jax.random.split(key, 14)
    inp = {
        "h_user": jax.random.normal(ks[0], (N_U, D), dtype=jnp.float32),
        "h_item": jax.random.normal(ks[1], (N_I, D), dtype=jnp.float32),
        "edge_clicks": jax.random.randint(ks[2], (2, E), 0, N_I, dtype=jnp.int32),
        "edge_clickedby": jax.random.randint(ks[3], (2, E), 0, N_U, dtype=jnp.int32),
        "W1c": jax.random.normal(ks[4], (D, D), dtype=jnp.float32) * 0.05,
        "b1c": jnp.zeros((D,), dtype=jnp.float32),
        "W1cb": jax.random.normal(ks[5], (D, D), dtype=jnp.float32) * 0.05,
        "b1cb": jnp.zeros((D,), dtype=jnp.float32),
        "W2c": jax.random.normal(ks[6], (D, D), dtype=jnp.float32) * 0.05,
        "b2c": jnp.zeros((D,), dtype=jnp.float32),
        "W2cb": jax.random.normal(ks[7], (D, D), dtype=jnp.float32) * 0.05,
        "b2cb": jnp.zeros((D,), dtype=jnp.float32),
    }
    return inp


def _gcn_conv(h_src, src, dst, n_dst, W, b):
    # DGL GraphConv norm='both': symmetric degree normalization per relation
    out_deg = jnp.zeros((h_src.shape[0],), jnp.float32).at[src].add(1.0)
    in_deg = jnp.zeros((n_dst,), jnp.float32).at[dst].add(1.0)
    norm_s = jax.lax.rsqrt(jnp.clip(out_deg, 1.0, None))
    h = h_src * norm_s[:, None]
    msg = jnp.take(h, src, axis=0)
    agg = jnp.zeros((n_dst, h_src.shape[1]), jnp.float32).at[dst].add(msg)
    norm_d = jax.lax.rsqrt(jnp.clip(in_deg, 1.0, None))
    agg = agg * norm_d[:, None]
    return agg @ W + b[None, :]


def _hgnn_layer(hu, hi, ec, ecb, Wc, bc, Wcb, bcb):
    # HeteroConv: per-relation GraphConv, sum-aggregate per dst ntype, then post-layer act (no BN, dropout=0, no l2norm)
    new_item = jax.nn.relu(_gcn_conv(hu, ec[0], ec[1], N_I, Wc, bc))
    new_user = jax.nn.relu(_gcn_conv(hi, ecb[0], ecb[1], N_U, Wcb, bcb))
    return new_user, new_item


def reference(h_user, h_item, edge_clicks, edge_clickedby, W1c, b1c, W1cb, b1cb, W2c, b2c, W2cb, b2cb):
    hu0, hi0 = h_user, h_item
    hu, hi = _hgnn_layer(h_user, h_item, edge_clicks, edge_clickedby, W1c, b1c, W1cb, b1cb)
    hu, hi = _hgnn_layer(hu, hi, edge_clicks, edge_clickedby, W2c, b2c, W2cb, b2cb)
    # skipsum: act(h + h_0) per node type
    out_user = jax.nn.relu(hu + hu0)
    out_item = jax.nn.relu(hi + hi0)
    return (out_user, out_item)

if __name__ == "__main__":
    import jax
    _d = setup_inputs()
    print(jax.jit(kernel)(*tuple(_d.values())))

</pallas_src>

<mosaic_0001>
#map = affine_map<(d0, d1) -> (0, 0)>
#map1 = affine_map<(d0, d1) -> (0)>
module attributes {stable_mosaic.version = 14 : i64} {
  func.func @_sc_mp(%arg0: i32, %arg1: i32, %arg2: memref<20000x128xf32, #tpu.memory_space<hbm>>, %arg3: memref<640000xi32, #tpu.memory_space<hbm>>, %arg4: memref<640000xi32, #tpu.memory_space<hbm>>, %arg5: memref<20000x128xf32, #tpu.memory_space<hbm>>, %arg6: memref<128xi32, #tpu.memory_space<vmem>>, %arg7: memref<128xi32, #tpu.memory_space<vmem>>, %arg8: memref<128xi32, #tpu.memory_space<vmem>>, %arg9: memref<128xi32, #tpu.memory_space<vmem>>, %arg10: memref<128xi32, #tpu.memory_space<vmem>>, %arg11: memref<128xi32, #tpu.memory_space<vmem>>, %arg12: memref<128xi32, #tpu.memory_space<vmem>>, %arg13: memref<128xi32, #tpu.memory_space<vmem>>, %arg14: memref<32xi32, #tpu.memory_space<vmem>>, %arg15: memref<32xi32, #tpu.memory_space<vmem>>, %arg16: memref<128x128xf32, #tpu.memory_space<vmem>>, %arg17: memref<128x128xf32, #tpu.memory_space<vmem>>, %arg18: memref<10000x128xf32, #tpu.memory_space<vmem_shared>>, %arg19: memref<!tpu.dma_semaphore, #tpu.memory_space<semaphore_mem>>, %arg20: memref<!tpu.dma_semaphore, #tpu.memory_space<semaphore_mem>>, %arg21: memref<!tpu.dma_semaphore, #tpu.memory_space<semaphore_mem>>, %arg22: memref<!tpu.dma_semaphore, #tpu.memory_space<semaphore_mem>>, %arg23: memref<!tpu.dma_semaphore, #tpu.memory_space<semaphore_mem>>, %arg24: memref<!tpu.dma_semaphore, #tpu.memory_space<semaphore_mem>>, %arg25: memref<!tpu.dma_semaphore, #tpu.memory_space<semaphore_mem>>, %arg26: memref<!tpu.dma_semaphore, #tpu.memory_space<semaphore_mem>>) attributes {dimension_semantics = [#tpu.dimension_semantics<core_parallel>, #tpu.dimension_semantics<subcore_parallel>], iteration_bounds = array<i64: 2, 16>, scalar_prefetch = 0 : i64, scratch_operands = 21 : i64, tpu.core_type = #tpu.core_type<sc_vector_subcore>, window_params = [{transform_indices = #map}, {transform_indices = #map1}, {transform_indices = #map1}, {transform_indices = #map}]} {
    %scan3A = arith.constant 0 : i32
    %scan3A_0 = arith.constant 0 : i32
    %scan3A_1 = arith.constant 80 : i32
    %scan3A_2 = arith.addi %scan3A_0, %scan3A_1 : i32
    %scan3A_3 = arith.constant 1 : i32
    %scan3A_4 = scf.for %scan3A_94 = %scan3A_0 to %scan3A_2 step %scan3A_3 iter_args(%scan3A_95 = %scan3A) -> (i32)  : i32 {
      %scan3A_96 = arith.constant 0 : i32
      %scan3A_97 = arith.constant 0 : i32
      %scan3A_98 = arith.constant 8 : i32
      %scan3A_99 = arith.addi %scan3A_97, %scan3A_98 : i32
      %scan3A_100 = arith.constant 1 : i32
      %scan3A_101 = scf.for %scan3A_103 = %scan3A_97 to %scan3A_99 step %scan3A_100 iter_args(%scan3A_104 = %scan3A_96) -> (i32)  : i32 {
        %broadcast_in_dim3A = arith.constant 0.000000e+00 : f32
        %broadcast_in_dim3A_105 = vector.broadcast %broadcast_in_dim3A : f32 to vector<16xf32>
        %mul3A_106 = arith.constant 16 : i32
        %mul3A_107 = arith.muli %scan3A_103, %mul3A_106 : i32
        %swap3A = arith.index_cast %scan3A_94 : i32 to index
        %swap3A_108 = arith.index_cast %mul3A_107 : i32 to index
        %swap3A_109 = tpu.vector_load %arg16[%swap3A, %swap3A_108] {strides = array<i32>} : memref<128x128xf32, #tpu.memory_space<vmem>>, vector<1x16xf32>,
        %swap3A_110 = vector.shape_cast %swap3A_109 : vector<1x16xf32> to vector<16xf32>
        %swap3A_111 = vector.shape_cast %broadcast_in_dim3A_105 : vector<16xf32> to vector<1x16xf32>
        tpu.vector_store %arg16[%swap3A, %swap3A_108], %swap3A_111 {strides = array<i32>} : memref<128x128xf32, #tpu.memory_space<vmem>>, vector<1x16xf32>,
        %scan3A_112 = arith.constant 0 : i32
        scf.yield %scan3A_112 : i32
      }
      %scan3A_102 = arith.constant 8 : i32
      scf.yield %scan3A_101 : i32
    }
    %scan3A_5 = arith.constant 80 : i32
    %mul3A = arith.constant 640 : i32
    %mul3A_6 = arith.muli %arg1, %mul3A : i32
    %eq3A = arith.constant 15 : i32
    %eq3A_7 = arith.cmpi eq, %arg1, %eq3A : i32
    %jit3A = arith.constant 5 : i32
    %jit3A_8 = arith.constant 8 : i32
    %select_n3A = arith.select %eq3A_7, %jit3A, %jit3A_8 : i32
    %while3A = arith.constant 0 : i32
    %while3A_9 = arith.constant 0 : i32
    %while3A_10 = arith.subi %select_n3A, %while3A : i32
    %while3A_11 = arith.addi %while3A, %while3A_10 : i32
    %while3A_12 = arith.constant 1 : i32
    %while3A_13 = arith.divsi %while3A_10, %while3A_12 : i32
    %while3A_14 = arith.muli %while3A_13, %while3A_12 : i32
    %while3A_15 = arith.addi %while3A, %while3A_14 : i32
    %while3A_16 = arith.constant 1 : i32
    %while3A_17 = scf.for %while3A_94 = %while3A to %while3A_15 step %while3A_16 iter_args(%while3A_95 = %while3A_9) -> (i32)  : i32 {
      %mul3A_96 = arith.constant 80 : i32
      %mul3A_97 = arith.muli %while3A_94, %mul3A_96 : i32
      %add3A_98 = arith.addi %mul3A_6, %mul3A_97 : i32
      "tpu.region"() ({
        %run_scoped3A = tpu.sem_alloc : memref<!tpu.dma_semaphore, #tpu.memory_space<semaphore_mem>>
        %dma_start3A_100 = arith.constant 0 : i32
        %dma_start3A_101 = arith.constant 0 : i32
        %dma_start3A_102 = tpu.memref_slice %arg16[%dma_start3A_100, %dma_start3A_101] : memref<128x128xf32, #tpu.memory_space<vmem>> -> memref<80x128xf32, #tpu.memory_space<vmem>>
        %dma_start3A_103 = arith.constant 0 : i32
        %dma_start3A_104 = tpu.memref_slice %arg18[%add3A_98, %dma_start3A_103] : memref<10000x128xf32, #tpu.memory_space<vmem_shared>> -> memref<80x128xf32, #tpu.memory_space<vmem_shared>>
        %dma_start3A_105 = arith.constant 0 : i32
        %dma_start3A_106 = tpu.memref_slice %arg18[%add3A_98, %dma_start3A_105] : memref<10000x128xf32, #tpu.memory_space<vmem_shared>> -> memref<80x128xf32, #tpu.memory_space<vmem_shared>>
        %dma_start3A_107 = arith.constant 0 : i32
        %dma_start3A_108 = arith.constant 0 : i32
        %dma_start3A_109 = tpu.memref_slice %arg16[%dma_start3A_107, %dma_start3A_108] : memref<128x128xf32, #tpu.memory_space<vmem>> -> memref<80x128xf32, #tpu.memory_space<vmem>>
        tpu.enqueue_dma source(%dma_start3A_109 : memref<80x128xf32, #tpu.memory_space<vmem>>) target(%dma_start3A_106 : memref<80x128xf32, #tpu.memory_space<vmem_shared>>) target_semaphore(%run_scoped3A : memref<!tpu.dma_semaphore, #tpu.memory_space<semaphore_mem>>)
        %dma_wait3A_110 = arith.constant 0 : i32
        %dma_wait3A_111 = arith.constant 0 : i32
        %dma_wait3A_112 = tpu.memref_slice %arg16[%dma_wait3A_110, %dma_wait3A_111] : memref<128x128xf32, #tpu.memory_space<vmem>> -> memref<80x128xf32, #tpu.memory_space<vmem>>
        %dma_wait3A_113 = arith.constant 0 : i32
        %dma_wait3A_114 = tpu.memref_slice %arg18[%add3A_98, %dma_wait3A_113] : memref<10000x128xf32, #tpu.memory_space<vmem_shared>> -> memref<80x128xf32, #tpu.memory_space<vmem_shared>>
        %dma_wait3A_115 = arith.constant 0 : i32
        %dma_wait3A_116 = tpu.memref_slice %arg18[%add3A_98, %dma_wait3A_115] : memref<10000x128xf32, #tpu.memory_space<vmem_shared>> -> memref<80x128xf32, #tpu.memory_space<vmem_shared>>
        %dma_wait3A_117 = arith.constant 0 : i32
        %dma_wait3A_118 = arith.constant 0 : i32
        %dma_wait3A_119 = tpu.memref_slice %arg16[%dma_wait3A_117, %dma_wait3A_118] : memref<128x128xf32, #tpu.memory_space<vmem>> -> memref<80x128xf32, #tpu.memory_space<vmem>>
        tpu.wait_dma2 semaphore(%run_scoped3A : memref<!tpu.dma_semaphore, #tpu.memory_space<semaphore_mem>>) src(%dma_wait3A_119 : memref<80x128xf32, #tpu.memory_space<vmem>>) dst(%dma_wait3A_116 : memref<80x128xf32, #tpu.memory_space<vmem_shared>>)
        tpu.yield
      }) : () -> ()
      %while3A_99 = arith.constant 0 : i32
      scf.yield %while3A_99 : i32
    }
    %while3A_18 = arith.constant 1 : i32
    %while3A_19 = scf.for %while3A_94 = %while3A_15 to %while3A_11 step %while3A_18 iter_args(%while3A_95 = %while3A_17) -> (i32)  : i32 {
      %mul3A_96 = arith.constant 80 : i32
      %mul3A_97 = arith.muli %while3A_94, %mul3A_96 : i32
      %add3A_98 = arith.addi %mul3A_6, %mul3A_97 : i32
      "tpu.region"() ({
        %run_scoped3A = tpu.sem_alloc : memref<!tpu.dma_semaphore, #tpu.memory_space<semaphore_mem>>
        %dma_start3A_100 = arith.constant 0 : i32
        %dma_start3A_101 = arith.constant 0 : i32
        %dma_start3A_102 = tpu.memref_slice %arg16[%dma_start3A_100, %dma_start3A_101] : memref<128x128xf32, #tpu.memory_space<vmem>> -> memref<80x128xf32, #tpu.memory_space<vmem>>
        %dma_start3A_103 = arith.constant 0 : i32
        %dma_start3A_104 = tpu.memref_slice %arg18[%add3A_98, %dma_start3A_103] : memref<10000x128xf32, #tpu.memory_space<vmem_shared>> -> memref<80x128xf32, #tpu.memory_space<vmem_shared>>
        %dma_start3A_105 = arith.constant 0 : i32
        %dma_start3A_106 = tpu.memref_slice %arg18[%add3A_98, %dma_start3A_105] : memref<10000x128xf32, #tpu.memory_space<vmem_shared>> -> memref<80x128xf32, #tpu.memory_space<vmem_shared>>
        %dma_start3A_107 = arith.constant 0 : i32
        %dma_start3A_108 = arith.constant 0 : i32
        %dma_start3A_109 = tpu.memref_slice %arg16[%dma_start3A_107, %dma_start3A_108] : memref<128x128xf32, #tpu.memory_space<vmem>> -> memref<80x128xf32, #tpu.memory_space<vmem>>
        tpu.enqueue_dma source(%dma_start3A_109 : memref<80x128xf32, #tpu.memory_space<vmem>>) target(%dma_start3A_106 : memref<80x128xf32, #tpu.memory_space<vmem_shared>>) target_semaphore(%run_scoped3A : memref<!tpu.dma_semaphore, #tpu.memory_space<semaphore_mem>>)
        %dma_wait3A_110 = arith.constant 0 : i32
        %dma_wait3A_111 = arith.constant 0 : i32
        %dma_wait3A_112 = tpu.memref_slice %arg16[%dma_wait3A_110, %dma_wait3A_111] : memref<128x128xf32, #tpu.memory_space<vmem>> -> memref<80x128xf32, #tpu.memory_space<vmem>>
        %dma_wait3A_113 = arith.constant 0 : i32
        %dma_wait3A_114 = tpu.memref_slice %arg18[%add3A_98, %dma_wait3A_113] : memref<10000x128xf32, #tpu.memory_space<vmem_shared>> -> memref<80x128xf32, #tpu.memory_space<vmem_shared>>
        %dma_wait3A_115 = arith.constant 0 : i32
        %dma_wait3A_116 = tpu.memref_slice %arg18[%add3A_98, %dma_wait3A_115] : memref<10000x128xf32, #tpu.memory_space<vmem_shared>> -> memref<80x128xf32, #tpu.memory_space<vmem_shared>>
        %dma_wait3A_117 = arith.constant 0 : i32
        %dma_wait3A_118 = arith.constant 0 : i32
        %dma_wait3A_119 = tpu.memref_slice %arg16[%dma_wait3A_117, %dma_wait3A_118] : memref<128x128xf32, #tpu.memory_space<vmem>> -> memref<80x128xf32, #tpu.memory_space<vmem>>
        tpu.wait_dma2 semaphore(%run_scoped3A : memref<!tpu.dma_semaphore, #tpu.memory_space<semaphore_mem>>) src(%dma_wait3A_119 : memref<80x128xf32, #tpu.memory_space<vmem>>) dst(%dma_wait3A_116 : memref<80x128xf32, #tpu.memory_space<vmem_shared>>)
        tpu.yield
      }) : () -> ()
      %while3A_99 = arith.constant 0 : i32
      scf.yield %while3A_99 : i32
    }
    %barrier3A = arith.constant 0 : index
    tpu.barrier barrier_id(%barrier3A)
    %mul3A_20 = arith.constant 320000 : i32
    %mul3A_21 = arith.muli %arg0, %mul3A_20 : i32
    %mul3A_22 = arith.constant 20000 : i32
    %mul3A_23 = arith.muli %arg1, %mul3A_22 : i32
    %add3A = arith.addi %mul3A_21, %mul3A_23 : i32
    %add3A_24 = arith.constant 0 : i32
    %add3A_25 = arith.addi %add3A, %add3A_24 : i32
    %dma_start3A = tpu.memref_slice %arg3[%add3A_25] : memref<640000xi32, #tpu.memory_space<hbm>> -> memref<128xi32, #tpu.memory_space<hbm>>
    %dma_start3A_26 = tpu.memref_slice %arg3[%add3A_25] : memref<640000xi32, #tpu.memory_space<hbm>> -> memref<128xi32, #tpu.memory_space<hbm>>
    tpu.enqueue_dma source(%dma_start3A_26 : memref<128xi32, #tpu.memory_space<hbm>>) target(%arg6 : memref<128xi32, #tpu.memory_space<vmem>>) target_semaphore(%arg19 : memref<!tpu.dma_semaphore, #tpu.memory_space<semaphore_mem>>)
    %add3A_27 = arith.constant 0 : i32
    %add3A_28 = arith.addi %add3A, %add3A_27 : i32
    %dma_start3A_29 = tpu.memref_slice %arg4[%add3A_28] : memref<640000xi32, #tpu.memory_space<hbm>> -> memref<128xi32, #tpu.memory_space<hbm>>
    %dma_start3A_30 = tpu.memref_slice %arg4[%add3A_28] : memref<640000xi32, #tpu.memory_space<hbm>> -> memref<128xi32, #tpu.memory_space<hbm>>
    tpu.enqueue_dma source(%dma_start3A_30 : memref<128xi32, #tpu.memory_space<hbm>>) target(%arg10 : memref<128xi32, #tpu.memory_space<vmem>>) target_semaphore(%arg19 : memref<!tpu.dma_semaphore, #tpu.memory_space<semaphore_mem>>)
    %add3A_31 = arith.constant 128 : i32
    %add3A_32 = arith.addi %add3A, %add3A_31 : i32
    %dma_start3A_33 = tpu.memref_slice %arg3[%add3A_32] : memref<640000xi32, #tpu.memory_space<hbm>> -> memref<128xi32, #tpu.memory_space<hbm>>
    %dma_start3A_34 = tpu.memref_slice %arg3[%add3A_32] : memref<640000xi32, #tpu.memory_space<hbm>> -> memref<128xi32, #tpu.memory_space<hbm>>
    tpu.enqueue_dma source(%dma_start3A_34 : memref<128xi32, #tpu.memory_space<hbm>>) target(%arg7 : memref<128xi32, #tpu.memory_space<vmem>>) target_semaphore(%arg20 : memref<!tpu.dma_semaphore, #tpu.memory_space<semaphore_mem>>)
    %add3A_35 = arith.constant 128 : i32
    %add3A_36 = arith.addi %add3A, %add3A_35 : i32
    %dma_start3A_37 = tpu.memref_slice %arg4[%add3A_36] : memref<640000xi32, #tpu.memory_space<hbm>> -> memref<128xi32, #tpu.memory_space<hbm>>
    %dma_start3A_38 = tpu.memref_slice %arg4[%add3A_36] : memref<640000xi32, #tpu.memory_space<hbm>> -> memref<128xi32, #tpu.memory_space<hbm>>
    tpu.enqueue_dma source(%dma_start3A_38 : memref<128xi32, #tpu.memory_space<hbm>>) target(%arg11 : memref<128xi32, #tpu.memory_space<vmem>>) target_semaphore(%arg20 : memref<!tpu.dma_semaphore, #tpu.memory_space<semaphore_mem>>)
    %add3A_39 = arith.constant 0 : i32
    %add3A_40 = arith.addi %add3A, %add3A_39 : i32
    %dma_wait3A = tpu.memref_slice %arg3[%add3A_40] : memref<640000xi32, #tpu.memory_space<hbm>> -> memref<128xi32, #tpu.memory_space<hbm>>
    %dma_wait3A_41 = tpu.memref_slice %arg3[%add3A_40] : memref<640000xi32, #tpu.memory_space<hbm>> -> memref<128xi32, #tpu.memory_space<hbm>>
    tpu.wait_dma2 semaphore(%arg19 : memref<!tpu.dma_semaphore, #tpu.memory_space<semaphore_mem>>) src(%dma_wait3A_41 : memref<128xi32, #tpu.memory_space<hbm>>) dst(%arg6 : memref<128xi32, #tpu.memory_space<vmem>>)
    %add3A_42 = arith.constant 0 : i32
    %add3A_43 = arith.addi %add3A, %add3A_42 : i32
    %dma_wait3A_44 = tpu.memref_slice %arg4[%add3A_43] : memref<640000xi32, #tpu.memory_space<hbm>> -> memref<128xi32, #tpu.memory_space<hbm>>
    %dma_wait3A_45 = tpu.memref_slice %arg4[%add3A_43] : memref<640000xi32, #tpu.memory_space<hbm>> -> memref<128xi32, #tpu.memory_space<hbm>>
    tpu.wait_dma2 semaphore(%arg19 : memref<!tpu.dma_semaphore, #tpu.memory_space<semaphore_mem>>) src(%dma_wait3A_45 : memref<128xi32, #tpu.memory_space<hbm>>) dst(%arg10 : memref<128xi32, #tpu.memory_space<vmem>>)
    %dma_start3A_46 = arith.constant 0 : i32
    %dma_start3A_47 = arith.constant 0 : i32
    %dma_start3A_48 = tpu.memref_slice %arg2[%dma_start3A_46, %dma_start3A_47] : memref<20000x128xf32, #tpu.memory_space<hbm>> -> memref<20000x128xf32, #tpu.memory_space<hbm>>
    tpu.enqueue_indirect_dma source(%dma_start3A_48 : memref<20000x128xf32, #tpu.memory_space<hbm>>) target(%arg16 : memref<128x128xf32, #tpu.memory_space<vmem>>) offsets(%arg6 : memref<128xi32, #tpu.memory_space<vmem>>) semaphore(%arg23 : memref<!tpu.dma_semaphore, #tpu.memory_space<semaphore_mem>>)
    %add3A_49 = arith.constant 256 : i32
    %add3A_50 = arith.addi %add3A, %add3A_49 : i32
    %dma_start3A_51 = tpu.memref_slice %arg3[%add3A_50] : memref<640000xi32, #tpu.memory_space<hbm>> -> memref<128xi32, #tpu.memory_space<hbm>>
    %dma_start3A_52 = tpu.memref_slice %arg3[%add3A_50] : memref<640000xi32, #tpu.memory_space<hbm>> -> memref<128xi32, #tpu.memory_space<hbm>>
    tpu.enqueue_dma source(%dma_start3A_52 : memref<128xi32, #tpu.memory_space<hbm>>) target(%arg8 : memref<128xi32, #tpu.memory_space<vmem>>) target_semaphore(%arg21 : memref<!tpu.dma_semaphore, #tpu.memory_space<semaphore_mem>>)
    %add3A_53 = arith.constant 256 : i32
    %add3A_54 = arith.addi %add3A, %add3A_53 : i32
    %dma_start3A_55 = tpu.memref_slice %arg4[%add3A_54] : memref<640000xi32, #tpu.memory_space<hbm>> -> memref<128xi32, #tpu.memory_space<hbm>>
    %dma_start3A_56 = tpu.memref_slice %arg4[%add3A_54] : memref<640000xi32, #tpu.memory_space<hbm>> -> memref<128xi32, #tpu.memory_space<hbm>>
    tpu.enqueue_dma source(%dma_start3A_56 : memref<128xi32, #tpu.memory_space<hbm>>) target(%arg12 : memref<128xi32, #tpu.memory_space<vmem>>) target_semaphore(%arg21 : memref<!tpu.dma_semaphore, #tpu.memory_space<semaphore_mem>>)
    %scan3A_57 = arith.constant 0 : i32
    %scan3A_58 = arith.constant 0 : i32
    %scan3A_59 = arith.constant 39 : i32
    %scan3A_60 = arith.addi %scan3A_58, %scan3A_59 : i32
    %scan3A_61 = arith.constant 1 : i32
    %scan3A_62 = scf.for %scan3A_94 = %scan3A_58 to %scan3A_60 step %scan3A_61 iter_args(%scan3A_95 = %scan3A_57) -> (i32)  : i32 {
      %mul3A_96 = arith.constant 4 : i32
      %mul3A_97 = arith.muli %mul3A_96, %scan3A_94 : i32
      %add3A_98 = arith.constant 0 : i32
      %add3A_99 = arith.addi %mul3A_97, %add3A_98 : i32
      %gt3A = arith.constant 0 : i32
      %gt3A_100 = arith.cmpi sgt, %add3A_99, %gt3A : i32
      %convert_element_type3A = arith.extui %gt3A_100 : i1 to i32
      %cond3A = arith.constant 0 : i32
      %cond3A_101 = arith.cmpi ne, %convert_element_type3A, %cond3A : i32
      scf.if %cond3A_101 {
        %dma_wait3A_193 = arith.constant 0 : i32
        %dma_wait3A_194 = arith.constant 0 : i32
        %dma_wait3A_195 = tpu.memref_slice %arg18[%dma_wait3A_193, %dma_wait3A_194] : memref<10000x128xf32, #tpu.memory_space<vmem_shared>> -> memref<10000x128xf32, #tpu.memory_space<vmem_shared>>
        tpu.wait_indirect_dma semaphore(%arg26 : memref<!tpu.dma_semaphore, #tpu.memory_space<semaphore_mem>>) src(%arg17 : memref<128x128xf32, #tpu.memory_space<vmem>>) dst(%dma_wait3A_195 : memref<10000x128xf32, #tpu.memory_space<vmem_shared>>)
      } else {
      }
      %lt3A = arith.constant 155 : i32
      %lt3A_102 = arith.cmpi slt, %add3A_99, %lt3A : i32
      %convert_element_type3A_103 = arith.extui %lt3A_102 : i1 to i32
      %cond3A_104 = arith.constant 0 : i32
      %cond3A_105 = arith.cmpi ne, %convert_element_type3A_103, %cond3A_104 : i32
      scf.if %cond3A_105 {
        %add3A_193 = arith.constant 1 : i32
        %add3A_194 = arith.addi %add3A_99, %add3A_193 : i32
        %mul3A_195 = arith.constant 128 : i32
        %mul3A_196 = arith.muli %add3A_194, %mul3A_195 : i32
        %add3A_197 = arith.addi %add3A, %mul3A_196 : i32
        %dma_wait3A_198 = tpu.memref_slice %arg3[%add3A_197] : memref<640000xi32, #tpu.memory_space<hbm>> -> memref<128xi32, #tpu.memory_space<hbm>>
        %dma_wait3A_199 = tpu.memref_slice %arg3[%add3A_197] : memref<640000xi32, #tpu.memory_space<hbm>> -> memref<128xi32, #tpu.memory_space<hbm>>
        tpu.wait_dma2 semaphore(%arg20 : memref<!tpu.dma_semaphore, #tpu.memory_space<semaphore_mem>>) src(%dma_wait3A_199 : memref<128xi32, #tpu.memory_space<hbm>>) dst(%arg7 : memref<128xi32, #tpu.memory_space<vmem>>)
        %mul3A_200 = arith.constant 128 : i32
        %mul3A_201 = arith.muli %add3A_194, %mul3A_200 : i32
        %add3A_202 = arith.addi %add3A, %mul3A_201 : i32
        %dma_wait3A_203 = tpu.memref_slice %arg4[%add3A_202] : memref<640000xi32, #tpu.memory_space<hbm>> -> memref<128xi32, #tpu.memory_space<hbm>>
        %dma_wait3A_204 = tpu.memref_slice %arg4[%add3A_202] : memref<640000xi32, #tpu.memory_space<hbm>> -> memref<128xi32, #tpu.memory_space<hbm>>
        tpu.wait_dma2 semaphore(%arg20 : memref<!tpu.dma_semaphore, #tpu.memory_space<semaphore_mem>>) src(%dma_wait3A_204 : memref<128xi32, #tpu.memory_space<hbm>>) dst(%arg11 : memref<128xi32, #tpu.memory_space<vmem>>)
        %dma_start3A_205 = arith.constant 0 : i32
        %dma_start3A_206 = arith.constant 0 : i32
        %dma_start3A_207 = tpu.memref_slice %arg2[%dma_start3A_205, %dma_start3A_206] : memref<20000x128xf32, #tpu.memory_space<hbm>> -> memref<20000x128xf32, #tpu.memory_space<hbm>>
        tpu.enqueue_indirect_dma source(%dma_start3A_207 : memref<20000x128xf32, #tpu.memory_space<hbm>>) target(%arg17 : memref<128x128xf32, #tpu.memory_space<vmem>>) offsets(%arg7 : memref<128xi32, #tpu.memory_space<vmem>>) semaphore(%arg24 : memref<!tpu.dma_semaphore, #tpu.memory_space<semaphore_mem>>)
      } else {
      }
      %dma_wait3A_106 = arith.constant 0 : i32
      %dma_wait3A_107 = arith.constant 0 : i32
      %dma_wait3A_108 = tpu.memref_slice %arg2[%dma_wait3A_106, %dma_wait3A_107] : memref<20000x128xf32, #tpu.memory_space<hbm>> -> memref<20000x128xf32, #tpu.memory_space<hbm>>
      tpu.wait_indirect_dma semaphore(%arg23 : memref<!tpu.dma_semaphore, #tpu.memory_space<semaphore_mem>>) src(%dma_wait3A_108 : memref<20000x128xf32, #tpu.memory_space<hbm>>) dst(%arg16 : memref<128x128xf32, #tpu.memory_space<vmem>>)
      %dma_start3A_109 = arith.constant 0 : i32
      %dma_start3A_110 = arith.constant 0 : i32
      %dma_start3A_111 = tpu.memref_slice %arg18[%dma_start3A_109, %dma_start3A_110] : memref<10000x128xf32, #tpu.memory_space<vmem_shared>> -> memref<10000x128xf32, #tpu.memory_space<vmem_shared>>
      tpu.enqueue_indirect_dma source(%arg16 : memref<128x128xf32, #tpu.memory_space<vmem>>) target(%dma_start3A_111 : memref<10000x128xf32, #tpu.memory_space<vmem_shared>>) offsets(%arg10 : memref<128xi32, #tpu.memory_space<vmem>>) semaphore(%arg25 : memref<!tpu.dma_semaphore, #tpu.memory_space<semaphore_mem>>) {add = true}
      %lt3A_112 = arith.constant 153 : i32
      %lt3A_113 = arith.cmpi slt, %add3A_99, %lt3A_112 : i32
      %convert_element_type3A_114 = arith.extui %lt3A_113 : i1 to i32
      %cond3A_115 = arith.constant 0 : i32
      %cond3A_116 = arith.cmpi ne, %convert_element_type3A_114, %cond3A_115 : i32
      scf.if %cond3A_116 {
        %add3A_193 = arith.constant 3 : i32
        %add3A_194 = arith.addi %add3A_99, %add3A_193 : i32
        %mul3A_195 = arith.constant 128 : i32
        %mul3A_196 = arith.muli %add3A_194, %mul3A_195 : i32
        %add3A_197 = arith.addi %add3A, %mul3A_196 : i32
        %dma_start3A_198 = tpu.memref_slice %arg3[%add3A_197] : memref<640000xi32, #tpu.memory_space<hbm>> -> memref<128xi32, #tpu.memory_space<hbm>>
        %dma_start3A_199 = tpu.memref_slice %arg3[%add3A_197] : memref<640000xi32, #tpu.memory_space<hbm>> -> memref<128xi32, #tpu.memory_space<hbm>>
        tpu.enqueue_dma source(%dma_start3A_199 : memref<128xi32, #tpu.memory_space<hbm>>) target(%arg9 : memref<128xi32, #tpu.memory_space<vmem>>) target_semaphore(%arg22 : memref<!tpu.dma_semaphore, #tpu.memory_space<semaphore_mem>>)
        %mul3A_200 = arith.constant 128 : i32
        %mul3A_201 = arith.muli %add3A_194, %mul3A_200 : i32
        %add3A_202 = arith.addi %add3A, %mul3A_201 : i32
        %dma_start3A_203 = tpu.memref_slice %arg4[%add3A_202] : memref<640000xi32, #tpu.memory_space<hbm>> -> memref<128xi32, #tpu.memory_space<hbm>>
        %dma_start3A_204 = tpu.memref_slice %arg4[%add3A_202] : memref<640000xi32, #tpu.memory_space<hbm>> -> memref<128xi32, #tpu.memory_space<hbm>>
        tpu.enqueue_dma source(%dma_start3A_204 : memref<128xi32, #tpu.memory_space<hbm>>) target(%arg13 : memref<128xi32, #tpu.memory_space<vmem>>) target_semaphore(%arg22 : memref<!tpu.dma_semaphore, #tpu.memory_space<semaphore_mem>>)
      } else {
      }
      %mul3A_117 = arith.constant 4 : i32
      %mul3A_118 = arith.muli %mul3A_117, %scan3A_94 : i32
      %add3A_119 = arith.constant 1 : i32
      %add3A_120 = arith.addi %mul3A_118, %add3A_119 : i32
      %gt3A_121 = arith.constant 0 : i32
      %gt3A_122 = arith.cmpi sgt, %add3A_120, %gt3A_121 : i32
      %convert_element_type3A_123 = arith.extui %gt3A_122 : i1 to i32
      %cond3A_124 = arith.constant 0 : i32
      %cond3A_125 = arith.cmpi ne, %convert_element_type3A_123, %cond3A_124 : i32
      scf.if %cond3A_125 {
        %dma_wait3A_193 = arith.constant 0 : i32
        %dma_wait3A_194 = arith.constant 0 : i32
        %dma_wait3A_195 = tpu.memref_slice %arg18[%dma_wait3A_193, %dma_wait3A_194] : memref<10000x128xf32, #tpu.memory_space<vmem_shared>> -> memref<10000x128xf32, #tpu.memory_space<vmem_shared>>
        tpu.wait_indirect_dma semaphore(%arg25 : memref<!tpu.dma_semaphore, #tpu.memory_space<semaphore_mem>>) src(%arg16 : memref<128x128xf32, #tpu.memory_space<vmem>>) dst(%dma_wait3A_195 : memref<10000x128xf32, #tpu.memory_space<vmem_shared>>)
      } else {
      }
      %lt3A_126 = arith.constant 155 : i32
      %lt3A_127 = arith.cmpi slt, %add3A_120, %lt3A_126 : i32
      %convert_element_type3A_128 = arith.extui %lt3A_127 : i1 to i32
      %cond3A_129 = arith.constant 0 : i32
      %cond3A_130 = arith.cmpi ne, %convert_element_type3A_128, %cond3A_129 : i32
      scf.if %cond3A_130 {
        %add3A_193 = arith.constant 1 : i32
        %add3A_194 = arith.addi %add3A_120, %add3A_193 : i32
        %mul3A_195 = arith.constant 128 : i32
        %mul3A_196 = arith.muli %add3A_194, %mul3A_195 : i32
        %add3A_197 = arith.addi %add3A, %mul3A_196 : i32
        %dma_wait3A_198 = tpu.memref_slice %arg3[%add3A_197] : memref<640000xi32, #tpu.memory_space<hbm>> -> memref<128xi32, #tpu.memory_space<hbm>>
        %dma_wait3A_199 = tpu.memref_slice %arg3[%add3A_197] : memref<640000xi32, #tpu.memory_space<hbm>> -> memref<128xi32, #tpu.memory_space<hbm>>
        tpu.wait_dma2 semaphore(%arg21 : memref<!tpu.dma_semaphore, #tpu.memory_space<semaphore_mem>>) src(%dma_wait3A_199 : memref<128xi32, #tpu.memory_space<hbm>>) dst(%arg8 : memref<128xi32, #tpu.memory_space<vmem>>)
        %mul3A_200 = arith.constant 128 : i32
        %mul3A_201 = arith.muli %add3A_194, %mul3A_200 : i32
        %add3A_202 = arith.addi %add3A, %mul3A_201 : i32
        %dma_wait3A_203 = tpu.memref_slice %arg4[%add3A_202] : memref<640000xi32, #tpu.memory_space<hbm>> -> memref<128xi32, #tpu.memory_space<hbm>>
        %dma_wait3A_204 = tpu.memref_slice %arg4[%add3A_202] : memref<640000xi32, #tpu.memory_space<hbm>> -> memref<128xi32, #tpu.memory_space<hbm>>
        tpu.wait_dma2 semaphore(%arg21 : memref<!tpu.dma_semaphore, #tpu.memory_space<semaphore_mem>>) src(%dma_wait3A_204 : memref<128xi32, #tpu.memory_space<hbm>>) dst(%arg12 : memref<128xi32, #tpu.memory_space<vmem>>)
        %dma_start3A_205 = arith.constant 0 : i32
        %dma_start3A_206 = arith.constant 0 : i32
        %dma_start3A_207 = tpu.memref_slice %arg2[%dma_start3A_205, %dma_start3A_206] : memref<20000x128xf32, #tpu.memory_space<hbm>> -> memref<20000x128xf32, #tpu.memory_space<hbm>>
        tpu.enqueue_indirect_dma source(%dma_start3A_207 : memref<20000x128xf32, #tpu.memory_space<hbm>>) target(%arg16 : memref<128x128xf32, #tpu.memory_space<vmem>>) offsets(%arg8 : memref<128xi32, #tpu.memory_space<vmem>>) semaphore(%arg23 : memref<!tpu.dma_semaphore, #tpu.memory_space<semaphore_mem>>)
      } else {
      }
      %dma_wait3A_131 = arith.constant 0 : i32
      %dma_wait3A_132 = arith.constant 0 : i32
      %dma_wait3A_133 = tpu.memref_slice %arg2[%dma_wait3A_131, %dma_wait3A_132] : memref<20000x128xf32, #tpu.memory_space<hbm>> -> memref<20000x128xf32, #tpu.memory_space<hbm>>
      tpu.wait_indirect_dma semaphore(%arg24 : memref<!tpu.dma_semaphore, #tpu.memory_space<semaphore_mem>>) src(%dma_wait3A_133 : memref<20000x128xf32, #tpu.memory_space<hbm>>) dst(%arg17 : memref<128x128xf32, #tpu.memory_space<vmem>>)
      %dma_start3A_134 = arith.constant 0 : i32
      %dma_start3A_135 = arith.constant 0 : i32
      %dma_start3A_136 = tpu.memref_slice %arg18[%dma_start3A_134, %dma_start3A_135] : memref<10000x128xf32, #tpu.memory_space<vmem_shared>> -> memref<10000x128xf32, #tpu.memory_space<vmem_shared>>
      tpu.enqueue_indirect_dma source(%arg17 : memref<128x128xf32, #tpu.memory_space<vmem>>) target(%dma_start3A_136 : memref<10000x128xf32, #tpu.memory_space<vmem_shared>>) offsets(%arg11 : memref<128xi32, #tpu.memory_space<vmem>>) semaphore(%arg26 : memref<!tpu.dma_semaphore, #tpu.memory_space<semaphore_mem>>) {add = true}
      %lt3A_137 = arith.constant 153 : i32
      %lt3A_138 = arith.cmpi slt, %add3A_120, %lt3A_137 : i32
      %convert_element_type3A_139 = arith.extui %lt3A_138 : i1 to i32
      %cond3A_140 = arith.constant 0 : i32
      %cond3A_141 = arith.cmpi ne, %convert_element_type3A_139, %cond3A_140 : i32
      scf.if %cond3A_141 {
        %add3A_193 = arith.constant 3 : i32
        %add3A_194 = arith.addi %add3A_120, %add3A_193 : i32
        %mul3A_195 = arith.constant 128 : i32
        %mul3A_196 = arith.muli %add3A_194, %mul3A_195 : i32
        %add3A_197 = arith.addi %add3A, %mul3A_196 : i32
        %dma_start3A_198 = tpu.memref_slice %arg3[%add3A_197] : memref<640000xi32, #tpu.memory_space<hbm>> -> memref<128xi32, #tpu.memory_space<hbm>>
        %dma_start3A_199 = tpu.memref_slice %arg3[%add3A_197] : memref<640000xi32, #tpu.memory_space<hbm>> -> memref<128xi32, #tpu.memory_space<hbm>>
        tpu.enqueue_dma source(%dma_start3A_199 : memref<128xi32, #tpu.memory_space<hbm>>) target(%arg6 : memref<128xi32, #tpu.memory_space<vmem>>) target_semaphore(%arg19 : memref<!tpu.dma_semaphore, #tpu.memory_space<semaphore_mem>>)
        %mul3A_200 = arith.constant 128 : i32
        %mul3A_201 = arith.muli %add3A_194, %mul3A_200 : i32
        %add3A_202 = arith.addi %add3A, %mul3A_201 : i32
        %dma_start3A_203 = tpu.memref_slice %arg4[%add3A_202] : memref<640000xi32, #tpu.memory_space<hbm>> -> memref<128xi32, #tpu.memory_space<hbm>>
        %dma_start3A_204 = tpu.memref_slice %arg4[%add3A_202] : memref<640000xi32, #tpu.memory_space<hbm>> -> memref<128xi32, #tpu.memory_space<hbm>>
        tpu.enqueue_dma source(%dma_start3A_204 : memref<128xi32, #tpu.memory_space<hbm>>) target(%arg10 : memref<128xi32, #tpu.memory_space<vmem>>) target_semaphore(%arg19 : memref<!tpu.dma_semaphore, #tpu.memory_space<semaphore_mem>>)
      } else {
      }
      %mul3A_142 = arith.constant 4 : i32
      %mul3A_143 = arith.muli %mul3A_142, %scan3A_94 : i32
      %add3A_144 = arith.constant 2 : i32
      %add3A_145 = arith.addi %mul3A_143, %add3A_144 : i32
      %gt3A_146 = arith.constant 0 : i32
      %gt3A_147 = arith.cmpi sgt, %add3A_145, %gt3A_146 : i32
      %convert_element_type3A_148 = arith.extui %gt3A_147 : i1 to i32
      %cond3A_149 = arith.constant 0 : i32
      %cond3A_150 = arith.cmpi ne, %convert_element_type3A_148, %cond3A_149 : i32
      scf.if %cond3A_150 {
        %dma_wait3A_193 = arith.constant 0 : i32
        %dma_wait3A_194 = arith.constant 0 : i32
        %dma_wait3A_195 = tpu.memref_slice %arg18[%dma_wait3A_193, %dma_wait3A_194] : memref<10000x128xf32, #tpu.memory_space<vmem_shared>> -> memref<10000x128xf32, #tpu.memory_space<vmem_shared>>
        tpu.wait_indirect_dma semaphore(%arg26 : memref<!tpu.dma_semaphore, #tpu.memory_space<semaphore_mem>>) src(%arg17 : memref<128x128xf32, #tpu.memory_space<vmem>>) dst(%dma_wait3A_195 : memref<10000x128xf32, #tpu.memory_space<vmem_shared>>)
      } else {
      }
      %lt3A_151 = arith.constant 155 : i32
      %lt3A_152 = arith.cmpi slt, %add3A_145, %lt3A_151 : i32
      %convert_element_type3A_153 = arith.extui %lt3A_152 : i1 to i32
      %cond3A_154 = arith.constant 0 : i32
      %cond3A_155 = arith.cmpi ne, %convert_element_type3A_153, %cond3A_154 : i32
      scf.if %cond3A_155 {
        %add3A_193 = arith.constant 1 : i32
        %add3A_194 = arith.addi %add3A_145, %add3A_193 : i32
        %mul3A_195 = arith.constant 128 : i32
        %mul3A_196 = arith.muli %add3A_194, %mul3A_195 : i32
        %add3A_197 = arith.addi %add3A, %mul3A_196 : i32
        %dma_wait3A_198 = tpu.memref_slice %arg3[%add3A_197] : memref<640000xi32, #tpu.memory_space<hbm>> -> memref<128xi32, #tpu.memory_space<hbm>>
        %dma_wait3A_199 = tpu.memref_slice %arg3[%add3A_197] : memref<640000xi32, #tpu.memory_space<hbm>> -> memref<128xi32, #tpu.memory_space<hbm>>
        tpu.wait_dma2 semaphore(%arg22 : memref<!tpu.dma_semaphore, #tpu.memory_space<semaphore_mem>>) src(%dma_wait3A_199 : memref<128xi32, #tpu.memory_space<hbm>>) dst(%arg9 : memref<128xi32, #tpu.memory_space<vmem>>)
        %mul3A_200 = arith.constant 128 : i32
        %mul3A_201 = arith.muli %add3A_194, %mul3A_200 : i32
        %add3A_202 = arith.addi %add3A, %mul3A_201 : i32
        %dma_wait3A_203 = tpu.memref_slice %arg4[%add3A_202] : memref<640000xi32, #tpu.memory_space<hbm>> -> memref<128xi32, #tpu.memory_space<hbm>>
        %dma_wait3A_204 = tpu.memref_slice %arg4[%add3A_202] : memref<640000xi32, #tpu.memory_space<hbm>> -> memref<128xi32, #tpu.memory_space<hbm>>
        tpu.wait_dma2 semaphore(%arg22 : memref<!tpu.dma_semaphore, #tpu.memory_space<semaphore_mem>>) src(%dma_wait3A_204 : memref<128xi32, #tpu.memory_space<hbm>>) dst(%arg13 : memref<128xi32, #tpu.memory_space<vmem>>)
        %dma_start3A_205 = arith.constant 0 : i32
        %dma_start3A_206 = arith.constant 0 : i32
        %dma_start3A_207 = tpu.memref_slice %arg2[%dma_start3A_205, %dma_start3A_206] : memref<20000x128xf32, #tpu.memory_space<hbm>> -> memref<20000x128xf32, #tpu.memory_space<hbm>>
        tpu.enqueue_indirect_dma source(%dma_start3A_207 : memref<20000x128xf32, #tpu.memory_space<hbm>>) target(%arg17 : memref<128x128xf32, #tpu.memory_space<vmem>>) offsets(%arg9 : memref<128xi32, #tpu.memory_space<vmem>>) semaphore(%arg24 : memref<!tpu.dma_semaphore, #tpu.memory_space<semaphore_mem>>)
      } else {
      }
      %dma_wait3A_156 = arith.constant 0 : i32
      %dma_wait3A_157 = arith.constant 0 : i32
      %dma_wait3A_158 = tpu.memref_slice %arg2[%dma_wait3A_156, %dma_wait3A_157] : memref<20000x128xf32, #tpu.memory_space<hbm>> -> memref<20000x128xf32, #tpu.memory_space<hbm>>
      tpu.wait_indirect_dma semaphore(%arg23 : memref<!tpu.dma_semaphore, #tpu.memory_space<semaphore_mem>>) src(%dma_wait3A_158 : memref<20000x128xf32, #tpu.memory_space<hbm>>) dst(%arg16 : memref<128x128xf32, #tpu.memory_space<vmem>>)
      %dma_start3A_159 = arith.constant 0 : i32
      %dma_start3A_160 = arith.constant 0 : i32
      %dma_start3A_161 = tpu.memref_slice %arg18[%dma_start3A_159, %dma_start3A_160] : memref<10000x128xf32, #tpu.memory_space<vmem_shared>> -> memref<10000x128xf32, #tpu.memory_space<vmem_shared>>
      tpu.enqueue_indirect_dma source(%arg16 : memref<128x128xf32, #tpu.memory_space<vmem>>) target(%dma_start3A_161 : memref<10000x128xf32, #tpu.memory_space<vmem_shared>>) offsets(%arg12 : memref<128xi32, #tpu.memory_space<vmem>>) semaphore(%arg25 : memref<!tpu.dma_semaphore, #tpu.memory_space<semaphore_mem>>) {add = true}
      %lt3A_162 = arith.constant 153 : i32
      %lt3A_163 = arith.cmpi slt, %add3A_145, %lt3A_162 : i32
      %convert_element_type3A_164 = arith.extui %lt3A_163 : i1 to i32
      %cond3A_165 = arith.constant 0 : i32
      %cond3A_166 = arith.cmpi ne, %convert_element_type3A_164, %cond3A_165 : i32
      scf.if %cond3A_166 {
        %add3A_193 = arith.constant 3 : i32
        %add3A_194 = arith.addi %add3A_145, %add3A_193 : i32
        %mul3A_195 = arith.constant 128 : i32
        %mul3A_196 = arith.muli %add3A_194, %mul3A_195 : i32
        %add3A_197 = arith.addi %add3A, %mul3A_196 : i32
        %dma_start3A_198 = tpu.memref_slice %arg3[%add3A_197] : memref<640000xi32, #tpu.memory_space<hbm>> -> memref<128xi32, #tpu.memory_space<hbm>>
        %dma_start3A_199 = tpu.memref_slice %arg3[%add3A_197] : memref<640000xi32, #tpu.memory_space<hbm>> -> memref<128xi32, #tpu.memory_space<hbm>>
        tpu.enqueue_dma source(%dma_start3A_199 : memref<128xi32, #tpu.memory_space<hbm>>) target(%arg7 : memref<128xi32, #tpu.memory_space<vmem>>) target_semaphore(%arg20 : memref<!tpu.dma_semaphore, #tpu.memory_space<semaphore_mem>>)
        %mul3A_200 = arith.constant 128 : i32
        %mul3A_201 = arith.muli %add3A_194, %mul3A_200 : i32
        %add3A_202 = arith.addi %add3A, %mul3A_201 : i32
        %dma_start3A_203 = tpu.memref_slice %arg4[%add3A_202] : memref<640000xi32, #tpu.memory_space<hbm>> -> memref<128xi32, #tpu.memory_space<hbm>>
        %dma_start3A_204 = tpu.memref_slice %arg4[%add3A_202] : memref<640000xi32, #tpu.memory_space<hbm>> -> memref<128xi32, #tpu.memory_space<hbm>>
        tpu.enqueue_dma source(%dma_start3A_204 : memref<128xi32, #tpu.memory_space<hbm>>) target(%arg11 : memref<128xi32, #tpu.memory_space<vmem>>) target_semaphore(%arg20 : memref<!tpu.dma_semaphore, #tpu.memory_space<semaphore_mem>>)
      } else {
      }
      %mul3A_167 = arith.constant 4 : i32
      %mul3A_168 = arith.muli %mul3A_167, %scan3A_94 : i32
      %add3A_169 = arith.constant 3 : i32
      %add3A_170 = arith.addi %mul3A_168, %add3A_169 : i32
      %gt3A_171 = arith.constant 0 : i32
      %gt3A_172 = arith.cmpi sgt, %add3A_170, %gt3A_171 : i32
      %convert_element_type3A_173 = arith.extui %gt3A_172 : i1 to i32
      %cond3A_174 = arith.constant 0 : i32
      %cond3A_175 = arith.cmpi ne, %convert_element_type3A_173, %cond3A_174 : i32
      scf.if %cond3A_175 {
        %dma_wait3A_193 = arith.constant 0 : i32
        %dma_wait3A_194 = arith.constant 0 : i32
        %dma_wait3A_195 = tpu.memref_slice %arg18[%dma_wait3A_193, %dma_wait3A_194] : memref<10000x128xf32, #tpu.memory_space<vmem_shared>> -> memref<10000x128xf32, #tpu.memory_space<vmem_shared>>
        tpu.wait_indirect_dma semaphore(%arg25 : memref<!tpu.dma_semaphore, #tpu.memory_space<semaphore_mem>>) src(%arg16 : memref<128x128xf32, #tpu.memory_space<vmem>>) dst(%dma_wait3A_195 : memref<10000x128xf32, #tpu.memory_space<vmem_shared>>)
      } else {
      }
      %lt3A_176 = arith.constant 155 : i32
      %lt3A_177 = arith.cmpi slt, %add3A_170, %lt3A_176 : i32
      %convert_element_type3A_178 = arith.extui %lt3A_177 : i1 to i32
      %cond3A_179 = arith.constant 0 : i32
      %cond3A_180 = arith.cmpi ne, %convert_element_type3A_178, %cond3A_179 : i32
      scf.if %cond3A_180 {
        %add3A_193 = arith.constant 1 : i32
        %add3A_194 = arith.addi %add3A_170, %add3A_193 : i32
        %mul3A_195 = arith.constant 128 : i32
        %mul3A_196 = arith.muli %add3A_194, %mul3A_195 : i32
        %add3A_197 = arith.addi %add3A, %mul3A_196 : i32
        %dma_wait3A_198 = tpu.memref_slice %arg3[%add3A_197] : memref<640000xi32, #tpu.memory_space<hbm>> -> memref<128xi32, #tpu.memory_space<hbm>>
        %dma_wait3A_199 = tpu.memref_slice %arg3[%add3A_197] : memref<640000xi32, #tpu.memory_space<hbm>> -> memref<128xi32, #tpu.memory_space<hbm>>
        tpu.wait_dma2 semaphore(%arg19 : memref<!tpu.dma_semaphore, #tpu.memory_space<semaphore_mem>>) src(%dma_wait3A_199 : memref<128xi32, #tpu.memory_space<hbm>>) dst(%arg6 : memref<128xi32, #tpu.memory_space<vmem>>)
        %mul3A_200 = arith.constant 128 : i32
        %mul3A_201 = arith.muli %add3A_194, %mul3A_200 : i32
        %add3A_202 = arith.addi %add3A, %mul3A_201 : i32
        %dma_wait3A_203 = tpu.memref_slice %arg4[%add3A_202] : memref<640000xi32, #tpu.memory_space<hbm>> -> memref<128xi32, #tpu.memory_space<hbm>>
        %dma_wait3A_204 = tpu.memref_slice %arg4[%add3A_202] : memref<640000xi32, #tpu.memory_space<hbm>> -> memref<128xi32, #tpu.memory_space<hbm>>
        tpu.wait_dma2 semaphore(%arg19 : memref<!tpu.dma_semaphore, #tpu.memory_space<semaphore_mem>>) src(%dma_wait3A_204 : memref<128xi32, #tpu.memory_space<hbm>>) dst(%arg10 : memref<128xi32, #tpu.memory_space<vmem>>)
        %dma_start3A_205 = arith.constant 0 : i32
        %dma_start3A_206 = arith.constant 0 : i32
        %dma_start3A_207 = tpu.memref_slice %arg2[%dma_start3A_205, %dma_start3A_206] : memref<20000x128xf32, #tpu.memory_space<hbm>> -> memref<20000x128xf32, #tpu.memory_space<hbm>>
        tpu.enqueue_indirect_dma source(%dma_start3A_207 : memref<20000x128xf32, #tpu.memory_space<hbm>>) target(%arg16 : memref<128x128xf32, #tpu.memory_space<vmem>>) offsets(%arg6 : memref<128xi32, #tpu.memory_space<vmem>>) semaphore(%arg23 : memref<!tpu.dma_semaphore, #tpu.memory_space<semaphore_mem>>)
      } else {
      }
      %dma_wait3A_181 = arith.constant 0 : i32
      %dma_wait3A_182 = arith.constant 0 : i32
      %dma_wait3A_183 = tpu.memref_slice %arg2[%dma_wait3A_181, %dma_wait3A_182] : memref<20000x128xf32, #tpu.memory_space<hbm>> -> memref<20000x128xf32, #tpu.memory_space<hbm>>
      tpu.wait_indirect_dma semaphore(%arg24 : memref<!tpu.dma_semaphore, #tpu.memory_space<semaphore_mem>>) src(%dma_wait3A_183 : memref<20000x128xf32, #tpu.memory_space<hbm>>) dst(%arg17 : memref<128x128xf32, #tpu.memory_space<vmem>>)
      %dma_start3A_184 = arith.constant 0 : i32
      %dma_start3A_185 = arith.constant 0 : i32
      %dma_start3A_186 = tpu.memref_slice %arg18[%dma_start3A_184, %dma_start3A_185] : memref<10000x128xf32, #tpu.memory_space<vmem_shared>> -> memref<10000x128xf32, #tpu.memory_space<vmem_shared>>
      tpu.enqueue_indirect_dma source(%arg17 : memref<128x128xf32, #tpu.memory_space<vmem>>) target(%dma_start3A_186 : memref<10000x128xf32, #tpu.memory_space<vmem_shared>>) offsets(%arg13 : memref<128xi32, #tpu.memory_space<vmem>>) semaphore(%arg26 : memref<!tpu.dma_semaphore, #tpu.memory_space<semaphore_mem>>) {add = true}
      %lt3A_187 = arith.constant 153 : i32
      %lt3A_188 = arith.cmpi slt, %add3A_170, %lt3A_187 : i32
      %convert_element_type3A_189 = arith.extui %lt3A_188 : i1 to i32
      %cond3A_190 = arith.constant 0 : i32
      %cond3A_191 = arith.cmpi ne, %convert_element_type3A_189, %cond3A_190 : i32
      scf.if %cond3A_191 {
        %add3A_193 = arith.constant 3 : i32
        %add3A_194 = arith.addi %add3A_170, %add3A_193 : i32
        %mul3A_195 = arith.constant 128 : i32
        %mul3A_196 = arith.muli %add3A_194, %mul3A_195 : i32
        %add3A_197 = arith.addi %add3A, %mul3A_196 : i32
        %dma_start3A_198 = tpu.memref_slice %arg3[%add3A_197] : memref<640000xi32, #tpu.memory_space<hbm>> -> memref<128xi32, #tpu.memory_space<hbm>>
        %dma_start3A_199 = tpu.memref_slice %arg3[%add3A_197] : memref<640000xi32, #tpu.memory_space<hbm>> -> memref<128xi32, #tpu.memory_space<hbm>>
        tpu.enqueue_dma source(%dma_start3A_199 : memref<128xi32, #tpu.memory_space<hbm>>) target(%arg8 : memref<128xi32, #tpu.memory_space<vmem>>) target_semaphore(%arg21 : memref<!tpu.dma_semaphore, #tpu.memory_space<semaphore_mem>>)
        %mul3A_200 = arith.constant 128 : i32
        %mul3A_201 = arith.muli %add3A_194, %mul3A_200 : i32
        %add3A_202 = arith.addi %add3A, %mul3A_201 : i32
        %dma_start3A_203 = tpu.memref_slice %arg4[%add3A_202] : memref<640000xi32, #tpu.memory_space<hbm>> -> memref<128xi32, #tpu.memory_space<hbm>>
        %dma_start3A_204 = tpu.memref_slice %arg4[%add3A_202] : memref<640000xi32, #tpu.memory_space<hbm>> -> memref<128xi32, #tpu.memory_space<hbm>>
        tpu.enqueue_dma source(%dma_start3A_204 : memref<128xi32, #tpu.memory_space<hbm>>) target(%arg12 : memref<128xi32, #tpu.memory_space<vmem>>) target_semaphore(%arg21 : memref<!tpu.dma_semaphore, #tpu.memory_space<semaphore_mem>>)
      } else {
      }
      %scan3A_192 = arith.constant 0 : i32
      scf.yield %scan3A_192 : i32
    }
    %scan3A_63 = arith.constant 39 : i32
    %dma_wait3A_64 = arith.constant 0 : i32
    %dma_wait3A_65 = arith.constant 0 : i32
    %dma_wait3A_66 = tpu.memref_slice %arg18[%dma_wait3A_64, %dma_wait3A_65] : memref<10000x128xf32, #tpu.memory_space<vmem_shared>> -> memref<10000x128xf32, #tpu.memory_space<vmem_shared>>
    tpu.wait_indirect_dma semaphore(%arg26 : memref<!tpu.dma_semaphore, #tpu.memory_space<semaphore_mem>>) src(%arg17 : memref<128x128xf32, #tpu.memory_space<vmem>>) dst(%dma_wait3A_66 : memref<10000x128xf32, #tpu.memory_space<vmem_shared>>)
    %add3A_67 = arith.constant 19968 : i32
    %add3A_68 = arith.addi %add3A, %add3A_67 : i32
    "tpu.region"() ({
      %run_scoped3A = tpu.sem_alloc : memref<!tpu.dma_semaphore, #tpu.memory_space<semaphore_mem>>
      %dma_start3A_94 = tpu.memref_slice %arg3[%add3A_68] : memref<640000xi32, #tpu.memory_space<hbm>> -> memref<32xi32, #tpu.memory_space<hbm>>
      %dma_start3A_95 = tpu.memref_slice %arg3[%add3A_68] : memref<640000xi32, #tpu.memory_space<hbm>> -> memref<32xi32, #tpu.memory_space<hbm>>
      tpu.enqueue_dma source(%dma_start3A_95 : memref<32xi32, #tpu.memory_space<hbm>>) target(%arg14 : memref<32xi32, #tpu.memory_space<vmem>>) target_semaphore(%run_scoped3A : memref<!tpu.dma_semaphore, #tpu.memory_space<semaphore_mem>>)
      %dma_wait3A_96 = tpu.memref_slice %arg3[%add3A_68] : memref<640000xi32, #tpu.memory_space<hbm>> -> memref<32xi32, #tpu.memory_space<hbm>>
      %dma_wait3A_97 = tpu.memref_slice %arg3[%add3A_68] : memref<640000xi32, #tpu.memory_space<hbm>> -> memref<32xi32, #tpu.memory_space<hbm>>
      tpu.wait_dma2 semaphore(%run_scoped3A : memref<!tpu.dma_semaphore, #tpu.memory_space<semaphore_mem>>) src(%dma_wait3A_97 : memref<32xi32, #tpu.memory_space<hbm>>) dst(%arg14 : memref<32xi32, #tpu.memory_space<vmem>>)
      tpu.yield
    }) : () -> ()
    "tpu.region"() ({
      %run_scoped3A = tpu.sem_alloc : memref<!tpu.dma_semaphore, #tpu.memory_space<semaphore_mem>>
      %dma_start3A_94 = tpu.memref_slice %arg4[%add3A_68] : memref<640000xi32, #tpu.memory_space<hbm>> -> memref<32xi32, #tpu.memory_space<hbm>>
      %dma_start3A_95 = tpu.memref_slice %arg4[%add3A_68] : memref<640000xi32, #tpu.memory_space<hbm>> -> memref<32xi32, #tpu.memory_space<hbm>>
      tpu.enqueue_dma source(%dma_start3A_95 : memref<32xi32, #tpu.memory_space<hbm>>) target(%arg15 : memref<32xi32, #tpu.memory_space<vmem>>) target_semaphore(%run_scoped3A : memref<!tpu.dma_semaphore, #tpu.memory_space<semaphore_mem>>)
      %dma_wait3A_96 = tpu.memref_slice %arg4[%add3A_68] : memref<640000xi32, #tpu.memory_space<hbm>> -> memref<32xi32, #tpu.memory_space<hbm>>
      %dma_wait3A_97 = tpu.memref_slice %arg4[%add3A_68] : memref<640000xi32, #tpu.memory_space<hbm>> -> memref<32xi32, #tpu.memory_space<hbm>>
      tpu.wait_dma2 semaphore(%run_scoped3A : memref<!tpu.dma_semaphore, #tpu.memory_space<semaphore_mem>>) src(%dma_wait3A_97 : memref<32xi32, #tpu.memory_space<hbm>>) dst(%arg15 : memref<32xi32, #tpu.memory_space<vmem>>)
      tpu.yield
    }) : () -> ()
    %dma_start3A_69 = arith.constant 0 : i32
    %dma_start3A_70 = arith.constant 0 : i32
    %dma_start3A_71 = tpu.memref_slice %arg16[%dma_start3A_69, %dma_start3A_70] : memref<128x128xf32, #tpu.memory_space<vmem>> -> memref<32x128xf32, #tpu.memory_space<vmem>>
    %dma_start3A_72 = arith.constant 0 : i32
    %dma_start3A_73 = arith.constant 0 : i32
    %dma_start3A_74 = tpu.memref_slice %arg2[%dma_start3A_72, %dma_start3A_73] : memref<20000x128xf32, #tpu.memory_space<hbm>> -> memref<20000x128xf32, #tpu.memory_space<hbm>>
    tpu.enqueue_indirect_dma source(%dma_start3A_74 : memref<20000x128xf32, #tpu.memory_space<hbm>>) target(%dma_start3A_71 : memref<32x128xf32, #tpu.memory_space<vmem>>) offsets(%arg14 : memref<32xi32, #tpu.memory_space<vmem>>) semaphore(%arg23 : memref<!tpu.dma_semaphore, #tpu.memory_space<semaphore_mem>>)
    %dma_wait3A_75 = arith.constant 0 : i32
    %dma_wait3A_76 = arith.constant 0 : i32
    %dma_wait3A_77 = tpu.memref_slice %arg16[%dma_wait3A_75, %dma_wait3A_76] : memref<128x128xf32, #tpu.memory_space<vmem>> -> memref<32x128xf32, #tpu.memory_space<vmem>>
    %dma_wait3A_78 = arith.constant 0 : i32
    %dma_wait3A_79 = arith.constant 0 : i32
    %dma_wait3A_80 = tpu.memref_slice %arg2[%dma_wait3A_78, %dma_wait3A_79] : memref<20000x128xf32, #tpu.memory_space<hbm>> -> memref<20000x128xf32, #tpu.memory_space<hbm>>
    tpu.wait_indirect_dma semaphore(%arg23 : memref<!tpu.dma_semaphore, #tpu.memory_space<semaphore_mem>>) src(%dma_wait3A_80 : memref<20000x128xf32, #tpu.memory_space<hbm>>) dst(%dma_wait3A_77 : memref<32x128xf32, #tpu.memory_space<vmem>>)
    "tpu.region"() ({
      %run_scoped3A = tpu.sem_alloc : memref<!tpu.dma_semaphore, #tpu.memory_space<semaphore_mem>>
      %dma_start3A_94 = arith.constant 0 : i32
      %dma_start3A_95 = arith.constant 0 : i32
      %dma_start3A_96 = tpu.memref_slice %arg16[%dma_start3A_94, %dma_start3A_95] : memref<128x128xf32, #tpu.memory_space<vmem>> -> memref<32x128xf32, #tpu.memory_space<vmem>>
      %dma_start3A_97 = arith.constant 0 : i32
      %dma_start3A_98 = arith.constant 0 : i32
      %dma_start3A_99 = tpu.memref_slice %arg18[%dma_start3A_97, %dma_start3A_98] : memref<10000x128xf32, #tpu.memory_space<vmem_shared>> -> memref<10000x128xf32, #tpu.memory_space<vmem_shared>>
      tpu.enqueue_indirect_dma source(%dma_start3A_96 : memref<32x128xf32, #tpu.memory_space<vmem>>) target(%dma_start3A_99 : memref<10000x128xf32, #tpu.memory_space<vmem_shared>>) offsets(%arg15 : memref<32xi32, #tpu.memory_space<vmem>>) semaphore(%run_scoped3A : memref<!tpu.dma_semaphore, #tpu.memory_space<semaphore_mem>>) {add = true}
      %dma_wait3A_100 = arith.constant 0 : i32
      %dma_wait3A_101 = arith.constant 0 : i32
      %dma_wait3A_102 = tpu.memref_slice %arg16[%dma_wait3A_100, %dma_wait3A_101] : memref<128x128xf32, #tpu.memory_space<vmem>> -> memref<32x128xf32, #tpu.memory_space<vmem>>
      %dma_wait3A_103 = arith.constant 0 : i32
      %dma_wait3A_104 = arith.constant 0 : i32
      %dma_wait3A_105 = tpu.memref_slice %arg18[%dma_wait3A_103, %dma_wait3A_104] : memref<10000x128xf32, #tpu.memory_space<vmem_shared>> -> memref<10000x128xf32, #tpu.memory_space<vmem_shared>>
      tpu.wait_indirect_dma semaphore(%run_scoped3A : memref<!tpu.dma_semaphore, #tpu.memory_space<semaphore_mem>>) src(%dma_wait3A_102 : memref<32x128xf32, #tpu.memory_space<vmem>>) dst(%dma_wait3A_105 : memref<10000x128xf32, #tpu.memory_space<vmem_shared>>)
      tpu.yield
    }) : () -> ()
    %barrier3A_81 = arith.constant 0 : index
    tpu.barrier barrier_id(%barrier3A_81)
    %while3A_82 = arith.constant 0 : i32
    %while3A_83 = arith.constant 0 : i32
    %while3A_84 = arith.subi %select_n3A, %while3A_82 : i32
    %while3A_85 = arith.addi %while3A_82, %while3A_84 : i32
    %while3A_86 = arith.constant 1 : i32
    %while3A_87 = arith.divsi %while3A_84, %while3A_86 : i32
    %while3A_88 = arith.muli %while3A_87, %while3A_86 : i32
    %while3A_89 = arith.addi %while3A_82, %while3A_88 : i32
    %while3A_90 = arith.constant 1 : i32
    %while3A_91 = scf.for %while3A_94 = %while3A_82 to %while3A_89 step %while3A_90 iter_args(%while3A_95 = %while3A_83) -> (i32)  : i32 {
      %mul3A_96 = arith.constant 80 : i32
      %mul3A_97 = arith.muli %while3A_94, %mul3A_96 : i32
      %add3A_98 = arith.addi %mul3A_6, %mul3A_97 : i32
      %mul3A_99 = arith.constant 10000 : i32
      %mul3A_100 = arith.muli %arg0, %mul3A_99 : i32
      %add3A_101 = arith.addi %mul3A_100, %mul3A_6 : i32
      %mul3A_102 = arith.constant 80 : i32
      %mul3A_103 = arith.muli %while3A_94, %mul3A_102 : i32
      %add3A_104 = arith.addi %add3A_101, %mul3A_103 : i32
      "tpu.region"() ({
        %run_scoped3A = tpu.sem_alloc : memref<!tpu.dma_semaphore, #tpu.memory_space<semaphore_mem>>
        %dma_start3A_106 = arith.constant 0 : i32
        %dma_start3A_107 = tpu.memref_slice %arg5[%add3A_104, %dma_start3A_106] : memref<20000x128xf32, #tpu.memory_space<hbm>> -> memref<80x128xf32, #tpu.memory_space<hbm>>
        %dma_start3A_108 = arith.constant 0 : i32
        %dma_start3A_109 = tpu.memref_slice %arg18[%add3A_98, %dma_start3A_108] : memref<10000x128xf32, #tpu.memory_space<vmem_shared>> -> memref<80x128xf32, #tpu.memory_space<vmem_shared>>
        tpu.enqueue_dma source(%dma_start3A_109 : memref<80x128xf32, #tpu.memory_space<vmem_shared>>) target(%dma_start3A_107 : memref<80x128xf32, #tpu.memory_space<hbm>>) target_semaphore(%run_scoped3A : memref<!tpu.dma_semaphore, #tpu.memory_space<semaphore_mem>>)
        %dma_wait3A_110 = arith.constant 0 : i32
        %dma_wait3A_111 = tpu.memref_slice %arg5[%add3A_104, %dma_wait3A_110] : memref<20000x128xf32, #tpu.memory_space<hbm>> -> memref<80x128xf32, #tpu.memory_space<hbm>>
        %dma_wait3A_112 = arith.constant 0 : i32
        %dma_wait3A_113 = tpu.memref_slice %arg18[%add3A_98, %dma_wait3A_112] : memref<10000x128xf32, #tpu.memory_space<vmem_shared>> -> memref<80x128xf32, #tpu.memory_space<vmem_shared>>
        tpu.wait_dma2 semaphore(%run_scoped3A : memref<!tpu.dma_semaphore, #tpu.memory_space<semaphore_mem>>) src(%dma_wait3A_113 : memref<80x128xf32, #tpu.memory_space<vmem_shared>>) dst(%dma_wait3A_111 : memref<80x128xf32, #tpu.memory_space<hbm>>)
        tpu.yield
      }) : () -> ()
      %while3A_105 = arith.constant 0 : i32
      scf.yield %while3A_105 : i32
    }
    %while3A_92 = arith.constant 1 : i32
    %while3A_93 = scf.for %while3A_94 = %while3A_89 to %while3A_85 step %while3A_92 iter_args(%while3A_95 = %while3A_91) -> (i32)  : i32 {
      %mul3A_96 = arith.constant 80 : i32
      %mul3A_97 = arith.muli %while3A_94, %mul3A_96 : i32
      %add3A_98 = arith.addi %mul3A_6, %mul3A_97 : i32
      %mul3A_99 = arith.constant 10000 : i32
      %mul3A_100 = arith.muli %arg0, %mul3A_99 : i32
      %add3A_101 = arith.addi %mul3A_100, %mul3A_6 : i32
      %mul3A_102 = arith.constant 80 : i32
      %mul3A_103 = arith.muli %while3A_94, %mul3A_102 : i32
      %add3A_104 = arith.addi %add3A_101, %mul3A_103 : i32
      "tpu.region"() ({
        %run_scoped3A = tpu.sem_alloc : memref<!tpu.dma_semaphore, #tpu.memory_space<semaphore_mem>>
        %dma_start3A_106 = arith.constant 0 : i32
        %dma_start3A_107 = tpu.memref_slice %arg5[%add3A_104, %dma_start3A_106] : memref<20000x128xf32, #tpu.memory_space<hbm>> -> memref<80x128xf32, #tpu.memory_space<hbm>>
        %dma_start3A_108 = arith.constant 0 : i32
        %dma_start3A_109 = tpu.memref_slice %arg18[%add3A_98, %dma_start3A_108] : memref<10000x128xf32, #tpu.memory_space<vmem_shared>> -> memref<80x128xf32, #tpu.memory_space<vmem_shared>>
        tpu.enqueue_dma source(%dma_start3A_109 : memref<80x128xf32, #tpu.memory_space<vmem_shared>>) target(%dma_start3A_107 : memref<80x128xf32, #tpu.memory_space<hbm>>) target_semaphore(%run_scoped3A : memref<!tpu.dma_semaphore, #tpu.memory_space<semaphore_mem>>)
        %dma_wait3A_110 = arith.constant 0 : i32
        %dma_wait3A_111 = tpu.memref_slice %arg5[%add3A_104, %dma_wait3A_110] : memref<20000x128xf32, #tpu.memory_space<hbm>> -> memref<80x128xf32, #tpu.memory_space<hbm>>
        %dma_wait3A_112 = arith.constant 0 : i32
        %dma_wait3A_113 = tpu.memref_slice %arg18[%add3A_98, %dma_wait3A_112] : memref<10000x128xf32, #tpu.memory_space<vmem_shared>> -> memref<80x128xf32, #tpu.memory_space<vmem_shared>>
        tpu.wait_dma2 semaphore(%run_scoped3A : memref<!tpu.dma_semaphore, #tpu.memory_space<semaphore_mem>>) src(%dma_wait3A_113 : memref<80x128xf32, #tpu.memory_space<vmem_shared>>) dst(%dma_wait3A_111 : memref<80x128xf32, #tpu.memory_space<hbm>>)
        tpu.yield
      }) : () -> ()
      %while3A_105 = arith.constant 0 : i32
      scf.yield %while3A_105 : i32
    }
    return
  }
}

#map = affine_map<(d0, d1) -> (0, 0)>
#map1 = affine_map<(d0, d1) -> (0)>
module attributes {stable_mosaic.version = 14 : i64} {
  func.func @_sc_mp(%arg0: i32, %arg1: i32, %arg2: memref<20000x128xf32, #tpu.memory_space<hbm>>, %arg3: memref<640000xi32, #tpu.memory_space<hbm>>, %arg4: memref<640000xi32, #tpu.memory_space<hbm>>, %arg5: memref<20000x128xf32, #tpu.memory_space<hbm>>, %arg6: memref<128xi32, #tpu.memory_space<vmem>>, %arg7: memref<128xi32, #tpu.memory_space<vmem>>, %arg8: memref<128xi32, #tpu.memory_space<vmem>>, %arg9: memref<128xi32, #tpu.memory_space<vmem>>, %arg10: memref<128xi32, #tpu.memory_space<vmem>>, %arg11: memref<128xi32, #tpu.memory_space<vmem>>, %arg12: memref<128xi32, #tpu.memory_space<vmem>>, %arg13: memref<128xi32, #tpu.memory_space<vmem>>, %arg14: memref<32xi32, #tpu.memory_space<vmem>>, %arg15: memref<32xi32, #tpu.memory_space<vmem>>, %arg16: memref<128x128xf32, #tpu.memory_space<vmem>>, %arg17: memref<128x128xf32, #tpu.memory_space<vmem>>, %arg18: memref<10000x128xf32, #tpu.memory_space<vmem_shared>>, %arg19: memref<!tpu.dma_semaphore, #tpu.memory_space<semaphore_mem>>, %arg20: memref<!tpu.dma_semaphore, #tpu.memory_space<semaphore_mem>>, %arg21: memref<!tpu.dma_semaphore, #tpu.memory_space<semaphore_mem>>, %arg22: memref<!tpu.dma_semaphore, #tpu.memory_space<semaphore_mem>>, %arg23: memref<!tpu.dma_semaphore, #tpu.memory_space<semaphore_mem>>, %arg24: memref<!tpu.dma_semaphore, #tpu.memory_space<semaphore_mem>>, %arg25: memref<!tpu.dma_semaphore, #tpu.memory_space<semaphore_mem>>, %arg26: memref<!tpu.dma_semaphore, #tpu.memory_space<semaphore_mem>>) attributes {dimension_semantics = [#tpu.dimension_semantics<core_parallel>, #tpu.dimension_semantics<subcore_parallel>], iteration_bounds = array<i64: 2, 16>, scalar_prefetch = 0 : i64, scratch_operands = 21 : i64, tpu.core_type = #tpu.core_type<sc_vector_subcore>, window_params = [{transform_indices = #map}, {transform_indices = #map1}, {transform_indices = #map1}, {transform_indices = #map}]} {
    %scan3A = arith.constant 0 : i32
    %scan3A_0 = arith.constant 0 : i32
    %scan3A_1 = arith.constant 80 : i32
    %scan3A_2 = arith.addi %scan3A_0, %scan3A_1 : i32
    %scan3A_3 = arith.constant 1 : i32
    %scan3A_4 = scf.for %scan3A_94 = %scan3A_0 to %scan3A_2 step %scan3A_3 iter_args(%scan3A_95 = %scan3A) -> (i32)  : i32 {
      %scan3A_96 = arith.constant 0 : i32
      %scan3A_97 = arith.constant 0 : i32
      %scan3A_98 = arith.constant 8 : i32
      %scan3A_99 = arith.addi %scan3A_97, %scan3A_98 : i32
      %scan3A_100 = arith.constant 1 : i32
      %scan3A_101 = scf.for %scan3A_103 = %scan3A_97 to %scan3A_99 step %scan3A_100 iter_args(%scan3A_104 = %scan3A_96) -> (i32)  : i32 {
        %broadcast_in_dim3A = arith.constant 0.000000e+00 : f32
        %broadcast_in_dim3A_105 = vector.broadcast %broadcast_in_dim3A : f32 to vector<16xf32>
        %mul3A_106 = arith.constant 16 : i32
        %mul3A_107 = arith.muli %scan3A_103, %mul3A_106 : i32
        %swap3A = arith.index_cast %scan3A_94 : i32 to index
        %swap3A_108 = arith.index_cast %mul3A_107 : i32 to index
        %swap3A_109 = tpu.vector_load %arg16[%swap3A, %swap3A_108] {strides = array<i32>} : memref<128x128xf32, #tpu.memory_space<vmem>>, vector<1x16xf32>,
        %swap3A_110 = vector.shape_cast %swap3A_109 : vector<1x16xf32> to vector<16xf32>
        %swap3A_111 = vector.shape_cast %broadcast_in_dim3A_105 : vector<16xf32> to vector<1x16xf32>
        tpu.vector_store %arg16[%swap3A, %swap3A_108], %swap3A_111 {strides = array<i32>} : memref<128x128xf32, #tpu.memory_space<vmem>>, vector<1x16xf32>,
        %scan3A_112 = arith.constant 0 : i32
        scf.yield %scan3A_112 : i32
      }
      %scan3A_102 = arith.constant 8 : i32
      scf.yield %scan3A_101 : i32
    }
    %scan3A_5 = arith.constant 80 : i32
    %mul3A = arith.constant 640 : i32
    %mul3A_6 = arith.muli %arg1, %mul3A : i32
    %eq3A = arith.constant 15 : i32
    %eq3A_7 = arith.cmpi eq, %arg1, %eq3A : i32
    %jit3A = arith.constant 5 : i32
    %jit3A_8 = arith.constant 8 : i32
    %select_n3A = arith.select %eq3A_7, %jit3A, %jit3A_8 : i32
    %while3A = arith.constant 0 : i32
    %while3A_9 = arith.constant 0 : i32
    %while3A_10 = arith.subi %select_n3A, %while3A : i32
    %while3A_11 = arith.addi %while3A, %while3A_10 : i32
    %while3A_12 = arith.constant 1 : i32
    %while3A_13 = arith.divsi %while3A_10, %while3A_12 : i32
    %while3A_14 = arith.muli %while3A_13, %while3A_12 : i32
    %while3A_15 = arith.addi %while3A, %while3A_14 : i32
    %while3A_16 = arith.constant 1 : i32
    %while3A_17 = scf.for %while3A_94 = %while3A to %while3A_15 step %while3A_16 iter_args(%while3A_95 = %while3A_9) -> (i32)  : i32 {
      %mul3A_96 = arith.constant 80 : i32
      %mul3A_97 = arith.muli %while3A_94, %mul3A_96 : i32
      %add3A_98 = arith.addi %mul3A_6, %mul3A_97 : i32
      "tpu.region"() ({
        %run_scoped3A = tpu.sem_alloc : memref<!tpu.dma_semaphore, #tpu.memory_space<semaphore_mem>>
        %dma_start3A_100 = arith.constant 0 : i32
        %dma_start3A_101 = arith.constant 0 : i32
        %dma_start3A_102 = tpu.memref_slice %arg16[%dma_start3A_100, %dma_start3A_101] : memref<128x128xf32, #tpu.memory_space<vmem>> -> memref<80x128xf32, #tpu.memory_space<vmem>>
        %dma_start3A_103 = arith.constant 0 : i32
        %dma_start3A_104 = tpu.memref_slice %arg18[%add3A_98, %dma_start3A_103] : memref<10000x128xf32, #tpu.memory_space<vmem_shared>> -> memref<80x128xf32, #tpu.memory_space<vmem_shared>>
        %dma_start3A_105 = arith.constant 0 : i32
        %dma_start3A_106 = tpu.memref_slice %arg18[%add3A_98, %dma_start3A_105] : memref<10000x128xf32, #tpu.memory_space<vmem_shared>> -> memref<80x128xf32, #tpu.memory_space<vmem_shared>>
        %dma_start3A_107 = arith.constant 0 : i32
        %dma_start3A_108 = arith.constant 0 : i32
        %dma_start3A_109 = tpu.memref_slice %arg16[%dma_start3A_107, %dma_start3A_108] : memref<128x128xf32, #tpu.memory_space<vmem>> -> memref<80x128xf32, #tpu.memory_space<vmem>>
        tpu.enqueue_dma source(%dma_start3A_109 : memref<80x128xf32, #tpu.memory_space<vmem>>) target(%dma_start3A_106 : memref<80x128xf32, #tpu.memory_space<vmem_shared>>) target_semaphore(%run_scoped3A : memref<!tpu.dma_semaphore, #tpu.memory_space<semaphore_mem>>)
        %dma_wait3A_110 = arith.constant 0 : i32
        %dma_wait3A_111 = arith.constant 0 : i32
        %dma_wait3A_112 = tpu.memref_slice %arg16[%dma_wait3A_110, %dma_wait3A_111] : memref<128x128xf32, #tpu.memory_space<vmem>> -> memref<80x128xf32, #tpu.memory_space<vmem>>
        %dma_wait3A_113 = arith.constant 0 : i32
        %dma_wait3A_114 = tpu.memref_slice %arg18[%add3A_98, %dma_wait3A_113] : memref<10000x128xf32, #tpu.memory_space<vmem_shared>> -> memref<80x128xf32, #tpu.memory_space<vmem_shared>>
        %dma_wait3A_115 = arith.constant 0 : i32
        %dma_wait3A_116 = tpu.memref_slice %arg18[%add3A_98, %dma_wait3A_115] : memref<10000x128xf32, #tpu.memory_space<vmem_shared>> -> memref<80x128xf32, #tpu.memory_space<vmem_shared>>
        %dma_wait3A_117 = arith.constant 0 : i32
        %dma_wait3A_118 = arith.constant 0 : i32
        %dma_wait3A_119 = tpu.memref_slice %arg16[%dma_wait3A_117, %dma_wait3A_118] : memref<128x128xf32, #tpu.memory_space<vmem>> -> memref<80x128xf32, #tpu.memory_space<vmem>>
        tpu.wait_dma2 semaphore(%run_scoped3A : memref<!tpu.dma_semaphore, #tpu.memory_space<semaphore_mem>>) src(%dma_wait3A_119 : memref<80x128xf32, #tpu.memory_space<vmem>>) dst(%dma_wait3A_116 : memref<80x128xf32, #tpu.memory_space<vmem_shared>>)
        tpu.yield
      }) : () -> ()
      %while3A_99 = arith.constant 0 : i32
      scf.yield %while3A_99 : i32
    }
    %while3A_18 = arith.constant 1 : i32
    %while3A_19 = scf.for %while3A_94 = %while3A_15 to %while3A_11 step %while3A_18 iter_args(%while3A_95 = %while3A_17) -> (i32)  : i32 {
      %mul3A_96 = arith.constant 80 : i32
      %mul3A_97 = arith.muli %while3A_94, %mul3A_96 : i32
      %add3A_98 = arith.addi %mul3A_6, %mul3A_97 : i32
      "tpu.region"() ({
        %run_scoped3A = tpu.sem_alloc : memref<!tpu.dma_semaphore, #tpu.memory_space<semaphore_mem>>
        %dma_start3A_100 = arith.constant 0 : i32
        %dma_start3A_101 = arith.constant 0 : i32
        %dma_start3A_102 = tpu.memref_slice %arg16[%dma_start3A_100, %dma_start3A_101] : memref<128x128xf32, #tpu.memory_space<vmem>> -> memref<80x128xf32, #tpu.memory_space<vmem>>
        %dma_start3A_103 = arith.constant 0 : i32
        %dma_start3A_104 = tpu.memref_slice %arg18[%add3A_98, %dma_start3A_103] : memref<10000x128xf32, #tpu.memory_space<vmem_shared>> -> memref<80x128xf32, #tpu.memory_space<vmem_shared>>
        %dma_start3A_105 = arith.constant 0 : i32
        %dma_start3A_106 = tpu.memref_slice %arg18[%add3A_98, %dma_start3A_105] : memref<10000x128xf32, #tpu.memory_space<vmem_shared>> -> memref<80x128xf32, #tpu.memory_space<vmem_shared>>
        %dma_start3A_107 = arith.constant 0 : i32
        %dma_start3A_108 = arith.constant 0 : i32
        %dma_start3A_109 = tpu.memref_slice %arg16[%dma_start3A_107, %dma_start3A_108] : memref<128x128xf32, #tpu.memory_space<vmem>> -> memref<80x128xf32, #tpu.memory_space<vmem>>
        tpu.enqueue_dma source(%dma_start3A_109 : memref<80x128xf32, #tpu.memory_space<vmem>>) target(%dma_start3A_106 : memref<80x128xf32, #tpu.memory_space<vmem_shared>>) target_semaphore(%run_scoped3A : memref<!tpu.dma_semaphore, #tpu.memory_space<semaphore_mem>>)
        %dma_wait3A_110 = arith.constant 0 : i32
        %dma_wait3A_111 = arith.constant 0 : i32
        %dma_wait3A_112 = tpu.memref_slice %arg16[%dma_wait3A_110, %dma_wait3A_111] : memref<128x128xf32, #tpu.memory_space<vmem>> -> memref<80x128xf32, #tpu.memory_space<vmem>>
        %dma_wait3A_113 = arith.constant 0 : i32
        %dma_wait3A_114 = tpu.memref_slice %arg18[%add3A_98, %dma_wait3A_113] : memref<10000x128xf32, #tpu.memory_space<vmem_shared>> -> memref<80x128xf32, #tpu.memory_space<vmem_shared>>
        %dma_wait3A_115 = arith.constant 0 : i32
        %dma_wait3A_116 = tpu.memref_slice %arg18[%add3A_98, %dma_wait3A_115] : memref<10000x128xf32, #tpu.memory_space<vmem_shared>> -> memref<80x128xf32, #tpu.memory_space<vmem_shared>>
        %dma_wait3A_117 = arith.constant 0 : i32
        %dma_wait3A_118 = arith.constant 0 : i32
        %dma_wait3A_119 = tpu.memref_slice %arg16[%dma_wait3A_117, %dma_wait3A_118] : memref<128x128xf32, #tpu.memory_space<vmem>> -> memref<80x128xf32, #tpu.memory_space<vmem>>
        tpu.wait_dma2 semaphore(%run_scoped3A : memref<!tpu.dma_semaphore, #tpu.memory_space<semaphore_mem>>) src(%dma_wait3A_119 : memref<80x128xf32, #tpu.memory_space<vmem>>) dst(%dma_wait3A_116 : memref<80x128xf32, #tpu.memory_space<vmem_shared>>)
        tpu.yield
      }) : () -> ()
      %while3A_99 = arith.constant 0 : i32
      scf.yield %while3A_99 : i32
    }
    %barrier3A = arith.constant 0 : index
    tpu.barrier barrier_id(%barrier3A)
    %mul3A_20 = arith.constant 320000 : i32
    %mul3A_21 = arith.muli %arg0, %mul3A_20 : i32
    %mul3A_22 = arith.constant 20000 : i32
    %mul3A_23 = arith.muli %arg1, %mul3A_22 : i32
    %add3A = arith.addi %mul3A_21, %mul3A_23 : i32
    %add3A_24 = arith.constant 0 : i32
    %add3A_25 = arith.addi %add3A, %add3A_24 : i32
    %dma_start3A = tpu.memref_slice %arg3[%add3A_25] : memref<640000xi32, #tpu.memory_space<hbm>> -> memref<128xi32, #tpu.memory_space<hbm>>
    %dma_start3A_26 = tpu.memref_slice %arg3[%add3A_25] : memref<640000xi32, #tpu.memory_space<hbm>> -> memref<128xi32, #tpu.memory_space<hbm>>
    tpu.enqueue_dma source(%dma_start3A_26 : memref<128xi32, #tpu.memory_space<hbm>>) target(%arg6 : memref<128xi32, #tpu.memory_space<vmem>>) target_semaphore(%arg19 : memref<!tpu.dma_semaphore, #tpu.memory_space<semaphore_mem>>)
    %add3A_27 = arith.constant 0 : i32
    %add3A_28 = arith.addi %add3A, %add3A_27 : i32
    %dma_start3A_29 = tpu.memref_slice %arg4[%add3A_28] : memref<640000xi32, #tpu.memory_space<hbm>> -> memref<128xi32, #tpu.memory_space<hbm>>
    %dma_start3A_30 = tpu.memref_slice %arg4[%add3A_28] : memref<640000xi32, #tpu.memory_space<hbm>> -> memref<128xi32, #tpu.memory_space<hbm>>
    tpu.enqueue_dma source(%dma_start3A_30 : memref<128xi32, #tpu.memory_space<hbm>>) target(%arg10 : memref<128xi32, #tpu.memory_space<vmem>>) target_semaphore(%arg19 : memref<!tpu.dma_semaphore, #tpu.memory_space<semaphore_mem>>)
    %add3A_31 = arith.constant 128 : i32
    %add3A_32 = arith.addi %add3A, %add3A_31 : i32
    %dma_start3A_33 = tpu.memref_slice %arg3[%add3A_32] : memref<640000xi32, #tpu.memory_space<hbm>> -> memref<128xi32, #tpu.memory_space<hbm>>
    %dma_start3A_34 = tpu.memref_slice %arg3[%add3A_32] : memref<640000xi32, #tpu.memory_space<hbm>> -> memref<128xi32, #tpu.memory_space<hbm>>
    tpu.enqueue_dma source(%dma_start3A_34 : memref<128xi32, #tpu.memory_space<hbm>>) target(%arg7 : memref<128xi32, #tpu.memory_space<vmem>>) target_semaphore(%arg20 : memref<!tpu.dma_semaphore, #tpu.memory_space<semaphore_mem>>)
    %add3A_35 = arith.constant 128 : i32
    %add3A_36 = arith.addi %add3A, %add3A_35 : i32
    %dma_start3A_37 = tpu.memref_slice %arg4[%add3A_36] : memref<640000xi32, #tpu.memory_space<hbm>> -> memref<128xi32, #tpu.memory_space<hbm>>
    %dma_start3A_38 = tpu.memref_slice %arg4[%add3A_36] : memref<640000xi32, #tpu.memory_space<hbm>> -> memref<128xi32, #tpu.memory_space<hbm>>
    tpu.enqueue_dma source(%dma_start3A_38 : memref<128xi32, #tpu.memory_space<hbm>>) target(%arg11 : memref<128xi32, #tpu.memory_space<vmem>>) target_semaphore(%arg20 : memref<!tpu.dma_semaphore, #tpu.memory_space<semaphore_mem>>)
    %add3A_39 = arith.constant 0 : i32
    %add3A_40 = arith.addi %add3A, %add3A_39 : i32
    %dma_wait3A = tpu.memref_slice %arg3[%add3A_40] : memref<640000xi32, #tpu.memory_space<hbm>> -> memref<128xi32, #tpu.memory_space<hbm>>
    %dma_wait3A_41 = tpu.memref_slice %arg3[%add3A_40] : memref<640000xi32, #tpu.memory_space<hbm>> -> memref<128xi32, #tpu.memory_space<hbm>>
    tpu.wait_dma2 semaphore(%arg19 : memref<!tpu.dma_semaphore, #tpu.memory_space<semaphore_mem>>) src(%dma_wait3A_41 : memref<128xi32, #tpu.memory_space<hbm>>) dst(%arg6 : memref<128xi32, #tpu.memory_space<vmem>>)
    %add3A_42 = arith.constant 0 : i32
    %add3A_43 = arith.addi %add3A, %add3A_42 : i32
    %dma_wait3A_44 = tpu.memref_slice %arg4[%add3A_43] : memref<640000xi32, #tpu.memory_space<hbm>> -> memref<128xi32, #tpu.memory_space<hbm>>
    %dma_wait3A_45 = tpu.memref_slice %arg4[%add3A_43] : memref<640000xi32, #tpu.memory_space<hbm>> -> memref<128xi32, #tpu.memory_space<hbm>>
    tpu.wait_dma2 semaphore(%arg19 : memref<!tpu.dma_semaphore, #tpu.memory_space<semaphore_mem>>) src(%dma_wait3A_45 : memref<128xi32, #tpu.memory_space<hbm>>) dst(%arg10 : memref<128xi32, #tpu.memory_space<vmem>>)
    %dma_start3A_46 = arith.constant 0 : i32
    %dma_start3A_47 = arith.constant 0 : i32
    %dma_start3A_48 = tpu.memref_slice %arg2[%dma_start3A_46, %dma_start3A_47] : memref<20000x128xf32, #tpu.memory_space<hbm>> -> memref<20000x128xf32, #tpu.memory_space<hbm>>
    tpu.enqueue_indirect_dma source(%dma_start3A_48 : memref<20000x128xf32, #tpu.memory_space<hbm>>) target(%arg16 : memref<128x128xf32, #tpu.memory_space<vmem>>) offsets(%arg6 : memref<128xi32, #tpu.memory_space<vmem>>) semaphore(%arg23 : memref<!tpu.dma_semaphore, #tpu.memory_space<semaphore_mem>>)
    %add3A_49 = arith.constant 256 : i32
    %add3A_50 = arith.addi %add3A, %add3A_49 : i32
    %dma_start3A_51 = tpu.memref_slice %arg3[%add3A_50] : memref<640000xi32, #tpu.memory_space<hbm>> -> memref<128xi32, #tpu.memory_space<hbm>>
    %dma_start3A_52 = tpu.memref_slice %arg3[%add3A_50] : memref<640000xi32, #tpu.memory_space<hbm>> -> memref<128xi32, #tpu.memory_space<hbm>>
    tpu.enqueue_dma source(%dma_start3A_52 : memref<128xi32, #tpu.memory_space<hbm>>) target(%arg8 : memref<128xi32, #tpu.memory_space<vmem>>) target_semaphore(%arg21 : memref<!tpu.dma_semaphore, #tpu.memory_space<semaphore_mem>>)
    %add3A_53 = arith.constant 256 : i32
    %add3A_54 = arith.addi %add3A, %add3A_53 : i32
    %dma_start3A_55 = tpu.memref_slice %arg4[%add3A_54] : memref<640000xi32, #tpu.memory_space<hbm>> -> memref<128xi32, #tpu.memory_space<hbm>>
    %dma_start3A_56 = tpu.memref_slice %arg4[%add3A_54] : memref<640000xi32, #tpu.memory_space<hbm>> -> memref<128xi32, #tpu.memory_space<hbm>>
    tpu.enqueue_dma source(%dma_start3A_56 : memref<128xi32, #tpu.memory_space<hbm>>) target(%arg12 : memref<128xi32, #tpu.memory_space<vmem>>) target_semaphore(%arg21 : memref<!tpu.dma_semaphore, #tpu.memory_space<semaphore_mem>>)
    %scan3A_57 = arith.constant 0 : i32
    %scan3A_58 = arith.constant 0 : i32
    %scan3A_59 = arith.constant 39 : i32
    %scan3A_60 = arith.addi %scan3A_58, %scan3A_59 : i32
    %scan3A_61 = arith.constant 1 : i32
    %scan3A_62 = scf.for %scan3A_94 = %scan3A_58 to %scan3A_60 step %scan3A_61 iter_args(%scan3A_95 = %scan3A_57) -> (i32)  : i32 {
      %mul3A_96 = arith.constant 4 : i32
      %mul3A_97 = arith.muli %mul3A_96, %scan3A_94 : i32
      %add3A_98 = arith.constant 0 : i32
      %add3A_99 = arith.addi %mul3A_97, %add3A_98 : i32
      %gt3A = arith.constant 0 : i32
      %gt3A_100 = arith.cmpi sgt, %add3A_99, %gt3A : i32
      %convert_element_type3A = arith.extui %gt3A_100 : i1 to i32
      %cond3A = arith.constant 0 : i32
      %cond3A_101 = arith.cmpi ne, %convert_element_type3A, %cond3A : i32
      scf.if %cond3A_101 {
        %dma_wait3A_193 = arith.constant 0 : i32
        %dma_wait3A_194 = arith.constant 0 : i32
        %dma_wait3A_195 = tpu.memref_slice %arg18[%dma_wait3A_193, %dma_wait3A_194] : memref<10000x128xf32, #tpu.memory_space<vmem_shared>> -> memref<10000x128xf32, #tpu.memory_space<vmem_shared>>
        tpu.wait_indirect_dma semaphore(%arg26 : memref<!tpu.dma_semaphore, #tpu.memory_space<semaphore_mem>>) src(%arg17 : memref<128x128xf32, #tpu.memory_space<vmem>>) dst(%dma_wait3A_195 : memref<10000x128xf32, #tpu.memory_space<vmem_shared>>)
      } else {
      }
      %lt3A = arith.constant 155 : i32
      %lt3A_102 = arith.cmpi slt, %add3A_99, %lt3A : i32
      %convert_element_type3A_103 = arith.extui %lt3A_102 : i1 to i32
      %cond3A_104 = arith.constant 0 : i32
      %cond3A_105 = arith.cmpi ne, %convert_element_type3A_103, %cond3A_104 : i32
      scf.if %cond3A_105 {
        %add3A_193 = arith.constant 1 : i32
        %add3A_194 = arith.addi %add3A_99, %add3A_193 : i32
        %mul3A_195 = arith.constant 128 : i32
        %mul3A_196 = arith.muli %add3A_194, %mul3A_195 : i32
        %add3A_197 = arith.addi %add3A, %mul3A_196 : i32
        %dma_wait3A_198 = tpu.memref_slice %arg3[%add3A_197] : memref<640000xi32, #tpu.memory_space<hbm>> -> memref<128xi32, #tpu.memory_space<hbm>>
        %dma_wait3A_199 = tpu.memref_slice %arg3[%add3A_197] : memref<640000xi32, #tpu.memory_space<hbm>> -> memref<128xi32, #tpu.memory_space<hbm>>
        tpu.wait_dma2 semaphore(%arg20 : memref<!tpu.dma_semaphore, #tpu.memory_space<semaphore_mem>>) src(%dma_wait3A_199 : memref<128xi32, #tpu.memory_space<hbm>>) dst(%arg7 : memref<128xi32, #tpu.memory_space<vmem>>)
        %mul3A_200 = arith.constant 128 : i32
        %mul3A_201 = arith.muli %add3A_194, %mul3A_200 : i32
        %add3A_202 = arith.addi %add3A, %mul3A_201 : i32
        %dma_wait3A_203 = tpu.memref_slice %arg4[%add3A_202] : memref<640000xi32, #tpu.memory_space<hbm>> -> memref<128xi32, #tpu.memory_space<hbm>>
        %dma_wait3A_204 = tpu.memref_slice %arg4[%add3A_202] : memref<640000xi32, #tpu.memory_space<hbm>> -> memref<128xi32, #tpu.memory_space<hbm>>
        tpu.wait_dma2 semaphore(%arg20 : memref<!tpu.dma_semaphore, #tpu.memory_space<semaphore_mem>>) src(%dma_wait3A_204 : memref<128xi32, #tpu.memory_space<hbm>>) dst(%arg11 : memref<128xi32, #tpu.memory_space<vmem>>)
        %dma_start3A_205 = arith.constant 0 : i32
        %dma_start3A_206 = arith.constant 0 : i32
        %dma_start3A_207 = tpu.memref_slice %arg2[%dma_start3A_205, %dma_start3A_206] : memref<20000x128xf32, #tpu.memory_space<hbm>> -> memref<20000x128xf32, #tpu.memory_space<hbm>>
        tpu.enqueue_indirect_dma source(%dma_start3A_207 : memref<20000x128xf32, #tpu.memory_space<hbm>>) target(%arg17 : memref<128x128xf32, #tpu.memory_space<vmem>>) offsets(%arg7 : memref<128xi32, #tpu.memory_space<vmem>>) semaphore(%arg24 : memref<!tpu.dma_semaphore, #tpu.memory_space<semaphore_mem>>)
      } else {
      }
      %dma_wait3A_106 = arith.constant 0 : i32
      %dma_wait3A_107 = arith.constant 0 : i32
      %dma_wait3A_108 = tpu.memref_slice %arg2[%dma_wait3A_106, %dma_wait3A_107] : memref<20000x128xf32, #tpu.memory_space<hbm>> -> memref<20000x128xf32, #tpu.memory_space<hbm>>
      tpu.wait_indirect_dma semaphore(%arg23 : memref<!tpu.dma_semaphore, #tpu.memory_space<semaphore_mem>>) src(%dma_wait3A_108 : memref<20000x128xf32, #tpu.memory_space<hbm>>) dst(%arg16 : memref<128x128xf32, #tpu.memory_space<vmem>>)
      %dma_start3A_109 = arith.constant 0 : i32
      %dma_start3A_110 = arith.constant 0 : i32
      %dma_start3A_111 = tpu.memref_slice %arg18[%dma_start3A_109, %dma_start3A_110] : memref<10000x128xf32, #tpu.memory_space<vmem_shared>> -> memref<10000x128xf32, #tpu.memory_space<vmem_shared>>
      tpu.enqueue_indirect_dma source(%arg16 : memref<128x128xf32, #tpu.memory_space<vmem>>) target(%dma_start3A_111 : memref<10000x128xf32, #tpu.memory_space<vmem_shared>>) offsets(%arg10 : memref<128xi32, #tpu.memory_space<vmem>>) semaphore(%arg25 : memref<!tpu.dma_semaphore, #tpu.memory_space<semaphore_mem>>) {add = true}
      %lt3A_112 = arith.constant 153 : i32
      %lt3A_113 = arith.cmpi slt, %add3A_99, %lt3A_112 : i32
      %convert_element_type3A_114 = arith.extui %lt3A_113 : i1 to i32
      %cond3A_115 = arith.constant 0 : i32
      %cond3A_116 = arith.cmpi ne, %convert_element_type3A_114, %cond3A_115 : i32
      scf.if %cond3A_116 {
        %add3A_193 = arith.constant 3 : i32
        %add3A_194 = arith.addi %add3A_99, %add3A_193 : i32
        %mul3A_195 = arith.constant 128 : i32
        %mul3A_196 = arith.muli %add3A_194, %mul3A_195 : i32
        %add3A_197 = arith.addi %add3A, %mul3A_196 : i32
        %dma_start3A_198 = tpu.memref_slice %arg3[%add3A_197] : memref<640000xi32, #tpu.memory_space<hbm>> -> memref<128xi32, #tpu.memory_space<hbm>>
        %dma_start3A_199 = tpu.memref_slice %arg3[%add3A_197] : memref<640000xi32, #tpu.memory_space<hbm>> -> memref<128xi32, #tpu.memory_space<hbm>>
        tpu.enqueue_dma source(%dma_start3A_199 : memref<128xi32, #tpu.memory_space<hbm>>) target(%arg9 : memref<128xi32, #tpu.memory_space<vmem>>) target_semaphore(%arg22 : memref<!tpu.dma_semaphore, #tpu.memory_space<semaphore_mem>>)
        %mul3A_200 = arith.constant 128 : i32
        %mul3A_201 = arith.muli %add3A_194, %mul3A_200 : i32
        %add3A_202 = arith.addi %add3A, %mul3A_201 : i32
        %dma_start3A_203 = tpu.memref_slice %arg4[%add3A_202] : memref<640000xi32, #tpu.memory_space<hbm>> -> memref<128xi32, #tpu.memory_space<hbm>>
        %dma_start3A_204 = tpu.memref_slice %arg4[%add3A_202] : memref<640000xi32, #tpu.memory_space<hbm>> -> memref<128xi32, #tpu.memory_space<hbm>>
        tpu.enqueue_dma source(%dma_start3A_204 : memref<128xi32, #tpu.memory_space<hbm>>) target(%arg13 : memref<128xi32, #tpu.memory_space<vmem>>) target_semaphore(%arg22 : memref<!tpu.dma_semaphore, #tpu.memory_space<semaphore_mem>>)
      } else {
      }
      %mul3A_117 = arith.constant 4 : i32
      %mul3A_118 = arith.muli %mul3A_117, %scan3A_94 : i32
      %add3A_119 = arith.constant 1 : i32
      %add3A_120 = arith.addi %mul3A_118, %add3A_119 : i32
      %gt3A_121 = arith.constant 0 : i32
      %gt3A_122 = arith.cmpi sgt, %add3A_120, %gt3A_121 : i32
      %convert_element_type3A_123 = arith.extui %gt3A_122 : i1 to i32
      %cond3A_124 = arith.constant 0 : i32
      %cond3A_125 = arith.cmpi ne, %convert_element_type3A_123, %cond3A_124 : i32
      scf.if %cond3A_125 {
        %dma_wait3A_193 = arith.constant 0 : i32
        %dma_wait3A_194 = arith.constant 0 : i32
        %dma_wait3A_195 = tpu.memref_slice %arg18[%dma_wait3A_193, %dma_wait3A_194] : memref<10000x128xf32, #tpu.memory_space<vmem_shared>> -> memref<10000x128xf32, #tpu.memory_space<vmem_shared>>
        tpu.wait_indirect_dma semaphore(%arg25 : memref<!tpu.dma_semaphore, #tpu.memory_space<semaphore_mem>>) src(%arg16 : memref<128x128xf32, #tpu.memory_space<vmem>>) dst(%dma_wait3A_195 : memref<10000x128xf32, #tpu.memory_space<vmem_shared>>)
      } else {
      }
      %lt3A_126 = arith.constant 155 : i32
      %lt3A_127 = arith.cmpi slt, %add3A_120, %lt3A_126 : i32
      %convert_element_type3A_128 = arith.extui %lt3A_127 : i1 to i32
      %cond3A_129 = arith.constant 0 : i32
      %cond3A_130 = arith.cmpi ne, %convert_element_type3A_128, %cond3A_129 : i32
      scf.if %cond3A_130 {
        %add3A_193 = arith.constant 1 : i32
        %add3A_194 = arith.addi %add3A_120, %add3A_193 : i32
        %mul3A_195 = arith.constant 128 : i32
        %mul3A_196 = arith.muli %add3A_194, %mul3A_195 : i32
        %add3A_197 = arith.addi %add3A, %mul3A_196 : i32
        %dma_wait3A_198 = tpu.memref_slice %arg3[%add3A_197] : memref<640000xi32, #tpu.memory_space<hbm>> -> memref<128xi32, #tpu.memory_space<hbm>>
        %dma_wait3A_199 = tpu.memref_slice %arg3[%add3A_197] : memref<640000xi32, #tpu.memory_space<hbm>> -> memref<128xi32, #tpu.memory_space<hbm>>
        tpu.wait_dma2 semaphore(%arg21 : memref<!tpu.dma_semaphore, #tpu.memory_space<semaphore_mem>>) src(%dma_wait3A_199 : memref<128xi32, #tpu.memory_space<hbm>>) dst(%arg8 : memref<128xi32, #tpu.memory_space<vmem>>)
        %mul3A_200 = arith.constant 128 : i32
        %mul3A_201 = arith.muli %add3A_194, %mul3A_200 : i32
        %add3A_202 = arith.addi %add3A, %mul3A_201 : i32
        %dma_wait3A_203 = tpu.memref_slice %arg4[%add3A_202] : memref<640000xi32, #tpu.memory_space<hbm>> -> memref<128xi32, #tpu.memory_space<hbm>>
        %dma_wait3A_204 = tpu.memref_slice %arg4[%add3A_202] : memref<640000xi32, #tpu.memory_space<hbm>> -> memref<128xi32, #tpu.memory_space<hbm>>
        tpu.wait_dma2 semaphore(%arg21 : memref<!tpu.dma_semaphore, #tpu.memory_space<semaphore_mem>>) src(%dma_wait3A_204 : memref<128xi32, #tpu.memory_space<hbm>>) dst(%arg12 : memref<128xi32, #tpu.memory_space<vmem>>)
        %dma_start3A_205 = arith.constant 0 : i32
        %dma_start3A_206 = arith.constant 0 : i32
        %dma_start3A_207 = tpu.memref_slice %arg2[%dma_start3A_205, %dma_start3A_206] : memref<20000x128xf32, #tpu.memory_space<hbm>> -> memref<20000x128xf32, #tpu.memory_space<hbm>>
        tpu.enqueue_indirect_dma source(%dma_start3A_207 : memref<20000x128xf32, #tpu.memory_space<hbm>>) target(%arg16 : memref<128x128xf32, #tpu.memory_space<vmem>>) offsets(%arg8 : memref<128xi32, #tpu.memory_space<vmem>>) semaphore(%arg23 : memref<!tpu.dma_semaphore, #tpu.memory_space<semaphore_mem>>)
      } else {
      }
      %dma_wait3A_131 = arith.constant 0 : i32
      %dma_wait3A_132 = arith.constant 0 : i32
      %dma_wait3A_133 = tpu.memref_slice %arg2[%dma_wait3A_131, %dma_wait3A_132] : memref<20000x128xf32, #tpu.memory_space<hbm>> -> memref<20000x128xf32, #tpu.memory_space<hbm>>
      tpu.wait_indirect_dma semaphore(%arg24 : memref<!tpu.dma_semaphore, #tpu.memory_space<semaphore_mem>>) src(%dma_wait3A_133 : memref<20000x128xf32, #tpu.memory_space<hbm>>) dst(%arg17 : memref<128x128xf32, #tpu.memory_space<vmem>>)
      %dma_start3A_134 = arith.constant 0 : i32
      %dma_start3A_135 = arith.constant 0 : i32
      %dma_start3A_136 = tpu.memref_slice %arg18[%dma_start3A_134, %dma_start3A_135] : memref<10000x128xf32, #tpu.memory_space<vmem_shared>> -> memref<10000x128xf32, #tpu.memory_space<vmem_shared>>
      tpu.enqueue_indirect_dma source(%arg17 : memref<128x128xf32, #tpu.memory_space<vmem>>) target(%dma_start3A_136 : memref<10000x128xf32, #tpu.memory_space<vmem_shared>>) offsets(%arg11 : memref<128xi32, #tpu.memory_space<vmem>>) semaphore(%arg26 : memref<!tpu.dma_semaphore, #tpu.memory_space<semaphore_mem>>) {add = true}
      %lt3A_137 = arith.constant 153 : i32
      %lt3A_138 = arith.cmpi slt, %add3A_120, %lt3A_137 : i32
      %convert_element_type3A_139 = arith.extui %lt3A_138 : i1 to i32
      %cond3A_140 = arith.constant 0 : i32
      %cond3A_141 = arith.cmpi ne, %convert_element_type3A_139, %cond3A_140 : i32
      scf.if %cond3A_141 {
        %add3A_193 = arith.constant 3 : i32
        %add3A_194 = arith.addi %add3A_120, %add3A_193 : i32
        %mul3A_195 = arith.constant 128 : i32
        %mul3A_196 = arith.muli %add3A_194, %mul3A_195 : i32
        %add3A_197 = arith.addi %add3A, %mul3A_196 : i32
        %dma_start3A_198 = tpu.memref_slice %arg3[%add3A_197] : memref<640000xi32, #tpu.memory_space<hbm>> -> memref<128xi32, #tpu.memory_space<hbm>>
        %dma_start3A_199 = tpu.memref_slice %arg3[%add3A_197] : memref<640000xi32, #tpu.memory_space<hbm>> -> memref<128xi32, #tpu.memory_space<hbm>>
        tpu.enqueue_dma source(%dma_start3A_199 : memref<128xi32, #tpu.memory_space<hbm>>) target(%arg6 : memref<128xi32, #tpu.memory_space<vmem>>) target_semaphore(%arg19 : memref<!tpu.dma_semaphore, #tpu.memory_space<semaphore_mem>>)
        %mul3A_200 = arith.constant 128 : i32
        %mul3A_201 = arith.muli %add3A_194, %mul3A_200 : i32
        %add3A_202 = arith.addi %add3A, %mul3A_201 : i32
        %dma_start3A_203 = tpu.memref_slice %arg4[%add3A_202] : memref<640000xi32, #tpu.memory_space<hbm>> -> memref<128xi32, #tpu.memory_space<hbm>>
        %dma_start3A_204 = tpu.memref_slice %arg4[%add3A_202] : memref<640000xi32, #tpu.memory_space<hbm>> -> memref<128xi32, #tpu.memory_space<hbm>>
        tpu.enqueue_dma source(%dma_start3A_204 : memref<128xi32, #tpu.memory_space<hbm>>) target(%arg10 : memref<128xi32, #tpu.memory_space<vmem>>) target_semaphore(%arg19 : memref<!tpu.dma_semaphore, #tpu.memory_space<semaphore_mem>>)
      } else {
      }
      %mul3A_142 = arith.constant 4 : i32
      %mul3A_143 = arith.muli %mul3A_142, %scan3A_94 : i32
      %add3A_144 = arith.constant 2 : i32
      %add3A_145 = arith.addi %mul3A_143, %add3A_144 : i32
      %gt3A_146 = arith.constant 0 : i32
      %gt3A_147 = arith.cmpi sgt, %add3A_145, %gt3A_146 : i32
      %convert_element_type3A_148 = arith.extui %gt3A_147 : i1 to i32
      %cond3A_149 = arith.constant 0 : i32
      %cond3A_150 = arith.cmpi ne, %convert_element_type3A_148, %cond3A_149 : i32
      scf.if %cond3A_150 {
        %dma_wait3A_193 = arith.constant 0 : i32
        %dma_wait3A_194 = arith.constant 0 : i32
        %dma_wait3A_195 = tpu.memref_slice %arg18[%dma_wait3A_193, %dma_wait3A_194] : memref<10000x128xf32, #tpu.memory_space<vmem_shared>> -> memref<10000x128xf32, #tpu.memory_space<vmem_shared>>
        tpu.wait_indirect_dma semaphore(%arg26 : memref<!tpu.dma_semaphore, #tpu.memory_space<semaphore_mem>>) src(%arg17 : memref<128x128xf32, #tpu.memory_space<vmem>>) dst(%dma_wait3A_195 : memref<10000x128xf32, #tpu.memory_space<vmem_shared>>)
      } else {
      }
      %lt3A_151 = arith.constant 155 : i32
      %lt3A_152 = arith.cmpi slt, %add3A_145, %lt3A_151 : i32
      %convert_element_type3A_153 = arith.extui %lt3A_152 : i1 to i32
      %cond3A_154 = arith.constant 0 : i32
      %cond3A_155 = arith.cmpi ne, %convert_element_type3A_153, %cond3A_154 : i32
      scf.if %cond3A_155 {
        %add3A_193 = arith.constant 1 : i32
        %add3A_194 = arith.addi %add3A_145, %add3A_193 : i32
        %mul3A_195 = arith.constant 128 : i32
        %mul3A_196 = arith.muli %add3A_194, %mul3A_195 : i32
        %add3A_197 = arith.addi %add3A, %mul3A_196 : i32
        %dma_wait3A_198 = tpu.memref_slice %arg3[%add3A_197] : memref<640000xi32, #tpu.memory_space<hbm>> -> memref<128xi32, #tpu.memory_space<hbm>>
        %dma_wait3A_199 = tpu.memref_slice %arg3[%add3A_197] : memref<640000xi32, #tpu.memory_space<hbm>> -> memref<128xi32, #tpu.memory_space<hbm>>
        tpu.wait_dma2 semaphore(%arg22 : memref<!tpu.dma_semaphore, #tpu.memory_space<semaphore_mem>>) src(%dma_wait3A_199 : memref<128xi32, #tpu.memory_space<hbm>>) dst(%arg9 : memref<128xi32, #tpu.memory_space<vmem>>)
        %mul3A_200 = arith.constant 128 : i32
        %mul3A_201 = arith.muli %add3A_194, %mul3A_200 : i32
        %add3A_202 = arith.addi %add3A, %mul3A_201 : i32
        %dma_wait3A_203 = tpu.memref_slice %arg4[%add3A_202] : memref<640000xi32, #tpu.memory_space<hbm>> -> memref<128xi32, #tpu.memory_space<hbm>>
        %dma_wait3A_204 = tpu.memref_slice %arg4[%add3A_202] : memref<640000xi32, #tpu.memory_space<hbm>> -> memref<128xi32, #tpu.memory_space<hbm>>
        tpu.wait_dma2 semaphore(%arg22 : memref<!tpu.dma_semaphore, #tpu.memory_space<semaphore_mem>>) src(%dma_wait3A_204 : memref<128xi32, #tpu.memory_space<hbm>>) dst(%arg13 : memref<128xi32, #tpu.memory_space<vmem>>)
        %dma_start3A_205 = arith.constant 0 : i32
        %dma_start3A_206 = arith.constant 0 : i32
        %dma_start3A_207 = tpu.memref_slice %arg2[%dma_start3A_205, %dma_start3A_206] : memref<20000x128xf32, #tpu.memory_space<hbm>> -> memref<20000x128xf32, #tpu.memory_space<hbm>>
        tpu.enqueue_indirect_dma source(%dma_start3A_207 : memref<20000x128xf32, #tpu.memory_space<hbm>>) target(%arg17 : memref<128x128xf32, #tpu.memory_space<vmem>>) offsets(%arg9 : memref<128xi32, #tpu.memory_space<vmem>>) semaphore(%arg24 : memref<!tpu.dma_semaphore, #tpu.memory_space<semaphore_mem>>)
      } else {
      }
      %dma_wait3A_156 = arith.constant 0 : i32
      %dma_wait3A_157 = arith.constant 0 : i32
      %dma_wait3A_158 = tpu.memref_slice %arg2[%dma_wait3A_156, %dma_wait3A_157] : memref<20000x128xf32, #tpu.memory_space<hbm>> -> memref<20000x128xf32, #tpu.memory_space<hbm>>
      tpu.wait_indirect_dma semaphore(%arg23 : memref<!tpu.dma_semaphore, #tpu.memory_space<semaphore_mem>>) src(%dma_wait3A_158 : memref<20000x128xf32, #tpu.memory_space<hbm>>) dst(%arg16 : memref<128x128xf32, #tpu.memory_space<vmem>>)
      %dma_start3A_159 = arith.constant 0 : i32
      %dma_start3A_160 = arith.constant 0 : i32
      %dma_start3A_161 = tpu.memref_slice %arg18[%dma_start3A_159, %dma_start3A_160] : memref<10000x128xf32, #tpu.memory_space<vmem_shared>> -> memref<10000x128xf32, #tpu.memory_space<vmem_shared>>
      tpu.enqueue_indirect_dma source(%arg16 : memref<128x128xf32, #tpu.memory_space<vmem>>) target(%dma_start3A_161 : memref<10000x128xf32, #tpu.memory_space<vmem_shared>>) offsets(%arg12 : memref<128xi32, #tpu.memory_space<vmem>>) semaphore(%arg25 : memref<!tpu.dma_semaphore, #tpu.memory_space<semaphore_mem>>) {add = true}
      %lt3A_162 = arith.constant 153 : i32
      %lt3A_163 = arith.cmpi slt, %add3A_145, %lt3A_162 : i32
      %convert_element_type3A_164 = arith.extui %lt3A_163 : i1 to i32
      %cond3A_165 = arith.constant 0 : i32
      %cond3A_166 = arith.cmpi ne, %convert_element_type3A_164, %cond3A_165 : i32
      scf.if %cond3A_166 {
        %add3A_193 = arith.constant 3 : i32
        %add3A_194 = arith.addi %add3A_145, %add3A_193 : i32
        %mul3A_195 = arith.constant 128 : i32
        %mul3A_196 = arith.muli %add3A_194, %mul3A_195 : i32
        %add3A_197 = arith.addi %add3A, %mul3A_196 : i32
        %dma_start3A_198 = tpu.memref_slice %arg3[%add3A_197] : memref<640000xi32, #tpu.memory_space<hbm>> -> memref<128xi32, #tpu.memory_space<hbm>>
        %dma_start3A_199 = tpu.memref_slice %arg3[%add3A_197] : memref<640000xi32, #tpu.memory_space<hbm>> -> memref<128xi32, #tpu.memory_space<hbm>>
        tpu.enqueue_dma source(%dma_start3A_199 : memref<128xi32, #tpu.memory_space<hbm>>) target(%arg7 : memref<128xi32, #tpu.memory_space<vmem>>) target_semaphore(%arg20 : memref<!tpu.dma_semaphore, #tpu.memory_space<semaphore_mem>>)
        %mul3A_200 = arith.constant 128 : i32
        %mul3A_201 = arith.muli %add3A_194, %mul3A_200 : i32
        %add3A_202 = arith.addi %add3A, %mul3A_201 : i32
        %dma_start3A_203 = tpu.memref_slice %arg4[%add3A_202] : memref<640000xi32, #tpu.memory_space<hbm>> -> memref<128xi32, #tpu.memory_space<hbm>>
        %dma_start3A_204 = tpu.memref_slice %arg4[%add3A_202] : memref<640000xi32, #tpu.memory_space<hbm>> -> memref<128xi32, #tpu.memory_space<hbm>>
        tpu.enqueue_dma source(%dma_start3A_204 : memref<128xi32, #tpu.memory_space<hbm>>) target(%arg11 : memref<128xi32, #tpu.memory_space<vmem>>) target_semaphore(%arg20 : memref<!tpu.dma_semaphore, #tpu.memory_space<semaphore_mem>>)
      } else {
      }
      %mul3A_167 = arith.constant 4 : i32
      %mul3A_168 = arith.muli %mul3A_167, %scan3A_94 : i32
      %add3A_169 = arith.constant 3 : i32
      %add3A_170 = arith.addi %mul3A_168, %add3A_169 : i32
      %gt3A_171 = arith.constant 0 : i32
      %gt3A_172 = arith.cmpi sgt, %add3A_170, %gt3A_171 : i32
      %convert_element_type3A_173 = arith.extui %gt3A_172 : i1 to i32
      %cond3A_174 = arith.constant 0 : i32
      %cond3A_175 = arith.cmpi ne, %convert_element_type3A_173, %cond3A_174 : i32
      scf.if %cond3A_175 {
        %dma_wait3A_193 = arith.constant 0 : i32
        %dma_wait3A_194 = arith.constant 0 : i32
        %dma_wait3A_195 = tpu.memref_slice %arg18[%dma_wait3A_193, %dma_wait3A_194] : memref<10000x128xf32, #tpu.memory_space<vmem_shared>> -> memref<10000x128xf32, #tpu.memory_space<vmem_shared>>
        tpu.wait_indirect_dma semaphore(%arg25 : memref<!tpu.dma_semaphore, #tpu.memory_space<semaphore_mem>>) src(%arg16 : memref<128x128xf32, #tpu.memory_space<vmem>>) dst(%dma_wait3A_195 : memref<10000x128xf32, #tpu.memory_space<vmem_shared>>)
      } else {
      }
      %lt3A_176 = arith.constant 155 : i32
      %lt3A_177 = arith.cmpi slt, %add3A_170, %lt3A_176 : i32
      %convert_element_type3A_178 = arith.extui %lt3A_177 : i1 to i32
      %cond3A_179 = arith.constant 0 : i32
      %cond3A_180 = arith.cmpi ne, %convert_element_type3A_178, %cond3A_179 : i32
      scf.if %cond3A_180 {
        %add3A_193 = arith.constant 1 : i32
        %add3A_194 = arith.addi %add3A_170, %add3A_193 : i32
        %mul3A_195 = arith.constant 128 : i32
        %mul3A_196 = arith.muli %add3A_194, %mul3A_195 : i32
        %add3A_197 = arith.addi %add3A, %mul3A_196 : i32
        %dma_wait3A_198 = tpu.memref_slice %arg3[%add3A_197] : memref<640000xi32, #tpu.memory_space<hbm>> -> memref<128xi32, #tpu.memory_space<hbm>>
        %dma_wait3A_199 = tpu.memref_slice %arg3[%add3A_197] : memref<640000xi32, #tpu.memory_space<hbm>> -> memref<128xi32, #tpu.memory_space<hbm>>
        tpu.wait_dma2 semaphore(%arg19 : memref<!tpu.dma_semaphore, #tpu.memory_space<semaphore_mem>>) src(%dma_wait3A_199 : memref<128xi32, #tpu.memory_space<hbm>>) dst(%arg6 : memref<128xi32, #tpu.memory_space<vmem>>)
        %mul3A_200 = arith.constant 128 : i32
        %mul3A_201 = arith.muli %add3A_194, %mul3A_200 : i32
        %add3A_202 = arith.addi %add3A, %mul3A_201 : i32
        %dma_wait3A_203 = tpu.memref_slice %arg4[%add3A_202] : memref<640000xi32, #tpu.memory_space<hbm>> -> memref<128xi32, #tpu.memory_space<hbm>>
        %dma_wait3A_204 = tpu.memref_slice %arg4[%add3A_202] : memref<640000xi32, #tpu.memory_space<hbm>> -> memref<128xi32, #tpu.memory_space<hbm>>
        tpu.wait_dma2 semaphore(%arg19 : memref<!tpu.dma_semaphore, #tpu.memory_space<semaphore_mem>>) src(%dma_wait3A_204 : memref<128xi32, #tpu.memory_space<hbm>>) dst(%arg10 : memref<128xi32, #tpu.memory_space<vmem>>)
        %dma_start3A_205 = arith.constant 0 : i32
        %dma_start3A_206 = arith.constant 0 : i32
        %dma_start3A_207 = tpu.memref_slice %arg2[%dma_start3A_205, %dma_start3A_206] : memref<20000x128xf32, #tpu.memory_space<hbm>> -> memref<20000x128xf32, #tpu.memory_space<hbm>>
        tpu.enqueue_indirect_dma source(%dma_start3A_207 : memref<20000x128xf32, #tpu.memory_space<hbm>>) target(%arg16 : memref<128x128xf32, #tpu.memory_space<vmem>>) offsets(%arg6 : memref<128xi32, #tpu.memory_space<vmem>>) semaphore(%arg23 : memref<!tpu.dma_semaphore, #tpu.memory_space<semaphore_mem>>)
      } else {
      }
      %dma_wait3A_181 = arith.constant 0 : i32
      %dma_wait3A_182 = arith.constant 0 : i32
      %dma_wait3A_183 = tpu.memref_slice %arg2[%dma_wait3A_181, %dma_wait3A_182] : memref<20000x128xf32, #tpu.memory_space<hbm>> -> memref<20000x128xf32, #tpu.memory_space<hbm>>
      tpu.wait_indirect_dma semaphore(%arg24 : memref<!tpu.dma_semaphore, #tpu.memory_space<semaphore_mem>>) src(%dma_wait3A_183 : memref<20000x128xf32, #tpu.memory_space<hbm>>) dst(%arg17 : memref<128x128xf32, #tpu.memory_space<vmem>>)
      %dma_start3A_184 = arith.constant 0 : i32
      %dma_start3A_185 = arith.constant 0 : i32
      %dma_start3A_186 = tpu.memref_slice %arg18[%dma_start3A_184, %dma_start3A_185] : memref<10000x128xf32, #tpu.memory_space<vmem_shared>> -> memref<10000x128xf32, #tpu.memory_space<vmem_shared>>
      tpu.enqueue_indirect_dma source(%arg17 : memref<128x128xf32, #tpu.memory_space<vmem>>) target(%dma_start3A_186 : memref<10000x128xf32, #tpu.memory_space<vmem_shared>>) offsets(%arg13 : memref<128xi32, #tpu.memory_space<vmem>>) semaphore(%arg26 : memref<!tpu.dma_semaphore, #tpu.memory_space<semaphore_mem>>) {add = true}
      %lt3A_187 = arith.constant 153 : i32
      %lt3A_188 = arith.cmpi slt, %add3A_170, %lt3A_187 : i32
      %convert_element_type3A_189 = arith.extui %lt3A_188 : i1 to i32
      %cond3A_190 = arith.constant 0 : i32
      %cond3A_191 = arith.cmpi ne, %convert_element_type3A_189, %cond3A_190 : i32
      scf.if %cond3A_191 {
        %add3A_193 = arith.constant 3 : i32
        %add3A_194 = arith.addi %add3A_170, %add3A_193 : i32
        %mul3A_195 = arith.constant 128 : i32
        %mul3A_196 = arith.muli %add3A_194, %mul3A_195 : i32
        %add3A_197 = arith.addi %add3A, %mul3A_196 : i32
        %dma_start3A_198 = tpu.memref_slice %arg3[%add3A_197] : memref<640000xi32, #tpu.memory_space<hbm>> -> memref<128xi32, #tpu.memory_space<hbm>>
        %dma_start3A_199 = tpu.memref_slice %arg3[%add3A_197] : memref<640000xi32, #tpu.memory_space<hbm>> -> memref<128xi32, #tpu.memory_space<hbm>>
        tpu.enqueue_dma source(%dma_start3A_199 : memref<128xi32, #tpu.memory_space<hbm>>) target(%arg8 : memref<128xi32, #tpu.memory_space<vmem>>) target_semaphore(%arg21 : memref<!tpu.dma_semaphore, #tpu.memory_space<semaphore_mem>>)
        %mul3A_200 = arith.constant 128 : i32
        %mul3A_201 = arith.muli %add3A_194, %mul3A_200 : i32
        %add3A_202 = arith.addi %add3A, %mul3A_201 : i32
        %dma_start3A_203 = tpu.memref_slice %arg4[%add3A_202] : memref<640000xi32, #tpu.memory_space<hbm>> -> memref<128xi32, #tpu.memory_space<hbm>>
        %dma_start3A_204 = tpu.memref_slice %arg4[%add3A_202] : memref<640000xi32, #tpu.memory_space<hbm>> -> memref<128xi32, #tpu.memory_space<hbm>>
        tpu.enqueue_dma source(%dma_start3A_204 : memref<128xi32, #tpu.memory_space<hbm>>) target(%arg12 : memref<128xi32, #tpu.memory_space<vmem>>) target_semaphore(%arg21 : memref<!tpu.dma_semaphore, #tpu.memory_space<semaphore_mem>>)
      } else {
      }
      %scan3A_192 = arith.constant 0 : i32
      scf.yield %scan3A_192 : i32
    }
    %scan3A_63 = arith.constant 39 : i32
    %dma_wait3A_64 = arith.constant 0 : i32
    %dma_wait3A_65 = arith.constant 0 : i32
    %dma_wait3A_66 = tpu.memref_slice %arg18[%dma_wait3A_64, %dma_wait3A_65] : memref<10000x128xf32, #tpu.memory_space<vmem_shared>> -> memref<10000x128xf32, #tpu.memory_space<vmem_shared>>
    tpu.wait_indirect_dma semaphore(%arg26 : memref<!tpu.dma_semaphore, #tpu.memory_space<semaphore_mem>>) src(%arg17 : memref<128x128xf32, #tpu.memory_space<vmem>>) dst(%dma_wait3A_66 : memref<10000x128xf32, #tpu.memory_space<vmem_shared>>)
    %add3A_67 = arith.constant 19968 : i32
    %add3A_68 = arith.addi %add3A, %add3A_67 : i32
    "tpu.region"() ({
      %run_scoped3A = tpu.sem_alloc : memref<!tpu.dma_semaphore, #tpu.memory_space<semaphore_mem>>
      %dma_start3A_94 = tpu.memref_slice %arg3[%add3A_68] : memref<640000xi32, #tpu.memory_space<hbm>> -> memref<32xi32, #tpu.memory_space<hbm>>
      %dma_start3A_95 = tpu.memref_slice %arg3[%add3A_68] : memref<640000xi32, #tpu.memory_space<hbm>> -> memref<32xi32, #tpu.memory_space<hbm>>
      tpu.enqueue_dma source(%dma_start3A_95 : memref<32xi32, #tpu.memory_space<hbm>>) target(%arg14 : memref<32xi32, #tpu.memory_space<vmem>>) target_semaphore(%run_scoped3A : memref<!tpu.dma_semaphore, #tpu.memory_space<semaphore_mem>>)
      %dma_wait3A_96 = tpu.memref_slice %arg3[%add3A_68] : memref<640000xi32, #tpu.memory_space<hbm>> -> memref<32xi32, #tpu.memory_space<hbm>>
      %dma_wait3A_97 = tpu.memref_slice %arg3[%add3A_68] : memref<640000xi32, #tpu.memory_space<hbm>> -> memref<32xi32, #tpu.memory_space<hbm>>
      tpu.wait_dma2 semaphore(%run_scoped3A : memref<!tpu.dma_semaphore, #tpu.memory_space<semaphore_mem>>) src(%dma_wait3A_97 : memref<32xi32, #tpu.memory_space<hbm>>) dst(%arg14 : memref<32xi32, #tpu.memory_space<vmem>>)
      tpu.yield
    }) : () -> ()
    "tpu.region"() ({
      %run_scoped3A = tpu.sem_alloc : memref<!tpu.dma_semaphore, #tpu.memory_space<semaphore_mem>>
      %dma_start3A_94 = tpu.memref_slice %arg4[%add3A_68] : memref<640000xi32, #tpu.memory_space<hbm>> -> memref<32xi32, #tpu.memory_space<hbm>>
      %dma_start3A_95 = tpu.memref_slice %arg4[%add3A_68] : memref<640000xi32, #tpu.memory_space<hbm>> -> memref<32xi32, #tpu.memory_space<hbm>>
      tpu.enqueue_dma source(%dma_start3A_95 : memref<32xi32, #tpu.memory_space<hbm>>) target(%arg15 : memref<32xi32, #tpu.memory_space<vmem>>) target_semaphore(%run_scoped3A : memref<!tpu.dma_semaphore, #tpu.memory_space<semaphore_mem>>)
      %dma_wait3A_96 = tpu.memref_slice %arg4[%add3A_68] : memref<640000xi32, #tpu.memory_space<hbm>> -> memref<32xi32, #tpu.memory_space<hbm>>
      %dma_wait3A_97 = tpu.memref_slice %arg4[%add3A_68] : memref<640000xi32, #tpu.memory_space<hbm>> -> memref<32xi32, #tpu.memory_space<hbm>>
      tpu.wait_dma2 semaphore(%run_scoped3A : memref<!tpu.dma_semaphore, #tpu.memory_space<semaphore_mem>>) src(%dma_wait3A_97 : memref<32xi32, #tpu.memory_space<hbm>>) dst(%arg15 : memref<32xi32, #tpu.memory_space<vmem>>)
      tpu.yield
    }) : () -> ()
    %dma_start3A_69 = arith.constant 0 : i32
    %dma_start3A_70 = arith.constant 0 : i32
    %dma_start3A_71 = tpu.memref_slice %arg16[%dma_start3A_69, %dma_start3A_70] : memref<128x128xf32, #tpu.memory_space<vmem>> -> memref<32x128xf32, #tpu.memory_space<vmem>>
    %dma_start3A_72 = arith.constant 0 : i32
    %dma_start3A_73 = arith.constant 0 : i32
    %dma_start3A_74 = tpu.memref_slice %arg2[%dma_start3A_72, %dma_start3A_73] : memref<20000x128xf32, #tpu.memory_space<hbm>> -> memref<20000x128xf32, #tpu.memory_space<hbm>>
    tpu.enqueue_indirect_dma source(%dma_start3A_74 : memref<20000x128xf32, #tpu.memory_space<hbm>>) target(%dma_start3A_71 : memref<32x128xf32, #tpu.memory_space<vmem>>) offsets(%arg14 : memref<32xi32, #tpu.memory_space<vmem>>) semaphore(%arg23 : memref<!tpu.dma_semaphore, #tpu.memory_space<semaphore_mem>>)
    %dma_wait3A_75 = arith.constant 0 : i32
    %dma_wait3A_76 = arith.constant 0 : i32
    %dma_wait3A_77 = tpu.memref_slice %arg16[%dma_wait3A_75, %dma_wait3A_76] : memref<128x128xf32, #tpu.memory_space<vmem>> -> memref<32x128xf32, #tpu.memory_space<vmem>>
    %dma_wait3A_78 = arith.constant 0 : i32
    %dma_wait3A_79 = arith.constant 0 : i32
    %dma_wait3A_80 = tpu.memref_slice %arg2[%dma_wait3A_78, %dma_wait3A_79] : memref<20000x128xf32, #tpu.memory_space<hbm>> -> memref<20000x128xf32, #tpu.memory_space<hbm>>
    tpu.wait_indirect_dma semaphore(%arg23 : memref<!tpu.dma_semaphore, #tpu.memory_space<semaphore_mem>>) src(%dma_wait3A_80 : memref<20000x128xf32, #tpu.memory_space<hbm>>) dst(%dma_wait3A_77 : memref<32x128xf32, #tpu.memory_space<vmem>>)
    "tpu.region"() ({
      %run_scoped3A = tpu.sem_alloc : memref<!tpu.dma_semaphore, #tpu.memory_space<semaphore_mem>>
      %dma_start3A_94 = arith.constant 0 : i32
      %dma_start3A_95 = arith.constant 0 : i32
      %dma_start3A_96 = tpu.memref_slice %arg16[%dma_start3A_94, %dma_start3A_95] : memref<128x128xf32, #tpu.memory_space<vmem>> -> memref<32x128xf32, #tpu.memory_space<vmem>>
      %dma_start3A_97 = arith.constant 0 : i32
      %dma_start3A_98 = arith.constant 0 : i32
      %dma_start3A_99 = tpu.memref_slice %arg18[%dma_start3A_97, %dma_start3A_98] : memref<10000x128xf32, #tpu.memory_space<vmem_shared>> -> memref<10000x128xf32, #tpu.memory_space<vmem_shared>>
      tpu.enqueue_indirect_dma source(%dma_start3A_96 : memref<32x128xf32, #tpu.memory_space<vmem>>) target(%dma_start3A_99 : memref<10000x128xf32, #tpu.memory_space<vmem_shared>>) offsets(%arg15 : memref<32xi32, #tpu.memory_space<vmem>>) semaphore(%run_scoped3A : memref<!tpu.dma_semaphore, #tpu.memory_space<semaphore_mem>>) {add = true}
      %dma_wait3A_100 = arith.constant 0 : i32
      %dma_wait3A_101 = arith.constant 0 : i32
      %dma_wait3A_102 = tpu.memref_slice %arg16[%dma_wait3A_100, %dma_wait3A_101] : memref<128x128xf32, #tpu.memory_space<vmem>> -> memref<32x128xf32, #tpu.memory_space<vmem>>
      %dma_wait3A_103 = arith.constant 0 : i32
      %dma_wait3A_104 = arith.constant 0 : i32
      %dma_wait3A_105 = tpu.memref_slice %arg18[%dma_wait3A_103, %dma_wait3A_104] : memref<10000x128xf32, #tpu.memory_space<vmem_shared>> -> memref<10000x128xf32, #tpu.memory_space<vmem_shared>>
      tpu.wait_indirect_dma semaphore(%run_scoped3A : memref<!tpu.dma_semaphore, #tpu.memory_space<semaphore_mem>>) src(%dma_wait3A_102 : memref<32x128xf32, #tpu.memory_space<vmem>>) dst(%dma_wait3A_105 : memref<10000x128xf32, #tpu.memory_space<vmem_shared>>)
      tpu.yield
    }) : () -> ()
    %barrier3A_81 = arith.constant 0 : index
    tpu.barrier barrier_id(%barrier3A_81)
    %while3A_82 = arith.constant 0 : i32
    %while3A_83 = arith.constant 0 : i32
    %while3A_84 = arith.subi %select_n3A, %while3A_82 : i32
    %while3A_85 = arith.addi %while3A_82, %while3A_84 : i32
    %while3A_86 = arith.constant 1 : i32
    %while3A_87 = arith.divsi %while3A_84, %while3A_86 : i32
    %while3A_88 = arith.muli %while3A_87, %while3A_86 : i32
    %while3A_89 = arith.addi %while3A_82, %while3A_88 : i32
    %while3A_90 = arith.constant 1 : i32
    %while3A_91 = scf.for %while3A_94 = %while3A_82 to %while3A_89 step %while3A_90 iter_args(%while3A_95 = %while3A_83) -> (i32)  : i32 {
      %mul3A_96 = arith.constant 80 : i32
      %mul3A_97 = arith.muli %while3A_94, %mul3A_96 : i32
      %add3A_98 = arith.addi %mul3A_6, %mul3A_97 : i32
      %mul3A_99 = arith.constant 10000 : i32
      %mul3A_100 = arith.muli %arg0, %mul3A_99 : i32
      %add3A_101 = arith.addi %mul3A_100, %mul3A_6 : i32
      %mul3A_102 = arith.constant 80 : i32
      %mul3A_103 = arith.muli %while3A_94, %mul3A_102 : i32
      %add3A_104 = arith.addi %add3A_101, %mul3A_103 : i32
      "tpu.region"() ({
        %run_scoped3A = tpu.sem_alloc : memref<!tpu.dma_semaphore, #tpu.memory_space<semaphore_mem>>
        %dma_start3A_106 = arith.constant 0 : i32
        %dma_start3A_107 = tpu.memref_slice %arg5[%add3A_104, %dma_start3A_106] : memref<20000x128xf32, #tpu.memory_space<hbm>> -> memref<80x128xf32, #tpu.memory_space<hbm>>
        %dma_start3A_108 = arith.constant 0 : i32
        %dma_start3A_109 = tpu.memref_slice %arg18[%add3A_98, %dma_start3A_108] : memref<10000x128xf32, #tpu.memory_space<vmem_shared>> -> memref<80x128xf32, #tpu.memory_space<vmem_shared>>
        tpu.enqueue_dma source(%dma_start3A_109 : memref<80x128xf32, #tpu.memory_space<vmem_shared>>) target(%dma_start3A_107 : memref<80x128xf32, #tpu.memory_space<hbm>>) target_semaphore(%run_scoped3A : memref<!tpu.dma_semaphore, #tpu.memory_space<semaphore_mem>>)
        %dma_wait3A_110 = arith.constant 0 : i32
        %dma_wait3A_111 = tpu.memref_slice %arg5[%add3A_104, %dma_wait3A_110] : memref<20000x128xf32, #tpu.memory_space<hbm>> -> memref<80x128xf32, #tpu.memory_space<hbm>>
        %dma_wait3A_112 = arith.constant 0 : i32
        %dma_wait3A_113 = tpu.memref_slice %arg18[%add3A_98, %dma_wait3A_112] : memref<10000x128xf32, #tpu.memory_space<vmem_shared>> -> memref<80x128xf32, #tpu.memory_space<vmem_shared>>
        tpu.wait_dma2 semaphore(%run_scoped3A : memref<!tpu.dma_semaphore, #tpu.memory_space<semaphore_mem>>) src(%dma_wait3A_113 : memref<80x128xf32, #tpu.memory_space<vmem_shared>>) dst(%dma_wait3A_111 : memref<80x128xf32, #tpu.memory_space<hbm>>)
        tpu.yield
      }) : () -> ()
      %while3A_105 = arith.constant 0 : i32
      scf.yield %while3A_105 : i32
    }
    %while3A_92 = arith.constant 1 : i32
    %while3A_93 = scf.for %while3A_94 = %while3A_89 to %while3A_85 step %while3A_92 iter_args(%while3A_95 = %while3A_91) -> (i32)  : i32 {
      %mul3A_96 = arith.constant 80 : i32
      %mul3A_97 = arith.muli %while3A_94, %mul3A_96 : i32
      %add3A_98 = arith.addi %mul3A_6, %mul3A_97 : i32
      %mul3A_99 = arith.constant 10000 : i32
      %mul3A_100 = arith.muli %arg0, %mul3A_99 : i32
      %add3A_101 = arith.addi %mul3A_100, %mul3A_6 : i32
      %mul3A_102 = arith.constant 80 : i32
      %mul3A_103 = arith.muli %while3A_94, %mul3A_102 : i32
      %add3A_104 = arith.addi %add3A_101, %mul3A_103 : i32
      "tpu.region"() ({
        %run_scoped3A = tpu.sem_alloc : memref<!tpu.dma_semaphore, #tpu.memory_space<semaphore_mem>>
        %dma_start3A_106 = arith.constant 0 : i32
        %dma_start3A_107 = tpu.memref_slice %arg5[%add3A_104, %dma_start3A_106] : memref<20000x128xf32, #tpu.memory_space<hbm>> -> memref<80x128xf32, #tpu.memory_space<hbm>>
        %dma_start3A_108 = arith.constant 0 : i32
        %dma_start3A_109 = tpu.memref_slice %arg18[%add3A_98, %dma_start3A_108] : memref<10000x128xf32, #tpu.memory_space<vmem_shared>> -> memref<80x128xf32, #tpu.memory_space<vmem_shared>>
        tpu.enqueue_dma source(%dma_start3A_109 : memref<80x128xf32, #tpu.memory_space<vmem_shared>>) target(%dma_start3A_107 : memref<80x128xf32, #tpu.memory_space<hbm>>) target_semaphore(%run_scoped3A : memref<!tpu.dma_semaphore, #tpu.memory_space<semaphore_mem>>)
        %dma_wait3A_110 = arith.constant 0 : i32
        %dma_wait3A_111 = tpu.memref_slice %arg5[%add3A_104, %dma_wait3A_110] : memref<20000x128xf32, #tpu.memory_space<hbm>> -> memref<80x128xf32, #tpu.memory_space<hbm>>
        %dma_wait3A_112 = arith.constant 0 : i32
        %dma_wait3A_113 = tpu.memref_slice %arg18[%add3A_98, %dma_wait3A_112] : memref<10000x128xf32, #tpu.memory_space<vmem_shared>> -> memref<80x128xf32, #tpu.memory_space<vmem_shared>>
        tpu.wait_dma2 semaphore(%run_scoped3A : memref<!tpu.dma_semaphore, #tpu.memory_space<semaphore_mem>>) src(%dma_wait3A_113 : memref<80x128xf32, #tpu.memory_space<vmem_shared>>) dst(%dma_wait3A_111 : memref<80x128xf32, #tpu.memory_space<hbm>>)
        tpu.yield
      }) : () -> ()
      %while3A_105 = arith.constant 0 : i32
      scf.yield %while3A_105 : i32
    }
    return
  }
}

#map = affine_map<(d0, d1) -> (0)>
module attributes {stable_mosaic.version = 14 : i64} {
  func.func @_sc_degrees(%arg0: i32, %arg1: i32, %arg2: memref<640000xi32, #tpu.memory_space<hbm>>, %arg3: memref<640000xi32, #tpu.memory_space<hbm>>, %arg4: memref<40960xf32, #tpu.memory_space<hbm>>, %arg5: memref<128xi32, #tpu.memory_space<vmem>>, %arg6: memref<128xi32, #tpu.memory_space<vmem>>, %arg7: memref<128xi32, #tpu.memory_space<vmem>>, %arg8: memref<128xi32, #tpu.memory_space<vmem>>, %arg9: memref<128xi32, #tpu.memory_space<vmem>>, %arg10: memref<128xi32, #tpu.memory_space<vmem>>, %arg11: memref<128xi32, #tpu.memory_space<vmem>>, %arg12: memref<128xi32, #tpu.memory_space<vmem>>, %arg13: memref<32xi32, #tpu.memory_space<vmem>>, %arg14: memref<32xi32, #tpu.memory_space<vmem>>, %arg15: memref<128xf32, #tpu.memory_space<vmem>>, %arg16: memref<640xf32, #tpu.memory_space<vmem>>, %arg17: memref<10240xf32, #tpu.memory_space<vmem_shared>>, %arg18: memref<10240xf32, #tpu.memory_space<vmem_shared>>, %arg19: memref<!tpu.dma_semaphore, #tpu.memory_space<semaphore_mem>>, %arg20: memref<!tpu.dma_semaphore, #tpu.memory_space<semaphore_mem>>, %arg21: memref<!tpu.dma_semaphore, #tpu.memory_space<semaphore_mem>>, %arg22: memref<!tpu.dma_semaphore, #tpu.memory_space<semaphore_mem>>, %arg23: memref<!tpu.dma_semaphore, #tpu.memory_space<semaphore_mem>>, %arg24: memref<!tpu.dma_semaphore, #tpu.memory_space<semaphore_mem>>) attributes {dimension_semantics = [#tpu.dimension_semantics<core_parallel>, #tpu.dimension_semantics<subcore_parallel>], iteration_bounds = array<i64: 2, 16>, scalar_prefetch = 0 : i64, scratch_operands = 20 : i64, tpu.core_type = #tpu.core_type<sc_vector_subcore>, window_params = [{transform_indices = #map}, {transform_indices = #map}, {transform_indices = #map}]} {
    %scan3A = arith.constant 0 : i32
    %scan3A_0 = arith.constant 0 : i32
    %scan3A_1 = arith.constant 40 : i32
    %scan3A_2 = arith.addi %scan3A_0, %scan3A_1 : i32
    %scan3A_3 = arith.constant 1 : i32
    %scan3A_4 = scf.for %scan3A_78 = %scan3A_0 to %scan3A_2 step %scan3A_3 iter_args(%scan3A_79 = %scan3A) -> (i32)  : i32 {
      %broadcast_in_dim3A = arith.constant 0.000000e+00 : f32
      %broadcast_in_dim3A_80 = vector.broadcast %broadcast_in_dim3A : f32 to vector<16xf32>
      %mul3A_81 = arith.constant 16 : i32
      %mul3A_82 = arith.muli %scan3A_78, %mul3A_81 : i32
      %swap3A = arith.index_cast %mul3A_82 : i32 to index
      %swap3A_83 = tpu.vector_load %arg16[%swap3A] {strides = array<i32>} : memref<640xf32, #tpu.memory_space<vmem>>, vector<16xf32>,
      %swap3A_84 = vector.shape_cast %swap3A_83 : vector<16xf32> to vector<16xf32>
      %swap3A_85 = vector.shape_cast %broadcast_in_dim3A_80 : vector<16xf32> to vector<16xf32>
      tpu.vector_store %arg16[%swap3A], %swap3A_85 {strides = array<i32>} : memref<640xf32, #tpu.memory_space<vmem>>, vector<16xf32>,
      %scan3A_86 = arith.constant 0 : i32
      scf.yield %scan3A_86 : i32
    }
    %scan3A_5 = arith.constant 40 : i32
    %scan3A_6 = arith.constant 0 : i32
    %scan3A_7 = arith.constant 0 : i32
    %scan3A_8 = arith.constant 8 : i32
    %scan3A_9 = arith.addi %scan3A_7, %scan3A_8 : i32
    %scan3A_10 = arith.constant 1 : i32
    %scan3A_11 = scf.for %scan3A_78 = %scan3A_7 to %scan3A_9 step %scan3A_10 iter_args(%scan3A_79 = %scan3A_6) -> (i32)  : i32 {
      %broadcast_in_dim3A = arith.constant 1.000000e+00 : f32
      %broadcast_in_dim3A_80 = vector.broadcast %broadcast_in_dim3A : f32 to vector<16xf32>
      %mul3A_81 = arith.constant 16 : i32
      %mul3A_82 = arith.muli %scan3A_78, %mul3A_81 : i32
      %swap3A = arith.index_cast %mul3A_82 : i32 to index
      %swap3A_83 = tpu.vector_load %arg15[%swap3A] {strides = array<i32>} : memref<128xf32, #tpu.memory_space<vmem>>, vector<16xf32>,
      %swap3A_84 = vector.shape_cast %swap3A_83 : vector<16xf32> to vector<16xf32>
      %swap3A_85 = vector.shape_cast %broadcast_in_dim3A_80 : vector<16xf32> to vector<16xf32>
      tpu.vector_store %arg15[%swap3A], %swap3A_85 {strides = array<i32>} : memref<128xf32, #tpu.memory_space<vmem>>, vector<16xf32>,
      %scan3A_86 = arith.constant 0 : i32
      scf.yield %scan3A_86 : i32
    }
    %scan3A_12 = arith.constant 8 : i32
    %mul3A = arith.constant 640 : i32
    %mul3A_13 = arith.muli %arg1, %mul3A : i32
    "tpu.region"() ({
      %run_scoped3A = tpu.sem_alloc : memref<!tpu.dma_semaphore, #tpu.memory_space<semaphore_mem>>
      %dma_start3A_78 = tpu.memref_slice %arg17[%mul3A_13] : memref<10240xf32, #tpu.memory_space<vmem_shared>> -> memref<640xf32, #tpu.memory_space<vmem_shared>>
      %dma_start3A_79 = tpu.memref_slice %arg17[%mul3A_13] : memref<10240xf32, #tpu.memory_space<vmem_shared>> -> memref<640xf32, #tpu.memory_space<vmem_shared>>
      tpu.enqueue_dma source(%arg16 : memref<640xf32, #tpu.memory_space<vmem>>) target(%dma_start3A_79 : memref<640xf32, #tpu.memory_space<vmem_shared>>) target_semaphore(%run_scoped3A : memref<!tpu.dma_semaphore, #tpu.memory_space<semaphore_mem>>)
      %dma_wait3A_80 = tpu.memref_slice %arg17[%mul3A_13] : memref<10240xf32, #tpu.memory_space<vmem_shared>> -> memref<640xf32, #tpu.memory_space<vmem_shared>>
      %dma_wait3A_81 = tpu.memref_slice %arg17[%mul3A_13] : memref<10240xf32, #tpu.memory_space<vmem_shared>> -> memref<640xf32, #tpu.memory_space<vmem_shared>>
      tpu.wait_dma2 semaphore(%run_scoped3A : memref<!tpu.dma_semaphore, #tpu.memory_space<semaphore_mem>>) src(%arg16 : memref<640xf32, #tpu.memory_space<vmem>>) dst(%dma_wait3A_81 : memref<640xf32, #tpu.memory_space<vmem_shared>>)
      tpu.yield
    }) : () -> ()
    %mul3A_14 = arith.constant 640 : i32
    %mul3A_15 = arith.muli %arg1, %mul3A_14 : i32
    "tpu.region"() ({
      %run_scoped3A = tpu.sem_alloc : memref<!tpu.dma_semaphore, #tpu.memory_space<semaphore_mem>>
      %dma_start3A_78 = tpu.memref_slice %arg18[%mul3A_15] : memref<10240xf32, #tpu.memory_space<vmem_shared>> -> memref<640xf32, #tpu.memory_space<vmem_shared>>
      %dma_start3A_79 = tpu.memref_slice %arg18[%mul3A_15] : memref<10240xf32, #tpu.memory_space<vmem_shared>> -> memref<640xf32, #tpu.memory_space<vmem_shared>>
      tpu.enqueue_dma source(%arg16 : memref<640xf32, #tpu.memory_space<vmem>>) target(%dma_start3A_79 : memref<640xf32, #tpu.memory_space<vmem_shared>>) target_semaphore(%run_scoped3A : memref<!tpu.dma_semaphore, #tpu.memory_space<semaphore_mem>>)
      %dma_wait3A_80 = tpu.memref_slice %arg18[%mul3A_15] : memref<10240xf32, #tpu.memory_space<vmem_shared>> -> memref<640xf32, #tpu.memory_space<vmem_shared>>
      %dma_wait3A_81 = tpu.memref_slice %arg18[%mul3A_15] : memref<10240xf32, #tpu.memory_space<vmem_shared>> -> memref<640xf32, #tpu.memory_space<vmem_shared>>
      tpu.wait_dma2 semaphore(%run_scoped3A : memref<!tpu.dma_semaphore, #tpu.memory_space<semaphore_mem>>) src(%arg16 : memref<640xf32, #tpu.memory_space<vmem>>) dst(%dma_wait3A_81 : memref<640xf32, #tpu.memory_space<vmem_shared>>)
      tpu.yield
    }) : () -> ()
    %barrier3A = arith.constant 0 : index
    tpu.barrier barrier_id(%barrier3A)
    %mul3A_16 = arith.constant 320000 : i32
    %mul3A_17 = arith.muli %arg0, %mul3A_16 : i32
    %mul3A_18 = arith.constant 20000 : i32
    %mul3A_19 = arith.muli %arg1, %mul3A_18 : i32
    %add3A = arith.addi %mul3A_17, %mul3A_19 : i32
    %add3A_20 = arith.constant 0 : i32
    %add3A_21 = arith.addi %add3A, %add3A_20 : i32
    %dma_start3A = tpu.memref_slice %arg2[%add3A_21] : memref<640000xi32, #tpu.memory_space<hbm>> -> memref<128xi32, #tpu.memory_space<hbm>>
    %dma_start3A_22 = tpu.memref_slice %arg2[%add3A_21] : memref<640000xi32, #tpu.memory_space<hbm>> -> memref<128xi32, #tpu.memory_space<hbm>>
    tpu.enqueue_dma source(%dma_start3A_22 : memref<128xi32, #tpu.memory_space<hbm>>) target(%arg5 : memref<128xi32, #tpu.memory_space<vmem>>) target_semaphore(%arg19 : memref<!tpu.dma_semaphore, #tpu.memory_space<semaphore_mem>>)
    %add3A_23 = arith.constant 0 : i32
    %add3A_24 = arith.addi %add3A, %add3A_23 : i32
    %dma_start3A_25 = tpu.memref_slice %arg3[%add3A_24] : memref<640000xi32, #tpu.memory_space<hbm>> -> memref<128xi32, #tpu.memory_space<hbm>>
    %dma_start3A_26 = tpu.memref_slice %arg3[%add3A_24] : memref<640000xi32, #tpu.memory_space<hbm>> -> memref<128xi32, #tpu.memory_space<hbm>>
    tpu.enqueue_dma source(%dma_start3A_26 : memref<128xi32, #tpu.memory_space<hbm>>) target(%arg9 : memref<128xi32, #tpu.memory_space<vmem>>) target_semaphore(%arg19 : memref<!tpu.dma_semaphore, #tpu.memory_space<semaphore_mem>>)
    %add3A_27 = arith.constant 128 : i32
    %add3A_28 = arith.addi %add3A, %add3A_27 : i32
    %dma_start3A_29 = tpu.memref_slice %arg2[%add3A_28] : memref<640000xi32, #tpu.memory_space<hbm>> -> memref<128xi32, #tpu.memory_space<hbm>>
    %dma_start3A_30 = tpu.memref_slice %arg2[%add3A_28] : memref<640000xi32, #tpu.memory_space<hbm>> -> memref<128xi32, #tpu.memory_space<hbm>>
    tpu.enqueue_dma source(%dma_start3A_30 : memref<128xi32, #tpu.memory_space<hbm>>) target(%arg6 : memref<128xi32, #tpu.memory_space<vmem>>) target_semaphore(%arg20 : memref<!tpu.dma_semaphore, #tpu.memory_space<semaphore_mem>>)
    %add3A_31 = arith.constant 128 : i32
    %add3A_32 = arith.addi %add3A, %add3A_31 : i32
    %dma_start3A_33 = tpu.memref_slice %arg3[%add3A_32] : memref<640000xi32, #tpu.memory_space<hbm>> -> memref<128xi32, #tpu.memory_space<hbm>>
    %dma_start3A_34 = tpu.memref_slice %arg3[%add3A_32] : memref<640000xi32, #tpu.memory_space<hbm>> -> memref<128xi32, #tpu.memory_space<hbm>>
    tpu.enqueue_dma source(%dma_start3A_34 : memref<128xi32, #tpu.memory_space<hbm>>) target(%arg10 : memref<128xi32, #tpu.memory_space<vmem>>) target_semaphore(%arg20 : memref<!tpu.dma_semaphore, #tpu.memory_space<semaphore_mem>>)
    %add3A_35 = arith.constant 256 : i32
    %add3A_36 = arith.addi %add3A, %add3A_35 : i32
    %dma_start3A_37 = tpu.memref_slice %arg2[%add3A_36] : memref<640000xi32, #tpu.memory_space<hbm>> -> memref<128xi32, #tpu.memory_space<hbm>>
    %dma_start3A_38 = tpu.memref_slice %arg2[%add3A_36] : memref<640000xi32, #tpu.memory_space<hbm>> -> memref<128xi32, #tpu.memory_space<hbm>>
    tpu.enqueue_dma source(%dma_start3A_38 : memref<128xi32, #tpu.memory_space<hbm>>) target(%arg7 : memref<128xi32, #tpu.memory_space<vmem>>) target_semaphore(%arg21 : memref<!tpu.dma_semaphore, #tpu.memory_space<semaphore_mem>>)
    %add3A_39 = arith.constant 256 : i32
    %add3A_40 = arith.addi %add3A, %add3A_39 : i32
    %dma_start3A_41 = tpu.memref_slice %arg3[%add3A_40] : memref<640000xi32, #tpu.memory_space<hbm>> -> memref<128xi32, #tpu.memory_space<hbm>>
    %dma_start3A_42 = tpu.memref_slice %arg3[%add3A_40] : memref<640000xi32, #tpu.memory_space<hbm>> -> memref<128xi32, #tpu.memory_space<hbm>>
    tpu.enqueue_dma source(%dma_start3A_42 : memref<128xi32, #tpu.memory_space<hbm>>) target(%arg11 : memref<128xi32, #tpu.memory_space<vmem>>) target_semaphore(%arg21 : memref<!tpu.dma_semaphore, #tpu.memory_space<semaphore_mem>>)
    %scan3A_43 = arith.constant 0 : i32
    %scan3A_44 = arith.constant 0 : i32
    %scan3A_45 = arith.constant 39 : i32
    %scan3A_46 = arith.addi %scan3A_44, %scan3A_45 : i32
    %scan3A_47 = arith.constant 1 : i32
    %scan3A_48 = scf.for %scan3A_78 = %scan3A_44 to %scan3A_46 step %scan3A_47 iter_args(%scan3A_79 = %scan3A_43) -> (i32)  : i32 {
      %mul3A_80 = arith.constant 4 : i32
      %mul3A_81 = arith.muli %mul3A_80, %scan3A_78 : i32
      %add3A_82 = arith.constant 0 : i32
      %add3A_83 = arith.addi %mul3A_81, %add3A_82 : i32
      %gt3A = arith.constant 0 : i32
      %gt3A_84 = arith.cmpi sgt, %add3A_83, %gt3A : i32
      %convert_element_type3A = arith.extui %gt3A_84 : i1 to i32
      %cond3A = arith.constant 0 : i32
      %cond3A_85 = arith.cmpi ne, %convert_element_type3A, %cond3A : i32
      scf.if %cond3A_85 {
        %dma_wait3A_189 = arith.constant 0 : i32
        %dma_wait3A_190 = tpu.memref_slice %arg17[%dma_wait3A_189] : memref<10240xf32, #tpu.memory_space<vmem_shared>> -> memref<10240xf32, #tpu.memory_space<vmem_shared>>
        tpu.wait_indirect_dma semaphore(%arg24 : memref<!tpu.dma_semaphore, #tpu.memory_space<semaphore_mem>>) src(%arg15 : memref<128xf32, #tpu.memory_space<vmem>>) dst(%dma_wait3A_190 : memref<10240xf32, #tpu.memory_space<vmem_shared>>)
        %dma_wait3A_191 = arith.constant 0 : i32
        %dma_wait3A_192 = tpu.memref_slice %arg18[%dma_wait3A_191] : memref<10240xf32, #tpu.memory_space<vmem_shared>> -> memref<10240xf32, #tpu.memory_space<vmem_shared>>
        tpu.wait_indirect_dma semaphore(%arg24 : memref<!tpu.dma_semaphore, #tpu.memory_space<semaphore_mem>>) src(%arg15 : memref<128xf32, #tpu.memory_space<vmem>>) dst(%dma_wait3A_192 : memref<10240xf32, #tpu.memory_space<vmem_shared>>)
      } else {
      }
      %mul3A_86 = arith.constant 128 : i32
      %mul3A_87 = arith.muli %add3A_83, %mul3A_86 : i32
      %add3A_88 = arith.addi %add3A, %mul3A_87 : i32
      %dma_wait3A_89 = tpu.memref_slice %arg2[%add3A_88] : memref<640000xi32, #tpu.memory_space<hbm>> -> memref<128xi32, #tpu.memory_space<hbm>>
      %dma_wait3A_90 = tpu.memref_slice %arg2[%add3A_88] : memref<640000xi32, #tpu.memory_space<hbm>> -> memref<128xi32, #tpu.memory_space<hbm>>
      tpu.wait_dma2 semaphore(%arg19 : memref<!tpu.dma_semaphore, #tpu.memory_space<semaphore_mem>>) src(%dma_wait3A_90 : memref<128xi32, #tpu.memory_space<hbm>>) dst(%arg5 : memref<128xi32, #tpu.memory_space<vmem>>)
      %mul3A_91 = arith.constant 128 : i32
      %mul3A_92 = arith.muli %add3A_83, %mul3A_91 : i32
      %add3A_93 = arith.addi %add3A, %mul3A_92 : i32
      %dma_wait3A_94 = tpu.memref_slice %arg3[%add3A_93] : memref<640000xi32, #tpu.memory_space<hbm>> -> memref<128xi32, #tpu.memory_space<hbm>>
      %dma_wait3A_95 = tpu.memref_slice %arg3[%add3A_93] : memref<640000xi32, #tpu.memory_space<hbm>> -> memref<128xi32, #tpu.memory_space<hbm>>
      tpu.wait_dma2 semaphore(%arg19 : memref<!tpu.dma_semaphore, #tpu.memory_space<semaphore_mem>>) src(%dma_wait3A_95 : memref<128xi32, #tpu.memory_space<hbm>>) dst(%arg9 : memref<128xi32, #tpu.memory_space<vmem>>)
      %dma_start3A_96 = arith.constant 0 : i32
      %dma_start3A_97 = tpu.memref_slice %arg17[%dma_start3A_96] : memref<10240xf32, #tpu.memory_space<vmem_shared>> -> memref<10240xf32, #tpu.memory_space<vmem_shared>>
      tpu.enqueue_indirect_dma source(%arg15 : memref<128xf32, #tpu.memory_space<vmem>>) target(%dma_start3A_97 : memref<10240xf32, #tpu.memory_space<vmem_shared>>) offsets(%arg5 : memref<128xi32, #tpu.memory_space<vmem>>) semaphore(%arg23 : memref<!tpu.dma_semaphore, #tpu.memory_space<semaphore_mem>>) {add = true}
      %dma_start3A_98 = arith.constant 0 : i32
      %dma_start3A_99 = tpu.memref_slice %arg18[%dma_start3A_98] : memref<10240xf32, #tpu.memory_space<vmem_shared>> -> memref<10240xf32, #tpu.memory_space<vmem_shared>>
      tpu.enqueue_indirect_dma source(%arg15 : memref<128xf32, #tpu.memory_space<vmem>>) target(%dma_start3A_99 : memref<10240xf32, #tpu.memory_space<vmem_shared>>) offsets(%arg9 : memref<128xi32, #tpu.memory_space<vmem>>) semaphore(%arg23 : memref<!tpu.dma_semaphore, #tpu.memory_space<semaphore_mem>>) {add = true}
      %lt3A = arith.constant 153 : i32
      %lt3A_100 = arith.cmpi slt, %add3A_83, %lt3A : i32
      %convert_element_type3A_101 = arith.extui %lt3A_100 : i1 to i32
      %cond3A_102 = arith.constant 0 : i32
      %cond3A_103 = arith.cmpi ne, %convert_element_type3A_101, %cond3A_102 : i32
      scf.if %cond3A_103 {
        %add3A_189 = arith.constant 3 : i32
        %add3A_190 = arith.addi %add3A_83, %add3A_189 : i32
        %mul3A_191 = arith.constant 128 : i32
        %mul3A_192 = arith.muli %add3A_190, %mul3A_191 : i32
        %add3A_193 = arith.addi %add3A, %mul3A_192 : i32
        %dma_start3A_194 = tpu.memref_slice %arg2[%add3A_193] : memref<640000xi32, #tpu.memory_space<hbm>> -> memref<128xi32, #tpu.memory_space<hbm>>
        %dma_start3A_195 = tpu.memref_slice %arg2[%add3A_193] : memref<640000xi32, #tpu.memory_space<hbm>> -> memref<128xi32, #tpu.memory_space<hbm>>
        tpu.enqueue_dma source(%dma_start3A_195 : memref<128xi32, #tpu.memory_space<hbm>>) target(%arg8 : memref<128xi32, #tpu.memory_space<vmem>>) target_semaphore(%arg22 : memref<!tpu.dma_semaphore, #tpu.memory_space<semaphore_mem>>)
        %mul3A_196 = arith.constant 128 : i32
        %mul3A_197 = arith.muli %add3A_190, %mul3A_196 : i32
        %add3A_198 = arith.addi %add3A, %mul3A_197 : i32
        %dma_start3A_199 = tpu.memref_slice %arg3[%add3A_198] : memref<640000xi32, #tpu.memory_space<hbm>> -> memref<128xi32, #tpu.memory_space<hbm>>
        %dma_start3A_200 = tpu.memref_slice %arg3[%add3A_198] : memref<640000xi32, #tpu.memory_space<hbm>> -> memref<128xi32, #tpu.memory_space<hbm>>
        tpu.enqueue_dma source(%dma_start3A_200 : memref<128xi32, #tpu.memory_space<hbm>>) target(%arg12 : memref<128xi32, #tpu.memory_space<vmem>>) target_semaphore(%arg22 : memref<!tpu.dma_semaphore, #tpu.memory_space<semaphore_mem>>)
      } else {
      }
      %mul3A_104 = arith.constant 4 : i32
      %mul3A_105 = arith.muli %mul3A_104, %scan3A_78 : i32
      %add3A_106 = arith.constant 1 : i32
      %add3A_107 = arith.addi %mul3A_105, %add3A_106 : i32
      %gt3A_108 = arith.constant 0 : i32
      %gt3A_109 = arith.cmpi sgt, %add3A_107, %gt3A_108 : i32
      %convert_element_type3A_110 = arith.extui %gt3A_109 : i1 to i32
      %cond3A_111 = arith.constant 0 : i32
      %cond3A_112 = arith.cmpi ne, %convert_element_type3A_110, %cond3A_111 : i32
      scf.if %cond3A_112 {
        %dma_wait3A_189 = arith.constant 0 : i32
        %dma_wait3A_190 = tpu.memref_slice %arg17[%dma_wait3A_189] : memref<10240xf32, #tpu.memory_space<vmem_shared>> -> memref<10240xf32, #tpu.memory_space<vmem_shared>>
        tpu.wait_indirect_dma semaphore(%arg23 : memref<!tpu.dma_semaphore, #tpu.memory_space<semaphore_mem>>) src(%arg15 : memref<128xf32, #tpu.memory_space<vmem>>) dst(%dma_wait3A_190 : memref<10240xf32, #tpu.memory_space<vmem_shared>>)
        %dma_wait3A_191 = arith.constant 0 : i32
        %dma_wait3A_192 = tpu.memref_slice %arg18[%dma_wait3A_191] : memref<10240xf32, #tpu.memory_space<vmem_shared>> -> memref<10240xf32, #tpu.memory_space<vmem_shared>>
        tpu.wait_indirect_dma semaphore(%arg23 : memref<!tpu.dma_semaphore, #tpu.memory_space<semaphore_mem>>) src(%arg15 : memref<128xf32, #tpu.memory_space<vmem>>) dst(%dma_wait3A_192 : memref<10240xf32, #tpu.memory_space<vmem_shared>>)
      } else {
      }
      %mul3A_113 = arith.constant 128 : i32
      %mul3A_114 = arith.muli %add3A_107, %mul3A_113 : i32
      %add3A_115 = arith.addi %add3A, %mul3A_114 : i32
      %dma_wait3A_116 = tpu.memref_slice %arg2[%add3A_115] : memref<640000xi32, #tpu.memory_space<hbm>> -> memref<128xi32, #tpu.memory_space<hbm>>
      %dma_wait3A_117 = tpu.memref_slice %arg2[%add3A_115] : memref<640000xi32, #tpu.memory_space<hbm>> -> memref<128xi32, #tpu.memory_space<hbm>>
      tpu.wait_dma2 semaphore(%arg20 : memref<!tpu.dma_semaphore, #tpu.memory_space<semaphore_mem>>) src(%dma_wait3A_117 : memref<128xi32, #tpu.memory_space<hbm>>) dst(%arg6 : memref<128xi32, #tpu.memory_space<vmem>>)
      %mul3A_118 = arith.constant 128 : i32
      %mul3A_119 = arith.muli %add3A_107, %mul3A_118 : i32
      %add3A_120 = arith.addi %add3A, %mul3A_119 : i32
      %dma_wait3A_121 = tpu.memref_slice %arg3[%add3A_120] : memref<640000xi32, #tpu.memory_space<hbm>> -> memref<128xi32, #tpu.memory_space<hbm>>
      %dma_wait3A_122 = tpu.memref_slice %arg3[%add3A_120] : memref<640000xi32, #tpu.memory_space<hbm>> -> memref<128xi32, #tpu.memory_space<hbm>>
      tpu.wait_dma2 semaphore(%arg20 : memref<!tpu.dma_semaphore, #tpu.memory_space<semaphore_mem>>) src(%dma_wait3A_122 : memref<128xi32, #tpu.memory_space<hbm>>) dst(%arg10 : memref<128xi32, #tpu.memory_space<vmem>>)
      %dma_start3A_123 = arith.constant 0 : i32
      %dma_start3A_124 = tpu.memref_slice %arg17[%dma_start3A_123] : memref<10240xf32, #tpu.memory_space<vmem_shared>> -> memref<10240xf32, #tpu.memory_space<vmem_shared>>
      tpu.enqueue_indirect_dma source(%arg15 : memref<128xf32, #tpu.memory_space<vmem>>) target(%dma_start3A_124 : memref<10240xf32, #tpu.memory_space<vmem_shared>>) offsets(%arg6 : memref<128xi32, #tpu.memory_space<vmem>>) semaphore(%arg24 : memref<!tpu.dma_semaphore, #tpu.memory_space<semaphore_mem>>) {add = true}
      %dma_start3A_125 = arith.constant 0 : i32
      %dma_start3A_126 = tpu.memref_slice %arg18[%dma_start3A_125] : memref<10240xf32, #tpu.memory_space<vmem_shared>> -> memref<10240xf32, #tpu.memory_space<vmem_shared>>
      tpu.enqueue_indirect_dma source(%arg15 : memref<128xf32, #tpu.memory_space<vmem>>) target(%dma_start3A_126 : memref<10240xf32, #tpu.memory_space<vmem_shared>>) offsets(%arg10 : memref<128xi32, #tpu.memory_space<vmem>>) semaphore(%arg24 : memref<!tpu.dma_semaphore, #tpu.memory_space<semaphore_mem>>) {add = true}
      %lt3A_127 = arith.constant 153 : i32
      %lt3A_128 = arith.cmpi slt, %add3A_107, %lt3A_127 : i32
      %convert_element_type3A_129 = arith.extui %lt3A_128 : i1 to i32
      %cond3A_130 = arith.constant 0 : i32
      %cond3A_131 = arith.cmpi ne, %convert_element_type3A_129, %cond3A_130 : i32
      scf.if %cond3A_131 {
        %add3A_189 = arith.constant 3 : i32
        %add3A_190 = arith.addi %add3A_107, %add3A_189 : i32
        %mul3A_191 = arith.constant 128 : i32
        %mul3A_192 = arith.muli %add3A_190, %mul3A_191 : i32
        %add3A_193 = arith.addi %add3A, %mul3A_192 : i32
        %dma_start3A_194 = tpu.memref_slice %arg2[%add3A_193] : memref<640000xi32, #tpu.memory_space<hbm>> -> memref<128xi32, #tpu.memory_space<hbm>>
        %dma_start3A_195 = tpu.memref_slice %arg2[%add3A_193] : memref<640000xi32, #tpu.memory_space<hbm>> -> memref<128xi32, #tpu.memory_space<hbm>>
        tpu.enqueue_dma source(%dma_start3A_195 : memref<128xi32, #tpu.memory_space<hbm>>) target(%arg5 : memref<128xi32, #tpu.memory_space<vmem>>) target_semaphore(%arg19 : memref<!tpu.dma_semaphore, #tpu.memory_space<semaphore_mem>>)
        %mul3A_196 = arith.constant 128 : i32
        %mul3A_197 = arith.muli %add3A_190, %mul3A_196 : i32
        %add3A_198 = arith.addi %add3A, %mul3A_197 : i32
        %dma_start3A_199 = tpu.memref_slice %arg3[%add3A_198] : memref<640000xi32, #tpu.memory_space<hbm>> -> memref<128xi32, #tpu.memory_space<hbm>>
        %dma_start3A_200 = tpu.memref_slice %arg3[%add3A_198] : memref<640000xi32, #tpu.memory_space<hbm>> -> memref<128xi32, #tpu.memory_space<hbm>>
        tpu.enqueue_dma source(%dma_start3A_200 : memref<128xi32, #tpu.memory_space<hbm>>) target(%arg9 : memref<128xi32, #tpu.memory_space<vmem>>) target_semaphore(%arg19 : memref<!tpu.dma_semaphore, #tpu.memory_space<semaphore_mem>>)
      } else {
      }
      %mul3A_132 = arith.constant 4 : i32
      %mul3A_133 = arith.muli %mul3A_132, %scan3A_78 : i32
      %add3A_134 = arith.constant 2 : i32
      %add3A_135 = arith.addi %mul3A_133, %add3A_134 : i32
      %gt3A_136 = arith.constant 0 : i32
      %gt3A_137 = arith.cmpi sgt, %add3A_135, %gt3A_136 : i32
      %convert_element_type3A_138 = arith.extui %gt3A_137 : i1 to i32
      %cond3A_139 = arith.constant 0 : i32
      %cond3A_140 = arith.cmpi ne, %convert_element_type3A_138, %cond3A_139 : i32
      scf.if %cond3A_140 {
        %dma_wait3A_189 = arith.constant 0 : i32
        %dma_wait3A_190 = tpu.memref_slice %arg17[%dma_wait3A_189] : memref<10240xf32, #tpu.memory_space<vmem_shared>> -> memref<10240xf32, #tpu.memory_space<vmem_shared>>
        tpu.wait_indirect_dma semaphore(%arg24 : memref<!tpu.dma_semaphore, #tpu.memory_space<semaphore_mem>>) src(%arg15 : memref<128xf32, #tpu.memory_space<vmem>>) dst(%dma_wait3A_190 : memref<10240xf32, #tpu.memory_space<vmem_shared>>)
        %dma_wait3A_191 = arith.constant 0 : i32
        %dma_wait3A_192 = tpu.memref_slice %arg18[%dma_wait3A_191] : memref<10240xf32, #tpu.memory_space<vmem_shared>> -> memref<10240xf32, #tpu.memory_space<vmem_shared>>
        tpu.wait_indirect_dma semaphore(%arg24 : memref<!tpu.dma_semaphore, #tpu.memory_space<semaphore_mem>>) src(%arg15 : memref<128xf32, #tpu.memory_space<vmem>>) dst(%dma_wait3A_192 : memref<10240xf32, #tpu.memory_space<vmem_shared>>)
      } else {
      }
      %mul3A_141 = arith.constant 128 : i32
      %mul3A_142 = arith.muli %add3A_135, %mul3A_141 : i32
      %add3A_143 = arith.addi %add3A, %mul3A_142 : i32
      %dma_wait3A_144 = tpu.memref_slice %arg2[%add3A_143] : memref<640000xi32, #tpu.memory_space<hbm>> -> memref<128xi32, #tpu.memory_space<hbm>>
      %dma_wait3A_145 = tpu.memref_slice %arg2[%add3A_143] : memref<640000xi32, #tpu.memory_space<hbm>> -> memref<128xi32, #tpu.memory_space<hbm>>
      tpu.wait_dma2 semaphore(%arg21 : memref<!tpu.dma_semaphore, #tpu.memory_space<semaphore_mem>>) src(%dma_wait3A_145 : memref<128xi32, #tpu.memory_space<hbm>>) dst(%arg7 : memref<128xi32, #tpu.memory_space<vmem>>)
      %mul3A_146 = arith.constant 128 : i32
      %mul3A_147 = arith.muli %add3A_135, %mul3A_146 : i32
      %add3A_148 = arith.addi %add3A, %mul3A_147 : i32
      %dma_wait3A_149 = tpu.memref_slice %arg3[%add3A_148] : memref<640000xi32, #tpu.memory_space<hbm>> -> memref<128xi32, #tpu.memory_space<hbm>>
      %dma_wait3A_150 = tpu.memref_slice %arg3[%add3A_148] : memref<640000xi32, #tpu.memory_space<hbm>> -> memref<128xi32, #tpu.memory_space<hbm>>
      tpu.wait_dma2 semaphore(%arg21 : memref<!tpu.dma_semaphore, #tpu.memory_space<semaphore_mem>>) src(%dma_wait3A_150 : memref<128xi32, #tpu.memory_space<hbm>>) dst(%arg11 : memref<128xi32, #tpu.memory_space<vmem>>)
      %dma_start3A_151 = arith.constant 0 : i32
      %dma_start3A_152 = tpu.memref_slice %arg17[%dma_start3A_151] : memref<10240xf32, #tpu.memory_space<vmem_shared>> -> memref<10240xf32, #tpu.memory_space<vmem_shared>>
      tpu.enqueue_indirect_dma source(%arg15 : memref<128xf32, #tpu.memory_space<vmem>>) target(%dma_start3A_152 : memref<10240xf32, #tpu.memory_space<vmem_shared>>) offsets(%arg7 : memref<128xi32, #tpu.memory_space<vmem>>) semaphore(%arg23 : memref<!tpu.dma_semaphore, #tpu.memory_space<semaphore_mem>>) {add = true}
      %dma_start3A_153 = arith.constant 0 : i32
      %dma_start3A_154 = tpu.memref_slice %arg18[%dma_start3A_153] : memref<10240xf32, #tpu.memory_space<vmem_shared>> -> memref<10240xf32, #tpu.memory_space<vmem_shared>>
      tpu.enqueue_indirect_dma source(%arg15 : memref<128xf32, #tpu.memory_space<vmem>>) target(%dma_start3A_154 : memref<10240xf32, #tpu.memory_space<vmem_shared>>) offsets(%arg11 : memref<128xi32, #tpu.memory_space<vmem>>) semaphore(%arg23 : memref<!tpu.dma_semaphore, #tpu.memory_space<semaphore_mem>>) {add = true}
      %lt3A_155 = arith.constant 153 : i32
      %lt3A_156 = arith.cmpi slt, %add3A_135, %lt3A_155 : i32
      %convert_element_type3A_157 = arith.extui %lt3A_156 : i1 to i32
      %cond3A_158 = arith.constant 0 : i32
      %cond3A_159 = arith.cmpi ne, %convert_element_type3A_157, %cond3A_158 : i32
      scf.if %cond3A_159 {
        %add3A_189 = arith.constant 3 : i32
        %add3A_190 = arith.addi %add3A_135, %add3A_189 : i32
        %mul3A_191 = arith.constant 128 : i32
        %mul3A_192 = arith.muli %add3A_190, %mul3A_191 : i32
        %add3A_193 = arith.addi %add3A, %mul3A_192 : i32
        %dma_start3A_194 = tpu.memref_slice %arg2[%add3A_193] : memref<640000xi32, #tpu.memory_space<hbm>> -> memref<128xi32, #tpu.memory_space<hbm>>
        %dma_start3A_195 = tpu.memref_slice %arg2[%add3A_193] : memref<640000xi32, #tpu.memory_space<hbm>> -> memref<128xi32, #tpu.memory_space<hbm>>
        tpu.enqueue_dma source(%dma_start3A_195 : memref<128xi32, #tpu.memory_space<hbm>>) target(%arg6 : memref<128xi32, #tpu.memory_space<vmem>>) target_semaphore(%arg20 : memref<!tpu.dma_semaphore, #tpu.memory_space<semaphore_mem>>)
        %mul3A_196 = arith.constant 128 : i32
        %mul3A_197 = arith.muli %add3A_190, %mul3A_196 : i32
        %add3A_198 = arith.addi %add3A, %mul3A_197 : i32
        %dma_start3A_199 = tpu.memref_slice %arg3[%add3A_198] : memref<640000xi32, #tpu.memory_space<hbm>> -> memref<128xi32, #tpu.memory_space<hbm>>
        %dma_start3A_200 = tpu.memref_slice %arg3[%add3A_198] : memref<640000xi32, #tpu.memory_space<hbm>> -> memref<128xi32, #tpu.memory_space<hbm>>
        tpu.enqueue_dma source(%dma_start3A_200 : memref<128xi32, #tpu.memory_space<hbm>>) target(%arg10 : memref<128xi32, #tpu.memory_space<vmem>>) target_semaphore(%arg20 : memref<!tpu.dma_semaphore, #tpu.memory_space<semaphore_mem>>)
      } else {
      }
      %mul3A_160 = arith.constant 4 : i32
      %mul3A_161 = arith.muli %mul3A_160, %scan3A_78 : i32
      %add3A_162 = arith.constant 3 : i32
      %add3A_163 = arith.addi %mul3A_161, %add3A_162 : i32
      %gt3A_164 = arith.constant 0 : i32
      %gt3A_165 = arith.cmpi sgt, %add3A_163, %gt3A_164 : i32
      %convert_element_type3A_166 = arith.extui %gt3A_165 : i1 to i32
      %cond3A_167 = arith.constant 0 : i32
      %cond3A_168 = arith.cmpi ne, %convert_element_type3A_166, %cond3A_167 : i32
      scf.if %cond3A_168 {
        %dma_wait3A_189 = arith.constant 0 : i32
        %dma_wait3A_190 = tpu.memref_slice %arg17[%dma_wait3A_189] : memref<10240xf32, #tpu.memory_space<vmem_shared>> -> memref<10240xf32, #tpu.memory_space<vmem_shared>>
        tpu.wait_indirect_dma semaphore(%arg23 : memref<!tpu.dma_semaphore, #tpu.memory_space<semaphore_mem>>) src(%arg15 : memref<128xf32, #tpu.memory_space<vmem>>) dst(%dma_wait3A_190 : memref<10240xf32, #tpu.memory_space<vmem_shared>>)
        %dma_wait3A_191 = arith.constant 0 : i32
        %dma_wait3A_192 = tpu.memref_slice %arg18[%dma_wait3A_191] : memref<10240xf32, #tpu.memory_space<vmem_shared>> -> memref<10240xf32, #tpu.memory_space<vmem_shared>>
        tpu.wait_indirect_dma semaphore(%arg23 : memref<!tpu.dma_semaphore, #tpu.memory_space<semaphore_mem>>) src(%arg15 : memref<128xf32, #tpu.memory_space<vmem>>) dst(%dma_wait3A_192 : memref<10240xf32, #tpu.memory_space<vmem_shared>>)
      } else {
      }
      %mul3A_169 = arith.constant 128 : i32
      %mul3A_170 = arith.muli %add3A_163, %mul3A_169 : i32
      %add3A_171 = arith.addi %add3A, %mul3A_170 : i32
      %dma_wait3A_172 = tpu.memref_slice %arg2[%add3A_171] : memref<640000xi32, #tpu.memory_space<hbm>> -> memref<128xi32, #tpu.memory_space<hbm>>
      %dma_wait3A_173 = tpu.memref_slice %arg2[%add3A_171] : memref<640000xi32, #tpu.memory_space<hbm>> -> memref<128xi32, #tpu.memory_space<hbm>>
      tpu.wait_dma2 semaphore(%arg22 : memref<!tpu.dma_semaphore, #tpu.memory_space<semaphore_mem>>) src(%dma_wait3A_173 : memref<128xi32, #tpu.memory_space<hbm>>) dst(%arg8 : memref<128xi32, #tpu.memory_space<vmem>>)
      %mul3A_174 = arith.constant 128 : i32
      %mul3A_175 = arith.muli %add3A_163, %mul3A_174 : i32
      %add3A_176 = arith.addi %add3A, %mul3A_175 : i32
      %dma_wait3A_177 = tpu.memref_slice %arg3[%add3A_176] : memref<640000xi32, #tpu.memory_space<hbm>> -> memref<128xi32, #tpu.memory_space<hbm>>
      %dma_wait3A_178 = tpu.memref_slice %arg3[%add3A_176] : memref<640000xi32, #tpu.memory_space<hbm>> -> memref<128xi32, #tpu.memory_space<hbm>>
      tpu.wait_dma2 semaphore(%arg22 : memref<!tpu.dma_semaphore, #tpu.memory_space<semaphore_mem>>) src(%dma_wait3A_178 : memref<128xi32, #tpu.memory_space<hbm>>) dst(%arg12 : memref<128xi32, #tpu.memory_space<vmem>>)
      %dma_start3A_179 = arith.constant 0 : i32
      %dma_start3A_180 = tpu.memref_slice %arg17[%dma_start3A_179] : memref<10240xf32, #tpu.memory_space<vmem_shared>> -> memref<10240xf32, #tpu.memory_space<vmem_shared>>
      tpu.enqueue_indirect_dma source(%arg15 : memref<128xf32, #tpu.memory_space<vmem>>) target(%dma_start3A_180 : memref<10240xf32, #tpu.memory_space<vmem_shared>>) offsets(%arg8 : memref<128xi32, #tpu.memory_space<vmem>>) semaphore(%arg24 : memref<!tpu.dma_semaphore, #tpu.memory_space<semaphore_mem>>) {add = true}
      %dma_start3A_181 = arith.constant 0 : i32
      %dma_start3A_182 = tpu.memref_slice %arg18[%dma_start3A_181] : memref<10240xf32, #tpu.memory_space<vmem_shared>> -> memref<10240xf32, #tpu.memory_space<vmem_shared>>
      tpu.enqueue_indirect_dma source(%arg15 : memref<128xf32, #tpu.memory_space<vmem>>) target(%dma_start3A_182 : memref<10240xf32, #tpu.memory_space<vmem_shared>>) offsets(%arg12 : memref<128xi32, #tpu.memory_space<vmem>>) semaphore(%arg24 : memref<!tpu.dma_semaphore, #tpu.memory_space<semaphore_mem>>) {add = true}
      %lt3A_183 = arith.constant 153 : i32
      %lt3A_184 = arith.cmpi slt, %add3A_163, %lt3A_183 : i32
      %convert_element_type3A_185 = arith.extui %lt3A_184 : i1 to i32
      %cond3A_186 = arith.constant 0 : i32
      %cond3A_187 = arith.cmpi ne, %convert_element_type3A_185, %cond3A_186 : i32
      scf.if %cond3A_187 {
        %add3A_189 = arith.constant 3 : i32
        %add3A_190 = arith.addi %add3A_163, %add3A_189 : i32
        %mul3A_191 = arith.constant 128 : i32
        %mul3A_192 = arith.muli %add3A_190, %mul3A_191 : i32
        %add3A_193 = arith.addi %add3A, %mul3A_192 : i32
        %dma_start3A_194 = tpu.memref_slice %arg2[%add3A_193] : memref<640000xi32, #tpu.memory_space<hbm>> -> memref<128xi32, #tpu.memory_space<hbm>>
        %dma_start3A_195 = tpu.memref_slice %arg2[%add3A_193] : memref<640000xi32, #tpu.memory_space<hbm>> -> memref<128xi32, #tpu.memory_space<hbm>>
        tpu.enqueue_dma source(%dma_start3A_195 : memref<128xi32, #tpu.memory_space<hbm>>) target(%arg7 : memref<128xi32, #tpu.memory_space<vmem>>) target_semaphore(%arg21 : memref<!tpu.dma_semaphore, #tpu.memory_space<semaphore_mem>>)
        %mul3A_196 = arith.constant 128 : i32
        %mul3A_197 = arith.muli %add3A_190, %mul3A_196 : i32
        %add3A_198 = arith.addi %add3A, %mul3A_197 : i32
        %dma_start3A_199 = tpu.memref_slice %arg3[%add3A_198] : memref<640000xi32, #tpu.memory_space<hbm>> -> memref<128xi32, #tpu.memory_space<hbm>>
        %dma_start3A_200 = tpu.memref_slice %arg3[%add3A_198] : memref<640000xi32, #tpu.memory_space<hbm>> -> memref<128xi32, #tpu.memory_space<hbm>>
        tpu.enqueue_dma source(%dma_start3A_200 : memref<128xi32, #tpu.memory_space<hbm>>) target(%arg11 : memref<128xi32, #tpu.memory_space<vmem>>) target_semaphore(%arg21 : memref<!tpu.dma_semaphore, #tpu.memory_space<semaphore_mem>>)
      } else {
      }
      %scan3A_188 = arith.constant 0 : i32
      scf.yield %scan3A_188 : i32
    }
    %scan3A_49 = arith.constant 39 : i32
    %dma_wait3A = arith.constant 0 : i32
    %dma_wait3A_50 = tpu.memref_slice %arg17[%dma_wait3A] : memref<10240xf32, #tpu.memory_space<vmem_shared>> -> memref<10240xf32, #tpu.memory_space<vmem_shared>>
    tpu.wait_indirect_dma semaphore(%arg24 : memref<!tpu.dma_semaphore, #tpu.memory_space<semaphore_mem>>) src(%arg15 : memref<128xf32, #tpu.memory_space<vmem>>) dst(%dma_wait3A_50 : memref<10240xf32, #tpu.memory_space<vmem_shared>>)
    %dma_wait3A_51 = arith.constant 0 : i32
    %dma_wait3A_52 = tpu.memref_slice %arg18[%dma_wait3A_51] : memref<10240xf32, #tpu.memory_space<vmem_shared>> -> memref<10240xf32, #tpu.memory_space<vmem_shared>>
    tpu.wait_indirect_dma semaphore(%arg24 : memref<!tpu.dma_semaphore, #tpu.memory_space<semaphore_mem>>) src(%arg15 : memref<128xf32, #tpu.memory_space<vmem>>) dst(%dma_wait3A_52 : memref<10240xf32, #tpu.memory_space<vmem_shared>>)
    %add3A_53 = arith.constant 19968 : i32
    %add3A_54 = arith.addi %add3A, %add3A_53 : i32
    "tpu.region"() ({
      %run_scoped3A = tpu.sem_alloc : memref<!tpu.dma_semaphore, #tpu.memory_space<semaphore_mem>>
      %dma_start3A_78 = tpu.memref_slice %arg2[%add3A_54] : memref<640000xi32, #tpu.memory_space<hbm>> -> memref<32xi32, #tpu.memory_space<hbm>>
      %dma_start3A_79 = tpu.memref_slice %arg2[%add3A_54] : memref<640000xi32, #tpu.memory_space<hbm>> -> memref<32xi32, #tpu.memory_space<hbm>>
      tpu.enqueue_dma source(%dma_start3A_79 : memref<32xi32, #tpu.memory_space<hbm>>) target(%arg13 : memref<32xi32, #tpu.memory_space<vmem>>) target_semaphore(%run_scoped3A : memref<!tpu.dma_semaphore, #tpu.memory_space<semaphore_mem>>)
      %dma_wait3A_80 = tpu.memref_slice %arg2[%add3A_54] : memref<640000xi32, #tpu.memory_space<hbm>> -> memref<32xi32, #tpu.memory_space<hbm>>
      %dma_wait3A_81 = tpu.memref_slice %arg2[%add3A_54] : memref<640000xi32, #tpu.memory_space<hbm>> -> memref<32xi32, #tpu.memory_space<hbm>>
      tpu.wait_dma2 semaphore(%run_scoped3A : memref<!tpu.dma_semaphore, #tpu.memory_space<semaphore_mem>>) src(%dma_wait3A_81 : memref<32xi32, #tpu.memory_space<hbm>>) dst(%arg13 : memref<32xi32, #tpu.memory_space<vmem>>)
      tpu.yield
    }) : () -> ()
    "tpu.region"() ({
      %run_scoped3A = tpu.sem_alloc : memref<!tpu.dma_semaphore, #tpu.memory_space<semaphore_mem>>
      %dma_start3A_78 = tpu.memref_slice %arg3[%add3A_54] : memref<640000xi32, #tpu.memory_space<hbm>> -> memref<32xi32, #tpu.memory_space<hbm>>
      %dma_start3A_79 = tpu.memref_slice %arg3[%add3A_54] : memref<640000xi32, #tpu.memory_space<hbm>> -> memref<32xi32, #tpu.memory_space<hbm>>
      tpu.enqueue_dma source(%dma_start3A_79 : memref<32xi32, #tpu.memory_space<hbm>>) target(%arg14 : memref<32xi32, #tpu.memory_space<vmem>>) target_semaphore(%run_scoped3A : memref<!tpu.dma_semaphore, #tpu.memory_space<semaphore_mem>>)
      %dma_wait3A_80 = tpu.memref_slice %arg3[%add3A_54] : memref<640000xi32, #tpu.memory_space<hbm>> -> memref<32xi32, #tpu.memory_space<hbm>>
      %dma_wait3A_81 = tpu.memref_slice %arg3[%add3A_54] : memref<640000xi32, #tpu.memory_space<hbm>> -> memref<32xi32, #tpu.memory_space<hbm>>
      tpu.wait_dma2 semaphore(%run_scoped3A : memref<!tpu.dma_semaphore, #tpu.memory_space<semaphore_mem>>) src(%dma_wait3A_81 : memref<32xi32, #tpu.memory_space<hbm>>) dst(%arg14 : memref<32xi32, #tpu.memory_space<vmem>>)
      tpu.yield
    }) : () -> ()
    "tpu.region"() ({
      %run_scoped3A = tpu.sem_alloc : memref<!tpu.dma_semaphore, #tpu.memory_space<semaphore_mem>>
      %dma_start3A_78 = arith.constant 0 : i32
      %dma_start3A_79 = tpu.memref_slice %arg15[%dma_start3A_78] : memref<128xf32, #tpu.memory_space<vmem>> -> memref<32xf32, #tpu.memory_space<vmem>>
      %dma_start3A_80 = arith.constant 0 : i32
      %dma_start3A_81 = tpu.memref_slice %arg17[%dma_start3A_80] : memref<10240xf32, #tpu.memory_space<vmem_shared>> -> memref<10240xf32, #tpu.memory_space<vmem_shared>>
      tpu.enqueue_indirect_dma source(%dma_start3A_79 : memref<32xf32, #tpu.memory_space<vmem>>) target(%dma_start3A_81 : memref<10240xf32, #tpu.memory_space<vmem_shared>>) offsets(%arg13 : memref<32xi32, #tpu.memory_space<vmem>>) semaphore(%run_scoped3A : memref<!tpu.dma_semaphore, #tpu.memory_space<semaphore_mem>>) {add = true}
      %dma_wait3A_82 = arith.constant 0 : i32
      %dma_wait3A_83 = tpu.memref_slice %arg15[%dma_wait3A_82] : memref<128xf32, #tpu.memory_space<vmem>> -> memref<32xf32, #tpu.memory_space<vmem>>
      %dma_wait3A_84 = arith.constant 0 : i32
      %dma_wait3A_85 = tpu.memref_slice %arg17[%dma_wait3A_84] : memref<10240xf32, #tpu.memory_space<vmem_shared>> -> memref<10240xf32, #tpu.memory_space<vmem_shared>>
      tpu.wait_indirect_dma semaphore(%run_scoped3A : memref<!tpu.dma_semaphore, #tpu.memory_space<semaphore_mem>>) src(%dma_wait3A_83 : memref<32xf32, #tpu.memory_space<vmem>>) dst(%dma_wait3A_85 : memref<10240xf32, #tpu.memory_space<vmem_shared>>)
      tpu.yield
    }) : () -> ()
    "tpu.region"() ({
      %run_scoped3A = tpu.sem_alloc : memref<!tpu.dma_semaphore, #tpu.memory_space<semaphore_mem>>
      %dma_start3A_78 = arith.constant 0 : i32
      %dma_start3A_79 = tpu.memref_slice %arg15[%dma_start3A_78] : memref<128xf32, #tpu.memory_space<vmem>> -> memref<32xf32, #tpu.memory_space<vmem>>
      %dma_start3A_80 = arith.constant 0 : i32
      %dma_start3A_81 = tpu.memref_slice %arg18[%dma_start3A_80] : memref<10240xf32, #tpu.memory_space<vmem_shared>> -> memref<10240xf32, #tpu.memory_space<vmem_shared>>
      tpu.enqueue_indirect_dma source(%dma_start3A_79 : memref<32xf32, #tpu.memory_space<vmem>>) target(%dma_start3A_81 : memref<10240xf32, #tpu.memory_space<vmem_shared>>) offsets(%arg14 : memref<32xi32, #tpu.memory_space<vmem>>) semaphore(%run_scoped3A : memref<!tpu.dma_semaphore, #tpu.memory_space<semaphore_mem>>) {add = true}
      %dma_wait3A_82 = arith.constant 0 : i32
      %dma_wait3A_83 = tpu.memref_slice %arg15[%dma_wait3A_82] : memref<128xf32, #tpu.memory_space<vmem>> -> memref<32xf32, #tpu.memory_space<vmem>>
      %dma_wait3A_84 = arith.constant 0 : i32
      %dma_wait3A_85 = tpu.memref_slice %arg18[%dma_wait3A_84] : memref<10240xf32, #tpu.memory_space<vmem_shared>> -> memref<10240xf32, #tpu.memory_space<vmem_shared>>
      tpu.wait_indirect_dma semaphore(%run_scoped3A : memref<!tpu.dma_semaphore, #tpu.memory_space<semaphore_mem>>) src(%dma_wait3A_83 : memref<32xf32, #tpu.memory_space<vmem>>) dst(%dma_wait3A_85 : memref<10240xf32, #tpu.memory_space<vmem_shared>>)
      tpu.yield
    }) : () -> ()
    %barrier3A_55 = arith.constant 0 : index
    tpu.barrier barrier_id(%barrier3A_55)
    %mul3A_56 = arith.constant 640 : i32
    %mul3A_57 = arith.muli %arg1, %mul3A_56 : i32
    %mul3A_58 = arith.constant 2 : i32
    %mul3A_59 = arith.muli %arg0, %mul3A_58 : i32
    %add3A_60 = arith.constant 0 : i32
    %add3A_61 = arith.addi %mul3A_59, %add3A_60 : i32
    %mul3A_62 = arith.constant 10240 : i32
    %mul3A_63 = arith.muli %add3A_61, %mul3A_62 : i32
    %mul3A_64 = arith.constant 640 : i32
    %mul3A_65 = arith.muli %arg1, %mul3A_64 : i32
    %add3A_66 = arith.addi %mul3A_63, %mul3A_65 : i32
    "tpu.region"() ({
      %run_scoped3A = tpu.sem_alloc : memref<!tpu.dma_semaphore, #tpu.memory_space<semaphore_mem>>
      %dma_start3A_78 = tpu.memref_slice %arg4[%add3A_66] : memref<40960xf32, #tpu.memory_space<hbm>> -> memref<640xf32, #tpu.memory_space<hbm>>
      %dma_start3A_79 = tpu.memref_slice %arg17[%mul3A_57] : memref<10240xf32, #tpu.memory_space<vmem_shared>> -> memref<640xf32, #tpu.memory_space<vmem_shared>>
      tpu.enqueue_dma source(%dma_start3A_79 : memref<640xf32, #tpu.memory_space<vmem_shared>>) target(%dma_start3A_78 : memref<640xf32, #tpu.memory_space<hbm>>) target_semaphore(%run_scoped3A : memref<!tpu.dma_semaphore, #tpu.memory_space<semaphore_mem>>)
      %dma_wait3A_80 = tpu.memref_slice %arg4[%add3A_66] : memref<40960xf32, #tpu.memory_space<hbm>> -> memref<640xf32, #tpu.memory_space<hbm>>
      %dma_wait3A_81 = tpu.memref_slice %arg17[%mul3A_57] : memref<10240xf32, #tpu.memory_space<vmem_shared>> -> memref<640xf32, #tpu.memory_space<vmem_shared>>
      tpu.wait_dma2 semaphore(%run_scoped3A : memref<!tpu.dma_semaphore, #tpu.memory_space<semaphore_mem>>) src(%dma_wait3A_81 : memref<640xf32, #tpu.memory_space<vmem_shared>>) dst(%dma_wait3A_80 : memref<640xf32, #tpu.memory_space<hbm>>)
      tpu.yield
    }) : () -> ()
    %mul3A_67 = arith.constant 640 : i32
    %mul3A_68 = arith.muli %arg1, %mul3A_67 : i32
    %mul3A_69 = arith.constant 2 : i32
    %mul3A_70 = arith.muli %arg0, %mul3A_69 : i32
    %add3A_71 = arith.constant 1 : i32
    %add3A_72 = arith.addi %mul3A_70, %add3A_71 : i32
    %mul3A_73 = arith.constant 10240 : i32
    %mul3A_74 = arith.muli %add3A_72, %mul3A_73 : i32
    %mul3A_75 = arith.constant 640 : i32
    %mul3A_76 = arith.muli %arg1, %mul3A_75 : i32
    %add3A_77 = arith.addi %mul3A_74, %mul3A_76 : i32
    "tpu.region"() ({
      %run_scoped3A = tpu.sem_alloc : memref<!tpu.dma_semaphore, #tpu.memory_space<semaphore_mem>>
      %dma_start3A_78 = tpu.memref_slice %arg4[%add3A_77] : memref<40960xf32, #tpu.memory_space<hbm>> -> memref<640xf32, #tpu.memory_space<hbm>>
      %dma_start3A_79 = tpu.memref_slice %arg18[%mul3A_68] : memref<10240xf32, #tpu.memory_space<vmem_shared>> -> memref<640xf32, #tpu.memory_space<vmem_shared>>
      tpu.enqueue_dma source(%dma_start3A_79 : memref<640xf32, #tpu.memory_space<vmem_shared>>) target(%dma_start3A_78 : memref<640xf32, #tpu.memory_space<hbm>>) target_semaphore(%run_scoped3A : memref<!tpu.dma_semaphore, #tpu.memory_space<semaphore_mem>>)
      %dma_wait3A_80 = tpu.memref_slice %arg4[%add3A_77] : memref<40960xf32, #tpu.memory_space<hbm>> -> memref<640xf32, #tpu.memory_space<hbm>>
      %dma_wait3A_81 = tpu.memref_slice %arg18[%mul3A_68] : memref<10240xf32, #tpu.memory_space<vmem_shared>> -> memref<640xf32, #tpu.memory_space<vmem_shared>>
      tpu.wait_dma2 semaphore(%run_scoped3A : memref<!tpu.dma_semaphore, #tpu.memory_space<semaphore_mem>>) src(%dma_wait3A_81 : memref<640xf32, #tpu.memory_space<vmem_shared>>) dst(%dma_wait3A_80 : memref<640xf32, #tpu.memory_space<hbm>>)
      tpu.yield
    }) : () -> ()
    return
  }
}

module attributes {stable_mosaic.version = 14 : i64} {
  func.func @_prescale_body(%arg0: i32, %arg1: memref<1000x128xf32, #tpu.memory_space<vmem>>, %arg2: memref<1000x128xf32, #tpu.memory_space<vmem>>, %arg3: memref<1000x1xf32, #tpu.memory_space<vmem>>, %arg4: memref<1000x1xf32, #tpu.memory_space<vmem>>, %arg5: memref<1000x128xf32, #tpu.memory_space<vmem>>, %arg6: memref<1000x128xf32, #tpu.memory_space<vmem>>) attributes {dimension_semantics = [#tpu.dimension_semantics<arbitrary>], iteration_bounds = array<i64: 10>, scalar_prefetch = 0 : i64, scratch_operands = 0 : i64, tpu.core_type = #tpu.core_type<tc>, window_params = [{transform_indices = @transform_0, window_bounds = array<i64: 1000, 128>}, {transform_indices = @transform_1, window_bounds = array<i64: 1000, 128>}, {transform_indices = @transform_2, window_bounds = array<i64: 1000, 1>}, {transform_indices = @transform_3, window_bounds = array<i64: 1000, 1>}, {transform_indices = @transform_4, window_bounds = array<i64: 1000, 128>}, {transform_indices = @transform_5, window_bounds = array<i64: 1000, 128>}]} {
    %get3A = arith.constant 0 : index
    %get3A_0 = arith.constant 0 : index
    %get3A_1 = vector.load %arg1[%get3A, %get3A_0] : memref<1000x128xf32, #tpu.memory_space<vmem>>, vector<1000x128xf32>
    %get3A_2 = arith.constant 0 : index
    %get3A_3 = arith.constant 0 : index
    %get3A_4 = vector.load %arg3[%get3A_2, %get3A_3] : memref<1000x1xf32, #tpu.memory_space<vmem>>, vector<1000x1xf32>
    %max3A = arith.constant 1.000000e+00 : f32
    %max3A_5 = vector.broadcast %max3A : f32 to vector<1000x1xf32>
    %max3A_6 = arith.maximumf %get3A_4, %max3A_5 : vector<1000x1xf32>
    %rsqrt3A = math.rsqrt %max3A_6 : vector<1000x1xf32>
    %mul3A = vector.broadcast %rsqrt3A : vector<1000x1xf32> to vector<1000x128xf32>
    %mul3A_7 = arith.mulf %get3A_1, %mul3A : vector<1000x128xf32>
    %swap3A = arith.constant 0 : index
    %swap3A_8 = arith.constant 0 : index
    %swap3A_9 = vector.load %arg5[%swap3A, %swap3A_8] : memref<1000x128xf32, #tpu.memory_space<vmem>>, vector<1000x128xf32>
    tpu.vector_store %arg5[%swap3A, %swap3A_8], %mul3A_7 {strides = array<i32>} : memref<1000x128xf32, #tpu.memory_space<vmem>>, vector<1000x128xf32>,
    %get3A_10 = arith.constant 0 : index
    %get3A_11 = arith.constant 0 : index
    %get3A_12 = vector.load %arg2[%get3A_10, %get3A_11] : memref<1000x128xf32, #tpu.memory_space<vmem>>, vector<1000x128xf32>
    %get3A_13 = arith.constant 0 : index
    %get3A_14 = arith.constant 0 : index
    %get3A_15 = vector.load %arg4[%get3A_13, %get3A_14] : memref<1000x1xf32, #tpu.memory_space<vmem>>, vector<1000x1xf32>
    %max3A_16 = arith.constant 1.000000e+00 : f32
    %max3A_17 = vector.broadcast %max3A_16 : f32 to vector<1000x1xf32>
    %max3A_18 = arith.maximumf %get3A_15, %max3A_17 : vector<1000x1xf32>
    %rsqrt3A_19 = math.rsqrt %max3A_18 : vector<1000x1xf32>
    %mul3A_20 = vector.broadcast %rsqrt3A_19 : vector<1000x1xf32> to vector<1000x128xf32>
    %mul3A_21 = arith.mulf %get3A_12, %mul3A_20 : vector<1000x128xf32>
    %swap3A_22 = arith.constant 0 : index
    %swap3A_23 = arith.constant 0 : index
    %swap3A_24 = vector.load %arg6[%swap3A_22, %swap3A_23] : memref<1000x128xf32, #tpu.memory_space<vmem>>, vector<1000x128xf32>
    tpu.vector_store %arg6[%swap3A_22, %swap3A_23], %mul3A_21 {strides = array<i32>} : memref<1000x128xf32, #tpu.memory_space<vmem>>, vector<1000x128xf32>,
    return
  }
  func.func @transform_0(%arg0: i32) -> (i32, i32) {
    %c0_i32 = arith.constant 0 : i32
    %c0_i32_0 = arith.constant 0 : i32
    return %arg0, %c0_i32 : i32, i32
  }
  func.func @transform_1(%arg0: i32) -> (i32, i32) {
    %c0_i32 = arith.constant 0 : i32
    %c0_i32_0 = arith.constant 0 : i32
    return %arg0, %c0_i32 : i32, i32
  }
  func.func @transform_2(%arg0: i32) -> (i32, i32) {
    %c0_i32 = arith.constant 0 : i32
    %c0_i32_0 = arith.constant 0 : i32
    return %arg0, %c0_i32 : i32, i32
  }
  func.func @transform_3(%arg0: i32) -> (i32, i32) {
    %c0_i32 = arith.constant 0 : i32
    %c0_i32_0 = arith.constant 0 : i32
    return %arg0, %c0_i32 : i32, i32
  }
  func.func @transform_4(%arg0: i32) -> (i32, i32) {
    %c0_i32 = arith.constant 0 : i32
    %c0_i32_0 = arith.constant 0 : i32
    return %arg0, %c0_i32 : i32, i32
  }
  func.func @transform_5(%arg0: i32) -> (i32, i32) {
    %c0_i32 = arith.constant 0 : i32
    %c0_i32_0 = arith.constant 0 : i32
    return %arg0, %c0_i32 : i32, i32
  }
}

module attributes {stable_mosaic.version = 14 : i64} {
  func.func @_post1_body(%arg0: i32, %arg1: memref<1000x128xf32, #tpu.memory_space<vmem>>, %arg2: memref<1000x128xf32, #tpu.memory_space<vmem>>, %arg3: memref<1000x1xf32, #tpu.memory_space<vmem>>, %arg4: memref<1000x1xf32, #tpu.memory_space<vmem>>, %arg5: memref<1000x1xf32, #tpu.memory_space<vmem>>, %arg6: memref<1000x1xf32, #tpu.memory_space<vmem>>, %arg7: memref<128x128xf32, #tpu.memory_space<vmem>>, %arg8: memref<128x128xf32, #tpu.memory_space<vmem>>, %arg9: memref<1x128xf32, #tpu.memory_space<vmem>>, %arg10: memref<1x128xf32, #tpu.memory_space<vmem>>, %arg11: memref<1000x128xf32, #tpu.memory_space<vmem>>, %arg12: memref<1000x128xf32, #tpu.memory_space<vmem>>) attributes {dimension_semantics = [#tpu.dimension_semantics<arbitrary>], iteration_bounds = array<i64: 10>, scalar_prefetch = 0 : i64, scratch_operands = 0 : i64, tpu.core_type = #tpu.core_type<tc>, window_params = [{transform_indices = @transform_0, window_bounds = array<i64: 1000, 128>}, {transform_indices = @transform_1, window_bounds = array<i64: 1000, 128>}, {transform_indices = @transform_2, window_bounds = array<i64: 1000, 1>}, {transform_indices = @transform_3, window_bounds = array<i64: 1000, 1>}, {transform_indices = @transform_4, window_bounds = array<i64: 1000, 1>}, {transform_indices = @transform_5, window_bounds = array<i64: 1000, 1>}, {pipeline_mode = #tpu.pipeline_mode<synchronous>, transform_indices = @transform_6, window_bounds = array<i64: 128, 128>}, {pipeline_mode = #tpu.pipeline_mode<synchronous>, transform_indices = @transform_7, window_bounds = array<i64: 128, 128>}, {pipeline_mode = #tpu.pipeline_mode<synchronous>, transform_indices = @transform_8, window_bounds = array<i64: 1, 128>}, {pipeline_mode = #tpu.pipeline_mode<synchronous>, transform_indices = @transform_9, window_bounds = array<i64: 1, 128>}, {transform_indices = @transform_10, window_bounds = array<i64: 1000, 128>}, {transform_indices = @transform_11, window_bounds = array<i64: 1000, 128>}]} {
    %get3A = arith.constant 0 : index
    %get3A_0 = arith.constant 0 : index
    %get3A_1 = vector.load %arg1[%get3A, %get3A_0] : memref<1000x128xf32, #tpu.memory_space<vmem>>, vector<1000x128xf32>
    %get3A_2 = arith.constant 0 : index
    %get3A_3 = arith.constant 0 : index
    %get3A_4 = vector.load %arg3[%get3A_2, %get3A_3] : memref<1000x1xf32, #tpu.memory_space<vmem>>, vector<1000x1xf32>
    %max3A = arith.constant 1.000000e+00 : f32
    %max3A_5 = vector.broadcast %max3A : f32 to vector<1000x1xf32>
    %max3A_6 = arith.maximumf %get3A_4, %max3A_5 : vector<1000x1xf32>
    %rsqrt3A = math.rsqrt %max3A_6 : vector<1000x1xf32>
    %mul3A = vector.broadcast %rsqrt3A : vector<1000x1xf32> to vector<1000x128xf32>
    %mul3A_7 = arith.mulf %get3A_1, %mul3A : vector<1000x128xf32>
    %get3A_8 = arith.constant 0 : index
    %get3A_9 = arith.constant 0 : index
    %get3A_10 = vector.load %arg7[%get3A_8, %get3A_9] : memref<128x128xf32, #tpu.memory_space<vmem>>, vector<128x128xf32>
    %dot_general3A = arith.constant dense<0.000000e+00> : vector<1000x128xf32>
    %dot_general3A_11 = tpu.matmul %mul3A_7, %get3A_10, %dot_general3A {dimension_numbers = #tpu.dot_dimension_numbers<[1], [0], [0], [1], [0, 0, 1, 1], [], []>, transpose_lhs_hint = false} : vector<1000x128xf32>, vector<128x128xf32>, vector<1000x128xf32> -> vector<1000x128xf32>
    %get3A_12 = arith.constant 0 : index
    %get3A_13 = arith.constant 0 : index
    %get3A_14 = vector.load %arg9[%get3A_12, %get3A_13] : memref<1x128xf32, #tpu.memory_space<vmem>>, vector<1x128xf32>
    %add3A = vector.broadcast %get3A_14 : vector<1x128xf32> to vector<1000x128xf32>
    %add3A_15 = arith.addf %dot_general3A_11, %add3A : vector<1000x128xf32>
    %max3A_16 = arith.constant 0.000000e+00 : f32
    %max3A_17 = vector.broadcast %max3A_16 : f32 to vector<1000x128xf32>
    %max3A_18 = arith.maximumf %add3A_15, %max3A_17 : vector<1000x128xf32>
    %get3A_19 = arith.constant 0 : index
    %get3A_20 = arith.constant 0 : index
    %get3A_21 = vector.load %arg2[%get3A_19, %get3A_20] : memref<1000x128xf32, #tpu.memory_space<vmem>>, vector<1000x128xf32>
    %get3A_22 = arith.constant 0 : index
    %get3A_23 = arith.constant 0 : index
    %get3A_24 = vector.load %arg4[%get3A_22, %get3A_23] : memref<1000x1xf32, #tpu.memory_space<vmem>>, vector<1000x1xf32>
    %max3A_25 = arith.constant 1.000000e+00 : f32
    %max3A_26 = vector.broadcast %max3A_25 : f32 to vector<1000x1xf32>
    %max3A_27 = arith.maximumf %get3A_24, %max3A_26 : vector<1000x1xf32>
    %rsqrt3A_28 = math.rsqrt %max3A_27 : vector<1000x1xf32>
    %mul3A_29 = vector.broadcast %rsqrt3A_28 : vector<1000x1xf32> to vector<1000x128xf32>
    %mul3A_30 = arith.mulf %get3A_21, %mul3A_29 : vector<1000x128xf32>
    %get3A_31 = arith.constant 0 : index
    %get3A_32 = arith.constant 0 : index
    %get3A_33 = vector.load %arg8[%get3A_31, %get3A_32] : memref<128x128xf32, #tpu.memory_space<vmem>>, vector<128x128xf32>
    %dot_general3A_34 = arith.constant dense<0.000000e+00> : vector<1000x128xf32>
    %dot_general3A_35 = tpu.matmul %mul3A_30, %get3A_33, %dot_general3A_34 {dimension_numbers = #tpu.dot_dimension_numbers<[1], [0], [0], [1], [0, 0, 1, 1], [], []>, transpose_lhs_hint = false} : vector<1000x128xf32>, vector<128x128xf32>, vector<1000x128xf32> -> vector<1000x128xf32>
    %get3A_36 = arith.constant 0 : index
    %get3A_37 = arith.constant 0 : index
    %get3A_38 = vector.load %arg10[%get3A_36, %get3A_37] : memref<1x128xf32, #tpu.memory_space<vmem>>, vector<1x128xf32>
    %add3A_39 = vector.broadcast %get3A_38 : vector<1x128xf32> to vector<1000x128xf32>
    %add3A_40 = arith.addf %dot_general3A_35, %add3A_39 : vector<1000x128xf32>
    %max3A_41 = arith.constant 0.000000e+00 : f32
    %max3A_42 = vector.broadcast %max3A_41 : f32 to vector<1000x128xf32>
    %max3A_43 = arith.maximumf %add3A_40, %max3A_42 : vector<1000x128xf32>
    %get3A_44 = arith.constant 0 : index
    %get3A_45 = arith.constant 0 : index
    %get3A_46 = vector.load %arg6[%get3A_44, %get3A_45] : memref<1000x1xf32, #tpu.memory_space<vmem>>, vector<1000x1xf32>
    %max3A_47 = arith.constant 1.000000e+00 : f32
    %max3A_48 = vector.broadcast %max3A_47 : f32 to vector<1000x1xf32>
    %max3A_49 = arith.maximumf %get3A_46, %max3A_48 : vector<1000x1xf32>
    %rsqrt3A_50 = math.rsqrt %max3A_49 : vector<1000x1xf32>
    %mul3A_51 = vector.broadcast %rsqrt3A_50 : vector<1000x1xf32> to vector<1000x128xf32>
    %mul3A_52 = arith.mulf %max3A_18, %mul3A_51 : vector<1000x128xf32>
    %swap3A = arith.constant 0 : index
    %swap3A_53 = arith.constant 0 : index
    %swap3A_54 = vector.load %arg12[%swap3A, %swap3A_53] : memref<1000x128xf32, #tpu.memory_space<vmem>>, vector<1000x128xf32>
    tpu.vector_store %arg12[%swap3A, %swap3A_53], %mul3A_52 {strides = array<i32>} : memref<1000x128xf32, #tpu.memory_space<vmem>>, vector<1000x128xf32>,
    %get3A_55 = arith.constant 0 : index
    %get3A_56 = arith.constant 0 : index
    %get3A_57 = vector.load %arg5[%get3A_55, %get3A_56] : memref<1000x1xf32, #tpu.memory_space<vmem>>, vector<1000x1xf32>
    %max3A_58 = arith.constant 1.000000e+00 : f32
    %max3A_59 = vector.broadcast %max3A_58 : f32 to vector<1000x1xf32>
    %max3A_60 = arith.maximumf %get3A_57, %max3A_59 : vector<1000x1xf32>
    %rsqrt3A_61 = math.rsqrt %max3A_60 : vector<1000x1xf32>
    %mul3A_62 = vector.broadcast %rsqrt3A_61 : vector<1000x1xf32> to vector<1000x128xf32>
    %mul3A_63 = arith.mulf %max3A_43, %mul3A_62 : vector<1000x128xf32>
    %swap3A_64 = arith.constant 0 : index
    %swap3A_65 = arith.constant 0 : index
    %swap3A_66 = vector.load %arg11[%swap3A_64, %swap3A_65] : memref<1000x128xf32, #tpu.memory_space<vmem>>, vector<1000x128xf32>
    tpu.vector_store %arg11[%swap3A_64, %swap3A_65], %mul3A_63 {strides = array<i32>} : memref<1000x128xf32, #tpu.memory_space<vmem>>, vector<1000x128xf32>,
    return
  }
  func.func @transform_0(%arg0: i32) -> (i32, i32) {
    %c0_i32 = arith.constant 0 : i32
    %c0_i32_0 = arith.constant 0 : i32
    return %arg0, %c0_i32 : i32, i32
  }
  func.func @transform_1(%arg0: i32) -> (i32, i32) {
    %c0_i32 = arith.constant 0 : i32
    %c0_i32_0 = arith.constant 0 : i32
    return %arg0, %c0_i32 : i32, i32
  }
  func.func @transform_2(%arg0: i32) -> (i32, i32) {
    %c0_i32 = arith.constant 0 : i32
    %c0_i32_0 = arith.constant 0 : i32
    return %arg0, %c0_i32 : i32, i32
  }
  func.func @transform_3(%arg0: i32) -> (i32, i32) {
    %c0_i32 = arith.constant 0 : i32
    %c0_i32_0 = arith.constant 0 : i32
    return %arg0, %c0_i32 : i32, i32
  }
  func.func @transform_4(%arg0: i32) -> (i32, i32) {
    %c0_i32 = arith.constant 0 : i32
    %c0_i32_0 = arith.constant 0 : i32
    return %arg0, %c0_i32 : i32, i32
  }
  func.func @transform_5(%arg0: i32) -> (i32, i32) {
    %c0_i32 = arith.constant 0 : i32
    %c0_i32_0 = arith.constant 0 : i32
    return %arg0, %c0_i32 : i32, i32
  }
  func.func @transform_6(%arg0: i32) -> (i32, i32) {
    %c0_i32 = arith.constant 0 : i32
    %c0_i32_0 = arith.constant 0 : i32
    %c0_i32_1 = arith.constant 0 : i32
    return %c0_i32, %c0_i32_0 : i32, i32
  }
  func.func @transform_7(%arg0: i32) -> (i32, i32) {
    %c0_i32 = arith.constant 0 : i32
    %c0_i32_0 = arith.constant 0 : i32
    %c0_i32_1 = arith.constant 0 : i32
    return %c0_i32, %c0_i32_0 : i32, i32
  }
  func.func @transform_8(%arg0: i32) -> (i32, i32) {
    %c0_i32 = arith.constant 0 : i32
    %c0_i32_0 = arith.constant 0 : i32
    %c0_i32_1 = arith.constant 0 : i32
    return %c0_i32, %c0_i32_0 : i32, i32
  }
  func.func @transform_9(%arg0: i32) -> (i32, i32) {
    %c0_i32 = arith.constant 0 : i32
    %c0_i32_0 = arith.constant 0 : i32
    %c0_i32_1 = arith.constant 0 : i32
    return %c0_i32, %c0_i32_0 : i32, i32
  }
  func.func @transform_10(%arg0: i32) -> (i32, i32) {
    %c0_i32 = arith.constant 0 : i32
    %c0_i32_0 = arith.constant 0 : i32
    return %arg0, %c0_i32 : i32, i32
  }
  func.func @transform_11(%arg0: i32) -> (i32, i32) {
    %c0_i32 = arith.constant 0 : i32
    %c0_i32_0 = arith.constant 0 : i32
    return %arg0, %c0_i32 : i32, i32
  }
}

module attributes {stable_mosaic.version = 14 : i64} {
  func.func @_post2_body(%arg0: i32, %arg1: memref<1000x128xf32, #tpu.memory_space<vmem>>, %arg2: memref<1000x128xf32, #tpu.memory_space<vmem>>, %arg3: memref<1000x1xf32, #tpu.memory_space<vmem>>, %arg4: memref<1000x1xf32, #tpu.memory_space<vmem>>, %arg5: memref<128x128xf32, #tpu.memory_space<vmem>>, %arg6: memref<128x128xf32, #tpu.memory_space<vmem>>, %arg7: memref<1x128xf32, #tpu.memory_space<vmem>>, %arg8: memref<1x128xf32, #tpu.memory_space<vmem>>, %arg9: memref<1000x128xf32, #tpu.memory_space<vmem>>, %arg10: memref<1000x128xf32, #tpu.memory_space<vmem>>, %arg11: memref<1000x128xf32, #tpu.memory_space<vmem>>, %arg12: memref<1000x128xf32, #tpu.memory_space<vmem>>) attributes {dimension_semantics = [#tpu.dimension_semantics<arbitrary>], iteration_bounds = array<i64: 10>, scalar_prefetch = 0 : i64, scratch_operands = 0 : i64, tpu.core_type = #tpu.core_type<tc>, window_params = [{transform_indices = @transform_0, window_bounds = array<i64: 1000, 128>}, {transform_indices = @transform_1, window_bounds = array<i64: 1000, 128>}, {transform_indices = @transform_2, window_bounds = array<i64: 1000, 1>}, {transform_indices = @transform_3, window_bounds = array<i64: 1000, 1>}, {pipeline_mode = #tpu.pipeline_mode<synchronous>, transform_indices = @transform_4, window_bounds = array<i64: 128, 128>}, {pipeline_mode = #tpu.pipeline_mode<synchronous>, transform_indices = @transform_5, window_bounds = array<i64: 128, 128>}, {pipeline_mode = #tpu.pipeline_mode<synchronous>, transform_indices = @transform_6, window_bounds = array<i64: 1, 128>}, {pipeline_mode = #tpu.pipeline_mode<synchronous>, transform_indices = @transform_7, window_bounds = array<i64: 1, 128>}, {transform_indices = @transform_8, window_bounds = array<i64: 1000, 128>}, {transform_indices = @transform_9, window_bounds = array<i64: 1000, 128>}, {transform_indices = @transform_10, window_bounds = array<i64: 1000, 128>}, {transform_indices = @transform_11, window_bounds = array<i64: 1000, 128>}]} {
    %get3A = arith.constant 0 : index
    %get3A_0 = arith.constant 0 : index
    %get3A_1 = vector.load %arg1[%get3A, %get3A_0] : memref<1000x128xf32, #tpu.memory_space<vmem>>, vector<1000x128xf32>
    %get3A_2 = arith.constant 0 : index
    %get3A_3 = arith.constant 0 : index
    %get3A_4 = vector.load %arg3[%get3A_2, %get3A_3] : memref<1000x1xf32, #tpu.memory_space<vmem>>, vector<1000x1xf32>
    %max3A = arith.constant 1.000000e+00 : f32
    %max3A_5 = vector.broadcast %max3A : f32 to vector<1000x1xf32>
    %max3A_6 = arith.maximumf %get3A_4, %max3A_5 : vector<1000x1xf32>
    %rsqrt3A = math.rsqrt %max3A_6 : vector<1000x1xf32>
    %mul3A = vector.broadcast %rsqrt3A : vector<1000x1xf32> to vector<1000x128xf32>
    %mul3A_7 = arith.mulf %get3A_1, %mul3A : vector<1000x128xf32>
    %get3A_8 = arith.constant 0 : index
    %get3A_9 = arith.constant 0 : index
    %get3A_10 = vector.load %arg5[%get3A_8, %get3A_9] : memref<128x128xf32, #tpu.memory_space<vmem>>, vector<128x128xf32>
    %dot_general3A = arith.constant dense<0.000000e+00> : vector<1000x128xf32>
    %dot_general3A_11 = tpu.matmul %mul3A_7, %get3A_10, %dot_general3A {dimension_numbers = #tpu.dot_dimension_numbers<[1], [0], [0], [1], [0, 0, 1, 1], [], []>, transpose_lhs_hint = false} : vector<1000x128xf32>, vector<128x128xf32>, vector<1000x128xf32> -> vector<1000x128xf32>
    %get3A_12 = arith.constant 0 : index
    %get3A_13 = arith.constant 0 : index
    %get3A_14 = vector.load %arg7[%get3A_12, %get3A_13] : memref<1x128xf32, #tpu.memory_space<vmem>>, vector<1x128xf32>
    %add3A = vector.broadcast %get3A_14 : vector<1x128xf32> to vector<1000x128xf32>
    %add3A_15 = arith.addf %dot_general3A_11, %add3A : vector<1000x128xf32>
    %max3A_16 = arith.constant 0.000000e+00 : f32
    %max3A_17 = vector.broadcast %max3A_16 : f32 to vector<1000x128xf32>
    %max3A_18 = arith.maximumf %add3A_15, %max3A_17 : vector<1000x128xf32>
    %get3A_19 = arith.constant 0 : index
    %get3A_20 = arith.constant 0 : index
    %get3A_21 = vector.load %arg2[%get3A_19, %get3A_20] : memref<1000x128xf32, #tpu.memory_space<vmem>>, vector<1000x128xf32>
    %get3A_22 = arith.constant 0 : index
    %get3A_23 = arith.constant 0 : index
    %get3A_24 = vector.load %arg4[%get3A_22, %get3A_23] : memref<1000x1xf32, #tpu.memory_space<vmem>>, vector<1000x1xf32>
    %max3A_25 = arith.constant 1.000000e+00 : f32
    %max3A_26 = vector.broadcast %max3A_25 : f32 to vector<1000x1xf32>
    %max3A_27 = arith.maximumf %get3A_24, %max3A_26 : vector<1000x1xf32>
    %rsqrt3A_28 = math.rsqrt %max3A_27 : vector<1000x1xf32>
    %mul3A_29 = vector.broadcast %rsqrt3A_28 : vector<1000x1xf32> to vector<1000x128xf32>
    %mul3A_30 = arith.mulf %get3A_21, %mul3A_29 : vector<1000x128xf32>
    %get3A_31 = arith.constant 0 : index
    %get3A_32 = arith.constant 0 : index
    %get3A_33 = vector.load %arg6[%get3A_31, %get3A_32] : memref<128x128xf32, #tpu.memory_space<vmem>>, vector<128x128xf32>
    %dot_general3A_34 = arith.constant dense<0.000000e+00> : vector<1000x128xf32>
    %dot_general3A_35 = tpu.matmul %mul3A_30, %get3A_33, %dot_general3A_34 {dimension_numbers = #tpu.dot_dimension_numbers<[1], [0], [0], [1], [0, 0, 1, 1], [], []>, transpose_lhs_hint = false} : vector<1000x128xf32>, vector<128x128xf32>, vector<1000x128xf32> -> vector<1000x128xf32>
    %get3A_36 = arith.constant 0 : index
    %get3A_37 = arith.constant 0 : index
    %get3A_38 = vector.load %arg8[%get3A_36, %get3A_37] : memref<1x128xf32, #tpu.memory_space<vmem>>, vector<1x128xf32>
    %add3A_39 = vector.broadcast %get3A_38 : vector<1x128xf32> to vector<1000x128xf32>
    %add3A_40 = arith.addf %dot_general3A_35, %add3A_39 : vector<1000x128xf32>
    %max3A_41 = arith.constant 0.000000e+00 : f32
    %max3A_42 = vector.broadcast %max3A_41 : f32 to vector<1000x128xf32>
    %max3A_43 = arith.maximumf %add3A_40, %max3A_42 : vector<1000x128xf32>
    %get3A_44 = arith.constant 0 : index
    %get3A_45 = arith.constant 0 : index
    %get3A_46 = vector.load %arg10[%get3A_44, %get3A_45] : memref<1000x128xf32, #tpu.memory_space<vmem>>, vector<1000x128xf32>
    %add3A_47 = arith.addf %max3A_18, %get3A_46 : vector<1000x128xf32>
    %max3A_48 = arith.constant 0.000000e+00 : f32
    %max3A_49 = vector.broadcast %max3A_48 : f32 to vector<1000x128xf32>
    %max3A_50 = arith.maximumf %add3A_47, %max3A_49 : vector<1000x128xf32>
    %swap3A = arith.constant 0 : index
    %swap3A_51 = arith.constant 0 : index
    %swap3A_52 = vector.load %arg12[%swap3A, %swap3A_51] : memref<1000x128xf32, #tpu.memory_space<vmem>>, vector<1000x128xf32>
    tpu.vector_store %arg12[%swap3A, %swap3A_51], %max3A_50 {strides = array<i32>} : memref<1000x128xf32, #tpu.memory_space<vmem>>, vector<1000x128xf32>,
    %get3A_53 = arith.constant 0 : index
    %get3A_54 = arith.constant 0 : index
    %get3A_55 = vector.load %arg9[%get3A_53, %get3A_54] : memref<1000x128xf32, #tpu.memory_space<vmem>>, vector<1000x128xf32>
    %add3A_56 = arith.addf %max3A_43, %get3A_55 : vector<1000x128xf32>
    %max3A_57 = arith.constant 0.000000e+00 : f32
    %max3A_58 = vector.broadcast %max3A_57 : f32 to vector<1000x128xf32>
    %max3A_59 = arith.maximumf %add3A_56, %max3A_58 : vector<1000x128xf32>
    %swap3A_60 = arith.constant 0 : index
    %swap3A_61 = arith.constant 0 : index
    %swap3A_62 = vector.load %arg11[%swap3A_60, %swap3A_61] : memref<1000x128xf32, #tpu.memory_space<vmem>>, vector<1000x128xf32>
    tpu.vector_store %arg11[%swap3A_60, %swap3A_61], %max3A_59 {strides = array<i32>} : memref<1000x128xf32, #tpu.memory_space<vmem>>, vector<1000x128xf32>,
    return
  }
  func.func @transform_0(%arg0: i32) -> (i32, i32) {
    %c0_i32 = arith.constant 0 : i32
    %c0_i32_0 = arith.constant 0 : i32
    return %arg0, %c0_i32 : i32, i32
  }
  func.func @transform_1(%arg0: i32) -> (i32, i32) {
    %c0_i32 = arith.constant 0 : i32
    %c0_i32_0 = arith.constant 0 : i32
    return %arg0, %c0_i32 : i32, i32
  }
  func.func @transform_2(%arg0: i32) -> (i32, i32) {
    %c0_i32 = arith.constant 0 : i32
    %c0_i32_0 = arith.constant 0 : i32
    return %arg0, %c0_i32 : i32, i32
  }
  func.func @transform_3(%arg0: i32) -> (i32, i32) {
    %c0_i32 = arith.constant 0 : i32
    %c0_i32_0 = arith.constant 0 : i32
    return %arg0, %c0_i32 : i32, i32
  }
  func.func @transform_4(%arg0: i32) -> (i32, i32) {
    %c0_i32 = arith.constant 0 : i32
    %c0_i32_0 = arith.constant 0 : i32
    %c0_i32_1 = arith.constant 0 : i32
    return %c0_i32, %c0_i32_0 : i32, i32
  }
  func.func @transform_5(%arg0: i32) -> (i32, i32) {
    %c0_i32 = arith.constant 0 : i32
    %c0_i32_0 = arith.constant 0 : i32
    %c0_i32_1 = arith.constant 0 : i32
    return %c0_i32, %c0_i32_0 : i32, i32
  }
  func.func @transform_6(%arg0: i32) -> (i32, i32) {
    %c0_i32 = arith.constant 0 : i32
    %c0_i32_0 = arith.constant 0 : i32
    %c0_i32_1 = arith.constant 0 : i32
    return %c0_i32, %c0_i32_0 : i32, i32
  }
  func.func @transform_7(%arg0: i32) -> (i32, i32) {
    %c0_i32 = arith.constant 0 : i32
    %c0_i32_0 = arith.constant 0 : i32
    %c0_i32_1 = arith.constant 0 : i32
    return %c0_i32, %c0_i32_0 : i32, i32
  }
  func.func @transform_8(%arg0: i32) -> (i32, i32) {
    %c0_i32 = arith.constant 0 : i32
    %c0_i32_0 = arith.constant 0 : i32
    return %arg0, %c0_i32 : i32, i32
  }
  func.func @transform_9(%arg0: i32) -> (i32, i32) {
    %c0_i32 = arith.constant 0 : i32
    %c0_i32_0 = arith.constant 0 : i32
    return %arg0, %c0_i32 : i32, i32
  }
  func.func @transform_10(%arg0: i32) -> (i32, i32) {
    %c0_i32 = arith.constant 0 : i32
    %c0_i32_0 = arith.constant 0 : i32
    return %arg0, %c0_i32 : i32, i32
  }
  func.func @transform_11(%arg0: i32) -> (i32, i32) {
    %c0_i32 = arith.constant 0 : i32
    %c0_i32_0 = arith.constant 0 : i32
    return %arg0, %c0_i32 : i32, i32
  }
}

</mosaic_0001>

<sc_bundles>
// kernel: kernel.11.cloned.1.call-start
scs
__scs_entry_jumppad:
0x0: {  	(pc) =	sbr.rel $0x88, $3  }
0x1: {  	(tag) =	ssettag $0x0;
	lr =	simm.s32 $0x1  }
0x2: {  	[smem:$0x3F95] =	sst lr;
	_ =	strace $0xD0000000  }
0x3: {  	_ = 	snop  }
0x4: {  	_ = 	snop  }
0x5: {  	_ = 	snop  }
0x6: {  	_ = 	snop  }
0x7: {  	_ = 	snop  }
__scs_overlays_trampoline_lowered:
0x8: {  	[smem:$0x3FA4] =	sst s0  }
0x9: {  	[smem:$0x3FA5] =	sst s1  }
0xa: {  	[smem:$0x3FA6] =	sst s2  }
0xb: {  	[smem:$0x3FA7] =	sst s3  }
0xc: {  	[smem:$0x3FA8] =	sst s4  }
0xd: {  	[smem:$0x3FA9] =	sst s5  }
0xe: {  	[smem:$0x3FAA] =	sst s6  }
0xf: {  	[smem:$0x3FAB] =	sst s7  }
0x10: {  	[smem:$0x3FAC] =	sst s8  }
0x11: {  	[smem:$0x3FAD] =	sst s9;
	s0 =	simm.s32 @!p0 $0x0  }
0x12: {  	s1 =	sld [smem:$0x3F93];
	s0 =	simm.s32 @p0 $0x1  }
0x13: {  	[smem:$0x3FAE] =	sst s0;
	s0 =	simm.s32 @!p1 $0x0  }
0x14: {  	s2 =	sld [smem:$0x3F92];
	s0 =	simm.s32 @p1 $0x1  }
0x15: {  	[smem:$0x3FAF] =	sst s0;
	s0 =	simm.s32 @!p2 $0x0  }
0x16: {  	s3 =	sld [smem:$0x3FDB];
	s0 =	simm.s32 @p2 $0x1  }
0x17: {  	s4 =	simm.s32 $0x1BF5;
	[smem:$0x3FB1] =	sst s0  }
0x18: {  	s0 =	sld [smem:$0x3F94];
	_ =	swait.ge [sflag:s4], $0x0  }
0x19: {  	s7 =	sld [smem:$0x3F95]  }
0x1a: {  	s8 =	sadd.s32 $0xFFFFE003, lr  }
0x1b: {  	s9 =	sadd.s32 $0xFFFFFEF7, lr;
	s5 =	simm.s32 $0xFFFFFFFF;
	p2 =	slt.u32 s8, $0xFFFFF086  }
0x1c: {  	p1 =	slt.u32 s9, $0xF7A;
	s5 =	simm.s32 @!p2 $0x0  }
0x1d: {  	s5 =	simm.s32 @p1 $0x1;
	p0 =	seq.s32 s7, s2  }
0x1e: {  	s7 =	smul.u32 @!p0 $0xF7A, s2;
	p2 =	seq.s32 @!p0 s5, $0x0  }
0x1f: {  	s9 =	smul.u32 $0xF7A, s1;
	s8 =	simm.s32 @!p0 $0x1BF5;
	p2 =	por !p2, p0  }
0x20: {  	[sflag:s8] =	ssyncset.s32 @!p0 $0xFFFFF086;
	s6 =	sadd.s32 @!p0 s3, s7;
	s7 =	simm.s32 @!p0 $0x108  }
0x21: {  	s3 =	sadd.s32 s3, s9;
	s6 =	sadd.s32 @!p0 $0x88, s6;
	s7 =	simm.s32 @p2 $0x1082  }
0x22: {  	[simem:s7], [sflag:s8] =	dma.local @!p0 [hbm:s6], $0xF7A  }
0x23: {  	s9 =	sor.u32 $0xD0000000, s2;
	s6 =	simm.s32 $0x108;
	_ =	swait.ge @!p0 [sflag:s8], $0x0  }
0x24: {  	s3 =	sadd.s32 $0x88, s3;
	s6 =	simm.s32 @!p1 $0x1082;
	[sflag:s4] =	ssyncset.s32 $0xFFFFF086  }
0x25: {  	[simem:s6], [sflag:s4] =	dma.local [hbm:s3], $0xF7A  }
0x26: {  	[smem:$0x3F95] =	sst s1;
	(tag) =	ssettag s2;
	_ =	strace s9  }
0x27: {  	s1 =	sld [smem:$0x3FA5]  }
0x28: {  	s2 =	sld [smem:$0x3FA6]  }
0x29: {  	s4 =	sld [smem:$0x3FA8]  }
0x2a: {  	p0 =	seq.s32 s5, $0x0;
	s5 =	sld [smem:$0x3FA9]  }
0x2b: {  	s6 =	sld [smem:$0x3FAA]  }
0x2c: {  	s7 =	sld [smem:$0x3FAB]  }
0x2d: {  	s3 =	simm.s32 $0x108;
	s8 =	sld [smem:$0x3FAC]  }
0x2e: {  	s3 =	simm.s32 @!p0 $0x1082;
	s9 =	sld [smem:$0x3FAD]  }
0x2f: {  	lr =	sadd.s32 s0, s3;
	s0 =	sld [smem:$0x3FA4]  }
0x30: {  	s3 =	sld [smem:$0x3FA7]  }
0x31: {  	[smem:$0x3FB0] =	sst s10  }
0x32: {  	s10 =	sld [smem:$0x3FAE];
	_ =	sdelay $0x3  }
0x33: {  	p0 =	seq.s32 s10, $0x1;
	s10 =	sld [smem:$0x3FB0];
	_ =	sdelay $0x3  }
0x34: {  	[smem:$0x3FB0] =	sst s10  }
0x35: {  	s10 =	sld [smem:$0x3FAF];
	_ =	sdelay $0x3  }
0x36: {  	p1 =	seq.s32 s10, $0x1;
	s10 =	sld [smem:$0x3FB0];
	_ =	sdelay $0x3  }
0x37: {  	[smem:$0x3FB0] =	sst s10  }
0x38: {  	s10 =	sld [smem:$0x3FB1]  }
0x39: {  	_ = 	snop;
	(pc) =	sbr.ind lr, $3  }
0x3a: {  	_ = 	snop  }
0x3b: {  	_ = 	snop  }
0x3c: {  	p2 =	seq.s32 s10, $0x1;
	s10 =	sld [smem:$0x3FB0]  }
0x3d: {  	_ =	shalt  }
0x3e: {  	_ =	shalt  }
0x3f: {  	_ =	shalt  }
0x40: {  	_ =	shalt  }
0x41: {  	_ =	shalt  }
0x42: {  	_ =	shalt  }
0x43: {  	_ =	shalt  }
0x44: {  	_ =	shalt  }
0x45: {  	_ =	shalt  }
0x46: {  	_ =	shalt  }
0x47: {  	_ =	shalt  }
0x48: {  	_ =	shalt  }
0x49: {  	_ =	shalt  }
0x4a: {  	_ =	shalt  }
0x4b: {  	_ =	shalt  }
0x4c: {  	_ =	shalt  }
0x4d: {  	_ =	shalt  }
0x4e: {  	_ =	shalt  }
0x4f: {  	_ =	shalt  }
0x50: {  	_ =	shalt  }
0x51: {  	_ =	shalt  }
0x52: {  	_ =	shalt  }
0x53: {  	_ =	shalt  }
0x54: {  	_ =	shalt  }
0x55: {  	_ =	shalt  }
0x56: {  	_ =	shalt  }
0x57: {  	_ =	shalt  }
0x58: {  	_ =	shalt  }
0x59: {  	_ =	shalt  }
0x5a: {  	_ =	shalt  }
0x5b: {  	_ =	shalt  }
0x5c: {  	_ =	shalt  }
0x5d: {  	_ =	shalt  }
0x5e: {  	_ =	shalt  }
0x5f: {  	_ =	shalt  }
0x60: {  	_ =	shalt  }
0x61: {  	_ =	shalt  }
0x62: {  	_ =	shalt  }
0x63: {  	_ =	shalt  }
0x64: {  	_ =	shalt  }
0x65: {  	_ =	shalt  }
0x66: {  	_ =	shalt  }
0x67: {  	_ =	shalt  }
0x68: {  	_ =	shalt  }
0x69: {  	_ =	shalt  }
0x6a: {  	_ =	shalt  }
0x6b: {  	_ =	shalt  }
0x6c: {  	_ =	shalt  }
0x6d: {  	_ =	shalt  }
0x6e: {  	_ =	shalt  }
0x6f: {  	_ =	shalt  }
0x70: {  	_ =	shalt  }
0x71: {  	_ =	shalt  }
0x72: {  	_ =	shalt  }
0x73: {  	_ =	shalt  }
0x74: {  	_ =	shalt  }
0x75: {  	_ =	shalt  }
0x76: {  	_ =	shalt  }
0x77: {  	_ =	shalt  }
0x78: {  	_ =	shalt  }
0x79: {  	_ =	shalt  }
0x7a: {  	_ =	shalt  }
0x7b: {  	_ =	shalt  }
0x7c: {  	_ =	shalt  }
0x7d: {  	_ =	shalt  }
0x7e: {  	_ =	shalt  }
0x7f: {  	_ =	shalt  }
0x80: {  	_ =	shalt  }
0x81: {  	_ =	shalt  }
0x82: {  	_ =	shalt  }
0x83: {  	_ =	shalt  }
0x84: {  	_ =	shalt  }
0x85: {  	_ =	shalt  }
0x86: {  	_ =	shalt  }
0x87: {  	_ =	shalt  }
.Lfunc_end0:
.L_simem_size_0:
called_computation.1_lowered:
.L_overlay_start_0:
0x88: {  	s2 =	sld [smem:$0x3FD9]  }
0x89: {  	s3 =	sld [smem:$0x3FFE];
	_ =	sdelay $0x1  }
0x8a: {  	s1 =	srdreg.scid  }
0x8b: {  	s0 =	sand.u32 $0x1, s1  }
0x8c: {  	s16 =	sshll.u32 s0, $0xA;
	s2 =	sadd.s32 s3, s2  }
0x8d: {  	s2 =	sadd.s32 s2, s16  }
0x8e: {  	[smem:$0x3FBC] =	sst s2  }
0x8f: {  	_ = 	snop  }
0x90: {  	(tm) =	ssettm $0x1  }
0x91: {  	s17 =	sld [smem:$0x3FFB];
	_ =	sdelay $0x3  }
0x92: {  	_ =	strace s17  }
0x93: {  	s2 =	sld [smem:$0x3FFC];
	_ =	sdelay $0x3  }
0x94: {  	_ =	strace s2  }
0x95: {  	s2 =	sld [smem:$0x3FFD];
	_ =	sdelay $0x3  }
0x96: {  	_ =	strace s2  }
0x97: {  	_ =	strace $0x8FFFFFFF  }
0x98: {  	s18 =	sld [smem:$0x3FDB];
	_ =	sdelay $0x1  }
0x99: {  	s19 =	simm.s32 $_scs_section_size  }
0x9a: {  	s4 =	simm.s32 $_size__tile_overlayer_lowered;
	s5 =	simm.s32 $_tile_overlayer_lowered  }
0x9b: {  	s22 =	simm.s32 $0x1BFF;
	s21 =	sshll.u32 s5, $0x1;
	s2 =	sadd.s32 s19, s18  }
0x9c: {  	s6 =	simm.s32 $0x0;
	s20 =	sshll.u32 s4, $0x1;
	s4 =	sadd.s32 s21, s2  }
0x9d: {  	[timem:s6], [sflag:s22] =	dma.local [hbm:s4], s20  }
0x9e: {  	_ =	swait.ge [sflag:s22], s20  }
0x9f: {  	s3 =	ssub.s32 $0x0, s20;
	[sflag:s22] =	ssyncset.done $0x0  }
0xa0: {  	[sflag:s22] =	ssyncadd.s32 s3;
	_ =	sdelay $0x1  }
0xa1: {  	s23 =	simm.s32 $0x1B8B  }
0xa2: {  	_ =	swait.ge [sflag:s23], $0x1  }
0xa3: {  	[sflag:s23] =	ssyncset.done $0x0  }
0xa4: {  	s25 =	simm.s32 $0x1B8E;
	s24 =	sld [smem:$0x3FFE];
	[sflag:s23] =	ssyncadd.s32 $0xFFFFFFFF  }
0xa5: {  	s26 =	simm.s32 $execute0_lowered;
	[smem:$0x3FD2] =	sst s25  }
0xa6: {  	s4 =	sshll.u32 s26, $0x1;
	_ =	strace $0x80000049;
	[dreg:$0x1] =	wrdreg $0xFFFFFFFF  }
0xa7: {  	s28 =	simm.s32 $_size_execute0_lowered;
	s2 =	sadd.s32 s2, s4;
	[dreg:$0x0] =	wrdreg $0x0  }
0xa8: {  	s4 =	sshll.u32 s28, $0x1;
	[dreg:$0x2] =	wrdreg s2  }
0xa9: {  	[dreg:$0x3] =	wrdreg s4  }
0xaa: {  	[dreg:$0x4] =	wrdreg $0xC0  }
0xab: {  	_ =	task [dreg:s6], $0x5FFFF  }
0xac: {  	[dreg:$0x1] =	wrdreg $0xFFFFFFFF  }
0xad: {  	[dreg:$0x0] =	wrdreg $0x60  }
0xae: {  	[dreg:$0x2] =	wrdreg s24  }
0xaf: {  	[dreg:$0x3] =	wrdreg $0x85000  }
0xb0: {  	[dreg:$0x4] =	wrdreg $0x9  }
0xb1: {  	_ =	task.clear_ibuf [dreg:s6], $0x5FFFF;
	_ =	strace $0x90000049  }
0xb2: {  	s29 =	simm.s32 $0x9;
	_ =	strace $0x8000004B  }
0xb3: {  	_ =	swait.ge [sflag:s29], $0x1  }
0xb4: {  	[sflag:s29] =	ssyncadd.s32 $0xFFFFFFFF  }
0xb5: {  	_ =	strace $0x9000004B  }
0xb6: {  	_ =	sfence  }
0xb7: {  	s30 =	sld [smem:$0x0];
	_ =	sdelay $0x2  }
0xb8: {  	s31 =	sshll.u32 s1, $0xD;
	s1 =	sshrl.u32 s1, $0x2  }
0xb9: {  	s3 =	sand.u32 $0x4000, s31;
	s1 =	sadd.s32 s1, s30  }
0xba: {  	s0 =	sor.u32 s3, s0;
	s1 =	sshll.u32 s1, $0x11  }
0xbb: {  	s0 =	sor.u32 s1, s0  }
0xbc: {  	s0 =	sadd.s32 $0x8F2B, s0  }
0xbd: {  	[sflag:s0] =	ssyncadd.remote.s32 $0x1  }
0xbe: {  	_ =	sfence.sel $0xFFFF  }
0xbf: {  	[dreg:$0x0] =	wrdreg $0xFFFFFFFF;
	(pc) =	sbr.abs _section_cstart, $3  }
0xc0: {  	[dreg:$0x1] =	wrdreg $0xFFFFFFFF  }
0xc1: {  	_ =	task.clear_ibuf [dreg:s6], $0x2FFFF;
	_ =	strace $0x9FFFFFFF  }
0xc2: {  	(tm) =	ssettm $0x7FFFFFFF  }
0xc3: {  	_ =	shalt  }
tec
execute0_lowered:
.L_overlay_start_1:
0x0: {  	(tag) =	ssettag $0x1  }
0x1: {  	s0 =	rddreg [dreg:$0x0]  }
0x2: {  	s1 =	rddreg [dreg:$0x1];
	s3 =	srdreg.scid  }
0x3: {  	s5 =	simm.s32 $0x0;
	s13 =	stileid.u32;
	s18 =	simm.s32 $0x5  }
0x4: {  	s30 =	simm.s32 $0x2;
	s31 =	simm.s32 $0x4500;
	s29 =	simm.s32 $0x380  }
0x5: {  	s28 =	simm.s32 $0x200;
	s3 =	sand.u32 $0x1, s3;
	s9 =	smul.u32 $0x4E20, s13  }
0x6: {  	[smem:$0x7FF] =	sst s5;
	s4 =	sadd.s32 $0x2A800, s0;
	s15 =	smul.u32 $0x50000, s13  }
0x7: {  	s6 =	sadd.s32 $0x3400, s0;
	s25 =	sadd.s32 $0x16E00, s0;
	s7 =	smul.u32 $0x27100, s3  }
0x8: {  	p0 =	seq.s32 s13, $0xF;
	s8 =	smul.u32 $0x4E200, s3;
	s3 =	ssub.s32 $0x2, s3  }
0x9: {  	_ =	strace $0x8000004A;
	s18 =	simm.s32 @!p0 $0x8;
	s10 =	sshrl.u32 s3, $0x1  }
0xa: {  	[dreg:$0x9] =	wrdreg s18;
	s0 =	sadd.s32 s7, s0;
	s7 =	sadd.s32 s9, s8  }
0xb: {  	s3 =	ssub.s32 s3, s10;
	s8 =	simm.s32 $0x5;
	s9 =	sshrl.u32 s7, $0x3  }
0xc: {  	s2 =	sadd.s32 $0x300, s7;
	s17 =	sadd.s32 $0x280, s7;
	s3 =	smax.u32 s3, $0x1  }
0xd: {  	s21 =	sadd.s32 s6, s9;
	s22 =	sadd.s32 s25, s9;
	s23 =	sadd.s32 $0x10, s9  }
0xe: {  	s11 =	sadd.s32 $0x20, s9;
	s9 =	sadd.s32 $0x9C0, s9;
	[dreg:$0x12] =	wrdreg s3  }
0xf: {  	s14 =	sshrl.u32 s2, $0x3;
	s19 =	sshrl.u32 s17, $0x3;
	[dreg:$0xa] =	wrdreg s21  }
0x10: {  	s2 =	simm.s32 $0x100;
	[dreg:$0xb] =	wrdreg s22;
	s12 =	sadd.s32 s6, s23  }
0x11: {  	s10 =	sadd.s32 s25, s23;
	s24 =	sadd.s32 s6, s11;
	[dreg:$0xc] =	wrdreg s12  }
0x12: {  	s26 =	sadd.s32 s25, s11;
	s16 =	sadd.s32 s14, s25;
	[dreg:$0xd] =	wrdreg s10  }
0x13: {  	s20 =	sadd.s32 s19, s25;
	s21 =	sshrl.u32 s15, $0x2;
	[dreg:$0xe] =	wrdreg s24  }
0x14: {  	s22 =	sadd.s32 $0x180, s7;
	s23 =	sadd.s32 s19, s6;
	[dreg:$0xf] =	wrdreg s26  }
0x15: {  	s7 =	sadd.s32 $0x200, s7;
	s11 =	simm.s32 $0x6;
	[dreg:$0x3] =	wrdreg s16  }
0x16: {  	s12 =	sadd.s32 s6, s9;
	s9 =	sadd.s32 s25, s9;
	[dreg:$0x5] =	wrdreg s20  }
0x17: {  	s3 =	sshrl.u32 s22, $0x3;
	s24 =	smul.u32 $0x2800, s13;
	[dreg:$0x6] =	wrdreg s23  }
0x18: {  	s19 =	sadd.s32 s21, s1;
	[dreg:$0x14] =	wrdreg s7;
	s21 =	simm.s32 $0x500  }
0x19: {  	s22 =	simm.s32 $0x9;
	s20 =	simm.s32 $0x200;
	[dreg:$0x10] =	wrdreg s12  }
0x1a: {  	s23 =	simm.s32 $0x280;
	s10 =	simm.s32 $0x3;
	[dreg:$0x11] =	wrdreg s9  }
0x1b: {  	s13 =	simm.s32 $0x4;
	s9 =	sadd.s32 s14, s6;
	[dreg:$0x13] =	wrdreg s19  }
0x1c: {  	s26 =	sadd.s32 s3, s25;
	s3 =	sadd.s32 s3, s6;
	[dreg:$0x4] =	wrdreg s9  }
0x1d: {  	s12 =	simm.s32 $0x8;
	s14 =	simm.s32 $0x0;
	[dreg:$0x7] =	wrdreg s26  }
0x1e: {  	s0 =	sadd.s32 s24, s0;
	[dreg:$0x8] =	wrdreg s3;
	s24 =	simm.s32 $0x80  }
0x1f: {  	s3 =	simm.s32 $0x180;
	s26 =	simm.s32 $0x380;
	s0 =	sadd.s32 $0x78A00, s0  }
0x20: {  	v0 =	vimm.f32 $0.0e+00;
	s9 =	simm.s32 $0x7;
	[dreg:$0x15] =	wrdreg s0;
	s0 =	simm.s32 $0x300  }
.LBB2_1:
0x21: {  	[dreg:$0x16] =	wrdreg s14;
	s7 =	simm.s32 $0x70;
	s14 =	simm.s32 $0x3C0  }
.LBB2_2:
0x22: {  	p0 =	sne.s32 s14, $0x9FC0;
	[tilespmem:s7+$0x500] =	vst v0  }
0x23: {  	[tilespmem:s7+$0x490] =	vst v0  }
0x24: {  	[tilespmem:s7+$0x4A0] =	vst v0  }
.Ltmp0:
0x25: {  	[tilespmem:s7+$0x4B0] =	vst v0;
	(pc) =	sbr.rel @p0 .LBB2_2-.Ltmp0, $4  }
0x26: {  	[tilespmem:s7+$0x4C0] =	vst v0  }
0x27: {  	[tilespmem:s7+$0x4D0] =	vst v0  }
0x28: {  	[tilespmem:s7+$0x4E0] =	vst v0  }
0x29: {  	[tilespmem:s7+$0x4F0] =	vst v0;
	s7 =	sshra.s32 s14, $0x2;
	s14 =	sadd.s32 $0x200, s14  }
0x2a: {  	[tilespmem:s7+$0x500] =	vst v0  }
0x2b: {  	[tilespmem:s7+$0x490] =	vst v0  }
0x2c: {  	[tilespmem:s7+$0x4A0] =	vst v0  }
0x2d: {  	[tilespmem:s7+$0x4B0] =	vst v0  }
0x2e: {  	[tilespmem:s7+$0x4C0] =	vst v0  }
0x2f: {  	[tilespmem:s7+$0x4D0] =	vst v0;
	p0 =	sne.s32 s18, $0x1  }
.Ltmp1:
0x30: {  	[tilespmem:s7+$0x4E0] =	vst v0;
	(pc) =	sbr.rel @!p0 .LBB2_5-.Ltmp1, $4  }
0x31: {  	[tilespmem:s7+$0x4F0] =	vst v0  }
0x32: {  	[spmem:s19] =	stream.linear.scatter [tilespmem:s21], [sflag:$0x9], $0x2800, $0x38;
	[tilespmem:$0x1BD80] =	vst v63  }
0x33: {  	_ =	swait.ge [sflag:s22], $0x2800  }
0x34: {  	s7 =	sadd.s32 $0xFFFFFFFF, s18;
	s14 =	smov.u32 s19;
	[sflag:s22] =	ssyncset.done $0x0  }
.LBB2_4:
0x35: {  	p1 =	sne.s32 s7, $0x1;
	[sflag:s22] =	ssyncadd.s32 $0xFFFFD800;
	s14 =	sadd.s32 $0x2800, s14  }
.Ltmp2:
0x36: {  	s7 =	sadd.s32 $0xFFFFFFFF, s7;
	(pc) =	sbr.rel @p1 .LBB2_4-.Ltmp2, $4  }
0x37: {  	_ = 	snop  }
0x38: {  	[spmem:s14] =	stream.linear.scatter [tilespmem:s21], [sflag:$0x9], $0x2800, $0x38;
	[tilespmem:$0x1BD80] =	vst v63  }
0x39: {  	_ =	swait.ge [sflag:s22], $0x2800  }
0x3a: {  	[sflag:s22] =	ssyncset.done $0x0  }
.LBB2_5:
0x3b: {  	[sflag:s22] =	ssyncadd.s32 $0xFFFFD800  }
0x3c: {  	[bflag:$0x0] =	sbarrier.arrive $0xFFFF  }
0x3d: {  	s15 =	simm.s32 $0x0;
	s7 =	rddreg [dreg:$0xa]  }
0x3e: {  	[tilespmem:s15], [sflag:$0x1] =	stream.linear.gather [hbm4b:s7+s15], $0x80, $0x38;
	[tilespmem:$0x1BD80] =	vst v63  }
0x3f: {  	s18 =	rddreg [dreg:$0xb]  }
0x40: {  	[tilespmem:s20], [sflag:$0x1] =	stream.linear.gather [hbm4b:s18+s15], $0x80, $0x38;
	[tilespmem:$0x1BD80] =	vst v63  }
0x41: {  	s19 =	rddreg [dreg:$0xc]  }
0x42: {  	[tilespmem:s24], [sflag:$0x2] =	stream.linear.gather [hbm4b:s19+s15], $0x80, $0x38;
	[tilespmem:$0x1BD80] =	vst v63  }
0x43: {  	s16 =	simm.s32 $0x1;
	s14 =	rddreg [dreg:$0xd]  }
0x44: {  	[tilespmem:s23], [sflag:$0x2] =	stream.linear.gather [hbm4b:s14+s15], $0x80, $0x38;
	[tilespmem:$0x1BD80] =	vst v63  }
0x45: {  	_ =	swait.ge [sflag:s16], $0x80  }
0x46: {  	[sflag:s16] =	ssyncset.done $0x0  }
0x47: {  	[sflag:s16] =	ssyncadd.s32 $0xFFFFFF80  }
0x48: {  	_ =	swait.ge [sflag:s16], $0x80  }
0x49: {  	[sflag:s16] =	ssyncset.done $0x0  }
0x4a: {  	p1 =	por $0x1, $0x1;
	[sflag:s16] =	ssyncadd.s32 $0xFFFFFF80  }
0x4b: {  	[tilespmem:s21], [sflag:$0x5] =	stream.indirect.gather [hbm4b:s4+s24], $0x80, s15, s24, $0xb8;
	[tilespmem:$0x1BD80] =	vst v63  }
0x4c: {  	p1 =	por p1, p1;
	s17 =	rddreg [dreg:$0xe]  }
0x4d: {  	[tilespmem:s2], [sflag:$0x3] =	stream.linear.gather [hbm4b:s17+s15], $0x80, $0x38;
	[tilespmem:$0x1BD80] =	vst v63  }
0x4e: {  	s7 =	simm.s32 @!p1 $0x8;
	s18 =	rddreg [dreg:$0xf]  }
0x4f: {  	[tilespmem:s0], [sflag:$0x3] =	stream.linear.gather [hbm4b:s18+s15], $0x80, $0x38;
	[tilespmem:$0x1BD80] =	vst v63  }
0x50: {  	_ =	swait.ge @!p1 [sflag:s7], $0x4000  }
0x51: {  	[sflag:s7] =	ssyncset.done @!p1 $0x0  }
0x52: {  	[sflag:s7] =	ssyncadd.s32 @!p1 $0xFFFFC000  }
0x53: {  	_ =	swait.ge [sflag:s30], $0x80  }
0x54: {  	[sflag:s30] =	ssyncset.done $0x0  }
0x55: {  	[sflag:s30] =	ssyncadd.s32 $0xFFFFFF80  }
0x56: {  	_ =	swait.ge [sflag:s30], $0x80  }
0x57: {  	[sflag:s30] =	ssyncset.done $0x0  }
0x58: {  	[sflag:s30] =	ssyncadd.s32 $0xFFFFFF80  }
0x59: {  	[tilespmem:s31], [sflag:$0x6] =	stream.indirect.gather [hbm4b:s4+s24], $0x80, s24, s24, $0xb8;
	[tilespmem:$0x1BD80] =	vst v63  }
0x5a: {  	_ =	swait.ge [sflag:s8], $0x4000  }
0x5b: {  	[sflag:s8] =	ssyncset.done $0x0  }
0x5c: {  	s19 =	rddreg [dreg:$0x8];
	[sflag:s8] =	ssyncadd.s32 $0xFFFFC000  }
0x5d: {  	[spmem:s1] =	stream.indirect.scatter.add.f32 [tilespmem:s21], [sflag:$0x7], $0x80, s20, s24, $0xb8;
	[tilespmem:$0x1BD80] =	vst v63  }
0x5e: {  	s14 =	rddreg [dreg:$0x7];
	s7 =	sadd.s32 $0x0, s19  }
0x5f: {  	[tilespmem:s3], [sflag:$0x4] =	stream.linear.gather [hbm4b:s7+s5], $0x80, $0x38;
	[tilespmem:$0x1BD80] =	vst v63  }
0x60: {  	s20 =	sadd.s32 $0x0, s14  }
0x61: {  	[tilespmem:s26], [sflag:$0x4] =	stream.linear.gather [hbm4b:s20+s5], $0x80, $0x38;
	[tilespmem:$0x1BD80] =	vst v63  }
0x62: {  	_ =	swait.ge [sflag:s9], $0x4000  }
0x63: {  	[sflag:s9] =	ssyncset.done $0x0  }
0x64: {  	[sflag:s9] =	ssyncadd.s32 $0xFFFFC000  }
0x65: {  	_ =	swait.ge [sflag:s10], $0x80  }
0x66: {  	[sflag:s10] =	ssyncset.done $0x0  }
0x67: {  	[sflag:s10] =	ssyncadd.s32 $0xFFFFFF80  }
0x68: {  	_ =	swait.ge [sflag:s10], $0x80  }
0x69: {  	[sflag:s10] =	ssyncset.done $0x0  }
0x6a: {  	[sflag:s10] =	ssyncadd.s32 $0xFFFFFF80  }
0x6b: {  	[tilespmem:s21], [sflag:$0x5] =	stream.indirect.gather [hbm4b:s4+s24], $0x80, s2, s24, $0xb8;
	[tilespmem:$0x1BD80] =	vst v63  }
0x6c: {  	_ =	swait.ge [sflag:s11], $0x4000  }
0x6d: {  	p1 =	por $0x0, $0x0;
	[sflag:s11] =	ssyncset.done $0x0;
	s19 =	rddreg [dreg:$0x14]  }
0x6e: {  	s7 =	sshrl.u32 @!p1 s19, $0x3;
	[sflag:s11] =	ssyncadd.s32 $0xFFFFC000  }
0x6f: {  	[spmem:s1] =	stream.indirect.scatter.add.f32 [tilespmem:s31], [sflag:$0x8], $0x80, s23, s24, $0xb8;
	[tilespmem:$0x1BD80] =	vst v63  }
0x70: {  	s16 =	simm.s32 @!p1 $0x0;
	s14 =	sadd.s32 @!p1 s6, s7  }
0x71: {  	[tilespmem:s16], [sflag:$0x1] =	stream.linear.gather @!p1 [hbm4b:s14+s16], $0x80, $0x38;
	[tilespmem:$0x1BD80] =	vst v63  }
0x72: {  	s7 =	sadd.s32 @!p1 s25, s7;
	s14 =	simm.s32 @!p1 $0x200  }
0x73: {  	[tilespmem:s14], [sflag:$0x1] =	stream.linear.gather @!p1 [hbm4b:s7+s16], $0x80, $0x38;
	[tilespmem:$0x1BD80] =	vst v63  }
0x74: {  	_ =	swait.ge [sflag:s12], $0x4000  }
0x75: {  	[sflag:s12] =	ssyncset.done $0x0  }
0x76: {  	[sflag:s12] =	ssyncadd.s32 $0xFFFFC000  }
0x77: {  	_ =	swait.ge [sflag:s13], $0x80  }
0x78: {  	[sflag:s13] =	ssyncset.done $0x0  }
0x79: {  	[sflag:s13] =	ssyncadd.s32 $0xFFFFFF80  }
0x7a: {  	_ =	swait.ge [sflag:s13], $0x80  }
0x7b: {  	[sflag:s13] =	ssyncset.done $0x0  }
0x7c: {  	[sflag:s13] =	ssyncadd.s32 $0xFFFFFF80  }
0x7d: {  	[tilespmem:s31], [sflag:$0x6] =	stream.indirect.gather [hbm4b:s4+s24], $0x80, s3, s24, $0xb8;
	[tilespmem:$0x1BD80] =	vst v63  }
0x7e: {  	_ =	swait.ge [sflag:s8], $0x4000  }
0x7f: {  	[sflag:s8] =	ssyncset.done $0x0  }
0x80: {  	s7 =	rddreg [dreg:$0x6];
	[sflag:s8] =	ssyncadd.s32 $0xFFFFC000  }
0x81: {  	[spmem:s1] =	stream.indirect.scatter.add.f32 [tilespmem:s21], [sflag:$0x7], $0x80, s0, s24, $0xb8;
	[tilespmem:$0x1BD80] =	vst v63  }
0x82: {  	s17 =	simm.s32 @!p1 $0x80;
	s14 =	rddreg [dreg:$0x5];
	s7 =	sadd.s32 @!p1 $0x0, s7  }
0x83: {  	[tilespmem:s17], [sflag:$0x2] =	stream.linear.gather @!p1 [hbm4b:s7+s16], $0x80, $0x38;
	[tilespmem:$0x1BD80] =	vst v63  }
0x84: {  	s7 =	sadd.s32 @!p1 $0x0, s14;
	s14 =	simm.s32 @!p1 $0x280  }
0x85: {  	[tilespmem:s14], [sflag:$0x2] =	stream.linear.gather @!p1 [hbm4b:s7+s16], $0x80, $0x38;
	[tilespmem:$0x1BD80] =	vst v63  }
0x86: {  	_ =	swait.ge [sflag:s9], $0x4000  }
0x87: {  	p1 =	por $0x0, $0x0;
	[sflag:s9] =	ssyncset.done $0x0  }
0x88: {  	s7 =	simm.s32 @!p1 $0x1;
	[sflag:s9] =	ssyncadd.s32 $0xFFFFC000  }
0x89: {  	p6 =	por $0x0, $0x0;
	_ =	swait.ge @!p1 [sflag:s7], $0x80  }
0x8a: {  	p3 =	por $0x0, $0x0;
	s20 =	simm.s32 $0x1;
	[sflag:s7] =	ssyncset.done @!p1 $0x0  }
0x8b: {  	s5 =	simm.s32 $0x0;
	s2 =	simm.s32 $0x100;
	[sflag:s7] =	ssyncadd.s32 @!p1 $0xFFFFFF80  }
0x8c: {  	s19 =	sadd.s32 $0x200, s19;
	s23 =	simm.s32 @!p3 $0x100;
	_ =	swait.ge @!p1 [sflag:s7], $0x80  }
0x8d: {  	s3 =	simm.s32 $0x180;
	s16 =	simm.s32 @!p1 $0x500;
	[sflag:s7] =	ssyncset.done @!p1 $0x0  }
0x8e: {  	s17 =	simm.s32 @!p1 $0x80;
	s18 =	simm.s32 @!p1 $0x0;
	[sflag:s7] =	ssyncadd.s32 @!p1 $0xFFFFFF80  }
0x8f: {  	[tilespmem:s16], [sflag:$0x5] =	stream.indirect.gather @!p1 [hbm4b:s4+s17], $0x80, s18, s17, $0xb8;
	[tilespmem:$0x1BD80] =	vst v63  }
0x90: {  	s0 =	smov.u32 s25;
	s14 =	simm.s32 $0x40;
	_ =	swait.ge [sflag:s11], $0x4000  }
0x91: {  	s7 =	simm.s32 $0x80;
	p1 =	por p6, p6;
	[sflag:s11] =	ssyncset.done $0x0  }
0x92: {  	s16 =	simm.s32 $0x7;
	s17 =	rddreg [dreg:$0x3];
	[sflag:s11] =	ssyncadd.s32 $0xFFFFC000  }
0x93: {  	[spmem:s1] =	stream.indirect.scatter.add.f32 [tilespmem:s31], [sflag:$0x8], $0x80, s26, s24, $0xb8;
	[tilespmem:$0x1BD80] =	vst v63  }
0x94: {  	s18 =	simm.s32 @!p3 $0x0;
	s17 =	sadd.s32 @!p3 $0x0, s17;
	s26 =	rddreg [dreg:$0x4]  }
.LBB2_6:
0x95: {  	s25 =	sadd.s32 @!p3 s15, s26  }
0x96: {  	[tilespmem:s23], [sflag:$0x3] =	stream.linear.gather @!p3 [hbm4b:s25+s18], $0x80, $0x38;
	[tilespmem:$0x1BD80] =	vst v63  }
0x97: {  	s23 =	simm.s32 @!p1 $0x8;
	s25 =	simm.s32 @!p3 $0x300  }
0x98: {  	[tilespmem:s25], [sflag:$0x3] =	stream.linear.gather @!p3 [hbm4b:s17+s18], $0x80, $0x38;
	[tilespmem:$0x1BD80] =	vst v63  }
0x99: {  	_ =	swait.ge @!p1 [sflag:s23], $0x4000  }
0x9a: {  	[sflag:s23] =	ssyncset.done @!p1 $0x0  }
0x9b: {  	[sflag:s23] =	ssyncadd.s32 @!p1 $0xFFFFC000  }
0x9c: {  	_ =	swait.ge [sflag:s30], $0x80  }
0x9d: {  	[sflag:s30] =	ssyncset.done $0x0  }
0x9e: {  	[sflag:s30] =	ssyncadd.s32 $0xFFFFFF80  }
0x9f: {  	_ =	swait.ge [sflag:s30], $0x80  }
0xa0: {  	[sflag:s30] =	ssyncset.done $0x0  }
0xa1: {  	[sflag:s30] =	ssyncadd.s32 $0xFFFFFF80  }
0xa2: {  	[tilespmem:s31], [sflag:$0x6] =	stream.indirect.gather [hbm4b:s4+s24], $0x80, s24, s24, $0xb8;
	[tilespmem:$0x1BD80] =	vst v63  }
0xa3: {  	_ =	swait.ge [sflag:s8], $0x4000  }
0xa4: {  	[sflag:s8] =	ssyncset.done $0x0  }
0xa5: {  	s15 =	smov.u32 s14;
	s23 =	rddreg [dreg:$0x8];
	[sflag:s8] =	ssyncadd.s32 $0xFFFFC000  }
0xa6: {  	[spmem:s1] =	stream.indirect.scatter.add.f32 [tilespmem:s21], [sflag:$0x7], $0x80, s28, s24, $0xb8;
	[tilespmem:$0x1BD80] =	vst v63  }
0xa7: {  	s25 =	rddreg [dreg:$0x7];
	s17 =	sadd.s32 s15, s23  }
0xa8: {  	[tilespmem:s3], [sflag:$0x4] =	stream.linear.gather [hbm4b:s17+s5], $0x80, $0x38;
	[tilespmem:$0x1BD80] =	vst v63  }
0xa9: {  	s23 =	sadd.s32 s15, s25  }
0xaa: {  	[tilespmem:s29], [sflag:$0x4] =	stream.linear.gather [hbm4b:s23+s5], $0x80, $0x38;
	[tilespmem:$0x1BD80] =	vst v63  }
0xab: {  	_ =	swait.ge [sflag:s9], $0x4000  }
0xac: {  	[sflag:s9] =	ssyncset.done $0x0  }
0xad: {  	[sflag:s9] =	ssyncadd.s32 $0xFFFFC000  }
0xae: {  	_ =	swait.ge [sflag:s10], $0x80  }
0xaf: {  	[sflag:s10] =	ssyncset.done $0x0  }
0xb0: {  	[sflag:s10] =	ssyncadd.s32 $0xFFFFFF80  }
0xb1: {  	_ =	swait.ge [sflag:s10], $0x80  }
0xb2: {  	[sflag:s10] =	ssyncset.done $0x0  }
0xb3: {  	[sflag:s10] =	ssyncadd.s32 $0xFFFFFF80  }
0xb4: {  	[tilespmem:s21], [sflag:$0x5] =	stream.indirect.gather [hbm4b:s4+s24], $0x80, s2, s24, $0xb8;
	[tilespmem:$0x1BD80] =	vst v63  }
0xb5: {  	_ =	swait.ge [sflag:s11], $0x4000  }
0xb6: {  	p3 =	sgt.u32 s20, $0x25;
	[sflag:s11] =	ssyncset.done $0x0  }
0xb7: {  	s25 =	simm.s32 $0x280;
	s17 =	sshrl.u32 @!p3 s19, $0x3;
	[sflag:s11] =	ssyncadd.s32 $0xFFFFC000  }
0xb8: {  	[spmem:s1] =	stream.indirect.scatter.add.f32 [tilespmem:s31], [sflag:$0x8], $0x80, s25, s24, $0xb8;
	[tilespmem:$0x1BD80] =	vst v63  }
0xb9: {  	s18 =	sadd.s32 @!p3 s6, s17;
	s23 =	simm.s32 @!p3 $0x0  }
0xba: {  	[tilespmem:s23], [sflag:$0x1] =	stream.linear.gather @!p3 [hbm4b:s18+s23], $0x80, $0x38;
	[tilespmem:$0x1BD80] =	vst v63  }
0xbb: {  	s17 =	sadd.s32 @!p3 s0, s17;
	s18 =	simm.s32 @!p3 $0x200  }
0xbc: {  	[tilespmem:s18], [sflag:$0x1] =	stream.linear.gather @!p3 [hbm4b:s17+s23], $0x80, $0x38;
	[tilespmem:$0x1BD80] =	vst v63  }
0xbd: {  	_ =	swait.ge [sflag:s12], $0x4000  }
0xbe: {  	[sflag:s12] =	ssyncset.done $0x0  }
0xbf: {  	[sflag:s12] =	ssyncadd.s32 $0xFFFFC000  }
0xc0: {  	_ =	swait.ge [sflag:s13], $0x80  }
0xc1: {  	[sflag:s13] =	ssyncset.done $0x0  }
0xc2: {  	[sflag:s13] =	ssyncadd.s32 $0xFFFFFF80  }
0xc3: {  	_ =	swait.ge [sflag:s13], $0x80  }
0xc4: {  	[sflag:s13] =	ssyncset.done $0x0  }
0xc5: {  	[sflag:s13] =	ssyncadd.s32 $0xFFFFFF80  }
0xc6: {  	[tilespmem:s31], [sflag:$0x6] =	stream.indirect.gather [hbm4b:s4+s24], $0x80, s3, s24, $0xb8;
	[tilespmem:$0x1BD80] =	vst v63  }
0xc7: {  	_ =	swait.ge [sflag:s8], $0x4000  }
0xc8: {  	[sflag:s8] =	ssyncset.done $0x0  }
0xc9: {  	s25 =	simm.s32 $0x300;
	s17 =	rddreg [dreg:$0x6];
	[sflag:s8] =	ssyncadd.s32 $0xFFFFC000  }
0xca: {  	[spmem:s1] =	stream.indirect.scatter.add.f32 [tilespmem:s21], [sflag:$0x7], $0x80, s25, s24, $0xb8;
	[tilespmem:$0x1BD80] =	vst v63  }
0xcb: {  	s18 =	rddreg [dreg:$0x5];
	s17 =	sadd.s32 @!p3 s15, s17;
	s25 =	simm.s32 @!p3 $0x80  }
0xcc: {  	[tilespmem:s25], [sflag:$0x2] =	stream.linear.gather @!p3 [hbm4b:s17+s23], $0x80, $0x38;
	[tilespmem:$0x1BD80] =	vst v63  }
0xcd: {  	s17 =	sadd.s32 @!p3 s15, s18;
	s18 =	simm.s32 @!p3 $0x280  }
0xce: {  	[tilespmem:s18], [sflag:$0x2] =	stream.linear.gather @!p3 [hbm4b:s17+s23], $0x80, $0x38;
	[tilespmem:$0x1BD80] =	vst v63  }
0xcf: {  	p4 =	seq.s32 s7, $0x0;
	_ =	swait.ge [sflag:s9], $0x4000  }
0xd0: {  	p1 =	por p4, p4;
	p4 =	sgt.u32 s16, $0x9A;
	[sflag:s9] =	ssyncset.done $0x0  }
0xd1: {  	s17 =	simm.s32 @!p4 $0x1;
	[sflag:s9] =	ssyncadd.s32 $0xFFFFC000  }
0xd2: {  	_ =	swait.ge @!p4 [sflag:s17], $0x80  }
0xd3: {  	[sflag:s17] =	ssyncset.done @!p4 $0x0  }
0xd4: {  	s14 =	smov.u32 s7;
	s7 =	sadd.s32 $0x40, s7;
	[sflag:s17] =	ssyncadd.s32 @!p4 $0xFFFFFF80  }
0xd5: {  	s26 =	smov.u32 s16;
	p2 =	sne.s32 s7, $0x9C0;
	_ =	swait.ge @!p4 [sflag:s17], $0x80  }
0xd6: {  	s20 =	sadd.s32 $0x1, s20;
	s25 =	simm.s32 @!p4 $0x0;
	[sflag:s17] =	ssyncset.done @!p4 $0x0  }
0xd7: {  	s18 =	simm.s32 @!p4 $0x500;
	s23 =	simm.s32 @!p4 $0x80;
	[sflag:s17] =	ssyncadd.s32 @!p4 $0xFFFFFF80  }
0xd8: {  	[tilespmem:s18], [sflag:$0x5] =	stream.indirect.gather @!p4 [hbm4b:s4+s23], $0x80, s25, s23, $0xb8;
	[tilespmem:$0x1BD80] =	vst v63  }
.Ltmp3:
0xd9: {  	s16 =	sadd.s32 $0x4, s16;
	p3 =	sgt.u32 s26, $0x98;
	(pc) =	sbr.rel @p2 .LBB2_6-.Ltmp3, $4  }
0xda: {  	s19 =	sadd.s32 $0x200, s19;
	s18 =	simm.s32 @!p3 $0x0;
	_ =	swait.ge [sflag:s11], $0x4000  }
0xdb: {  	s23 =	simm.s32 @!p3 $0x100;
	[sflag:s11] =	ssyncset.done $0x0;
	s17 =	rddreg [dreg:$0x3]  }
0xdc: {  	s26 =	rddreg [dreg:$0x4];
	[sflag:s11] =	ssyncadd.s32 $0xFFFFC000;
	s17 =	sadd.s32 @!p3 s15, s17  }
0xdd: {  	[spmem:s1] =	stream.indirect.scatter.add.f32 [tilespmem:s31], [sflag:$0x8], $0x80, s29, s24, $0xb8;
	[tilespmem:$0x1BD80] =	vst v63  }
0xde: {  	s7 =	sadd.s32 @!p3 s15, s26  }
0xdf: {  	[tilespmem:s23], [sflag:$0x3] =	stream.linear.gather @!p3 [hbm4b:s7+s18], $0x80, $0x38;
	[tilespmem:$0x1BD80] =	vst v63  }
0xe0: {  	s7 =	simm.s32 @!p3 $0x300  }
0xe1: {  	[tilespmem:s7], [sflag:$0x3] =	stream.linear.gather @!p3 [hbm4b:s17+s18], $0x80, $0x38;
	[tilespmem:$0x1BD80] =	vst v63  }
0xe2: {  	s7 =	simm.s32 @!p1 $0x8  }
0xe3: {  	_ =	swait.ge @!p1 [sflag:s7], $0x4000  }
0xe4: {  	[sflag:s7] =	ssyncset.done @!p1 $0x0  }
0xe5: {  	[sflag:s7] =	ssyncadd.s32 @!p1 $0xFFFFC000  }
0xe6: {  	_ =	swait.ge [sflag:s30], $0x80  }
0xe7: {  	[sflag:s30] =	ssyncset.done $0x0  }
0xe8: {  	[sflag:s30] =	ssyncadd.s32 $0xFFFFFF80  }
0xe9: {  	_ =	swait.ge [sflag:s30], $0x80  }
0xea: {  	[sflag:s30] =	ssyncset.done $0x0  }
0xeb: {  	[sflag:s30] =	ssyncadd.s32 $0xFFFFFF80  }
0xec: {  	[tilespmem:s31], [sflag:$0x6] =	stream.indirect.gather [hbm4b:s4+s24], $0x80, s24, s24, $0xb8;
	[tilespmem:$0x1BD80] =	vst v63  }
0xed: {  	_ =	swait.ge [sflag:s8], $0x4000  }
0xee: {  	[sflag:s8] =	ssyncset.done $0x0  }
0xef: {  	s18 =	rddreg [dreg:$0x8];
	[sflag:s8] =	ssyncadd.s32 $0xFFFFC000  }
0xf0: {  	[spmem:s1] =	stream.indirect.scatter.add.f32 [tilespmem:s21], [sflag:$0x7], $0x80, s28, s24, $0xb8;
	[tilespmem:$0x1BD80] =	vst v63  }
0xf1: {  	s23 =	rddreg [dreg:$0x7];
	s7 =	sadd.s32 s14, s18  }
0xf2: {  	[tilespmem:s3], [sflag:$0x4] =	stream.linear.gather [hbm4b:s7+s5], $0x80, $0x38;
	[tilespmem:$0x1BD80] =	vst v63  }
0xf3: {  	s25 =	sadd.s32 s14, s23  }
0xf4: {  	[tilespmem:s29], [sflag:$0x4] =	stream.linear.gather [hbm4b:s25+s5], $0x80, $0x38;
	[tilespmem:$0x1BD80] =	vst v63  }
0xf5: {  	_ =	swait.ge [sflag:s9], $0x4000  }
0xf6: {  	[sflag:s9] =	ssyncset.done $0x0  }
0xf7: {  	[sflag:s9] =	ssyncadd.s32 $0xFFFFC000  }
0xf8: {  	_ =	swait.ge [sflag:s10], $0x80  }
0xf9: {  	[sflag:s10] =	ssyncset.done $0x0  }
0xfa: {  	[sflag:s10] =	ssyncadd.s32 $0xFFFFFF80  }
0xfb: {  	_ =	swait.ge [sflag:s10], $0x80  }
0xfc: {  	[sflag:s10] =	ssyncset.done $0x0  }
0xfd: {  	[sflag:s10] =	ssyncadd.s32 $0xFFFFFF80  }
0xfe: {  	[tilespmem:s21], [sflag:$0x5] =	stream.indirect.gather [hbm4b:s4+s24], $0x80, s2, s24, $0xb8;
	[tilespmem:$0x1BD80] =	vst v63  }
0xff: {  	_ =	swait.ge [sflag:s11], $0x4000  }
0x100: {  	p1 =	sgt.u32 s20, $0x25;
	[sflag:s11] =	ssyncset.done $0x0  }
0x101: {  	s26 =	simm.s32 $0x280;
	s7 =	sshrl.u32 @!p1 s19, $0x3;
	[sflag:s11] =	ssyncadd.s32 $0xFFFFC000  }
0x102: {  	[spmem:s1] =	stream.indirect.scatter.add.f32 [tilespmem:s31], [sflag:$0x8], $0x80, s26, s24, $0xb8;
	[tilespmem:$0x1BD80] =	vst v63  }
0x103: {  	s17 =	simm.s32 @!p1 $0x0;
	s15 =	sadd.s32 @!p1 s6, s7  }
0x104: {  	[tilespmem:s17], [sflag:$0x1] =	stream.linear.gather @!p1 [hbm4b:s15+s17], $0x80, $0x38;
	[tilespmem:$0x1BD80] =	vst v63  }
0x105: {  	s7 =	sadd.s32 @!p1 s0, s7;
	s15 =	simm.s32 @!p1 $0x200  }
0x106: {  	[tilespmem:s15], [sflag:$0x1] =	stream.linear.gather @!p1 [hbm4b:s7+s17], $0x80, $0x38;
	[tilespmem:$0x1BD80] =	vst v63  }
0x107: {  	_ =	swait.ge [sflag:s12], $0x4000  }
0x108: {  	[sflag:s12] =	ssyncset.done $0x0  }
0x109: {  	[sflag:s12] =	ssyncadd.s32 $0xFFFFC000  }
0x10a: {  	_ =	swait.ge [sflag:s13], $0x80  }
0x10b: {  	[sflag:s13] =	ssyncset.done $0x0  }
0x10c: {  	[sflag:s13] =	ssyncadd.s32 $0xFFFFFF80  }
0x10d: {  	_ =	swait.ge [sflag:s13], $0x80  }
0x10e: {  	[sflag:s13] =	ssyncset.done $0x0  }
0x10f: {  	[sflag:s13] =	ssyncadd.s32 $0xFFFFFF80  }
0x110: {  	[tilespmem:s31], [sflag:$0x6] =	stream.indirect.gather [hbm4b:s4+s24], $0x80, s3, s24, $0xb8;
	[tilespmem:$0x1BD80] =	vst v63  }
0x111: {  	_ =	swait.ge [sflag:s8], $0x4000  }
0x112: {  	[sflag:s8] =	ssyncset.done $0x0  }
0x113: {  	s3 =	simm.s32 $0x300;
	s7 =	rddreg [dreg:$0x6];
	[sflag:s8] =	ssyncadd.s32 $0xFFFFC000  }
0x114: {  	[spmem:s1] =	stream.indirect.scatter.add.f32 [tilespmem:s21], [sflag:$0x7], $0x80, s3, s24, $0xb8;
	[tilespmem:$0x1BD80] =	vst v63  }
0x115: {  	s18 =	simm.s32 @!p1 $0x80;
	s15 =	rddreg [dreg:$0x5];
	s7 =	sadd.s32 @!p1 s14, s7  }
0x116: {  	[tilespmem:s18], [sflag:$0x2] =	stream.linear.gather @!p1 [hbm4b:s7+s17], $0x80, $0x38;
	[tilespmem:$0x1BD80] =	vst v63  }
0x117: {  	s7 =	sadd.s32 @!p1 s14, s15;
	s15 =	simm.s32 @!p1 $0x280  }
0x118: {  	[tilespmem:s15], [sflag:$0x2] =	stream.linear.gather @!p1 [hbm4b:s7+s17], $0x80, $0x38;
	[tilespmem:$0x1BD80] =	vst v63  }
0x119: {  	_ =	swait.ge [sflag:s9], $0x4000  }
0x11a: {  	p1 =	sgt.u32 s16, $0x9A;
	[sflag:s9] =	ssyncset.done $0x0  }
0x11b: {  	s7 =	simm.s32 @!p1 $0x1;
	[sflag:s9] =	ssyncadd.s32 $0xFFFFC000  }
0x11c: {  	_ =	swait.ge @!p1 [sflag:s7], $0x80  }
0x11d: {  	[sflag:s7] =	ssyncset.done @!p1 $0x0  }
0x11e: {  	[sflag:s7] =	ssyncadd.s32 @!p1 $0xFFFFFF80  }
0x11f: {  	_ =	swait.ge @!p1 [sflag:s7], $0x80  }
0x120: {  	s15 =	simm.s32 @!p1 $0x500;
	[sflag:s7] =	ssyncset.done @!p1 $0x0  }
0x121: {  	s17 =	simm.s32 @!p1 $0x80;
	[sflag:s7] =	ssyncadd.s32 @!p1 $0xFFFFFF80;
	s7 =	simm.s32 @!p1 $0x0  }
0x122: {  	[tilespmem:s15], [sflag:$0x5] =	stream.indirect.gather @!p1 [hbm4b:s4+s17], $0x80, s7, s17, $0xb8;
	[tilespmem:$0x1BD80] =	vst v63  }
0x123: {  	_ =	swait.ge [sflag:s11], $0x4000  }
0x124: {  	p1 =	sgt.u32 s16, $0x98;
	[sflag:s11] =	ssyncset.done $0x0  }
0x125: {  	s16 =	simm.s32 @!p1 $0x0;
	s7 =	rddreg [dreg:$0x4];
	[sflag:s11] =	ssyncadd.s32 $0xFFFFC000  }
0x126: {  	[spmem:s1] =	stream.indirect.scatter.add.f32 [tilespmem:s31], [sflag:$0x8], $0x80, s29, s24, $0xb8;
	[tilespmem:$0x1BD80] =	vst v63  }
0x127: {  	s17 =	simm.s32 @!p1 $0x100;
	s15 =	rddreg [dreg:$0x3];
	s7 =	sadd.s32 @!p1 s14, s7  }
0x128: {  	[tilespmem:s17], [sflag:$0x3] =	stream.linear.gather @!p1 [hbm4b:s7+s16], $0x80, $0x38;
	[tilespmem:$0x1BD80] =	vst v63  }
0x129: {  	s7 =	sadd.s32 @!p1 s14, s15;
	s14 =	simm.s32 @!p1 $0x300  }
0x12a: {  	[tilespmem:s14], [sflag:$0x3] =	stream.linear.gather @!p1 [hbm4b:s7+s16], $0x80, $0x38;
	[tilespmem:$0x1BD80] =	vst v63  }
0x12b: {  	_ =	swait.ge [sflag:s12], $0x4000  }
0x12c: {  	[sflag:s12] =	ssyncset.done $0x0  }
0x12d: {  	s17 =	simm.s32 $0x400;
	s16 =	rddreg [dreg:$0x10];
	[sflag:s12] =	ssyncadd.s32 $0xFFFFC000  }
0x12e: {  	[tilespmem:s17], [sflag:$0x9] =	stream.linear.gather [hbm4b:s16+s5], $0x20, $0x38;
	[tilespmem:$0x1BD80] =	vst v63  }
0x12f: {  	_ =	swait.ge [sflag:s22], $0x20  }
0x130: {  	[sflag:s22] =	ssyncset.done $0x0  }
0x131: {  	s19 =	simm.s32 $0x480;
	s18 =	rddreg [dreg:$0x11];
	[sflag:s22] =	ssyncadd.s32 $0xFFFFFFE0  }
0x132: {  	[tilespmem:s19], [sflag:$0x9] =	stream.linear.gather [hbm4b:s18+s5], $0x20, $0x38;
	[tilespmem:$0x1BD80] =	vst v63  }
0x133: {  	_ =	swait.ge [sflag:s22], $0x20  }
0x134: {  	[sflag:s22] =	ssyncset.done $0x0  }
0x135: {  	s20 =	simm.s32 $0x20;
	[sflag:s22] =	ssyncadd.s32 $0xFFFFFFE0  }
0x136: {  	[tilespmem:s21], [sflag:$0x5] =	stream.indirect.gather [hbm4b:s4+s20], $0x80, s17, s20, $0xb8;
	[tilespmem:$0x1BD80] =	vst v63  }
0x137: {  	_ =	swait.ge [sflag:s8], $0x1000  }
0x138: {  	[sflag:s8] =	ssyncset.done $0x0  }
0x139: {  	[sflag:s8] =	ssyncadd.s32 $0xFFFFF000  }
0x13a: {  	[spmem:s1] =	stream.indirect.scatter.add.f32 [tilespmem:s21], [sflag:$0x9], $0x80, s19, s20, $0xb8;
	[tilespmem:$0x1BD80] =	vst v63  }
0x13b: {  	_ =	swait.ge [sflag:s22], $0x1000  }
0x13c: {  	s23 =	stileid.u32;
	[sflag:s22] =	ssyncset.done $0x0  }
0x13d: {  	s2 =	simm.s32 $0x100;
	s3 =	simm.s32 $0x180;
	[sflag:s22] =	ssyncadd.s32 $0xFFFFF000  }
0x13e: {  	s7 =	sshll.u32 s23, $0x6;
	s23 =	simm.s32 $0x280;
	[bflag:$0x0] =	sbarrier.arrive $0xFFFF  }
0x13f: {  	s7 =	sor.u32 $0x1C09, s7;
	s5 =	simm.s32 $0x0;
	s19 =	rddreg [dreg:$0x13]  }
.Ltmp4:
0x140: {  	s20 =	simm.s32 $0x200;
	s26 =	rddreg [dreg:$0x15];
	(pc) =	sbr.rel @!p0 .LBB2_9-.Ltmp4, $4  }
0x141: {  	s25 =	sshrl.u32 s19, $0x3;
	s15 =	sadd.s32 $0x500, s26;
	s16 =	smov.u32 s19  }
0x142: {  	[hbm:s26], [sflag:s7] =	dma.local [spmem:s25], $0x500  }
0x143: {  	s25 =	smov.u32 s0;
	s0 =	simm.s32 $0x300;
	s18 =	rddreg [dreg:$0x9]  }
0x144: {  	s26 =	simm.s32 $0x380;
	_ =	swait.ge [sflag:s22], $0x500;
	s14 =	sadd.s32 $0xFFFFFFFF, s18  }
.LBB2_8:
0x145: {  	[sflag:s22] =	ssyncset.done $0x0;
	s16 =	sadd.s32 $0x2800, s16;
	p0 =	sne.s32 s14, $0x1  }
.Ltmp5:
0x146: {  	s17 =	sshrl.u32 s16, $0x3;
	[sflag:s22] =	ssyncadd.s32 $0xFFFFFB00;
	(pc) =	sbr.rel @p0 .LBB2_8-.Ltmp5, $3  }
0x147: {  	[hbm:s15], [sflag:s7] =	dma.local [spmem:s17], $0x500  }
0x148: {  	s14 =	sadd.s32 $0xFFFFFFFF, s14;
	_ =	sdelay $0x1  }
0x149: {  	s15 =	sadd.s32 $0x500, s15;
	_ =	swait.ge [sflag:s22], $0x500  }
.LBB2_9:
0x14a: {  	s14 =	rddreg [dreg:$0x16]  }
0x14b: {  	s7 =	rddreg [dreg:$0x12];
	s14 =	sadd.s32 $0x1, s14  }
0x14c: {  	p0 =	sne.s32 s14, s7  }
.Ltmp6:
0x14d: {  	_ = 	snop;
	(pc) =	sbr.rel @p0 .LBB2_1-.Ltmp6, $3  }
0x14e: {  	_ =	sdelay $0x1  }
0x14f: {  	[sflag:s22] =	ssyncset.done $0x0  }
0x150: {  	[sflag:s22] =	ssyncadd.s32 $0xFFFFFB00  }
0x151: {  	_ =	sfence.sel $0x180000  }
0x152: {  	[bflag:$0x0] =	sbarrier.arrive $0xFFFF  }
0x153: {  	_ =	strace $0x9000004A  }
0x154: {  	s0 =	stileid.u32;
	[bflag:$0x2] =	sbarrier.arrive $0xFFFF  }
0x155: {  	p0 =	sne.s32 s0, $0x0;
	s0 =	rddreg [dreg:$0x2]  }
0x156: {  	s0 =	sadd.s32 @!p0 $0x100000, s0  }
0x157: {  	[sflag:s0] =	ssyncadd.tile.s32 @!p0 $0x1;
	_ =	shalt  }
.Lfunc_end2:
_tile_overlayer_lowered:
.L_overlay_start_2:
0x158: {  	(tag) =	ssettag $0x2  }
0x159: {  	s0 =	rddreg [dreg:$0x0];
	s2 =	stileid.u32  }
0x15a: {  	s1 =	rddreg [dreg:$0x1];
	p0 =	sne.s32 s2, $0x0  }
0x15b: {  	s3 =	rddreg [dreg:$0x2];
	[bflag:$0x3] =	sbarrier.arrive $0xFFFF;
	s2 =	simm.s32 @!p0 $0x1C09  }
0x15c: {  	[timem:s3], [sflag:s2] =	dma.local @!p0 [hbm:s0], s1  }
0x15d: {  	s0 =	simm.s32 @!p0 $0x9  }
0x15e: {  	_ =	swait.ge @!p0 [sflag:s0], s1  }
0x15f: {  	s1 =	ssub.s32 @!p0 $0x0, s1;
	[sflag:s0] =	ssyncset.done @!p0 $0x0  }
0x160: {  	[sflag:s0] =	ssyncadd.s32 @!p0 s1  }
0x161: {  	[bflag:$0x3] =	sbarrier.arrive $0xFFFF  }
0x162: {  	_ =	shalt  }

// kernel: kernel.14.cloned.1.call-start
scs
__scs_entry_jumppad:
0x0: {  	(pc) =	sbr.rel $0x88, $3  }
0x1: {  	(tag) =	ssettag $0x0;
	lr =	simm.s32 $0x1  }
0x2: {  	[smem:$0x3F95] =	sst lr;
	_ =	strace $0xD0000000  }
0x3: {  	_ = 	snop  }
0x4: {  	_ = 	snop  }
0x5: {  	_ = 	snop  }
0x6: {  	_ = 	snop  }
0x7: {  	_ = 	snop  }
__scs_overlays_trampoline_lowered:
0x8: {  	[smem:$0x3FA4] =	sst s0  }
0x9: {  	[smem:$0x3FA5] =	sst s1  }
0xa: {  	[smem:$0x3FA6] =	sst s2  }
0xb: {  	[smem:$0x3FA7] =	sst s3  }
0xc: {  	[smem:$0x3FA8] =	sst s4  }
0xd: {  	[smem:$0x3FA9] =	sst s5  }
0xe: {  	[smem:$0x3FAA] =	sst s6  }
0xf: {  	[smem:$0x3FAB] =	sst s7  }
0x10: {  	[smem:$0x3FAC] =	sst s8  }
0x11: {  	[smem:$0x3FAD] =	sst s9;
	s0 =	simm.s32 @!p0 $0x0  }
0x12: {  	s1 =	sld [smem:$0x3F93];
	s0 =	simm.s32 @p0 $0x1  }
0x13: {  	[smem:$0x3FAE] =	sst s0;
	s0 =	simm.s32 @!p1 $0x0  }
0x14: {  	s2 =	sld [smem:$0x3F92];
	s0 =	simm.s32 @p1 $0x1  }
0x15: {  	[smem:$0x3FAF] =	sst s0;
	s0 =	simm.s32 @!p2 $0x0  }
0x16: {  	s3 =	sld [smem:$0x3FDB];
	s0 =	simm.s32 @p2 $0x1  }
0x17: {  	s4 =	simm.s32 $0x1BF5;
	[smem:$0x3FB1] =	sst s0  }
0x18: {  	s0 =	sld [smem:$0x3F94];
	_ =	swait.ge [sflag:s4], $0x0  }
0x19: {  	s7 =	sld [smem:$0x3F95]  }
0x1a: {  	s8 =	sadd.s32 $0xFFFFE003, lr  }
0x1b: {  	s9 =	sadd.s32 $0xFFFFFEF7, lr;
	s5 =	simm.s32 $0xFFFFFFFF;
	p2 =	slt.u32 s8, $0xFFFFF086  }
0x1c: {  	p1 =	slt.u32 s9, $0xF7A;
	s5 =	simm.s32 @!p2 $0x0  }
0x1d: {  	s5 =	simm.s32 @p1 $0x1;
	p0 =	seq.s32 s7, s2  }
0x1e: {  	s7 =	smul.u32 @!p0 $0xF7A, s2;
	p2 =	seq.s32 @!p0 s5, $0x0  }
0x1f: {  	s9 =	smul.u32 $0xF7A, s1;
	s8 =	simm.s32 @!p0 $0x1BF5;
	p2 =	por !p2, p0  }
0x20: {  	[sflag:s8] =	ssyncset.s32 @!p0 $0xFFFFF086;
	s6 =	sadd.s32 @!p0 s3, s7;
	s7 =	simm.s32 @!p0 $0x108  }
0x21: {  	s3 =	sadd.s32 s3, s9;
	s6 =	sadd.s32 @!p0 $0x88, s6;
	s7 =	simm.s32 @p2 $0x1082  }
0x22: {  	[simem:s7], [sflag:s8] =	dma.local @!p0 [hbm:s6], $0xF7A  }
0x23: {  	s9 =	sor.u32 $0xD0000000, s2;
	s6 =	simm.s32 $0x108;
	_ =	swait.ge @!p0 [sflag:s8], $0x0  }
0x24: {  	s3 =	sadd.s32 $0x88, s3;
	s6 =	simm.s32 @!p1 $0x1082;
	[sflag:s4] =	ssyncset.s32 $0xFFFFF086  }
0x25: {  	[simem:s6], [sflag:s4] =	dma.local [hbm:s3], $0xF7A  }
0x26: {  	[smem:$0x3F95] =	sst s1;
	(tag) =	ssettag s2;
	_ =	strace s9  }
0x27: {  	s1 =	sld [smem:$0x3FA5]  }
0x28: {  	s2 =	sld [smem:$0x3FA6]  }
0x29: {  	s4 =	sld [smem:$0x3FA8]  }
0x2a: {  	p0 =	seq.s32 s5, $0x0;
	s5 =	sld [smem:$0x3FA9]  }
0x2b: {  	s6 =	sld [smem:$0x3FAA]  }
0x2c: {  	s7 =	sld [smem:$0x3FAB]  }
0x2d: {  	s3 =	simm.s32 $0x108;
	s8 =	sld [smem:$0x3FAC]  }
0x2e: {  	s3 =	simm.s32 @!p0 $0x1082;
	s9 =	sld [smem:$0x3FAD]  }
0x2f: {  	lr =	sadd.s32 s0, s3;
	s0 =	sld [smem:$0x3FA4]  }
0x30: {  	s3 =	sld [smem:$0x3FA7]  }
0x31: {  	[smem:$0x3FB0] =	sst s10  }
0x32: {  	s10 =	sld [smem:$0x3FAE];
	_ =	sdelay $0x3  }
0x33: {  	p0 =	seq.s32 s10, $0x1;
	s10 =	sld [smem:$0x3FB0];
	_ =	sdelay $0x3  }
0x34: {  	[smem:$0x3FB0] =	sst s10  }
0x35: {  	s10 =	sld [smem:$0x3FAF];
	_ =	sdelay $0x3  }
0x36: {  	p1 =	seq.s32 s10, $0x1;
	s10 =	sld [smem:$0x3FB0];
	_ =	sdelay $0x3  }
0x37: {  	[smem:$0x3FB0] =	sst s10  }
0x38: {  	s10 =	sld [smem:$0x3FB1]  }
0x39: {  	_ = 	snop;
	(pc) =	sbr.ind lr, $3  }
0x3a: {  	_ = 	snop  }
0x3b: {  	_ = 	snop  }
0x3c: {  	p2 =	seq.s32 s10, $0x1;
	s10 =	sld [smem:$0x3FB0]  }
0x3d: {  	_ =	shalt  }
0x3e: {  	_ =	shalt  }
0x3f: {  	_ =	shalt  }
0x40: {  	_ =	shalt  }
0x41: {  	_ =	shalt  }
0x42: {  	_ =	shalt  }
0x43: {  	_ =	shalt  }
0x44: {  	_ =	shalt  }
0x45: {  	_ =	shalt  }
0x46: {  	_ =	shalt  }
0x47: {  	_ =	shalt  }
0x48: {  	_ =	shalt  }
0x49: {  	_ =	shalt  }
0x4a: {  	_ =	shalt  }
0x4b: {  	_ =	shalt  }
0x4c: {  	_ =	shalt  }
0x4d: {  	_ =	shalt  }
0x4e: {  	_ =	shalt  }
0x4f: {  	_ =	shalt  }
0x50: {  	_ =	shalt  }
0x51: {  	_ =	shalt  }
0x52: {  	_ =	shalt  }
0x53: {  	_ =	shalt  }
0x54: {  	_ =	shalt  }
0x55: {  	_ =	shalt  }
0x56: {  	_ =	shalt  }
0x57: {  	_ =	shalt  }
0x58: {  	_ =	shalt  }
0x59: {  	_ =	shalt  }
0x5a: {  	_ =	shalt  }
0x5b: {  	_ =	shalt  }
0x5c: {  	_ =	shalt  }
0x5d: {  	_ =	shalt  }
0x5e: {  	_ =	shalt  }
0x5f: {  	_ =	shalt  }
0x60: {  	_ =	shalt  }
0x61: {  	_ =	shalt  }
0x62: {  	_ =	shalt  }
0x63: {  	_ =	shalt  }
0x64: {  	_ =	shalt  }
0x65: {  	_ =	shalt  }
0x66: {  	_ =	shalt  }
0x67: {  	_ =	shalt  }
0x68: {  	_ =	shalt  }
0x69: {  	_ =	shalt  }
0x6a: {  	_ =	shalt  }
0x6b: {  	_ =	shalt  }
0x6c: {  	_ =	shalt  }
0x6d: {  	_ =	shalt  }
0x6e: {  	_ =	shalt  }
0x6f: {  	_ =	shalt  }
0x70: {  	_ =	shalt  }
0x71: {  	_ =	shalt  }
0x72: {  	_ =	shalt  }
0x73: {  	_ =	shalt  }
0x74: {  	_ =	shalt  }
0x75: {  	_ =	shalt  }
0x76: {  	_ =	shalt  }
0x77: {  	_ =	shalt  }
0x78: {  	_ =	shalt  }
0x79: {  	_ =	shalt  }
0x7a: {  	_ =	shalt  }
0x7b: {  	_ =	shalt  }
0x7c: {  	_ =	shalt  }
0x7d: {  	_ =	shalt  }
0x7e: {  	_ =	shalt  }
0x7f: {  	_ =	shalt  }
0x80: {  	_ =	shalt  }
0x81: {  	_ =	shalt  }
0x82: {  	_ =	shalt  }
0x83: {  	_ =	shalt  }
0x84: {  	_ =	shalt  }
0x85: {  	_ =	shalt  }
0x86: {  	_ =	shalt  }
0x87: {  	_ =	shalt  }
.Lfunc_end0:
.L_simem_size_0:
called_computation.2_lowered:
.L_overlay_start_0:
0x88: {  	s2 =	sld [smem:$0x3FD9]  }
0x89: {  	s3 =	sld [smem:$0x3FFE];
	_ =	sdelay $0x1  }
0x8a: {  	s1 =	srdreg.scid  }
0x8b: {  	s0 =	sand.u32 $0x1, s1  }
0x8c: {  	s16 =	sshll.u32 s0, $0xA;
	s2 =	sadd.s32 s3, s2  }
0x8d: {  	s2 =	sadd.s32 s2, s16  }
0x8e: {  	[smem:$0x3FBC] =	sst s2  }
0x8f: {  	_ = 	snop  }
0x90: {  	(tm) =	ssettm $0x1  }
0x91: {  	s17 =	sld [smem:$0x3FFB];
	_ =	sdelay $0x3  }
0x92: {  	_ =	strace s17  }
0x93: {  	s2 =	sld [smem:$0x3FFC];
	_ =	sdelay $0x3  }
0x94: {  	_ =	strace s2  }
0x95: {  	s2 =	sld [smem:$0x3FFD];
	_ =	sdelay $0x3  }
0x96: {  	_ =	strace s2  }
0x97: {  	_ =	strace $0x8FFFFFFF  }
0x98: {  	s18 =	sld [smem:$0x3FDB];
	_ =	sdelay $0x1  }
0x99: {  	s19 =	simm.s32 $_scs_section_size  }
0x9a: {  	s4 =	simm.s32 $_size__tile_overlayer_lowered;
	s5 =	simm.s32 $_tile_overlayer_lowered  }
0x9b: {  	s22 =	simm.s32 $0x1BFF;
	s21 =	sshll.u32 s5, $0x1;
	s2 =	sadd.s32 s19, s18  }
0x9c: {  	s6 =	simm.s32 $0x0;
	s20 =	sshll.u32 s4, $0x1;
	s4 =	sadd.s32 s21, s2  }
0x9d: {  	[timem:s6], [sflag:s22] =	dma.local [hbm:s4], s20  }
0x9e: {  	_ =	swait.ge [sflag:s22], s20  }
0x9f: {  	s3 =	ssub.s32 $0x0, s20;
	[sflag:s22] =	ssyncset.done $0x0  }
0xa0: {  	[sflag:s22] =	ssyncadd.s32 s3;
	_ =	sdelay $0x1  }
0xa1: {  	s23 =	simm.s32 $0x1B8B  }
0xa2: {  	_ =	swait.ge [sflag:s23], $0x1  }
0xa3: {  	[sflag:s23] =	ssyncset.done $0x0  }
0xa4: {  	s25 =	simm.s32 $0x1B8E;
	s24 =	sld [smem:$0x3FFE];
	[sflag:s23] =	ssyncadd.s32 $0xFFFFFFFF  }
0xa5: {  	s26 =	simm.s32 $execute0_lowered;
	[smem:$0x3FD2] =	sst s25  }
0xa6: {  	s4 =	sshll.u32 s26, $0x1;
	_ =	strace $0x8000004C;
	[dreg:$0x1] =	wrdreg $0xFFFFFFFF  }
0xa7: {  	s28 =	simm.s32 $_size_execute0_lowered;
	s2 =	sadd.s32 s2, s4;
	[dreg:$0x0] =	wrdreg $0x0  }
0xa8: {  	s4 =	sshll.u32 s28, $0x1;
	[dreg:$0x2] =	wrdreg s2  }
0xa9: {  	[dreg:$0x3] =	wrdreg s4  }
0xaa: {  	[dreg:$0x4] =	wrdreg $0xC0  }
0xab: {  	_ =	task [dreg:s6], $0x5FFFF  }
0xac: {  	[dreg:$0x1] =	wrdreg $0xFFFFFFFF  }
0xad: {  	[dreg:$0x0] =	wrdreg $0x60  }
0xae: {  	[dreg:$0x2] =	wrdreg s24  }
0xaf: {  	[dreg:$0x3] =	wrdreg $0x85000  }
0xb0: {  	[dreg:$0x4] =	wrdreg $0x9  }
0xb1: {  	_ =	task.clear_ibuf [dreg:s6], $0x5FFFF;
	_ =	strace $0x9000004C  }
0xb2: {  	s29 =	simm.s32 $0x9;
	_ =	strace $0x8000004E  }
0xb3: {  	_ =	swait.ge [sflag:s29], $0x1  }
0xb4: {  	[sflag:s29] =	ssyncadd.s32 $0xFFFFFFFF  }
0xb5: {  	_ =	strace $0x9000004E  }
0xb6: {  	_ =	sfence  }
0xb7: {  	s30 =	sld [smem:$0x0];
	_ =	sdelay $0x2  }
0xb8: {  	s31 =	sshll.u32 s1, $0xD;
	s1 =	sshrl.u32 s1, $0x2  }
0xb9: {  	s3 =	sand.u32 $0x4000, s31;
	s1 =	sadd.s32 s1, s30  }
0xba: {  	s0 =	sor.u32 s3, s0;
	s1 =	sshll.u32 s1, $0x11  }
0xbb: {  	s0 =	sor.u32 s1, s0  }
0xbc: {  	s0 =	sadd.s32 $0x8F2B, s0  }
0xbd: {  	[sflag:s0] =	ssyncadd.remote.s32 $0x1  }
0xbe: {  	_ =	sfence.sel $0xFFFF  }
0xbf: {  	[dreg:$0x0] =	wrdreg $0xFFFFFFFF;
	(pc) =	sbr.abs _section_cstart, $3  }
0xc0: {  	[dreg:$0x1] =	wrdreg $0xFFFFFFFF  }
0xc1: {  	_ =	task.clear_ibuf [dreg:s6], $0x2FFFF;
	_ =	strace $0x9FFFFFFF  }
0xc2: {  	(tm) =	ssettm $0x7FFFFFFF  }
0xc3: {  	_ =	shalt  }
tec
execute0_lowered:
.L_overlay_start_1:
0x0: {  	(tag) =	ssettag $0x1  }
0x1: {  	s0 =	rddreg [dreg:$0x0]  }
0x2: {  	s1 =	rddreg [dreg:$0x1];
	s3 =	srdreg.scid  }
0x3: {  	s5 =	simm.s32 $0x0;
	s13 =	stileid.u32;
	s18 =	simm.s32 $0x5  }
0x4: {  	s30 =	simm.s32 $0x2;
	s31 =	simm.s32 $0x4500;
	s29 =	simm.s32 $0x380  }
0x5: {  	s28 =	simm.s32 $0x200;
	s3 =	sand.u32 $0x1, s3;
	s9 =	smul.u32 $0x4E20, s13  }
0x6: {  	[smem:$0x7FF] =	sst s5;
	s4 =	sadd.s32 $0x2A800, s0;
	s15 =	smul.u32 $0x50000, s13  }
0x7: {  	s6 =	sadd.s32 $0x3400, s0;
	s25 =	sadd.s32 $0x16E00, s0;
	s7 =	smul.u32 $0x27100, s3  }
0x8: {  	p0 =	seq.s32 s13, $0xF;
	s8 =	smul.u32 $0x4E200, s3;
	s3 =	ssub.s32 $0x2, s3  }
0x9: {  	_ =	strace $0x8000004D;
	s18 =	simm.s32 @!p0 $0x8;
	s10 =	sshrl.u32 s3, $0x1  }
0xa: {  	[dreg:$0x9] =	wrdreg s18;
	s0 =	sadd.s32 s7, s0;
	s7 =	sadd.s32 s9, s8  }
0xb: {  	s3 =	ssub.s32 s3, s10;
	s8 =	simm.s32 $0x5;
	s9 =	sshrl.u32 s7, $0x3  }
0xc: {  	s2 =	sadd.s32 $0x300, s7;
	s17 =	sadd.s32 $0x280, s7;
	s3 =	smax.u32 s3, $0x1  }
0xd: {  	s21 =	sadd.s32 s6, s9;
	s22 =	sadd.s32 s25, s9;
	s23 =	sadd.s32 $0x10, s9  }
0xe: {  	s11 =	sadd.s32 $0x20, s9;
	s9 =	sadd.s32 $0x9C0, s9;
	[dreg:$0x12] =	wrdreg s3  }
0xf: {  	s14 =	sshrl.u32 s2, $0x3;
	s19 =	sshrl.u32 s17, $0x3;
	[dreg:$0xa] =	wrdreg s21  }
0x10: {  	s2 =	simm.s32 $0x100;
	[dreg:$0xb] =	wrdreg s22;
	s12 =	sadd.s32 s6, s23  }
0x11: {  	s10 =	sadd.s32 s25, s23;
	s24 =	sadd.s32 s6, s11;
	[dreg:$0xc] =	wrdreg s12  }
0x12: {  	s26 =	sadd.s32 s25, s11;
	s16 =	sadd.s32 s14, s25;
	[dreg:$0xd] =	wrdreg s10  }
0x13: {  	s20 =	sadd.s32 s19, s25;
	s21 =	sshrl.u32 s15, $0x2;
	[dreg:$0xe] =	wrdreg s24  }
0x14: {  	s22 =	sadd.s32 $0x180, s7;
	s23 =	sadd.s32 s19, s6;
	[dreg:$0xf] =	wrdreg s26  }
0x15: {  	s7 =	sadd.s32 $0x200, s7;
	s11 =	simm.s32 $0x6;
	[dreg:$0x3] =	wrdreg s16  }
0x16: {  	s12 =	sadd.s32 s6, s9;
	s9 =	sadd.s32 s25, s9;
	[dreg:$0x5] =	wrdreg s20  }
0x17: {  	s3 =	sshrl.u32 s22, $0x3;
	s24 =	smul.u32 $0x2800, s13;
	[dreg:$0x6] =	wrdreg s23  }
0x18: {  	s19 =	sadd.s32 s21, s1;
	[dreg:$0x14] =	wrdreg s7;
	s21 =	simm.s32 $0x500  }
0x19: {  	s22 =	simm.s32 $0x9;
	s20 =	simm.s32 $0x200;
	[dreg:$0x10] =	wrdreg s12  }
0x1a: {  	s23 =	simm.s32 $0x280;
	s10 =	simm.s32 $0x3;
	[dreg:$0x11] =	wrdreg s9  }
0x1b: {  	s13 =	simm.s32 $0x4;
	s9 =	sadd.s32 s14, s6;
	[dreg:$0x13] =	wrdreg s19  }
0x1c: {  	s26 =	sadd.s32 s3, s25;
	s3 =	sadd.s32 s3, s6;
	[dreg:$0x4] =	wrdreg s9  }
0x1d: {  	s12 =	simm.s32 $0x8;
	s14 =	simm.s32 $0x0;
	[dreg:$0x7] =	wrdreg s26  }
0x1e: {  	s0 =	sadd.s32 s24, s0;
	[dreg:$0x8] =	wrdreg s3;
	s24 =	simm.s32 $0x80  }
0x1f: {  	s3 =	simm.s32 $0x180;
	s26 =	simm.s32 $0x380;
	s0 =	sadd.s32 $0x78A00, s0  }
0x20: {  	v0 =	vimm.f32 $0.0e+00;
	s9 =	simm.s32 $0x7;
	[dreg:$0x15] =	wrdreg s0;
	s0 =	simm.s32 $0x300  }
.LBB2_1:
0x21: {  	[dreg:$0x16] =	wrdreg s14;
	s7 =	simm.s32 $0x70;
	s14 =	simm.s32 $0x3C0  }
.LBB2_2:
0x22: {  	p0 =	sne.s32 s14, $0x9FC0;
	[tilespmem:s7+$0x500] =	vst v0  }
0x23: {  	[tilespmem:s7+$0x490] =	vst v0  }
0x24: {  	[tilespmem:s7+$0x4A0] =	vst v0  }
.Ltmp0:
0x25: {  	[tilespmem:s7+$0x4B0] =	vst v0;
	(pc) =	sbr.rel @p0 .LBB2_2-.Ltmp0, $4  }
0x26: {  	[tilespmem:s7+$0x4C0] =	vst v0  }
0x27: {  	[tilespmem:s7+$0x4D0] =	vst v0  }
0x28: {  	[tilespmem:s7+$0x4E0] =	vst v0  }
0x29: {  	[tilespmem:s7+$0x4F0] =	vst v0;
	s7 =	sshra.s32 s14, $0x2;
	s14 =	sadd.s32 $0x200, s14  }
0x2a: {  	[tilespmem:s7+$0x500] =	vst v0  }
0x2b: {  	[tilespmem:s7+$0x490] =	vst v0  }
0x2c: {  	[tilespmem:s7+$0x4A0] =	vst v0  }
0x2d: {  	[tilespmem:s7+$0x4B0] =	vst v0  }
0x2e: {  	[tilespmem:s7+$0x4C0] =	vst v0  }
0x2f: {  	[tilespmem:s7+$0x4D0] =	vst v0;
	p0 =	sne.s32 s18, $0x1  }
.Ltmp1:
0x30: {  	[tilespmem:s7+$0x4E0] =	vst v0;
	(pc) =	sbr.rel @!p0 .LBB2_5-.Ltmp1, $4  }
0x31: {  	[tilespmem:s7+$0x4F0] =	vst v0  }
0x32: {  	[spmem:s19] =	stream.linear.scatter [tilespmem:s21], [sflag:$0x9], $0x2800, $0x38;
	[tilespmem:$0x1BD80] =	vst v63  }
0x33: {  	_ =	swait.ge [sflag:s22], $0x2800  }
0x34: {  	s7 =	sadd.s32 $0xFFFFFFFF, s18;
	s14 =	smov.u32 s19;
	[sflag:s22] =	ssyncset.done $0x0  }
.LBB2_4:
0x35: {  	p1 =	sne.s32 s7, $0x1;
	[sflag:s22] =	ssyncadd.s32 $0xFFFFD800;
	s14 =	sadd.s32 $0x2800, s14  }
.Ltmp2:
0x36: {  	s7 =	sadd.s32 $0xFFFFFFFF, s7;
	(pc) =	sbr.rel @p1 .LBB2_4-.Ltmp2, $4  }
0x37: {  	_ = 	snop  }
0x38: {  	[spmem:s14] =	stream.linear.scatter [tilespmem:s21], [sflag:$0x9], $0x2800, $0x38;
	[tilespmem:$0x1BD80] =	vst v63  }
0x39: {  	_ =	swait.ge [sflag:s22], $0x2800  }
0x3a: {  	[sflag:s22] =	ssyncset.done $0x0  }
.LBB2_5:
0x3b: {  	[sflag:s22] =	ssyncadd.s32 $0xFFFFD800  }
0x3c: {  	[bflag:$0x0] =	sbarrier.arrive $0xFFFF  }
0x3d: {  	s15 =	simm.s32 $0x0;
	s7 =	rddreg [dreg:$0xa]  }
0x3e: {  	[tilespmem:s15], [sflag:$0x1] =	stream.linear.gather [hbm4b:s7+s15], $0x80, $0x38;
	[tilespmem:$0x1BD80] =	vst v63  }
0x3f: {  	s18 =	rddreg [dreg:$0xb]  }
0x40: {  	[tilespmem:s20], [sflag:$0x1] =	stream.linear.gather [hbm4b:s18+s15], $0x80, $0x38;
	[tilespmem:$0x1BD80] =	vst v63  }
0x41: {  	s19 =	rddreg [dreg:$0xc]  }
0x42: {  	[tilespmem:s24], [sflag:$0x2] =	stream.linear.gather [hbm4b:s19+s15], $0x80, $0x38;
	[tilespmem:$0x1BD80] =	vst v63  }
0x43: {  	s16 =	simm.s32 $0x1;
	s14 =	rddreg [dreg:$0xd]  }
0x44: {  	[tilespmem:s23], [sflag:$0x2] =	stream.linear.gather [hbm4b:s14+s15], $0x80, $0x38;
	[tilespmem:$0x1BD80] =	vst v63  }
0x45: {  	_ =	swait.ge [sflag:s16], $0x80  }
0x46: {  	[sflag:s16] =	ssyncset.done $0x0  }
0x47: {  	[sflag:s16] =	ssyncadd.s32 $0xFFFFFF80  }
0x48: {  	_ =	swait.ge [sflag:s16], $0x80  }
0x49: {  	[sflag:s16] =	ssyncset.done $0x0  }
0x4a: {  	p1 =	por $0x1, $0x1;
	[sflag:s16] =	ssyncadd.s32 $0xFFFFFF80  }
0x4b: {  	[tilespmem:s21], [sflag:$0x5] =	stream.indirect.gather [hbm4b:s4+s24], $0x80, s15, s24, $0xb8;
	[tilespmem:$0x1BD80] =	vst v63  }
0x4c: {  	p1 =	por p1, p1;
	s17 =	rddreg [dreg:$0xe]  }
0x4d: {  	[tilespmem:s2], [sflag:$0x3] =	stream.linear.gather [hbm4b:s17+s15], $0x80, $0x38;
	[tilespmem:$0x1BD80] =	vst v63  }
0x4e: {  	s7 =	simm.s32 @!p1 $0x8;
	s18 =	rddreg [dreg:$0xf]  }
0x4f: {  	[tilespmem:s0], [sflag:$0x3] =	stream.linear.gather [hbm4b:s18+s15], $0x80, $0x38;
	[tilespmem:$0x1BD80] =	vst v63  }
0x50: {  	_ =	swait.ge @!p1 [sflag:s7], $0x4000  }
0x51: {  	[sflag:s7] =	ssyncset.done @!p1 $0x0  }
0x52: {  	[sflag:s7] =	ssyncadd.s32 @!p1 $0xFFFFC000  }
0x53: {  	_ =	swait.ge [sflag:s30], $0x80  }
0x54: {  	[sflag:s30] =	ssyncset.done $0x0  }
0x55: {  	[sflag:s30] =	ssyncadd.s32 $0xFFFFFF80  }
0x56: {  	_ =	swait.ge [sflag:s30], $0x80  }
0x57: {  	[sflag:s30] =	ssyncset.done $0x0  }
0x58: {  	[sflag:s30] =	ssyncadd.s32 $0xFFFFFF80  }
0x59: {  	[tilespmem:s31], [sflag:$0x6] =	stream.indirect.gather [hbm4b:s4+s24], $0x80, s24, s24, $0xb8;
	[tilespmem:$0x1BD80] =	vst v63  }
0x5a: {  	_ =	swait.ge [sflag:s8], $0x4000  }
0x5b: {  	[sflag:s8] =	ssyncset.done $0x0  }
0x5c: {  	s19 =	rddreg [dreg:$0x8];
	[sflag:s8] =	ssyncadd.s32 $0xFFFFC000  }
0x5d: {  	[spmem:s1] =	stream.indirect.scatter.add.f32 [tilespmem:s21], [sflag:$0x7], $0x80, s20, s24, $0xb8;
	[tilespmem:$0x1BD80] =	vst v63  }
0x5e: {  	s14 =	rddreg [dreg:$0x7];
	s7 =	sadd.s32 $0x0, s19  }
0x5f: {  	[tilespmem:s3], [sflag:$0x4] =	stream.linear.gather [hbm4b:s7+s5], $0x80, $0x38;
	[tilespmem:$0x1BD80] =	vst v63  }
0x60: {  	s20 =	sadd.s32 $0x0, s14  }
0x61: {  	[tilespmem:s26], [sflag:$0x4] =	stream.linear.gather [hbm4b:s20+s5], $0x80, $0x38;
	[tilespmem:$0x1BD80] =	vst v63  }
0x62: {  	_ =	swait.ge [sflag:s9], $0x4000  }
0x63: {  	[sflag:s9] =	ssyncset.done $0x0  }
0x64: {  	[sflag:s9] =	ssyncadd.s32 $0xFFFFC000  }
0x65: {  	_ =	swait.ge [sflag:s10], $0x80  }
0x66: {  	[sflag:s10] =	ssyncset.done $0x0  }
0x67: {  	[sflag:s10] =	ssyncadd.s32 $0xFFFFFF80  }
0x68: {  	_ =	swait.ge [sflag:s10], $0x80  }
0x69: {  	[sflag:s10] =	ssyncset.done $0x0  }
0x6a: {  	[sflag:s10] =	ssyncadd.s32 $0xFFFFFF80  }
0x6b: {  	[tilespmem:s21], [sflag:$0x5] =	stream.indirect.gather [hbm4b:s4+s24], $0x80, s2, s24, $0xb8;
	[tilespmem:$0x1BD80] =	vst v63  }
0x6c: {  	_ =	swait.ge [sflag:s11], $0x4000  }
0x6d: {  	p1 =	por $0x0, $0x0;
	[sflag:s11] =	ssyncset.done $0x0;
	s19 =	rddreg [dreg:$0x14]  }
0x6e: {  	s7 =	sshrl.u32 @!p1 s19, $0x3;
	[sflag:s11] =	ssyncadd.s32 $0xFFFFC000  }
0x6f: {  	[spmem:s1] =	stream.indirect.scatter.add.f32 [tilespmem:s31], [sflag:$0x8], $0x80, s23, s24, $0xb8;
	[tilespmem:$0x1BD80] =	vst v63  }
0x70: {  	s16 =	simm.s32 @!p1 $0x0;
	s14 =	sadd.s32 @!p1 s6, s7  }
0x71: {  	[tilespmem:s16], [sflag:$0x1] =	stream.linear.gather @!p1 [hbm4b:s14+s16], $0x80, $0x38;
	[tilespmem:$0x1BD80] =	vst v63  }
0x72: {  	s7 =	sadd.s32 @!p1 s25, s7;
	s14 =	simm.s32 @!p1 $0x200  }
0x73: {  	[tilespmem:s14], [sflag:$0x1] =	stream.linear.gather @!p1 [hbm4b:s7+s16], $0x80, $0x38;
	[tilespmem:$0x1BD80] =	vst v63  }
0x74: {  	_ =	swait.ge [sflag:s12], $0x4000  }
0x75: {  	[sflag:s12] =	ssyncset.done $0x0  }
0x76: {  	[sflag:s12] =	ssyncadd.s32 $0xFFFFC000  }
0x77: {  	_ =	swait.ge [sflag:s13], $0x80  }
0x78: {  	[sflag:s13] =	ssyncset.done $0x0  }
0x79: {  	[sflag:s13] =	ssyncadd.s32 $0xFFFFFF80  }
0x7a: {  	_ =	swait.ge [sflag:s13], $0x80  }
0x7b: {  	[sflag:s13] =	ssyncset.done $0x0  }
0x7c: {  	[sflag:s13] =	ssyncadd.s32 $0xFFFFFF80  }
0x7d: {  	[tilespmem:s31], [sflag:$0x6] =	stream.indirect.gather [hbm4b:s4+s24], $0x80, s3, s24, $0xb8;
	[tilespmem:$0x1BD80] =	vst v63  }
0x7e: {  	_ =	swait.ge [sflag:s8], $0x4000  }
0x7f: {  	[sflag:s8] =	ssyncset.done $0x0  }
0x80: {  	s7 =	rddreg [dreg:$0x6];
	[sflag:s8] =	ssyncadd.s32 $0xFFFFC000  }
0x81: {  	[spmem:s1] =	stream.indirect.scatter.add.f32 [tilespmem:s21], [sflag:$0x7], $0x80, s0, s24, $0xb8;
	[tilespmem:$0x1BD80] =	vst v63  }
0x82: {  	s17 =	simm.s32 @!p1 $0x80;
	s14 =	rddreg [dreg:$0x5];
	s7 =	sadd.s32 @!p1 $0x0, s7  }
0x83: {  	[tilespmem:s17], [sflag:$0x2] =	stream.linear.gather @!p1 [hbm4b:s7+s16], $0x80, $0x38;
	[tilespmem:$0x1BD80] =	vst v63  }
0x84: {  	s7 =	sadd.s32 @!p1 $0x0, s14;
	s14 =	simm.s32 @!p1 $0x280  }
0x85: {  	[tilespmem:s14], [sflag:$0x2] =	stream.linear.gather @!p1 [hbm4b:s7+s16], $0x80, $0x38;
	[tilespmem:$0x1BD80] =	vst v63  }
0x86: {  	_ =	swait.ge [sflag:s9], $0x4000  }
0x87: {  	p1 =	por $0x0, $0x0;
	[sflag:s9] =	ssyncset.done $0x0  }
0x88: {  	s7 =	simm.s32 @!p1 $0x1;
	[sflag:s9] =	ssyncadd.s32 $0xFFFFC000  }
0x89: {  	p6 =	por $0x0, $0x0;
	_ =	swait.ge @!p1 [sflag:s7], $0x80  }
0x8a: {  	p3 =	por $0x0, $0x0;
	s20 =	simm.s32 $0x1;
	[sflag:s7] =	ssyncset.done @!p1 $0x0  }
0x8b: {  	s5 =	simm.s32 $0x0;
	s2 =	simm.s32 $0x100;
	[sflag:s7] =	ssyncadd.s32 @!p1 $0xFFFFFF80  }
0x8c: {  	s19 =	sadd.s32 $0x200, s19;
	s23 =	simm.s32 @!p3 $0x100;
	_ =	swait.ge @!p1 [sflag:s7], $0x80  }
0x8d: {  	s3 =	simm.s32 $0x180;
	s16 =	simm.s32 @!p1 $0x500;
	[sflag:s7] =	ssyncset.done @!p1 $0x0  }
0x8e: {  	s17 =	simm.s32 @!p1 $0x80;
	s18 =	simm.s32 @!p1 $0x0;
	[sflag:s7] =	ssyncadd.s32 @!p1 $0xFFFFFF80  }
0x8f: {  	[tilespmem:s16], [sflag:$0x5] =	stream.indirect.gather @!p1 [hbm4b:s4+s17], $0x80, s18, s17, $0xb8;
	[tilespmem:$0x1BD80] =	vst v63  }
0x90: {  	s0 =	smov.u32 s25;
	s14 =	simm.s32 $0x40;
	_ =	swait.ge [sflag:s11], $0x4000  }
0x91: {  	s7 =	simm.s32 $0x80;
	p1 =	por p6, p6;
	[sflag:s11] =	ssyncset.done $0x0  }
0x92: {  	s16 =	simm.s32 $0x7;
	s17 =	rddreg [dreg:$0x3];
	[sflag:s11] =	ssyncadd.s32 $0xFFFFC000  }
0x93: {  	[spmem:s1] =	stream.indirect.scatter.add.f32 [tilespmem:s31], [sflag:$0x8], $0x80, s26, s24, $0xb8;
	[tilespmem:$0x1BD80] =	vst v63  }
0x94: {  	s18 =	simm.s32 @!p3 $0x0;
	s17 =	sadd.s32 @!p3 $0x0, s17;
	s26 =	rddreg [dreg:$0x4]  }
.LBB2_6:
0x95: {  	s25 =	sadd.s32 @!p3 s15, s26  }
0x96: {  	[tilespmem:s23], [sflag:$0x3] =	stream.linear.gather @!p3 [hbm4b:s25+s18], $0x80, $0x38;
	[tilespmem:$0x1BD80] =	vst v63  }
0x97: {  	s23 =	simm.s32 @!p1 $0x8;
	s25 =	simm.s32 @!p3 $0x300  }
0x98: {  	[tilespmem:s25], [sflag:$0x3] =	stream.linear.gather @!p3 [hbm4b:s17+s18], $0x80, $0x38;
	[tilespmem:$0x1BD80] =	vst v63  }
0x99: {  	_ =	swait.ge @!p1 [sflag:s23], $0x4000  }
0x9a: {  	[sflag:s23] =	ssyncset.done @!p1 $0x0  }
0x9b: {  	[sflag:s23] =	ssyncadd.s32 @!p1 $0xFFFFC000  }
0x9c: {  	_ =	swait.ge [sflag:s30], $0x80  }
0x9d: {  	[sflag:s30] =	ssyncset.done $0x0  }
0x9e: {  	[sflag:s30] =	ssyncadd.s32 $0xFFFFFF80  }
0x9f: {  	_ =	swait.ge [sflag:s30], $0x80  }
0xa0: {  	[sflag:s30] =	ssyncset.done $0x0  }
0xa1: {  	[sflag:s30] =	ssyncadd.s32 $0xFFFFFF80  }
0xa2: {  	[tilespmem:s31], [sflag:$0x6] =	stream.indirect.gather [hbm4b:s4+s24], $0x80, s24, s24, $0xb8;
	[tilespmem:$0x1BD80] =	vst v63  }
0xa3: {  	_ =	swait.ge [sflag:s8], $0x4000  }
0xa4: {  	[sflag:s8] =	ssyncset.done $0x0  }
0xa5: {  	s15 =	smov.u32 s14;
	s23 =	rddreg [dreg:$0x8];
	[sflag:s8] =	ssyncadd.s32 $0xFFFFC000  }
0xa6: {  	[spmem:s1] =	stream.indirect.scatter.add.f32 [tilespmem:s21], [sflag:$0x7], $0x80, s28, s24, $0xb8;
	[tilespmem:$0x1BD80] =	vst v63  }
0xa7: {  	s25 =	rddreg [dreg:$0x7];
	s17 =	sadd.s32 s15, s23  }
0xa8: {  	[tilespmem:s3], [sflag:$0x4] =	stream.linear.gather [hbm4b:s17+s5], $0x80, $0x38;
	[tilespmem:$0x1BD80] =	vst v63  }
0xa9: {  	s23 =	sadd.s32 s15, s25  }
0xaa: {  	[tilespmem:s29], [sflag:$0x4] =	stream.linear.gather [hbm4b:s23+s5], $0x80, $0x38;
	[tilespmem:$0x1BD80] =	vst v63  }
0xab: {  	_ =	swait.ge [sflag:s9], $0x4000  }
0xac: {  	[sflag:s9] =	ssyncset.done $0x0  }
0xad: {  	[sflag:s9] =	ssyncadd.s32 $0xFFFFC000  }
0xae: {  	_ =	swait.ge [sflag:s10], $0x80  }
0xaf: {  	[sflag:s10] =	ssyncset.done $0x0  }
0xb0: {  	[sflag:s10] =	ssyncadd.s32 $0xFFFFFF80  }
0xb1: {  	_ =	swait.ge [sflag:s10], $0x80  }
0xb2: {  	[sflag:s10] =	ssyncset.done $0x0  }
0xb3: {  	[sflag:s10] =	ssyncadd.s32 $0xFFFFFF80  }
0xb4: {  	[tilespmem:s21], [sflag:$0x5] =	stream.indirect.gather [hbm4b:s4+s24], $0x80, s2, s24, $0xb8;
	[tilespmem:$0x1BD80] =	vst v63  }
0xb5: {  	_ =	swait.ge [sflag:s11], $0x4000  }
0xb6: {  	p3 =	sgt.u32 s20, $0x25;
	[sflag:s11] =	ssyncset.done $0x0  }
0xb7: {  	s25 =	simm.s32 $0x280;
	s17 =	sshrl.u32 @!p3 s19, $0x3;
	[sflag:s11] =	ssyncadd.s32 $0xFFFFC000  }
0xb8: {  	[spmem:s1] =	stream.indirect.scatter.add.f32 [tilespmem:s31], [sflag:$0x8], $0x80, s25, s24, $0xb8;
	[tilespmem:$0x1BD80] =	vst v63  }
0xb9: {  	s18 =	sadd.s32 @!p3 s6, s17;
	s23 =	simm.s32 @!p3 $0x0  }
0xba: {  	[tilespmem:s23], [sflag:$0x1] =	stream.linear.gather @!p3 [hbm4b:s18+s23], $0x80, $0x38;
	[tilespmem:$0x1BD80] =	vst v63  }
0xbb: {  	s17 =	sadd.s32 @!p3 s0, s17;
	s18 =	simm.s32 @!p3 $0x200  }
0xbc: {  	[tilespmem:s18], [sflag:$0x1] =	stream.linear.gather @!p3 [hbm4b:s17+s23], $0x80, $0x38;
	[tilespmem:$0x1BD80] =	vst v63  }
0xbd: {  	_ =	swait.ge [sflag:s12], $0x4000  }
0xbe: {  	[sflag:s12] =	ssyncset.done $0x0  }
0xbf: {  	[sflag:s12] =	ssyncadd.s32 $0xFFFFC000  }
0xc0: {  	_ =	swait.ge [sflag:s13], $0x80  }
0xc1: {  	[sflag:s13] =	ssyncset.done $0x0  }
0xc2: {  	[sflag:s13] =	ssyncadd.s32 $0xFFFFFF80  }
0xc3: {  	_ =	swait.ge [sflag:s13], $0x80  }
0xc4: {  	[sflag:s13] =	ssyncset.done $0x0  }
0xc5: {  	[sflag:s13] =	ssyncadd.s32 $0xFFFFFF80  }
0xc6: {  	[tilespmem:s31], [sflag:$0x6] =	stream.indirect.gather [hbm4b:s4+s24], $0x80, s3, s24, $0xb8;
	[tilespmem:$0x1BD80] =	vst v63  }
0xc7: {  	_ =	swait.ge [sflag:s8], $0x4000  }
0xc8: {  	[sflag:s8] =	ssyncset.done $0x0  }
0xc9: {  	s25 =	simm.s32 $0x300;
	s17 =	rddreg [dreg:$0x6];
	[sflag:s8] =	ssyncadd.s32 $0xFFFFC000  }
0xca: {  	[spmem:s1] =	stream.indirect.scatter.add.f32 [tilespmem:s21], [sflag:$0x7], $0x80, s25, s24, $0xb8;
	[tilespmem:$0x1BD80] =	vst v63  }
0xcb: {  	s18 =	rddreg [dreg:$0x5];
	s17 =	sadd.s32 @!p3 s15, s17;
	s25 =	simm.s32 @!p3 $0x80  }
0xcc: {  	[tilespmem:s25], [sflag:$0x2] =	stream.linear.gather @!p3 [hbm4b:s17+s23], $0x80, $0x38;
	[tilespmem:$0x1BD80] =	vst v63  }
0xcd: {  	s17 =	sadd.s32 @!p3 s15, s18;
	s18 =	simm.s32 @!p3 $0x280  }
0xce: {  	[tilespmem:s18], [sflag:$0x2] =	stream.linear.gather @!p3 [hbm4b:s17+s23], $0x80, $0x38;
	[tilespmem:$0x1BD80] =	vst v63  }
0xcf: {  	p4 =	seq.s32 s7, $0x0;
	_ =	swait.ge [sflag:s9], $0x4000  }
0xd0: {  	p1 =	por p4, p4;
	p4 =	sgt.u32 s16, $0x9A;
	[sflag:s9] =	ssyncset.done $0x0  }
0xd1: {  	s17 =	simm.s32 @!p4 $0x1;
	[sflag:s9] =	ssyncadd.s32 $0xFFFFC000  }
0xd2: {  	_ =	swait.ge @!p4 [sflag:s17], $0x80  }
0xd3: {  	[sflag:s17] =	ssyncset.done @!p4 $0x0  }
0xd4: {  	s14 =	smov.u32 s7;
	s7 =	sadd.s32 $0x40, s7;
	[sflag:s17] =	ssyncadd.s32 @!p4 $0xFFFFFF80  }
0xd5: {  	s26 =	smov.u32 s16;
	p2 =	sne.s32 s7, $0x9C0;
	_ =	swait.ge @!p4 [sflag:s17], $0x80  }
0xd6: {  	s20 =	sadd.s32 $0x1, s20;
	s25 =	simm.s32 @!p4 $0x0;
	[sflag:s17] =	ssyncset.done @!p4 $0x0  }
0xd7: {  	s18 =	simm.s32 @!p4 $0x500;
	s23 =	simm.s32 @!p4 $0x80;
	[sflag:s17] =	ssyncadd.s32 @!p4 $0xFFFFFF80  }
0xd8: {  	[tilespmem:s18], [sflag:$0x5] =	stream.indirect.gather @!p4 [hbm4b:s4+s23], $0x80, s25, s23, $0xb8;
	[tilespmem:$0x1BD80] =	vst v63  }
.Ltmp3:
0xd9: {  	s16 =	sadd.s32 $0x4, s16;
	p3 =	sgt.u32 s26, $0x98;
	(pc) =	sbr.rel @p2 .LBB2_6-.Ltmp3, $4  }
0xda: {  	s19 =	sadd.s32 $0x200, s19;
	s18 =	simm.s32 @!p3 $0x0;
	_ =	swait.ge [sflag:s11], $0x4000  }
0xdb: {  	s23 =	simm.s32 @!p3 $0x100;
	[sflag:s11] =	ssyncset.done $0x0;
	s17 =	rddreg [dreg:$0x3]  }
0xdc: {  	s26 =	rddreg [dreg:$0x4];
	[sflag:s11] =	ssyncadd.s32 $0xFFFFC000;
	s17 =	sadd.s32 @!p3 s15, s17  }
0xdd: {  	[spmem:s1] =	stream.indirect.scatter.add.f32 [tilespmem:s31], [sflag:$0x8], $0x80, s29, s24, $0xb8;
	[tilespmem:$0x1BD80] =	vst v63  }
0xde: {  	s7 =	sadd.s32 @!p3 s15, s26  }
0xdf: {  	[tilespmem:s23], [sflag:$0x3] =	stream.linear.gather @!p3 [hbm4b:s7+s18], $0x80, $0x38;
	[tilespmem:$0x1BD80] =	vst v63  }
0xe0: {  	s7 =	simm.s32 @!p3 $0x300  }
0xe1: {  	[tilespmem:s7], [sflag:$0x3] =	stream.linear.gather @!p3 [hbm4b:s17+s18], $0x80, $0x38;
	[tilespmem:$0x1BD80] =	vst v63  }
0xe2: {  	s7 =	simm.s32 @!p1 $0x8  }
0xe3: {  	_ =	swait.ge @!p1 [sflag:s7], $0x4000  }
0xe4: {  	[sflag:s7] =	ssyncset.done @!p1 $0x0  }
0xe5: {  	[sflag:s7] =	ssyncadd.s32 @!p1 $0xFFFFC000  }
0xe6: {  	_ =	swait.ge [sflag:s30], $0x80  }
0xe7: {  	[sflag:s30] =	ssyncset.done $0x0  }
0xe8: {  	[sflag:s30] =	ssyncadd.s32 $0xFFFFFF80  }
0xe9: {  	_ =	swait.ge [sflag:s30], $0x80  }
0xea: {  	[sflag:s30] =	ssyncset.done $0x0  }
0xeb: {  	[sflag:s30] =	ssyncadd.s32 $0xFFFFFF80  }
0xec: {  	[tilespmem:s31], [sflag:$0x6] =	stream.indirect.gather [hbm4b:s4+s24], $0x80, s24, s24, $0xb8;
	[tilespmem:$0x1BD80] =	vst v63  }
0xed: {  	_ =	swait.ge [sflag:s8], $0x4000  }
0xee: {  	[sflag:s8] =	ssyncset.done $0x0  }
0xef: {  	s18 =	rddreg [dreg:$0x8];
	[sflag:s8] =	ssyncadd.s32 $0xFFFFC000  }
0xf0: {  	[spmem:s1] =	stream.indirect.scatter.add.f32 [tilespmem:s21], [sflag:$0x7], $0x80, s28, s24, $0xb8;
	[tilespmem:$0x1BD80] =	vst v63  }
0xf1: {  	s23 =	rddreg [dreg:$0x7];
	s7 =	sadd.s32 s14, s18  }
0xf2: {  	[tilespmem:s3], [sflag:$0x4] =	stream.linear.gather [hbm4b:s7+s5], $0x80, $0x38;
	[tilespmem:$0x1BD80] =	vst v63  }
0xf3: {  	s25 =	sadd.s32 s14, s23  }
0xf4: {  	[tilespmem:s29], [sflag:$0x4] =	stream.linear.gather [hbm4b:s25+s5], $0x80, $0x38;
	[tilespmem:$0x1BD80] =	vst v63  }
0xf5: {  	_ =	swait.ge [sflag:s9], $0x4000  }
0xf6: {  	[sflag:s9] =	ssyncset.done $0x0  }
0xf7: {  	[sflag:s9] =	ssyncadd.s32 $0xFFFFC000  }
0xf8: {  	_ =	swait.ge [sflag:s10], $0x80  }
0xf9: {  	[sflag:s10] =	ssyncset.done $0x0  }
0xfa: {  	[sflag:s10] =	ssyncadd.s32 $0xFFFFFF80  }
0xfb: {  	_ =	swait.ge [sflag:s10], $0x80  }
0xfc: {  	[sflag:s10] =	ssyncset.done $0x0  }
0xfd: {  	[sflag:s10] =	ssyncadd.s32 $0xFFFFFF80  }
0xfe: {  	[tilespmem:s21], [sflag:$0x5] =	stream.indirect.gather [hbm4b:s4+s24], $0x80, s2, s24, $0xb8;
	[tilespmem:$0x1BD80] =	vst v63  }
0xff: {  	_ =	swait.ge [sflag:s11], $0x4000  }
0x100: {  	p1 =	sgt.u32 s20, $0x25;
	[sflag:s11] =	ssyncset.done $0x0  }
0x101: {  	s26 =	simm.s32 $0x280;
	s7 =	sshrl.u32 @!p1 s19, $0x3;
	[sflag:s11] =	ssyncadd.s32 $0xFFFFC000  }
0x102: {  	[spmem:s1] =	stream.indirect.scatter.add.f32 [tilespmem:s31], [sflag:$0x8], $0x80, s26, s24, $0xb8;
	[tilespmem:$0x1BD80] =	vst v63  }
0x103: {  	s17 =	simm.s32 @!p1 $0x0;
	s15 =	sadd.s32 @!p1 s6, s7  }
0x104: {  	[tilespmem:s17], [sflag:$0x1] =	stream.linear.gather @!p1 [hbm4b:s15+s17], $0x80, $0x38;
	[tilespmem:$0x1BD80] =	vst v63  }
0x105: {  	s7 =	sadd.s32 @!p1 s0, s7;
	s15 =	simm.s32 @!p1 $0x200  }
0x106: {  	[tilespmem:s15], [sflag:$0x1] =	stream.linear.gather @!p1 [hbm4b:s7+s17], $0x80, $0x38;
	[tilespmem:$0x1BD80] =	vst v63  }
0x107: {  	_ =	swait.ge [sflag:s12], $0x4000  }
0x108: {  	[sflag:s12] =	ssyncset.done $0x0  }
0x109: {  	[sflag:s12] =	ssyncadd.s32 $0xFFFFC000  }
0x10a: {  	_ =	swait.ge [sflag:s13], $0x80  }
0x10b: {  	[sflag:s13] =	ssyncset.done $0x0  }
0x10c: {  	[sflag:s13] =	ssyncadd.s32 $0xFFFFFF80  }
0x10d: {  	_ =	swait.ge [sflag:s13], $0x80  }
0x10e: {  	[sflag:s13] =	ssyncset.done $0x0  }
0x10f: {  	[sflag:s13] =	ssyncadd.s32 $0xFFFFFF80  }
0x110: {  	[tilespmem:s31], [sflag:$0x6] =	stream.indirect.gather [hbm4b:s4+s24], $0x80, s3, s24, $0xb8;
	[tilespmem:$0x1BD80] =	vst v63  }
0x111: {  	_ =	swait.ge [sflag:s8], $0x4000  }
0x112: {  	[sflag:s8] =	ssyncset.done $0x0  }
0x113: {  	s3 =	simm.s32 $0x300;
	s7 =	rddreg [dreg:$0x6];
	[sflag:s8] =	ssyncadd.s32 $0xFFFFC000  }
0x114: {  	[spmem:s1] =	stream.indirect.scatter.add.f32 [tilespmem:s21], [sflag:$0x7], $0x80, s3, s24, $0xb8;
	[tilespmem:$0x1BD80] =	vst v63  }
0x115: {  	s18 =	simm.s32 @!p1 $0x80;
	s15 =	rddreg [dreg:$0x5];
	s7 =	sadd.s32 @!p1 s14, s7  }
0x116: {  	[tilespmem:s18], [sflag:$0x2] =	stream.linear.gather @!p1 [hbm4b:s7+s17], $0x80, $0x38;
	[tilespmem:$0x1BD80] =	vst v63  }
0x117: {  	s7 =	sadd.s32 @!p1 s14, s15;
	s15 =	simm.s32 @!p1 $0x280  }
0x118: {  	[tilespmem:s15], [sflag:$0x2] =	stream.linear.gather @!p1 [hbm4b:s7+s17], $0x80, $0x38;
	[tilespmem:$0x1BD80] =	vst v63  }
0x119: {  	_ =	swait.ge [sflag:s9], $0x4000  }
0x11a: {  	p1 =	sgt.u32 s16, $0x9A;
	[sflag:s9] =	ssyncset.done $0x0  }
0x11b: {  	s7 =	simm.s32 @!p1 $0x1;
	[sflag:s9] =	ssyncadd.s32 $0xFFFFC000  }
0x11c: {  	_ =	swait.ge @!p1 [sflag:s7], $0x80  }
0x11d: {  	[sflag:s7] =	ssyncset.done @!p1 $0x0  }
0x11e: {  	[sflag:s7] =	ssyncadd.s32 @!p1 $0xFFFFFF80  }
0x11f: {  	_ =	swait.ge @!p1 [sflag:s7], $0x80  }
0x120: {  	s15 =	simm.s32 @!p1 $0x500;
	[sflag:s7] =	ssyncset.done @!p1 $0x0  }
0x121: {  	s17 =	simm.s32 @!p1 $0x80;
	[sflag:s7] =	ssyncadd.s32 @!p1 $0xFFFFFF80;
	s7 =	simm.s32 @!p1 $0x0  }
0x122: {  	[tilespmem:s15], [sflag:$0x5] =	stream.indirect.gather @!p1 [hbm4b:s4+s17], $0x80, s7, s17, $0xb8;
	[tilespmem:$0x1BD80] =	vst v63  }
0x123: {  	_ =	swait.ge [sflag:s11], $0x4000  }
0x124: {  	p1 =	sgt.u32 s16, $0x98;
	[sflag:s11] =	ssyncset.done $0x0  }
0x125: {  	s16 =	simm.s32 @!p1 $0x0;
	s7 =	rddreg [dreg:$0x4];
	[sflag:s11] =	ssyncadd.s32 $0xFFFFC000  }
0x126: {  	[spmem:s1] =	stream.indirect.scatter.add.f32 [tilespmem:s31], [sflag:$0x8], $0x80, s29, s24, $0xb8;
	[tilespmem:$0x1BD80] =	vst v63  }
0x127: {  	s17 =	simm.s32 @!p1 $0x100;
	s15 =	rddreg [dreg:$0x3];
	s7 =	sadd.s32 @!p1 s14, s7  }
0x128: {  	[tilespmem:s17], [sflag:$0x3] =	stream.linear.gather @!p1 [hbm4b:s7+s16], $0x80, $0x38;
	[tilespmem:$0x1BD80] =	vst v63  }
0x129: {  	s7 =	sadd.s32 @!p1 s14, s15;
	s14 =	simm.s32 @!p1 $0x300  }
0x12a: {  	[tilespmem:s14], [sflag:$0x3] =	stream.linear.gather @!p1 [hbm4b:s7+s16], $0x80, $0x38;
	[tilespmem:$0x1BD80] =	vst v63  }
0x12b: {  	_ =	swait.ge [sflag:s12], $0x4000  }
0x12c: {  	[sflag:s12] =	ssyncset.done $0x0  }
0x12d: {  	s17 =	simm.s32 $0x400;
	s16 =	rddreg [dreg:$0x10];
	[sflag:s12] =	ssyncadd.s32 $0xFFFFC000  }
0x12e: {  	[tilespmem:s17], [sflag:$0x9] =	stream.linear.gather [hbm4b:s16+s5], $0x20, $0x38;
	[tilespmem:$0x1BD80] =	vst v63  }
0x12f: {  	_ =	swait.ge [sflag:s22], $0x20  }
0x130: {  	[sflag:s22] =	ssyncset.done $0x0  }
0x131: {  	s19 =	simm.s32 $0x480;
	s18 =	rddreg [dreg:$0x11];
	[sflag:s22] =	ssyncadd.s32 $0xFFFFFFE0  }
0x132: {  	[tilespmem:s19], [sflag:$0x9] =	stream.linear.gather [hbm4b:s18+s5], $0x20, $0x38;
	[tilespmem:$0x1BD80] =	vst v63  }
0x133: {  	_ =	swait.ge [sflag:s22], $0x20  }
0x134: {  	[sflag:s22] =	ssyncset.done $0x0  }
0x135: {  	s20 =	simm.s32 $0x20;
	[sflag:s22] =	ssyncadd.s32 $0xFFFFFFE0  }
0x136: {  	[tilespmem:s21], [sflag:$0x5] =	stream.indirect.gather [hbm4b:s4+s20], $0x80, s17, s20, $0xb8;
	[tilespmem:$0x1BD80] =	vst v63  }
0x137: {  	_ =	swait.ge [sflag:s8], $0x1000  }
0x138: {  	[sflag:s8] =	ssyncset.done $0x0  }
0x139: {  	[sflag:s8] =	ssyncadd.s32 $0xFFFFF000  }
0x13a: {  	[spmem:s1] =	stream.indirect.scatter.add.f32 [tilespmem:s21], [sflag:$0x9], $0x80, s19, s20, $0xb8;
	[tilespmem:$0x1BD80] =	vst v63  }
0x13b: {  	_ =	swait.ge [sflag:s22], $0x1000  }
0x13c: {  	s23 =	stileid.u32;
	[sflag:s22] =	ssyncset.done $0x0  }
0x13d: {  	s2 =	simm.s32 $0x100;
	s3 =	simm.s32 $0x180;
	[sflag:s22] =	ssyncadd.s32 $0xFFFFF000  }
0x13e: {  	s7 =	sshll.u32 s23, $0x6;
	s23 =	simm.s32 $0x280;
	[bflag:$0x0] =	sbarrier.arrive $0xFFFF  }
0x13f: {  	s7 =	sor.u32 $0x1C09, s7;
	s5 =	simm.s32 $0x0;
	s19 =	rddreg [dreg:$0x13]  }
.Ltmp4:
0x140: {  	s20 =	simm.s32 $0x200;
	s26 =	rddreg [dreg:$0x15];
	(pc) =	sbr.rel @!p0 .LBB2_9-.Ltmp4, $4  }
0x141: {  	s25 =	sshrl.u32 s19, $0x3;
	s15 =	sadd.s32 $0x500, s26;
	s16 =	smov.u32 s19  }
0x142: {  	[hbm:s26], [sflag:s7] =	dma.local [spmem:s25], $0x500  }
0x143: {  	s25 =	smov.u32 s0;
	s0 =	simm.s32 $0x300;
	s18 =	rddreg [dreg:$0x9]  }
0x144: {  	s26 =	simm.s32 $0x380;
	_ =	swait.ge [sflag:s22], $0x500;
	s14 =	sadd.s32 $0xFFFFFFFF, s18  }
.LBB2_8:
0x145: {  	[sflag:s22] =	ssyncset.done $0x0;
	s16 =	sadd.s32 $0x2800, s16;
	p0 =	sne.s32 s14, $0x1  }
.Ltmp5:
0x146: {  	s17 =	sshrl.u32 s16, $0x3;
	[sflag:s22] =	ssyncadd.s32 $0xFFFFFB00;
	(pc) =	sbr.rel @p0 .LBB2_8-.Ltmp5, $3  }
0x147: {  	[hbm:s15], [sflag:s7] =	dma.local [spmem:s17], $0x500  }
0x148: {  	s14 =	sadd.s32 $0xFFFFFFFF, s14;
	_ =	sdelay $0x1  }
0x149: {  	s15 =	sadd.s32 $0x500, s15;
	_ =	swait.ge [sflag:s22], $0x500  }
.LBB2_9:
0x14a: {  	s14 =	rddreg [dreg:$0x16]  }
0x14b: {  	s7 =	rddreg [dreg:$0x12];
	s14 =	sadd.s32 $0x1, s14  }
0x14c: {  	p0 =	sne.s32 s14, s7  }
.Ltmp6:
0x14d: {  	_ = 	snop;
	(pc) =	sbr.rel @p0 .LBB2_1-.Ltmp6, $3  }
0x14e: {  	_ =	sdelay $0x1  }
0x14f: {  	[sflag:s22] =	ssyncset.done $0x0  }
0x150: {  	[sflag:s22] =	ssyncadd.s32 $0xFFFFFB00  }
0x151: {  	_ =	sfence.sel $0x180000  }
0x152: {  	[bflag:$0x0] =	sbarrier.arrive $0xFFFF  }
0x153: {  	_ =	strace $0x9000004D  }
0x154: {  	s0 =	stileid.u32;
	[bflag:$0x2] =	sbarrier.arrive $0xFFFF  }
0x155: {  	p0 =	sne.s32 s0, $0x0;
	s0 =	rddreg [dreg:$0x2]  }
0x156: {  	s0 =	sadd.s32 @!p0 $0x100000, s0  }
0x157: {  	[sflag:s0] =	ssyncadd.tile.s32 @!p0 $0x1;
	_ =	shalt  }
.Lfunc_end2:
_tile_overlayer_lowered:
.L_overlay_start_2:
0x158: {  	(tag) =	ssettag $0x2  }
0x159: {  	s0 =	rddreg [dreg:$0x0];
	s2 =	stileid.u32  }
0x15a: {  	s1 =	rddreg [dreg:$0x1];
	p0 =	sne.s32 s2, $0x0  }
0x15b: {  	s3 =	rddreg [dreg:$0x2];
	[bflag:$0x3] =	sbarrier.arrive $0xFFFF;
	s2 =	simm.s32 @!p0 $0x1C09  }
0x15c: {  	[timem:s3], [sflag:s2] =	dma.local @!p0 [hbm:s0], s1  }
0x15d: {  	s0 =	simm.s32 @!p0 $0x9  }
0x15e: {  	_ =	swait.ge @!p0 [sflag:s0], s1  }
0x15f: {  	s1 =	ssub.s32 @!p0 $0x0, s1;
	[sflag:s0] =	ssyncset.done @!p0 $0x0  }
0x160: {  	[sflag:s0] =	ssyncadd.s32 @!p0 s1  }
0x161: {  	[bflag:$0x3] =	sbarrier.arrive $0xFFFF  }
0x162: {  	_ =	shalt  }

// kernel: kernel.8.cloned.1.call-start
scs
__scs_entry_jumppad:
0x0: {  	(pc) =	sbr.rel $0x88, $3  }
0x1: {  	(tag) =	ssettag $0x0;
	lr =	simm.s32 $0x1  }
0x2: {  	[smem:$0x3F95] =	sst lr;
	_ =	strace $0xD0000000  }
0x3: {  	_ = 	snop  }
0x4: {  	_ = 	snop  }
0x5: {  	_ = 	snop  }
0x6: {  	_ = 	snop  }
0x7: {  	_ = 	snop  }
__scs_overlays_trampoline_lowered:
0x8: {  	[smem:$0x3FA4] =	sst s0  }
0x9: {  	[smem:$0x3FA5] =	sst s1  }
0xa: {  	[smem:$0x3FA6] =	sst s2  }
0xb: {  	[smem:$0x3FA7] =	sst s3  }
0xc: {  	[smem:$0x3FA8] =	sst s4  }
0xd: {  	[smem:$0x3FA9] =	sst s5  }
0xe: {  	[smem:$0x3FAA] =	sst s6  }
0xf: {  	[smem:$0x3FAB] =	sst s7  }
0x10: {  	[smem:$0x3FAC] =	sst s8  }
0x11: {  	[smem:$0x3FAD] =	sst s9;
	s0 =	simm.s32 @!p0 $0x0  }
0x12: {  	s1 =	sld [smem:$0x3F93];
	s0 =	simm.s32 @p0 $0x1  }
0x13: {  	[smem:$0x3FAE] =	sst s0;
	s0 =	simm.s32 @!p1 $0x0  }
0x14: {  	s2 =	sld [smem:$0x3F92];
	s0 =	simm.s32 @p1 $0x1  }
0x15: {  	[smem:$0x3FAF] =	sst s0;
	s0 =	simm.s32 @!p2 $0x0  }
0x16: {  	s3 =	sld [smem:$0x3FDB];
	s0 =	simm.s32 @p2 $0x1  }
0x17: {  	s4 =	simm.s32 $0x1BF5;
	[smem:$0x3FB1] =	sst s0  }
0x18: {  	s0 =	sld [smem:$0x3F94];
	_ =	swait.ge [sflag:s4], $0x0  }
0x19: {  	s7 =	sld [smem:$0x3F95]  }
0x1a: {  	s8 =	sadd.s32 $0xFFFFE003, lr  }
0x1b: {  	s9 =	sadd.s32 $0xFFFFFEF7, lr;
	s5 =	simm.s32 $0xFFFFFFFF;
	p2 =	slt.u32 s8, $0xFFFFF086  }
0x1c: {  	p1 =	slt.u32 s9, $0xF7A;
	s5 =	simm.s32 @!p2 $0x0  }
0x1d: {  	s5 =	simm.s32 @p1 $0x1;
	p0 =	seq.s32 s7, s2  }
0x1e: {  	s7 =	smul.u32 @!p0 $0xF7A, s2;
	p2 =	seq.s32 @!p0 s5, $0x0  }
0x1f: {  	s9 =	smul.u32 $0xF7A, s1;
	s8 =	simm.s32 @!p0 $0x1BF5;
	p2 =	por !p2, p0  }
0x20: {  	[sflag:s8] =	ssyncset.s32 @!p0 $0xFFFFF086;
	s6 =	sadd.s32 @!p0 s3, s7;
	s7 =	simm.s32 @!p0 $0x108  }
0x21: {  	s3 =	sadd.s32 s3, s9;
	s6 =	sadd.s32 @!p0 $0x88, s6;
	s7 =	simm.s32 @p2 $0x1082  }
0x22: {  	[simem:s7], [sflag:s8] =	dma.local @!p0 [hbm:s6], $0xF7A  }
0x23: {  	s9 =	sor.u32 $0xD0000000, s2;
	s6 =	simm.s32 $0x108;
	_ =	swait.ge @!p0 [sflag:s8], $0x0  }
0x24: {  	s3 =	sadd.s32 $0x88, s3;
	s6 =	simm.s32 @!p1 $0x1082;
	[sflag:s4] =	ssyncset.s32 $0xFFFFF086  }
0x25: {  	[simem:s6], [sflag:s4] =	dma.local [hbm:s3], $0xF7A  }
0x26: {  	[smem:$0x3F95] =	sst s1;
	(tag) =	ssettag s2;
	_ =	strace s9  }
0x27: {  	s1 =	sld [smem:$0x3FA5]  }
0x28: {  	s2 =	sld [smem:$0x3FA6]  }
0x29: {  	s4 =	sld [smem:$0x3FA8]  }
0x2a: {  	p0 =	seq.s32 s5, $0x0;
	s5 =	sld [smem:$0x3FA9]  }
0x2b: {  	s6 =	sld [smem:$0x3FAA]  }
0x2c: {  	s7 =	sld [smem:$0x3FAB]  }
0x2d: {  	s3 =	simm.s32 $0x108;
	s8 =	sld [smem:$0x3FAC]  }
0x2e: {  	s3 =	simm.s32 @!p0 $0x1082;
	s9 =	sld [smem:$0x3FAD]  }
0x2f: {  	lr =	sadd.s32 s0, s3;
	s0 =	sld [smem:$0x3FA4]  }
0x30: {  	s3 =	sld [smem:$0x3FA7]  }
0x31: {  	[smem:$0x3FB0] =	sst s10  }
0x32: {  	s10 =	sld [smem:$0x3FAE];
	_ =	sdelay $0x3  }
0x33: {  	p0 =	seq.s32 s10, $0x1;
	s10 =	sld [smem:$0x3FB0];
	_ =	sdelay $0x3  }
0x34: {  	[smem:$0x3FB0] =	sst s10  }
0x35: {  	s10 =	sld [smem:$0x3FAF];
	_ =	sdelay $0x3  }
0x36: {  	p1 =	seq.s32 s10, $0x1;
	s10 =	sld [smem:$0x3FB0];
	_ =	sdelay $0x3  }
0x37: {  	[smem:$0x3FB0] =	sst s10  }
0x38: {  	s10 =	sld [smem:$0x3FB1]  }
0x39: {  	_ = 	snop;
	(pc) =	sbr.ind lr, $3  }
0x3a: {  	_ = 	snop  }
0x3b: {  	_ = 	snop  }
0x3c: {  	p2 =	seq.s32 s10, $0x1;
	s10 =	sld [smem:$0x3FB0]  }
0x3d: {  	_ =	shalt  }
0x3e: {  	_ =	shalt  }
0x3f: {  	_ =	shalt  }
0x40: {  	_ =	shalt  }
0x41: {  	_ =	shalt  }
0x42: {  	_ =	shalt  }
0x43: {  	_ =	shalt  }
0x44: {  	_ =	shalt  }
0x45: {  	_ =	shalt  }
0x46: {  	_ =	shalt  }
0x47: {  	_ =	shalt  }
0x48: {  	_ =	shalt  }
0x49: {  	_ =	shalt  }
0x4a: {  	_ =	shalt  }
0x4b: {  	_ =	shalt  }
0x4c: {  	_ =	shalt  }
0x4d: {  	_ =	shalt  }
0x4e: {  	_ =	shalt  }
0x4f: {  	_ =	shalt  }
0x50: {  	_ =	shalt  }
0x51: {  	_ =	shalt  }
0x52: {  	_ =	shalt  }
0x53: {  	_ =	shalt  }
0x54: {  	_ =	shalt  }
0x55: {  	_ =	shalt  }
0x56: {  	_ =	shalt  }
0x57: {  	_ =	shalt  }
0x58: {  	_ =	shalt  }
0x59: {  	_ =	shalt  }
0x5a: {  	_ =	shalt  }
0x5b: {  	_ =	shalt  }
0x5c: {  	_ =	shalt  }
0x5d: {  	_ =	shalt  }
0x5e: {  	_ =	shalt  }
0x5f: {  	_ =	shalt  }
0x60: {  	_ =	shalt  }
0x61: {  	_ =	shalt  }
0x62: {  	_ =	shalt  }
0x63: {  	_ =	shalt  }
0x64: {  	_ =	shalt  }
0x65: {  	_ =	shalt  }
0x66: {  	_ =	shalt  }
0x67: {  	_ =	shalt  }
0x68: {  	_ =	shalt  }
0x69: {  	_ =	shalt  }
0x6a: {  	_ =	shalt  }
0x6b: {  	_ =	shalt  }
0x6c: {  	_ =	shalt  }
0x6d: {  	_ =	shalt  }
0x6e: {  	_ =	shalt  }
0x6f: {  	_ =	shalt  }
0x70: {  	_ =	shalt  }
0x71: {  	_ =	shalt  }
0x72: {  	_ =	shalt  }
0x73: {  	_ =	shalt  }
0x74: {  	_ =	shalt  }
0x75: {  	_ =	shalt  }
0x76: {  	_ =	shalt  }
0x77: {  	_ =	shalt  }
0x78: {  	_ =	shalt  }
0x79: {  	_ =	shalt  }
0x7a: {  	_ =	shalt  }
0x7b: {  	_ =	shalt  }
0x7c: {  	_ =	shalt  }
0x7d: {  	_ =	shalt  }
0x7e: {  	_ =	shalt  }
0x7f: {  	_ =	shalt  }
0x80: {  	_ =	shalt  }
0x81: {  	_ =	shalt  }
0x82: {  	_ =	shalt  }
0x83: {  	_ =	shalt  }
0x84: {  	_ =	shalt  }
0x85: {  	_ =	shalt  }
0x86: {  	_ =	shalt  }
0x87: {  	_ =	shalt  }
.Lfunc_end0:
.L_simem_size_0:
called_computation_lowered:
.L_overlay_start_0:
0x88: {  	s2 =	sld [smem:$0x3FD9]  }
0x89: {  	s3 =	sld [smem:$0x3FFE];
	_ =	sdelay $0x1  }
0x8a: {  	s1 =	srdreg.scid  }
0x8b: {  	s0 =	sand.u32 $0x1, s1  }
0x8c: {  	s14 =	sshll.u32 s0, $0xA;
	s2 =	sadd.s32 s3, s2  }
0x8d: {  	s2 =	sadd.s32 s2, s14  }
0x8e: {  	[smem:$0x3FBC] =	sst s2  }
0x8f: {  	_ = 	snop  }
0x90: {  	s2 =	sld [smem:$0x3FD0];
	_ =	sdelay $0x2  }
0x91: {  	s15 =	simm.s32 $0xA;
	s4 =	simm.s32 $0x10  }
0x92: {  	[smem:s4], [sflag:s15] =	dma.local [hbm:s2], $0x1  }
0x93: {  	_ =	swait.eq [sflag:s15], $0x1  }
0x94: {  	[sflag:s15] =	ssyncset.done $0x0  }
0x95: {  	s16 =	sld [smem:$0x10];
	[sflag:s15] =	ssyncadd.s32 $0xFFFFFFFF  }
0x96: {  	s17 =	sld [smem:$0x11];
	(tm) =	ssettm $0x1  }
0x97: {  	s18 =	sld [smem:$0x3FFB];
	_ =	sdelay $0x3  }
0x98: {  	_ =	strace s18  }
0x99: {  	s4 =	sld [smem:$0x3FFC];
	_ =	sdelay $0x3  }
0x9a: {  	_ =	strace s4  }
0x9b: {  	s4 =	sld [smem:$0x3FFD];
	_ =	sdelay $0x3  }
0x9c: {  	_ =	strace s4  }
0x9d: {  	_ =	strace $0x8FFFFFFF  }
0x9e: {  	s19 =	sld [smem:$0x3FDB];
	_ =	sdelay $0x1  }
0x9f: {  	s5 =	simm.s32 $_scs_section_size  }
0xa0: {  	s6 =	simm.s32 $_size__tile_overlayer_lowered;
	s7 =	simm.s32 $_tile_overlayer_lowered  }
0xa1: {  	s22 =	simm.s32 $0x1BFF;
	s21 =	sshll.u32 s7, $0x1;
	s4 =	sadd.s32 s5, s19  }
0xa2: {  	s8 =	simm.s32 $0x0;
	s20 =	sshll.u32 s6, $0x1;
	s6 =	sadd.s32 s21, s4  }
0xa3: {  	[timem:s8], [sflag:s22] =	dma.local [hbm:s6], s20  }
0xa4: {  	_ =	swait.ge [sflag:s22], s20  }
0xa5: {  	s5 =	ssub.s32 $0x0, s20;
	[sflag:s22] =	ssyncset.done $0x0  }
0xa6: {  	[sflag:s22] =	ssyncadd.s32 s5;
	_ =	sdelay $0x1  }
0xa7: {  	s23 =	simm.s32 $0x1B8B  }
0xa8: {  	_ =	swait.ge [sflag:s23], $0x1  }
0xa9: {  	[sflag:s23] =	ssyncset.done $0x0  }
0xaa: {  	s25 =	simm.s32 $0x1B8E;
	s24 =	sld [smem:$0x3FFE];
	[sflag:s23] =	ssyncadd.s32 $0xFFFFFFFF  }
0xab: {  	s26 =	simm.s32 $execute0_lowered;
	[smem:$0x3FD2] =	sst s25  }
0xac: {  	s6 =	sshll.u32 s26, $0x1;
	_ =	strace $0x80000046;
	[dreg:$0x1] =	wrdreg $0xFFFFFFFF  }
0xad: {  	s28 =	simm.s32 $_size_execute0_lowered;
	s4 =	sadd.s32 s4, s6;
	[dreg:$0x0] =	wrdreg $0x0  }
0xae: {  	s6 =	sshll.u32 s28, $0x1;
	[dreg:$0x2] =	wrdreg s4  }
0xaf: {  	[dreg:$0x3] =	wrdreg s6  }
0xb0: {  	[dreg:$0x4] =	wrdreg $0xC0  }
0xb1: {  	_ =	task [dreg:s8], $0x5FFFF  }
0xb2: {  	[dreg:$0x1] =	wrdreg $0xFFFFFFFF  }
0xb3: {  	[dreg:$0x0] =	wrdreg $0x60  }
0xb4: {  	[dreg:$0x2] =	wrdreg s17  }
0xb5: {  	[dreg:$0x3] =	wrdreg s24  }
0xb6: {  	[dreg:$0x4] =	wrdreg s16  }
0xb7: {  	[dreg:$0x5] =	wrdreg $0x8000  }
0xb8: {  	[dreg:$0x6] =	wrdreg $0xA800  }
0xb9: {  	[dreg:$0x7] =	wrdreg $0x9  }
0xba: {  	_ =	task.clear_ibuf [dreg:s8], $0x8FFFF;
	_ =	strace $0x90000046  }
0xbb: {  	s29 =	simm.s32 $0x9;
	_ =	strace $0x80000048  }
0xbc: {  	_ =	swait.ge [sflag:s29], $0x1  }
0xbd: {  	[sflag:s29] =	ssyncadd.s32 $0xFFFFFFFF  }
0xbe: {  	_ =	strace $0x90000048  }
0xbf: {  	_ =	sfence  }
0xc0: {  	s30 =	sld [smem:$0x0];
	_ =	sdelay $0x2  }
0xc1: {  	s31 =	sshll.u32 s1, $0xD;
	s1 =	sshrl.u32 s1, $0x2  }
0xc2: {  	s3 =	sand.u32 $0x4000, s31;
	s1 =	sadd.s32 s1, s30  }
0xc3: {  	s0 =	sor.u32 s3, s0;
	s1 =	sshll.u32 s1, $0x11  }
0xc4: {  	s0 =	sor.u32 s1, s0  }
0xc5: {  	s0 =	sadd.s32 $0x8F2B, s0  }
0xc6: {  	[sflag:s0] =	ssyncadd.remote.s32 $0x1  }
0xc7: {  	_ =	sfence.sel $0xFFFF  }
0xc8: {  	[dreg:$0x0] =	wrdreg $0xFFFFFFFF;
	(pc) =	sbr.abs _section_cstart, $3  }
0xc9: {  	[dreg:$0x1] =	wrdreg $0xFFFFFFFF  }
0xca: {  	_ =	task.clear_ibuf [dreg:s8], $0x2FFFF;
	_ =	strace $0x9FFFFFFF  }
0xcb: {  	(tm) =	ssettm $0x7FFFFFFF  }
tec
execute0_lowered:
.L_overlay_start_1:
0x0: {  	(tag) =	ssettag $0x1  }
0x1: {  	s1 =	rddreg [dreg:$0x0]  }
0x2: {  	s0 =	rddreg [dreg:$0x1]  }
0x3: {  	s4 =	rddreg [dreg:$0x2]  }
0x4: {  	s2 =	rddreg [dreg:$0x3]  }
0x5: {  	s3 =	rddreg [dreg:$0x4]  }
0x6: {  	s5 =	srdreg.scid;
	s6 =	stileid.u32  }
0x7: {  	s28 =	simm.s32 $0x300;
	s29 =	simm.s32 $0x1;
	s30 =	simm.s32 $0x500  }
0x8: {  	s31 =	simm.s32 $0x180;
	s7 =	sand.u32 $0x1, s5;
	s9 =	smul.u32 $0x4E20, s6  }
0x9: {  	s5 =	simm.s32 $0x0;
	s11 =	smul.u32 $0x280, s6;
	s6 =	sadd.s32 $0x16E00, s0  }
0xa: {  	s8 =	smul.u32 $0x4E200, s7;
	[smem:$0x7FF] =	sst s5;
	s10 =	ssub.s32 $0x2, s7  }
0xb: {  	s7 =	smul.u32 $0x5000, s7;
	_ =	strace $0x80000047;
	s19 =	sshrl.u32 s10, $0x1  }
0xc: {  	s14 =	sadd.s32 s11, s2;
	s15 =	sadd.s32 s11, s3;
	s9 =	sadd.s32 s9, s8  }
0xd: {  	s0 =	ssub.s32 s10, s19;
	s7 =	sadd.s32 s11, s7;
	[dreg:$0xc] =	wrdreg s14  }
0xe: {  	[dreg:$0xd] =	wrdreg s15;
	s20 =	sshrl.u32 s9, $0x3;
	s0 =	smax.u32 s0, $0x1  }
0xf: {  	s8 =	simm.s32 $0x0;
	s21 =	sadd.s32 s1, s20;
	[dreg:$0x18] =	wrdreg s0  }
0x10: {  	s7 =	sshrl.u32 s7, $0x3;
	s22 =	sadd.s32 s6, s20;
	[dreg:$0xe] =	wrdreg s21  }
0x11: {  	s12 =	sadd.s32 $0x10, s20;
	s7 =	sadd.s32 s4, s7;
	[dreg:$0xf] =	wrdreg s22  }
0x12: {  	s18 =	sadd.s32 $0x280, s9;
	s23 =	sadd.s32 s1, s12;
	[dreg:$0x16] =	wrdreg s7  }
0x13: {  	s13 =	sadd.s32 $0x20, s20;
	s24 =	sadd.s32 s6, s12;
	[dreg:$0x10] =	wrdreg s23  }
0x14: {  	s10 =	sadd.s32 $0x9C0, s20;
	s25 =	sadd.s32 s1, s13;
	[dreg:$0x11] =	wrdreg s24  }
0x15: {  	s19 =	sshrl.u32 s18, $0x3;
	s26 =	sadd.s32 s6, s13;
	[dreg:$0x12] =	wrdreg s25  }
0x16: {  	s0 =	simm.s32 $0x380;
	s11 =	sadd.s32 s1, s10;
	[dreg:$0x13] =	wrdreg s26  }
0x17: {  	s12 =	sadd.s32 $0x300, s9;
	s13 =	sadd.s32 s6, s10;
	[dreg:$0x14] =	wrdreg s11  }
0x18: {  	s7 =	sadd.s32 $0x500, s7;
	s20 =	sadd.s32 s19, s6;
	[dreg:$0x15] =	wrdreg s13  }
0x19: {  	s21 =	sadd.s32 $0x180, s9;
	s22 =	sadd.s32 s19, s1;
	[dreg:$0x17] =	wrdreg s7  }
0x1a: {  	s10 =	simm.s32 $0x6;
	s16 =	sshrl.u32 s12, $0x3;
	[dreg:$0x8] =	wrdreg s20  }
0x1b: {  	s23 =	sshrl.u32 s21, $0x3;
	[dreg:$0x9] =	wrdreg s22;
	s25 =	sadd.s32 $0x200, s9  }
0x1c: {  	s22 =	simm.s32 $0x7;
	s17 =	sadd.s32 s16, s6;
	[dreg:$0x19] =	wrdreg s25  }
0x1d: {  	s9 =	simm.s32 $0x2;
	s4 =	sadd.s32 s16, s1;
	[dreg:$0x6] =	wrdreg s17  }
0x1e: {  	s11 =	simm.s32 $0x3;
	s24 =	sadd.s32 s23, s6;
	[dreg:$0x7] =	wrdreg s4  }
0x1f: {  	s12 =	simm.s32 $0x4;
	s26 =	sadd.s32 s23, s1;
	[dreg:$0xa] =	wrdreg s24  }
0x20: {  	s23 =	simm.s32 $0x200;
	s25 =	simm.s32 $0x280;
	[dreg:$0xb] =	wrdreg s26  }
0x21: {  	v0 =	vimm.f32 $0.0e+00;
	v1 =	vimm.f32 $1.000000000e+00;
	s24 =	simm.s32 $0x80;
	s26 =	simm.s32 $0x100;
	s4 =	simm.s32 $0x5  }
.LBB2_1:
0x22: {  	[tilespmem:$0x580] =	vst v0  }
0x23: {  	[tilespmem:$0x590] =	vst v0  }
0x24: {  	[tilespmem:$0x5A0] =	vst v0  }
0x25: {  	[tilespmem:$0x5B0] =	vst v0  }
0x26: {  	[tilespmem:$0x5C0] =	vst v0  }
0x27: {  	[tilespmem:$0x5D0] =	vst v0  }
0x28: {  	[tilespmem:$0x5E0] =	vst v0  }
0x29: {  	[tilespmem:$0x5F0] =	vst v0  }
0x2a: {  	[tilespmem:$0x600] =	vst v0  }
0x2b: {  	[tilespmem:$0x610] =	vst v0  }
0x2c: {  	[tilespmem:$0x620] =	vst v0  }
0x2d: {  	[tilespmem:$0x630] =	vst v0  }
0x2e: {  	[tilespmem:$0x640] =	vst v0  }
0x2f: {  	[tilespmem:$0x650] =	vst v0  }
0x30: {  	[tilespmem:$0x660] =	vst v0  }
0x31: {  	[tilespmem:$0x670] =	vst v0  }
0x32: {  	[tilespmem:$0x680] =	vst v0  }
0x33: {  	[tilespmem:$0x690] =	vst v0  }
0x34: {  	[tilespmem:$0x6A0] =	vst v0  }
0x35: {  	[tilespmem:$0x6B0] =	vst v0  }
0x36: {  	[tilespmem:$0x6C0] =	vst v0  }
0x37: {  	[tilespmem:$0x6D0] =	vst v0  }
0x38: {  	[tilespmem:$0x6E0] =	vst v0  }
0x39: {  	[tilespmem:$0x6F0] =	vst v0  }
0x3a: {  	[tilespmem:$0x700] =	vst v0  }
0x3b: {  	[tilespmem:$0x710] =	vst v0  }
0x3c: {  	[tilespmem:$0x720] =	vst v0  }
0x3d: {  	[tilespmem:$0x730] =	vst v0  }
0x3e: {  	[tilespmem:$0x740] =	vst v0  }
0x3f: {  	[tilespmem:$0x750] =	vst v0  }
0x40: {  	[tilespmem:$0x760] =	vst v0  }
0x41: {  	[tilespmem:$0x770] =	vst v0  }
0x42: {  	[tilespmem:$0x780] =	vst v0  }
0x43: {  	[tilespmem:$0x790] =	vst v0  }
0x44: {  	[tilespmem:$0x7A0] =	vst v0  }
0x45: {  	[tilespmem:$0x7B0] =	vst v0  }
0x46: {  	[tilespmem:$0x7C0] =	vst v0  }
0x47: {  	[tilespmem:$0x7D0] =	vst v0  }
0x48: {  	[tilespmem:$0x7E0] =	vst v0  }
0x49: {  	[tilespmem:$0x7F0] =	vst v0  }
0x4a: {  	[tilespmem:$0x500] =	vst v1  }
0x4b: {  	[tilespmem:$0x510] =	vst v1  }
0x4c: {  	[tilespmem:$0x520] =	vst v1  }
0x4d: {  	[tilespmem:$0x530] =	vst v1  }
0x4e: {  	[tilespmem:$0x540] =	vst v1  }
0x4f: {  	[tilespmem:$0x550] =	vst v1  }
0x50: {  	[tilespmem:$0x560] =	vst v1  }
0x51: {  	[dreg:$0x1a] =	wrdreg s8;
	[tilespmem:$0x570] =	vst v1;
	s7 =	simm.s32 $0x580  }
0x52: {  	[spmem:s14] =	stream.linear.scatter [tilespmem:s7], [sflag:$0x7], $0x280, $0x38;
	[tilespmem:$0xD00] =	vst v63  }
0x53: {  	_ =	swait.ge [sflag:s22], $0x280  }
0x54: {  	[sflag:s22] =	ssyncset.done $0x0  }
0x55: {  	[sflag:s22] =	ssyncadd.s32 $0xFFFFFD80  }
0x56: {  	[spmem:s15] =	stream.linear.scatter [tilespmem:s7], [sflag:$0x7], $0x280, $0x38;
	[tilespmem:$0xD00] =	vst v63  }
0x57: {  	_ =	swait.ge [sflag:s22], $0x280  }
0x58: {  	[sflag:s22] =	ssyncset.done $0x0  }
0x59: {  	[sflag:s22] =	ssyncadd.s32 $0xFFFFFD80  }
0x5a: {  	[bflag:$0x0] =	sbarrier.arrive $0xFFFF  }
0x5b: {  	s14 =	rddreg [dreg:$0xe]  }
0x5c: {  	[tilespmem:s5], [sflag:$0x1] =	stream.linear.gather [hbm4b:s14+s5], $0x80, $0x38;
	[tilespmem:$0xD00] =	vst v63  }
0x5d: {  	s15 =	rddreg [dreg:$0xf]  }
0x5e: {  	[tilespmem:s23], [sflag:$0x1] =	stream.linear.gather [hbm4b:s15+s5], $0x80, $0x38;
	[tilespmem:$0xD00] =	vst v63  }
0x5f: {  	s16 =	rddreg [dreg:$0x10]  }
0x60: {  	[tilespmem:s24], [sflag:$0x2] =	stream.linear.gather [hbm4b:s16+s5], $0x80, $0x38;
	[tilespmem:$0xD00] =	vst v63  }
0x61: {  	p0 =	por $0x1, $0x1;
	s17 =	rddreg [dreg:$0x11]  }
0x62: {  	[tilespmem:s25], [sflag:$0x2] =	stream.linear.gather [hbm4b:s17+s5], $0x80, $0x38;
	[tilespmem:$0xD00] =	vst v63  }
0x63: {  	p0 =	por p0, p0;
	s18 =	rddreg [dreg:$0x12]  }
0x64: {  	[tilespmem:s26], [sflag:$0x3] =	stream.linear.gather [hbm4b:s18+s5], $0x80, $0x38;
	[tilespmem:$0xD00] =	vst v63  }
0x65: {  	s7 =	simm.s32 @!p0 $0x6;
	s19 =	rddreg [dreg:$0x13]  }
0x66: {  	[tilespmem:s28], [sflag:$0x3] =	stream.linear.gather [hbm4b:s19+s5], $0x80, $0x38;
	[tilespmem:$0xD00] =	vst v63  }
0x67: {  	_ =	swait.ge @!p0 [sflag:s7], $0x80  }
0x68: {  	[sflag:s7] =	ssyncset.done @!p0 $0x0  }
0x69: {  	[sflag:s7] =	ssyncadd.s32 @!p0 $0xFFFFFF80  }
0x6a: {  	_ =	swait.ge @!p0 [sflag:s7], $0x80  }
0x6b: {  	[sflag:s7] =	ssyncset.done @!p0 $0x0  }
0x6c: {  	[sflag:s7] =	ssyncadd.s32 @!p0 $0xFFFFFF80  }
0x6d: {  	_ =	swait.ge [sflag:s29], $0x80  }
0x6e: {  	[sflag:s29] =	ssyncset.done $0x0  }
0x6f: {  	[sflag:s29] =	ssyncadd.s32 $0xFFFFFF80  }
0x70: {  	_ =	swait.ge [sflag:s29], $0x80  }
0x71: {  	[sflag:s29] =	ssyncset.done $0x0  }
0x72: {  	[sflag:s29] =	ssyncadd.s32 $0xFFFFFF80  }
0x73: {  	[spmem:s2] =	stream.indirect.scatter.add.f32 [tilespmem:s30], [sflag:$0x5], $0x1, s5, s24, $0xb8;
	[tilespmem:$0xD00] =	vst v63  }
0x74: {  	s20 =	rddreg [dreg:$0xb]  }
0x75: {  	[spmem:s3] =	stream.indirect.scatter.add.f32 [tilespmem:s30], [sflag:$0x5], $0x1, s23, s24, $0xb8;
	[tilespmem:$0xD00] =	vst v63  }
0x76: {  	s13 =	rddreg [dreg:$0xa];
	s7 =	sadd.s32 $0x0, s20  }
0x77: {  	[tilespmem:s31], [sflag:$0x4] =	stream.linear.gather [hbm4b:s7+s5], $0x80, $0x38;
	[tilespmem:$0xD00] =	vst v63  }
0x78: {  	s21 =	sadd.s32 $0x0, s13  }
0x79: {  	[tilespmem:s0], [sflag:$0x4] =	stream.linear.gather [hbm4b:s21+s5], $0x80, $0x38;
	[tilespmem:$0xD00] =	vst v63  }
0x7a: {  	_ =	swait.ge [sflag:s4], $0x80  }
0x7b: {  	[sflag:s4] =	ssyncset.done $0x0  }
0x7c: {  	[sflag:s4] =	ssyncadd.s32 $0xFFFFFF80  }
0x7d: {  	_ =	swait.ge [sflag:s4], $0x80  }
0x7e: {  	[sflag:s4] =	ssyncset.done $0x0  }
0x7f: {  	[sflag:s4] =	ssyncadd.s32 $0xFFFFFF80  }
0x80: {  	_ =	swait.ge [sflag:s9], $0x80  }
0x81: {  	[sflag:s9] =	ssyncset.done $0x0  }
0x82: {  	[sflag:s9] =	ssyncadd.s32 $0xFFFFFF80  }
0x83: {  	_ =	swait.ge [sflag:s9], $0x80  }
0x84: {  	[sflag:s9] =	ssyncset.done $0x0  }
0x85: {  	p1 =	por $0x0, $0x0;
	s8 =	rddreg [dreg:$0x19];
	[sflag:s9] =	ssyncadd.s32 $0xFFFFFF80  }
0x86: {  	[spmem:s2] =	stream.indirect.scatter.add.f32 [tilespmem:s30], [sflag:$0x6], $0x1, s24, s24, $0xb8;
	[tilespmem:$0xD00] =	vst v63  }
0x87: {  	s7 =	sshrl.u32 @!p1 s8, $0x3  }
0x88: {  	[spmem:s3] =	stream.indirect.scatter.add.f32 [tilespmem:s30], [sflag:$0x6], $0x1, s25, s24, $0xb8;
	[tilespmem:$0xD00] =	vst v63  }
0x89: {  	s14 =	simm.s32 @!p1 $0x0;
	s13 =	sadd.s32 @!p1 s1, s7  }
0x8a: {  	[tilespmem:s14], [sflag:$0x1] =	stream.linear.gather @!p1 [hbm4b:s13+s14], $0x80, $0x38;
	[tilespmem:$0xD00] =	vst v63  }
0x8b: {  	s7 =	sadd.s32 @!p1 s6, s7;
	s13 =	simm.s32 @!p1 $0x200  }
0x8c: {  	[tilespmem:s13], [sflag:$0x1] =	stream.linear.gather @!p1 [hbm4b:s7+s14], $0x80, $0x38;
	[tilespmem:$0xD00] =	vst v63  }
0x8d: {  	_ =	swait.ge [sflag:s10], $0x80  }
0x8e: {  	[sflag:s10] =	ssyncset.done $0x0  }
0x8f: {  	[sflag:s10] =	ssyncadd.s32 $0xFFFFFF80  }
0x90: {  	_ =	swait.ge [sflag:s10], $0x80  }
0x91: {  	[sflag:s10] =	ssyncset.done $0x0  }
0x92: {  	[sflag:s10] =	ssyncadd.s32 $0xFFFFFF80  }
0x93: {  	_ =	swait.ge [sflag:s11], $0x80  }
0x94: {  	[sflag:s11] =	ssyncset.done $0x0  }
0x95: {  	[sflag:s11] =	ssyncadd.s32 $0xFFFFFF80  }
0x96: {  	_ =	swait.ge [sflag:s11], $0x80  }
0x97: {  	[sflag:s11] =	ssyncset.done $0x0  }
0x98: {  	[sflag:s11] =	ssyncadd.s32 $0xFFFFFF80  }
0x99: {  	[spmem:s2] =	stream.indirect.scatter.add.f32 [tilespmem:s30], [sflag:$0x5], $0x1, s26, s24, $0xb8;
	[tilespmem:$0xD00] =	vst v63  }
0x9a: {  	s7 =	rddreg [dreg:$0x9]  }
0x9b: {  	[spmem:s3] =	stream.indirect.scatter.add.f32 [tilespmem:s30], [sflag:$0x5], $0x1, s28, s24, $0xb8;
	[tilespmem:$0xD00] =	vst v63  }
0x9c: {  	s15 =	simm.s32 @!p1 $0x80;
	s13 =	rddreg [dreg:$0x8];
	s7 =	sadd.s32 @!p1 $0x0, s7  }
0x9d: {  	[tilespmem:s15], [sflag:$0x2] =	stream.linear.gather @!p1 [hbm4b:s7+s14], $0x80, $0x38;
	[tilespmem:$0xD00] =	vst v63  }
0x9e: {  	s13 =	sadd.s32 @!p1 $0x0, s13;
	s7 =	simm.s32 @!p1 $0x280  }
0x9f: {  	[tilespmem:s7], [sflag:$0x2] =	stream.linear.gather @!p1 [hbm4b:s13+s14], $0x80, $0x38;
	[tilespmem:$0xD00] =	vst v63  }
0xa0: {  	_ =	swait.ge [sflag:s4], $0x80  }
0xa1: {  	[sflag:s4] =	ssyncset.done $0x0  }
0xa2: {  	[sflag:s4] =	ssyncadd.s32 $0xFFFFFF80  }
0xa3: {  	_ =	swait.ge [sflag:s4], $0x80  }
0xa4: {  	[sflag:s4] =	ssyncset.done $0x0  }
0xa5: {  	[sflag:s4] =	ssyncadd.s32 $0xFFFFFF80  }
0xa6: {  	_ =	swait.ge [sflag:s12], $0x80  }
0xa7: {  	[sflag:s12] =	ssyncset.done $0x0  }
0xa8: {  	[sflag:s12] =	ssyncadd.s32 $0xFFFFFF80  }
0xa9: {  	_ =	swait.ge [sflag:s12], $0x80  }
0xaa: {  	p6 =	por $0x0, $0x0;
	[sflag:s12] =	ssyncset.done $0x0  }
0xab: {  	s17 =	simm.s32 $0x80;
	s18 =	simm.s32 $0x40;
	[sflag:s12] =	ssyncadd.s32 $0xFFFFFF80  }
0xac: {  	[spmem:s2] =	stream.indirect.scatter.add.f32 [tilespmem:s30], [sflag:$0x6], $0x1, s31, s24, $0xb8;
	[tilespmem:$0xD00] =	vst v63  }
0xad: {  	s19 =	simm.s32 $0x1;
	p0 =	por p6, p6;
	s7 =	rddreg [dreg:$0x7]  }
0xae: {  	[spmem:s3] =	stream.indirect.scatter.add.f32 [tilespmem:s30], [sflag:$0x6], $0x1, s0, s24, $0xb8;
	[tilespmem:$0xD00] =	vst v63  }
0xaf: {  	s15 =	simm.s32 @!p1 $0x100;
	s13 =	rddreg [dreg:$0x6];
	s7 =	sadd.s32 @!p1 $0x0, s7  }
0xb0: {  	[tilespmem:s15], [sflag:$0x3] =	stream.linear.gather @!p1 [hbm4b:s7+s14], $0x80, $0x38;
	[tilespmem:$0xD00] =	vst v63  }
0xb1: {  	s21 =	sadd.s32 $0x200, s8;
	s15 =	sadd.s32 @!p1 $0x0, s13;
	s7 =	simm.s32 @!p1 $0x300  }
.LBB2_2:
0xb2: {  	s8 =	simm.s32 @!p0 $0x6  }
0xb3: {  	[tilespmem:s7], [sflag:$0x3] =	stream.linear.gather @!p1 [hbm4b:s15+s14], $0x80, $0x38;
	[tilespmem:$0xD00] =	vst v63  }
0xb4: {  	_ =	swait.ge @!p0 [sflag:s8], $0x80  }
0xb5: {  	[sflag:s8] =	ssyncset.done @!p0 $0x0  }
0xb6: {  	[sflag:s8] =	ssyncadd.s32 @!p0 $0xFFFFFF80  }
0xb7: {  	_ =	swait.ge @!p0 [sflag:s8], $0x80  }
0xb8: {  	[sflag:s8] =	ssyncset.done @!p0 $0x0  }
0xb9: {  	[sflag:s8] =	ssyncadd.s32 @!p0 $0xFFFFFF80  }
0xba: {  	_ =	swait.ge [sflag:s29], $0x80  }
0xbb: {  	[sflag:s29] =	ssyncset.done $0x0  }
0xbc: {  	[sflag:s29] =	ssyncadd.s32 $0xFFFFFF80  }
0xbd: {  	_ =	swait.ge [sflag:s29], $0x80  }
0xbe: {  	[sflag:s29] =	ssyncset.done $0x0  }
0xbf: {  	[sflag:s29] =	ssyncadd.s32 $0xFFFFFF80  }
0xc0: {  	[spmem:s2] =	stream.indirect.scatter.add.f32 [tilespmem:s30], [sflag:$0x5], $0x1, s5, s24, $0xb8;
	[tilespmem:$0xD00] =	vst v63  }
0xc1: {  	s13 =	smov.u32 s18;
	s15 =	rddreg [dreg:$0xb]  }
0xc2: {  	[spmem:s3] =	stream.indirect.scatter.add.f32 [tilespmem:s30], [sflag:$0x5], $0x1, s23, s24, $0xb8;
	[tilespmem:$0xD00] =	vst v63  }
0xc3: {  	s16 =	rddreg [dreg:$0xa];
	s7 =	sadd.s32 s13, s15  }
0xc4: {  	[tilespmem:s31], [sflag:$0x4] =	stream.linear.gather [hbm4b:s7+s5], $0x80, $0x38;
	[tilespmem:$0xD00] =	vst v63  }
0xc5: {  	s20 =	sadd.s32 s13, s16  }
0xc6: {  	[tilespmem:s0], [sflag:$0x4] =	stream.linear.gather [hbm4b:s20+s5], $0x80, $0x38;
	[tilespmem:$0xD00] =	vst v63  }
0xc7: {  	_ =	swait.ge [sflag:s4], $0x80  }
0xc8: {  	[sflag:s4] =	ssyncset.done $0x0  }
0xc9: {  	[sflag:s4] =	ssyncadd.s32 $0xFFFFFF80  }
0xca: {  	_ =	swait.ge [sflag:s4], $0x80  }
0xcb: {  	[sflag:s4] =	ssyncset.done $0x0  }
0xcc: {  	[sflag:s4] =	ssyncadd.s32 $0xFFFFFF80  }
0xcd: {  	_ =	swait.ge [sflag:s9], $0x80  }
0xce: {  	[sflag:s9] =	ssyncset.done $0x0  }
0xcf: {  	[sflag:s9] =	ssyncadd.s32 $0xFFFFFF80  }
0xd0: {  	_ =	swait.ge [sflag:s9], $0x80  }
0xd1: {  	[sflag:s9] =	ssyncset.done $0x0  }
0xd2: {  	p1 =	sgt.u32 s19, $0x25;
	[sflag:s9] =	ssyncadd.s32 $0xFFFFFF80  }
0xd3: {  	[spmem:s2] =	stream.indirect.scatter.add.f32 [tilespmem:s30], [sflag:$0x6], $0x1, s24, s24, $0xb8;
	[tilespmem:$0xD00] =	vst v63  }
0xd4: {  	s7 =	sshrl.u32 @!p1 s21, $0x3  }
0xd5: {  	[spmem:s3] =	stream.indirect.scatter.add.f32 [tilespmem:s30], [sflag:$0x6], $0x1, s25, s24, $0xb8;
	[tilespmem:$0xD00] =	vst v63  }
0xd6: {  	s14 =	simm.s32 @!p1 $0x0;
	s8 =	sadd.s32 @!p1 s1, s7  }
0xd7: {  	[tilespmem:s14], [sflag:$0x1] =	stream.linear.gather @!p1 [hbm4b:s8+s14], $0x80, $0x38;
	[tilespmem:$0xD00] =	vst v63  }
0xd8: {  	s15 =	simm.s32 @!p1 $0x200;
	s7 =	sadd.s32 @!p1 s6, s7  }
0xd9: {  	[tilespmem:s15], [sflag:$0x1] =	stream.linear.gather @!p1 [hbm4b:s7+s14], $0x80, $0x38;
	[tilespmem:$0xD00] =	vst v63  }
0xda: {  	_ =	swait.ge [sflag:s10], $0x80  }
0xdb: {  	[sflag:s10] =	ssyncset.done $0x0  }
0xdc: {  	[sflag:s10] =	ssyncadd.s32 $0xFFFFFF80  }
0xdd: {  	_ =	swait.ge [sflag:s10], $0x80  }
0xde: {  	[sflag:s10] =	ssyncset.done $0x0  }
0xdf: {  	[sflag:s10] =	ssyncadd.s32 $0xFFFFFF80  }
0xe0: {  	_ =	swait.ge [sflag:s11], $0x80  }
0xe1: {  	[sflag:s11] =	ssyncset.done $0x0  }
0xe2: {  	[sflag:s11] =	ssyncadd.s32 $0xFFFFFF80  }
0xe3: {  	_ =	swait.ge [sflag:s11], $0x80  }
0xe4: {  	[sflag:s11] =	ssyncset.done $0x0  }
0xe5: {  	[sflag:s11] =	ssyncadd.s32 $0xFFFFFF80  }
0xe6: {  	[spmem:s2] =	stream.indirect.scatter.add.f32 [tilespmem:s30], [sflag:$0x5], $0x1, s26, s24, $0xb8;
	[tilespmem:$0xD00] =	vst v63  }
0xe7: {  	s7 =	rddreg [dreg:$0x9]  }
0xe8: {  	[spmem:s3] =	stream.indirect.scatter.add.f32 [tilespmem:s30], [sflag:$0x5], $0x1, s28, s24, $0xb8;
	[tilespmem:$0xD00] =	vst v63  }
0xe9: {  	s15 =	simm.s32 @!p1 $0x80;
	s8 =	rddreg [dreg:$0x8];
	s7 =	sadd.s32 @!p1 s13, s7  }
0xea: {  	[tilespmem:s15], [sflag:$0x2] =	stream.linear.gather @!p1 [hbm4b:s7+s14], $0x80, $0x38;
	[tilespmem:$0xD00] =	vst v63  }
0xeb: {  	s20 =	simm.s32 @!p1 $0x280;
	s7 =	sadd.s32 @!p1 s13, s8  }
0xec: {  	[tilespmem:s20], [sflag:$0x2] =	stream.linear.gather @!p1 [hbm4b:s7+s14], $0x80, $0x38;
	[tilespmem:$0xD00] =	vst v63  }
0xed: {  	_ =	swait.ge [sflag:s4], $0x80  }
0xee: {  	[sflag:s4] =	ssyncset.done $0x0  }
0xef: {  	[sflag:s4] =	ssyncadd.s32 $0xFFFFFF80  }
0xf0: {  	_ =	swait.ge [sflag:s4], $0x80  }
0xf1: {  	[sflag:s4] =	ssyncset.done $0x0  }
0xf2: {  	[sflag:s4] =	ssyncadd.s32 $0xFFFFFF80  }
0xf3: {  	_ =	swait.ge [sflag:s12], $0x80  }
0xf4: {  	[sflag:s12] =	ssyncset.done $0x0  }
0xf5: {  	[sflag:s12] =	ssyncadd.s32 $0xFFFFFF80  }
0xf6: {  	p3 =	seq.s32 s17, $0x0;
	_ =	swait.ge [sflag:s12], $0x80  }
0xf7: {  	s18 =	smov.u32 s17;
	s17 =	sadd.s32 $0x40, s17;
	[sflag:s12] =	ssyncset.done $0x0  }
0xf8: {  	s19 =	sadd.s32 $0x1, s19;
	p2 =	sne.s32 s17, $0x9C0;
	[sflag:s12] =	ssyncadd.s32 $0xFFFFFF80  }
0xf9: {  	[spmem:s2] =	stream.indirect.scatter.add.f32 [tilespmem:s30], [sflag:$0x6], $0x1, s31, s24, $0xb8;
	[tilespmem:$0xD00] =	vst v63  }
.Ltmp0:
0xfa: {  	p0 =	por p3, p3;
	s7 =	rddreg [dreg:$0x7];
	(pc) =	sbr.rel @p2 .LBB2_2-.Ltmp0, $4  }
0xfb: {  	s16 =	simm.s32 @!p1 $0x100;
	s21 =	sadd.s32 $0x200, s21;
	s8 =	rddreg [dreg:$0x6]  }
0xfc: {  	[spmem:s3] =	stream.indirect.scatter.add.f32 [tilespmem:s30], [sflag:$0x6], $0x1, s0, s24, $0xb8;
	[tilespmem:$0xD00] =	vst v63  }
0xfd: {  	s20 =	sadd.s32 @!p1 s13, s7;
	s15 =	sadd.s32 @!p1 s13, s8;
	s7 =	simm.s32 @!p1 $0x300  }
0xfe: {  	[tilespmem:s16], [sflag:$0x3] =	stream.linear.gather @!p1 [hbm4b:s20+s14], $0x80, $0x38;
	[tilespmem:$0xD00] =	vst v63  }
0xff: {  	[tilespmem:s7], [sflag:$0x3] =	stream.linear.gather @!p1 [hbm4b:s15+s14], $0x80, $0x38;
	[tilespmem:$0xD00] =	vst v63  }
0x100: {  	s7 =	simm.s32 @!p0 $0x6  }
0x101: {  	_ =	swait.ge @!p0 [sflag:s7], $0x80  }
0x102: {  	[sflag:s7] =	ssyncset.done @!p0 $0x0  }
0x103: {  	[sflag:s7] =	ssyncadd.s32 @!p0 $0xFFFFFF80  }
0x104: {  	_ =	swait.ge @!p0 [sflag:s7], $0x80  }
0x105: {  	[sflag:s7] =	ssyncset.done @!p0 $0x0  }
0x106: {  	[sflag:s7] =	ssyncadd.s32 @!p0 $0xFFFFFF80  }
0x107: {  	_ =	swait.ge [sflag:s29], $0x80  }
0x108: {  	[sflag:s29] =	ssyncset.done $0x0  }
0x109: {  	[sflag:s29] =	ssyncadd.s32 $0xFFFFFF80  }
0x10a: {  	_ =	swait.ge [sflag:s29], $0x80  }
0x10b: {  	[sflag:s29] =	ssyncset.done $0x0  }
0x10c: {  	[sflag:s29] =	ssyncadd.s32 $0xFFFFFF80  }
0x10d: {  	[spmem:s2] =	stream.indirect.scatter.add.f32 [tilespmem:s30], [sflag:$0x5], $0x1, s5, s24, $0xb8;
	[tilespmem:$0xD00] =	vst v63  }
0x10e: {  	s16 =	rddreg [dreg:$0xb]  }
0x10f: {  	[spmem:s3] =	stream.indirect.scatter.add.f32 [tilespmem:s30], [sflag:$0x5], $0x1, s23, s24, $0xb8;
	[tilespmem:$0xD00] =	vst v63  }
0x110: {  	s8 =	rddreg [dreg:$0xa];
	s7 =	sadd.s32 s18, s16  }
0x111: {  	[tilespmem:s31], [sflag:$0x4] =	stream.linear.gather [hbm4b:s7+s5], $0x80, $0x38;
	[tilespmem:$0xD00] =	vst v63  }
0x112: {  	s17 =	sadd.s32 s18, s8  }
0x113: {  	[tilespmem:s0], [sflag:$0x4] =	stream.linear.gather [hbm4b:s17+s5], $0x80, $0x38;
	[tilespmem:$0xD00] =	vst v63  }
0x114: {  	_ =	swait.ge [sflag:s4], $0x80  }
0x115: {  	[sflag:s4] =	ssyncset.done $0x0  }
0x116: {  	[sflag:s4] =	ssyncadd.s32 $0xFFFFFF80  }
0x117: {  	_ =	swait.ge [sflag:s4], $0x80  }
0x118: {  	[sflag:s4] =	ssyncset.done $0x0  }
0x119: {  	[sflag:s4] =	ssyncadd.s32 $0xFFFFFF80  }
0x11a: {  	_ =	swait.ge [sflag:s9], $0x80  }
0x11b: {  	[sflag:s9] =	ssyncset.done $0x0  }
0x11c: {  	[sflag:s9] =	ssyncadd.s32 $0xFFFFFF80  }
0x11d: {  	_ =	swait.ge [sflag:s9], $0x80  }
0x11e: {  	[sflag:s9] =	ssyncset.done $0x0  }
0x11f: {  	p0 =	sgt.u32 s19, $0x25;
	[sflag:s9] =	ssyncadd.s32 $0xFFFFFF80  }
0x120: {  	[spmem:s2] =	stream.indirect.scatter.add.f32 [tilespmem:s30], [sflag:$0x6], $0x1, s24, s24, $0xb8;
	[tilespmem:$0xD00] =	vst v63  }
0x121: {  	s7 =	sshrl.u32 @!p0 s21, $0x3  }
0x122: {  	[spmem:s3] =	stream.indirect.scatter.add.f32 [tilespmem:s30], [sflag:$0x6], $0x1, s25, s24, $0xb8;
	[tilespmem:$0xD00] =	vst v63  }
0x123: {  	s8 =	simm.s32 @!p0 $0x0;
	s13 =	sadd.s32 @!p0 s1, s7  }
0x124: {  	[tilespmem:s8], [sflag:$0x1] =	stream.linear.gather @!p0 [hbm4b:s13+s8], $0x80, $0x38;
	[tilespmem:$0xD00] =	vst v63  }
0x125: {  	s7 =	sadd.s32 @!p0 s6, s7;
	s13 =	simm.s32 @!p0 $0x200  }
0x126: {  	[tilespmem:s13], [sflag:$0x1] =	stream.linear.gather @!p0 [hbm4b:s7+s8], $0x80, $0x38;
	[tilespmem:$0xD00] =	vst v63  }
0x127: {  	_ =	swait.ge [sflag:s10], $0x80  }
0x128: {  	[sflag:s10] =	ssyncset.done $0x0  }
0x129: {  	[sflag:s10] =	ssyncadd.s32 $0xFFFFFF80  }
0x12a: {  	_ =	swait.ge [sflag:s10], $0x80  }
0x12b: {  	[sflag:s10] =	ssyncset.done $0x0  }
0x12c: {  	[sflag:s10] =	ssyncadd.s32 $0xFFFFFF80  }
0x12d: {  	_ =	swait.ge [sflag:s11], $0x80  }
0x12e: {  	[sflag:s11] =	ssyncset.done $0x0  }
0x12f: {  	[sflag:s11] =	ssyncadd.s32 $0xFFFFFF80  }
0x130: {  	_ =	swait.ge [sflag:s11], $0x80  }
0x131: {  	[sflag:s11] =	ssyncset.done $0x0  }
0x132: {  	[sflag:s11] =	ssyncadd.s32 $0xFFFFFF80  }
0x133: {  	[spmem:s2] =	stream.indirect.scatter.add.f32 [tilespmem:s30], [sflag:$0x5], $0x1, s26, s24, $0xb8;
	[tilespmem:$0xD00] =	vst v63  }
0x134: {  	s7 =	rddreg [dreg:$0x9]  }
0x135: {  	[spmem:s3] =	stream.indirect.scatter.add.f32 [tilespmem:s30], [sflag:$0x5], $0x1, s28, s24, $0xb8;
	[tilespmem:$0xD00] =	vst v63  }
0x136: {  	s14 =	simm.s32 @!p0 $0x80;
	s13 =	rddreg [dreg:$0x8];
	s7 =	sadd.s32 @!p0 s18, s7  }
0x137: {  	[tilespmem:s14], [sflag:$0x2] =	stream.linear.gather @!p0 [hbm4b:s7+s8], $0x80, $0x38;
	[tilespmem:$0xD00] =	vst v63  }
0x138: {  	s13 =	sadd.s32 @!p0 s18, s13;
	s7 =	simm.s32 @!p0 $0x280  }
0x139: {  	[tilespmem:s7], [sflag:$0x2] =	stream.linear.gather @!p0 [hbm4b:s13+s8], $0x80, $0x38;
	[tilespmem:$0xD00] =	vst v63  }
0x13a: {  	_ =	swait.ge [sflag:s4], $0x80  }
0x13b: {  	[sflag:s4] =	ssyncset.done $0x0  }
0x13c: {  	[sflag:s4] =	ssyncadd.s32 $0xFFFFFF80  }
0x13d: {  	_ =	swait.ge [sflag:s4], $0x80  }
0x13e: {  	[sflag:s4] =	ssyncset.done $0x0  }
0x13f: {  	[sflag:s4] =	ssyncadd.s32 $0xFFFFFF80  }
0x140: {  	_ =	swait.ge [sflag:s12], $0x80  }
0x141: {  	[sflag:s12] =	ssyncset.done $0x0  }
0x142: {  	[sflag:s12] =	ssyncadd.s32 $0xFFFFFF80  }
0x143: {  	_ =	swait.ge [sflag:s12], $0x80  }
0x144: {  	[sflag:s12] =	ssyncset.done $0x0  }
0x145: {  	[sflag:s12] =	ssyncadd.s32 $0xFFFFFF80  }
0x146: {  	[spmem:s2] =	stream.indirect.scatter.add.f32 [tilespmem:s30], [sflag:$0x6], $0x1, s31, s24, $0xb8;
	[tilespmem:$0xD00] =	vst v63  }
0x147: {  	s7 =	rddreg [dreg:$0x7]  }
0x148: {  	[spmem:s3] =	stream.indirect.scatter.add.f32 [tilespmem:s30], [sflag:$0x6], $0x1, s0, s24, $0xb8;
	[tilespmem:$0xD00] =	vst v63  }
0x149: {  	s14 =	simm.s32 @!p0 $0x100;
	s13 =	rddreg [dreg:$0x6];
	s7 =	sadd.s32 @!p0 s18, s7  }
0x14a: {  	[tilespmem:s14], [sflag:$0x3] =	stream.linear.gather @!p0 [hbm4b:s7+s8], $0x80, $0x38;
	[tilespmem:$0xD00] =	vst v63  }
0x14b: {  	s7 =	sadd.s32 @!p0 s18, s13;
	s13 =	simm.s32 @!p0 $0x300  }
0x14c: {  	[tilespmem:s13], [sflag:$0x3] =	stream.linear.gather @!p0 [hbm4b:s7+s8], $0x80, $0x38;
	[tilespmem:$0xD00] =	vst v63  }
0x14d: {  	_ =	swait.ge [sflag:s10], $0x80  }
0x14e: {  	[sflag:s10] =	ssyncset.done $0x0  }
0x14f: {  	[sflag:s10] =	ssyncadd.s32 $0xFFFFFF80  }
0x150: {  	_ =	swait.ge [sflag:s10], $0x80  }
0x151: {  	[sflag:s10] =	ssyncset.done $0x0  }
0x152: {  	s19 =	simm.s32 $0x400;
	s18 =	rddreg [dreg:$0x14];
	[sflag:s10] =	ssyncadd.s32 $0xFFFFFF80  }
0x153: {  	[tilespmem:s19], [sflag:$0x7] =	stream.linear.gather [hbm4b:s18+s5], $0x20, $0x38;
	[tilespmem:$0xD00] =	vst v63  }
0x154: {  	_ =	swait.ge [sflag:s22], $0x20  }
0x155: {  	[sflag:s22] =	ssyncset.done $0x0  }
0x156: {  	s21 =	simm.s32 $0x480;
	s20 =	rddreg [dreg:$0x15];
	[sflag:s22] =	ssyncadd.s32 $0xFFFFFFE0  }
0x157: {  	[tilespmem:s21], [sflag:$0x7] =	stream.linear.gather [hbm4b:s20+s5], $0x20, $0x38;
	[tilespmem:$0xD00] =	vst v63  }
0x158: {  	_ =	swait.ge [sflag:s22], $0x20  }
0x159: {  	[sflag:s22] =	ssyncset.done $0x0  }
0x15a: {  	s14 =	simm.s32 $0x20;
	[sflag:s22] =	ssyncadd.s32 $0xFFFFFFE0  }
0x15b: {  	[spmem:s2] =	stream.indirect.scatter.add.f32 [tilespmem:s30], [sflag:$0x7], $0x1, s19, s14, $0xb8;
	[tilespmem:$0xD00] =	vst v63  }
0x15c: {  	_ =	swait.ge [sflag:s22], $0x20  }
0x15d: {  	[sflag:s22] =	ssyncset.done $0x0  }
0x15e: {  	[sflag:s22] =	ssyncadd.s32 $0xFFFFFFE0  }
0x15f: {  	[spmem:s3] =	stream.indirect.scatter.add.f32 [tilespmem:s30], [sflag:$0x7], $0x1, s21, s14, $0xb8;
	[tilespmem:$0xD00] =	vst v63  }
0x160: {  	_ =	swait.ge [sflag:s22], $0x20  }
0x161: {  	[sflag:s22] =	ssyncset.done $0x0  }
0x162: {  	[sflag:s22] =	ssyncadd.s32 $0xFFFFFFE0  }
0x163: {  	s15 =	stileid.u32;
	[bflag:$0x0] =	sbarrier.arrive $0xFFFF  }
0x164: {  	s7 =	sshll.u32 s15, $0x6;
	s14 =	rddreg [dreg:$0xc]  }
0x165: {  	s7 =	sor.u32 $0x1C07, s7;
	s17 =	rddreg [dreg:$0x16];
	s16 =	sshrl.u32 s14, $0x3  }
0x166: {  	[hbm:s17], [sflag:s7] =	dma.local [spmem:s16], $0x50  }
0x167: {  	_ =	swait.ge [sflag:s22], $0x50  }
0x168: {  	[sflag:s22] =	ssyncset.done $0x0;
	s15 =	rddreg [dreg:$0xd]  }
0x169: {  	s19 =	rddreg [dreg:$0x17];
	[sflag:s22] =	ssyncadd.s32 $0xFFFFFFB0;
	s18 =	sshrl.u32 s15, $0x3  }
0x16a: {  	[hbm:s19], [sflag:s7] =	dma.local [spmem:s18], $0x50  }
0x16b: {  	_ =	swait.ge [sflag:s22], $0x50  }
0x16c: {  	s20 =	rddreg [dreg:$0x1a]  }
0x16d: {  	s21 =	rddreg [dreg:$0x18];
	s8 =	sadd.s32 $0x1, s20  }
0x16e: {  	p0 =	sne.s32 s8, s21  }
.Ltmp1:
0x16f: {  	_ = 	snop;
	(pc) =	sbr.rel @p0 .LBB2_1-.Ltmp1, $3  }
0x170: {  	_ =	sdelay $0x1  }
0x171: {  	[sflag:s22] =	ssyncset.done $0x0  }
0x172: {  	[sflag:s22] =	ssyncadd.s32 $0xFFFFFFB0  }
0x173: {  	_ =	sfence.sel $0x180000  }
0x174: {  	[bflag:$0x0] =	sbarrier.arrive $0xFFFF  }
0x175: {  	_ =	strace $0x90000047  }
0x176: {  	s0 =	stileid.u32;
	[bflag:$0x2] =	sbarrier.arrive $0xFFFF  }
0x177: {  	p0 =	sne.s32 s0, $0x0;
	s0 =	rddreg [dreg:$0x5]  }
0x178: {  	s0 =	sadd.s32 @!p0 $0x100000, s0  }
0x179: {  	[sflag:s0] =	ssyncadd.tile.s32 @!p0 $0x1;
	_ =	shalt  }
.Lfunc_end2:
_tile_overlayer_lowered:
.L_overlay_start_2:
0x17a: {  	(tag) =	ssettag $0x2  }
0x17b: {  	s0 =	rddreg [dreg:$0x0];
	s2 =	stileid.u32  }
0x17c: {  	s1 =	rddreg [dreg:$0x1];
	p0 =	sne.s32 s2, $0x0  }
0x17d: {  	s3 =	rddreg [dreg:$0x2];
	[bflag:$0x3] =	sbarrier.arrive $0xFFFF;
	s2 =	simm.s32 @!p0 $0x1C07  }
0x17e: {  	[timem:s3], [sflag:s2] =	dma.local @!p0 [hbm:s0], s1  }
0x17f: {  	s0 =	simm.s32 @!p0 $0x7  }
0x180: {  	_ =	swait.ge @!p0 [sflag:s0], s1  }
0x181: {  	s1 =	ssub.s32 @!p0 $0x0, s1;
	[sflag:s0] =	ssyncset.done @!p0 $0x0  }
0x182: {  	[sflag:s0] =	ssyncadd.s32 @!p0 s1  }
0x183: {  	[bflag:$0x3] =	sbarrier.arrive $0xFFFF  }
0x184: {  	_ =	shalt  }

</sc_bundles>
